<compile_context>
chip_gen: v7x
topology: tpu7x:2x2x1
jax: 0.10.2.dev20260603
libtpu: 0.0.44.dev20260713+nightly
codegen_flags: <defaults>
</compile_context>

<pallas_src>
import functools

import jax
import jax.numpy as jnp
from jax import lax
from jax.experimental import pallas as pl
from jax.experimental.pallas import tpu as pltpu
from jax.experimental.pallas import tpu_sc as plsc

NUM_SC = 2
NUM_TILES = 16
NUM_W = NUM_SC * NUM_TILES
EDGE_CHUNK = 100
NUM_GRAPHS = 16
BLK = 2000


def _sc_agg(x, src3, dst3):
    N, D = x.shape
    _, n_halves, hchunks, _ = src3.shape
    zrows = 40
    n_zero_chunks = N // zrows
    zero_rounds = -(-n_zero_chunks // NUM_TILES)
    orows = 80
    n_row_chunks = N // orows
    row_rounds = -(-n_row_chunks // NUM_TILES)
    mesh = plsc.VectorSubcoreMesh(core_axis_name="c", subcore_axis_name="s")

    @functools.partial(
        pl.kernel,
        out_type=jax.ShapeDtypeStruct((NUM_SC, N, D), jnp.float32),
        mesh=mesh,
        scratch_types=[
            pltpu.VMEM((hchunks, EDGE_CHUNK), jnp.int32),
            pltpu.VMEM((hchunks, EDGE_CHUNK), jnp.int32),
            pltpu.VMEM((EDGE_CHUNK, D), jnp.float32),
            pltpu.VMEM((EDGE_CHUNK, D), jnp.float32),
            pltpu.VMEM((zrows, D), jnp.float32),
            pltpu.VMEM_SHARED((N, D), jnp.float32),
            pltpu.SemaphoreType.DMA,
            pltpu.SemaphoreType.DMA,
        ],
    )
    def agg_kernel(x_hbm, src_hbm, dst_hbm, out_hbm, sidx, didx, rows0, rows1,
                   zbuf, acc, gsem0, gsem1):
        c = lax.axis_index("c")
        s = lax.axis_index("s")
        w = c * NUM_TILES + s
        rows = (rows0, rows1)
        gsem = (gsem0, gsem1)

        def zero_body(i, carry):
            for j in range(D // 16):
                zbuf[i, pl.ds(j * 16, 16)] = jnp.zeros((16,), jnp.float32)
            return carry

        lax.fori_loop(0, zrows, zero_body, 0)
        for k in range(zero_rounds):
            j = s + k * NUM_TILES

            @pl.when(j < n_zero_chunks)
            def _():
                pltpu.async_copy(
                    zbuf, acc.at[pl.ds(pl.multiple_of(j * zrows, 8), zrows)],
                    gsem0)
        for k in range(zero_rounds):
            j = s + k * NUM_TILES

            @pl.when(j < n_zero_chunks)
            def _():
                pltpu.make_async_copy(
                    zbuf, acc.at[pl.ds(pl.multiple_of(j * zrows, 8), zrows)],
                    gsem0).wait()
        plsc.subcore_barrier()

        for half in range(n_halves):
            pltpu.sync_copy(src_hbm.at[w, half], sidx)
            pltpu.sync_copy(dst_hbm.at[w, half], didx)
            pltpu.async_copy(x_hbm.at[sidx.at[0]], rows0, gsem0)
            pltpu.async_copy(x_hbm.at[sidx.at[1]], rows1, gsem1)

            def edge_body(k, carry):
                for b in range(2):
                    i = 2 * k + b
                    pltpu.make_async_copy(x_hbm.at[sidx.at[i]], rows[b],
                                          gsem[b]).wait()
                    pltpu.sync_copy(rows[b], acc.at[didx.at[i]], add=True)

                    @pl.when(i + 2 < hchunks)
                    def _():
                        pltpu.async_copy(x_hbm.at[sidx.at[i + 2]], rows[b],
                                         gsem[b])
                return carry

            lax.fori_loop(0, hchunks // 2, edge_body, 0)
        plsc.subcore_barrier()

        for k in range(row_rounds):
            j = s + k * NUM_TILES

            @pl.when(j < n_row_chunks)
            def _():
                base = pl.multiple_of(j * orows, 8)
                pltpu.async_copy(acc.at[pl.ds(base, orows)],
                                 out_hbm.at[c, pl.ds(base, orows)], gsem0)
        for k in range(row_rounds):
            j = s + k * NUM_TILES

            @pl.when(j < n_row_chunks)
            def _():
                base = pl.multiple_of(j * orows, 8)
                pltpu.make_async_copy(acc.at[pl.ds(base, orows)],
                                      out_hbm.at[c, pl.ds(base, orows)],
                                      gsem0).wait()

    return agg_kernel(x, src3, dst3)


def _onehot_t(batch_ref, blk):
    bb = jnp.broadcast_to(batch_ref[0], (NUM_GRAPHS, blk))
    ids = lax.broadcasted_iota(jnp.int32, (NUM_GRAPHS, blk), 0)
    return (bb == ids).astype(jnp.float32)


def _tc_read(x, batch3d):
    N, D = x.shape

    def body(batch_ref, x_ref, read_ref):
        i = pl.program_id(0)
        part = jnp.dot(_onehot_t(batch_ref, BLK), x_ref[...],
                       preferred_element_type=jnp.float32)

        @pl.when(i == 0)
        def _():
            read_ref[...] = part

        @pl.when(i != 0)
        def _():
            read_ref[...] += part

    return pl.pallas_call(
        body,
        grid=(N // BLK,),
        in_specs=[
            pl.BlockSpec((1, 1, BLK), lambda i: (i, 0, 0)),
            pl.BlockSpec((BLK, D), lambda i: (i, 0)),
        ],
        out_specs=pl.BlockSpec((NUM_GRAPHS, D), lambda i: (0, 0)),
        out_shape=jax.ShapeDtypeStruct((NUM_GRAPHS, D), jnp.float32),
    )(batch3d, x)


def _layer_block(batch_ref, x_ref, a0_ref, a1_ref, read_ref, Wc_ref, Wa_ref,
                 Wr_ref, b_ref):
    r = jnp.dot(read_ref[...], Wr_ref[...], preferred_element_type=jnp.float32)
    oht = _onehot_t(batch_ref, BLK)
    rb = lax.dot_general(oht, r, (((0,), (0,)), ((), ())),
                         preferred_element_type=jnp.float32)
    agg = a0_ref[0] + a1_ref[0]
    h = jnp.dot(x_ref[...], Wc_ref[...], preferred_element_type=jnp.float32)
    h = h + jnp.dot(agg, Wa_ref[...], preferred_element_type=jnp.float32)
    h = h + rb + b_ref[...]
    return jnp.maximum(h, 0.0), oht


def _tc_combine_mid(x, aggp, batch3d, read, Wc, Wa, Wr, b2):
    N, D = x.shape

    def body(batch_ref, x_ref, a0_ref, a1_ref, read_ref, Wc_ref, Wa_ref,
             Wr_ref, b_ref, h_ref, rd_ref):
        i = pl.program_id(0)
        h, oht = _layer_block(batch_ref, x_ref, a0_ref, a1_ref, read_ref,
                              Wc_ref, Wa_ref, Wr_ref, b_ref)
        h_ref[...] = h
        part = jnp.dot(oht, h, preferred_element_type=jnp.float32)

        @pl.when(i == 0)
        def _():
            rd_ref[...] = part

        @pl.when(i != 0)
        def _():
            rd_ref[...] += part

    full = lambda shape: pl.BlockSpec(shape, lambda i: tuple(0 for _ in shape))
    return pl.pallas_call(
        body,
        grid=(N // BLK,),
        in_specs=[
            pl.BlockSpec((1, 1, BLK), lambda i: (i, 0, 0)),
            pl.BlockSpec((BLK, D), lambda i: (i, 0)),
            pl.BlockSpec((1, BLK, D), lambda i: (0, i, 0)),
            pl.BlockSpec((1, BLK, D), lambda i: (1, i, 0)),
            full((NUM_GRAPHS, D)),
            full((D, D)),
            full((D, D)),
            full((D, D)),
            full((1, D)),
        ],
        out_specs=[
            pl.BlockSpec((BLK, D), lambda i: (i, 0)),
            pl.BlockSpec((NUM_GRAPHS, D), lambda i: (0, 0)),
        ],
        out_shape=[
            jax.ShapeDtypeStruct((N, D), jnp.float32),
            jax.ShapeDtypeStruct((NUM_GRAPHS, D), jnp.float32),
        ],
    )(batch3d, x, aggp, aggp, read, Wc, Wa, Wr, b2)


def _tc_combine_final(x, aggp, batch3d, read, Wc, Wa, Wr, b2, Wlp, blp):
    N, D = x.shape

    def body(batch_ref, x_ref, a0_ref, a1_ref, read_ref, Wc_ref, Wa_ref,
             Wr_ref, b_ref, Wl_ref, bl_ref, o_ref):
        h, _ = _layer_block(batch_ref, x_ref, a0_ref, a1_ref, read_ref,
                            Wc_ref, Wa_ref, Wr_ref, b_ref)
        o_ref[...] = jnp.dot(h, Wl_ref[...],
                             preferred_element_type=jnp.float32) + bl_ref[...]

    full = lambda shape: pl.BlockSpec(shape, lambda i: tuple(0 for _ in shape))
    return pl.pallas_call(
        body,
        grid=(N // BLK,),
        in_specs=[
            pl.BlockSpec((1, 1, BLK), lambda i: (i, 0, 0)),
            pl.BlockSpec((BLK, D), lambda i: (i, 0)),
            pl.BlockSpec((1, BLK, D), lambda i: (0, i, 0)),
            pl.BlockSpec((1, BLK, D), lambda i: (1, i, 0)),
            full((NUM_GRAPHS, D)),
            full((D, D)),
            full((D, D)),
            full((D, D)),
            full((1, D)),
            full((D, 128)),
            full((1, 128)),
        ],
        out_specs=pl.BlockSpec((BLK, 128), lambda i: (i, 0)),
        out_shape=jax.ShapeDtypeStruct((N, 128), jnp.float32),
    )(batch3d, x, aggp, aggp, read, Wc, Wa, Wr, b2, Wlp, blp)


def kernel(x, edge_index, batch, Wc0, Wa0, Wr0, b0, Wc1, Wa1, Wr1, b1, Wl, bl):
    N, D = x.shape
    C = Wl.shape[1]
    E = edge_index.shape[1]
    n_chunks = E // (NUM_W * EDGE_CHUNK)
    src3 = edge_index[0].reshape(NUM_W, 2, n_chunks // 2, EDGE_CHUNK)
    dst3 = edge_index[1].reshape(NUM_W, 2, n_chunks // 2, EDGE_CHUNK)
    batch3d = batch.reshape(N // BLK, 1, BLK)
    b0r = b0.reshape(1, D)
    b1r = b1.reshape(1, D)
    Wlp = jnp.zeros((D, 128), jnp.float32).at[:, :C].set(Wl)
    blp = jnp.zeros((1, 128), jnp.float32).at[0, :C].set(bl)

    read0 = _tc_read(x, batch3d)
    aggp0 = _sc_agg(x, src3, dst3)
    h0, read1 = _tc_combine_mid(x, aggp0, batch3d, read0, Wc0, Wa0, Wr0, b0r)
    aggp1 = _sc_agg(h0, src3, dst3)
    outp = _tc_combine_final(h0, aggp1, batch3d, read1, Wc1, Wa1, Wr1, b1r,
                             Wlp, blp)
    return outp[:, :C]

# --- scband reference (transcript-rebuilt; emitter-appended) ---
"""Pipeline reference for scband-myacrgnn-node-50483045597448 (READ-ONLY COPY).

The authoritative reference and input builder live on the scoring server;
editing this copy changes nothing except your own understanding.
"""

import jax, jax.numpy as jnp
import numpy as np

N = 10000
E = 320000
D = 128
G = 16
C = 2


def setup_inputs(seed: int = 0) -> dict:
    key = jax.random.key(seed)
    ks = jax.random.split(key, 16)
    x = jax.random.normal(ks[0], (N, D), dtype=jnp.float32)
    edge_index = jax.random.randint(ks[1], (2, E), 0, N, dtype=jnp.int32)
    batch = jnp.sort(jax.random.randint(ks[2], (N,), 0, G, dtype=jnp.int32))
    s = 1.0 / np.sqrt(D)
    Wc0 = jax.random.uniform(ks[3], (D, D), jnp.float32, -s, s)
    Wa0 = jax.random.uniform(ks[4], (D, D), jnp.float32, -s, s)
    Wr0 = jax.random.uniform(ks[5], (D, D), jnp.float32, -s, s)
    b0 = jax.random.uniform(ks[6], (D,), jnp.float32, -s, s)
    Wc1 = jax.random.uniform(ks[7], (D, D), jnp.float32, -s, s)
    Wa1 = jax.random.uniform(ks[8], (D, D), jnp.float32, -s, s)
    Wr1 = jax.random.uniform(ks[9], (D, D), jnp.float32, -s, s)
    b1 = jax.random.uniform(ks[10], (D,), jnp.float32, -s, s)
    Wl = jax.random.uniform(ks[11], (D, C), jnp.float32, -s, s)
    bl = jax.random.uniform(ks[12], (C,), jnp.float32, -s, s)
    return {"x": x, "edge_index": edge_index, "batch": batch,
            "Wc0": Wc0, "Wa0": Wa0, "Wr0": Wr0, "b0": b0,
            "Wc1": Wc1, "Wa1": Wa1, "Wr1": Wr1, "b1": b1,
            "Wl": Wl, "bl": bl}


def _acr_conv(x, edge_index, batch, Wc, Wa, Wr, b):
    # ACR layer: combine(self) + aggregate(neighbor sum) + readout(per-graph sum)
    src = edge_index[0]
    dst = edge_index[1]
    agg = jnp.zeros_like(x).at[dst].add(jnp.take(x, src, axis=0))
    read = jax.ops.segment_sum(x, batch, num_segments=G)
    read_b = jnp.take(read, batch, axis=0)
    return jax.nn.relu(x @ Wc + agg @ Wa + read_b @ Wr + b)


def reference(x, edge_index, batch, Wc0, Wa0, Wr0, b0, Wc1, Wa1, Wr1, b1, Wl, bl):
    # eval mode: dropout is identity
    h = _acr_conv(x, edge_index, batch, Wc0, Wa0, Wr0, b0)
    h = _acr_conv(h, edge_index, batch, Wc1, Wa1, Wr1, b1)
    out = h @ Wl + bl
    return out

if __name__ == "__main__":
    import jax
    _d = setup_inputs()
    print(jax.jit(kernel)(*tuple(_d.values())))

</pallas_src>

<mosaic_0001>
#map = affine_map<(d0, d1) -> (0, 0)>
#map1 = affine_map<(d0, d1) -> (0, 0, 0, 0)>
#map2 = affine_map<(d0, d1) -> (0, 0, 0)>
module attributes {stable_mosaic.version = 14 : i64} {
  func.func @agg_kernel(%arg0: i32, %arg1: i32, %arg2: memref<10000x128xf32, #tpu.memory_space<hbm>>, %arg3: memref<32x2x50x100xi32, #tpu.memory_space<hbm>>, %arg4: memref<32x2x50x100xi32, #tpu.memory_space<hbm>>, %arg5: memref<2x10000x128xf32, #tpu.memory_space<hbm>>, %arg6: memref<50x100xi32, #tpu.memory_space<vmem>>, %arg7: memref<50x100xi32, #tpu.memory_space<vmem>>, %arg8: memref<100x128xf32, #tpu.memory_space<vmem>>, %arg9: memref<100x128xf32, #tpu.memory_space<vmem>>, %arg10: memref<40x128xf32, #tpu.memory_space<vmem>>, %arg11: memref<10000x128xf32, #tpu.memory_space<vmem_shared>>, %arg12: memref<!tpu.dma_semaphore, #tpu.memory_space<semaphore_mem>>, %arg13: memref<!tpu.dma_semaphore, #tpu.memory_space<semaphore_mem>>) attributes {dimension_semantics = [#tpu.dimension_semantics<core_parallel>, #tpu.dimension_semantics<subcore_parallel>], iteration_bounds = array<i64: 2, 16>, scalar_prefetch = 0 : i64, scratch_operands = 8 : i64, tpu.core_type = #tpu.core_type<sc_vector_subcore>, window_params = [{transform_indices = #map}, {transform_indices = #map1}, {transform_indices = #map1}, {transform_indices = #map2}]} {
    %mul3A = arith.constant 16 : i32
    %mul3A_0 = arith.muli %arg0, %mul3A : i32
    %add3A = arith.addi %mul3A_0, %arg1 : i32
    %scan3A = arith.constant 0 : i32
    %scan3A_1 = arith.constant 0 : i32
    %scan3A_2 = arith.constant 40 : i32
    %scan3A_3 = arith.addi %scan3A_1, %scan3A_2 : i32
    %scan3A_4 = arith.constant 1 : i32
    scf.for %scan3A_382 = %scan3A_1 to %scan3A_3 step %scan3A_4  : i32 {
      %broadcast_in_dim3A = arith.constant 0.000000e+00 : f32
      %broadcast_in_dim3A_383 = vector.broadcast %broadcast_in_dim3A : f32 to vector<16xf32>
      %swap3A = arith.index_cast %scan3A_382 : i32 to index
      %swap3A_384 = arith.constant 0 : index
      %swap3A_385 = tpu.vector_load %arg10[%swap3A, %swap3A_384] {strides = array<i32>} : memref<40x128xf32, #tpu.memory_space<vmem>>, vector<1x16xf32>,
      %swap3A_386 = vector.shape_cast %swap3A_385 : vector<1x16xf32> to vector<16xf32>
      %swap3A_387 = vector.shape_cast %broadcast_in_dim3A_383 : vector<16xf32> to vector<1x16xf32>
      tpu.vector_store %arg10[%swap3A, %swap3A_384], %swap3A_387 {strides = array<i32>} : memref<40x128xf32, #tpu.memory_space<vmem>>, vector<1x16xf32>,
      %broadcast_in_dim3A_388 = arith.constant 0.000000e+00 : f32
      %broadcast_in_dim3A_389 = vector.broadcast %broadcast_in_dim3A_388 : f32 to vector<16xf32>
      %swap3A_390 = arith.index_cast %scan3A_382 : i32 to index
      %swap3A_391 = arith.constant 16 : index
      %swap3A_392 = tpu.vector_load %arg10[%swap3A_390, %swap3A_391] {strides = array<i32>} : memref<40x128xf32, #tpu.memory_space<vmem>>, vector<1x16xf32>,
      %swap3A_393 = vector.shape_cast %swap3A_392 : vector<1x16xf32> to vector<16xf32>
      %swap3A_394 = vector.shape_cast %broadcast_in_dim3A_389 : vector<16xf32> to vector<1x16xf32>
      tpu.vector_store %arg10[%swap3A_390, %swap3A_391], %swap3A_394 {strides = array<i32>} : memref<40x128xf32, #tpu.memory_space<vmem>>, vector<1x16xf32>,
      %broadcast_in_dim3A_395 = arith.constant 0.000000e+00 : f32
      %broadcast_in_dim3A_396 = vector.broadcast %broadcast_in_dim3A_395 : f32 to vector<16xf32>
      %swap3A_397 = arith.index_cast %scan3A_382 : i32 to index
      %swap3A_398 = arith.constant 32 : index
      %swap3A_399 = tpu.vector_load %arg10[%swap3A_397, %swap3A_398] {strides = array<i32>} : memref<40x128xf32, #tpu.memory_space<vmem>>, vector<1x16xf32>,
      %swap3A_400 = vector.shape_cast %swap3A_399 : vector<1x16xf32> to vector<16xf32>
      %swap3A_401 = vector.shape_cast %broadcast_in_dim3A_396 : vector<16xf32> to vector<1x16xf32>
      tpu.vector_store %arg10[%swap3A_397, %swap3A_398], %swap3A_401 {strides = array<i32>} : memref<40x128xf32, #tpu.memory_space<vmem>>, vector<1x16xf32>,
      %broadcast_in_dim3A_402 = arith.constant 0.000000e+00 : f32
      %broadcast_in_dim3A_403 = vector.broadcast %broadcast_in_dim3A_402 : f32 to vector<16xf32>
      %swap3A_404 = arith.index_cast %scan3A_382 : i32 to index
      %swap3A_405 = arith.constant 48 : index
      %swap3A_406 = tpu.vector_load %arg10[%swap3A_404, %swap3A_405] {strides = array<i32>} : memref<40x128xf32, #tpu.memory_space<vmem>>, vector<1x16xf32>,
      %swap3A_407 = vector.shape_cast %swap3A_406 : vector<1x16xf32> to vector<16xf32>
      %swap3A_408 = vector.shape_cast %broadcast_in_dim3A_403 : vector<16xf32> to vector<1x16xf32>
      tpu.vector_store %arg10[%swap3A_404, %swap3A_405], %swap3A_408 {strides = array<i32>} : memref<40x128xf32, #tpu.memory_space<vmem>>, vector<1x16xf32>,
      %broadcast_in_dim3A_409 = arith.constant 0.000000e+00 : f32
      %broadcast_in_dim3A_410 = vector.broadcast %broadcast_in_dim3A_409 : f32 to vector<16xf32>
      %swap3A_411 = arith.index_cast %scan3A_382 : i32 to index
      %swap3A_412 = arith.constant 64 : index
      %swap3A_413 = tpu.vector_load %arg10[%swap3A_411, %swap3A_412] {strides = array<i32>} : memref<40x128xf32, #tpu.memory_space<vmem>>, vector<1x16xf32>,
      %swap3A_414 = vector.shape_cast %swap3A_413 : vector<1x16xf32> to vector<16xf32>
      %swap3A_415 = vector.shape_cast %broadcast_in_dim3A_410 : vector<16xf32> to vector<1x16xf32>
      tpu.vector_store %arg10[%swap3A_411, %swap3A_412], %swap3A_415 {strides = array<i32>} : memref<40x128xf32, #tpu.memory_space<vmem>>, vector<1x16xf32>,
      %broadcast_in_dim3A_416 = arith.constant 0.000000e+00 : f32
      %broadcast_in_dim3A_417 = vector.broadcast %broadcast_in_dim3A_416 : f32 to vector<16xf32>
      %swap3A_418 = arith.index_cast %scan3A_382 : i32 to index
      %swap3A_419 = arith.constant 80 : index
      %swap3A_420 = tpu.vector_load %arg10[%swap3A_418, %swap3A_419] {strides = array<i32>} : memref<40x128xf32, #tpu.memory_space<vmem>>, vector<1x16xf32>,
      %swap3A_421 = vector.shape_cast %swap3A_420 : vector<1x16xf32> to vector<16xf32>
      %swap3A_422 = vector.shape_cast %broadcast_in_dim3A_417 : vector<16xf32> to vector<1x16xf32>
      tpu.vector_store %arg10[%swap3A_418, %swap3A_419], %swap3A_422 {strides = array<i32>} : memref<40x128xf32, #tpu.memory_space<vmem>>, vector<1x16xf32>,
      %broadcast_in_dim3A_423 = arith.constant 0.000000e+00 : f32
      %broadcast_in_dim3A_424 = vector.broadcast %broadcast_in_dim3A_423 : f32 to vector<16xf32>
      %swap3A_425 = arith.index_cast %scan3A_382 : i32 to index
      %swap3A_426 = arith.constant 96 : index
      %swap3A_427 = tpu.vector_load %arg10[%swap3A_425, %swap3A_426] {strides = array<i32>} : memref<40x128xf32, #tpu.memory_space<vmem>>, vector<1x16xf32>,
      %swap3A_428 = vector.shape_cast %swap3A_427 : vector<1x16xf32> to vector<16xf32>
      %swap3A_429 = vector.shape_cast %broadcast_in_dim3A_424 : vector<16xf32> to vector<1x16xf32>
      tpu.vector_store %arg10[%swap3A_425, %swap3A_426], %swap3A_429 {strides = array<i32>} : memref<40x128xf32, #tpu.memory_space<vmem>>, vector<1x16xf32>,
      %broadcast_in_dim3A_430 = arith.constant 0.000000e+00 : f32
      %broadcast_in_dim3A_431 = vector.broadcast %broadcast_in_dim3A_430 : f32 to vector<16xf32>
      %swap3A_432 = arith.index_cast %scan3A_382 : i32 to index
      %swap3A_433 = arith.constant 112 : index
      %swap3A_434 = tpu.vector_load %arg10[%swap3A_432, %swap3A_433] {strides = array<i32>} : memref<40x128xf32, #tpu.memory_space<vmem>>, vector<1x16xf32>,
      %swap3A_435 = vector.shape_cast %swap3A_434 : vector<1x16xf32> to vector<16xf32>
      %swap3A_436 = vector.shape_cast %broadcast_in_dim3A_431 : vector<16xf32> to vector<1x16xf32>
      tpu.vector_store %arg10[%swap3A_432, %swap3A_433], %swap3A_436 {strides = array<i32>} : memref<40x128xf32, #tpu.memory_space<vmem>>, vector<1x16xf32>,
    }
    %scan3A_5 = arith.constant 40 : i32
    %add3A_6 = arith.constant 0 : i32
    %add3A_7 = arith.addi %arg1, %add3A_6 : i32
    %lt3A = arith.constant 250 : i32
    %lt3A_8 = arith.cmpi slt, %add3A_7, %lt3A : i32
    %convert_element_type3A = arith.extui %lt3A_8 : i1 to i32
    %cond3A = arith.constant 0 : i32
    %cond3A_9 = arith.cmpi ne, %convert_element_type3A, %cond3A : i32
    scf.if %cond3A_9 {
      %mul3A_382 = arith.constant 40 : i32
      %mul3A_383 = arith.muli %add3A_7, %mul3A_382 : i32
      %multiple_of3A = tpu.assume_multiple %mul3A_383, 8 : i32
      %dma_start3A_384 = arith.constant 0 : i32
      %dma_start3A_385 = tpu.memref_slice %arg11[%multiple_of3A, %dma_start3A_384] : memref<10000x128xf32, #tpu.memory_space<vmem_shared>> -> memref<40x128xf32, #tpu.memory_space<vmem_shared>>
      %dma_start3A_386 = arith.constant 0 : i32
      %dma_start3A_387 = tpu.memref_slice %arg11[%multiple_of3A, %dma_start3A_386] : memref<10000x128xf32, #tpu.memory_space<vmem_shared>> -> memref<40x128xf32, #tpu.memory_space<vmem_shared>>
      tpu.enqueue_dma source(%arg10 : memref<40x128xf32, #tpu.memory_space<vmem>>) target(%dma_start3A_387 : memref<40x128xf32, #tpu.memory_space<vmem_shared>>) target_semaphore(%arg12 : memref<!tpu.dma_semaphore, #tpu.memory_space<semaphore_mem>>)
    } else {
    }
    %add3A_10 = arith.constant 16 : i32
    %add3A_11 = arith.addi %arg1, %add3A_10 : i32
    %lt3A_12 = arith.constant 250 : i32
    %lt3A_13 = arith.cmpi slt, %add3A_11, %lt3A_12 : i32
    %convert_element_type3A_14 = arith.extui %lt3A_13 : i1 to i32
    %cond3A_15 = arith.constant 0 : i32
    %cond3A_16 = arith.cmpi ne, %convert_element_type3A_14, %cond3A_15 : i32
    scf.if %cond3A_16 {
      %mul3A_382 = arith.constant 40 : i32
      %mul3A_383 = arith.muli %add3A_11, %mul3A_382 : i32
      %multiple_of3A = tpu.assume_multiple %mul3A_383, 8 : i32
      %dma_start3A_384 = arith.constant 0 : i32
      %dma_start3A_385 = tpu.memref_slice %arg11[%multiple_of3A, %dma_start3A_384] : memref<10000x128xf32, #tpu.memory_space<vmem_shared>> -> memref<40x128xf32, #tpu.memory_space<vmem_shared>>
      %dma_start3A_386 = arith.constant 0 : i32
      %dma_start3A_387 = tpu.memref_slice %arg11[%multiple_of3A, %dma_start3A_386] : memref<10000x128xf32, #tpu.memory_space<vmem_shared>> -> memref<40x128xf32, #tpu.memory_space<vmem_shared>>
      tpu.enqueue_dma source(%arg10 : memref<40x128xf32, #tpu.memory_space<vmem>>) target(%dma_start3A_387 : memref<40x128xf32, #tpu.memory_space<vmem_shared>>) target_semaphore(%arg12 : memref<!tpu.dma_semaphore, #tpu.memory_space<semaphore_mem>>)
    } else {
    }
    %add3A_17 = arith.constant 32 : i32
    %add3A_18 = arith.addi %arg1, %add3A_17 : i32
    %lt3A_19 = arith.constant 250 : i32
    %lt3A_20 = arith.cmpi slt, %add3A_18, %lt3A_19 : i32
    %convert_element_type3A_21 = arith.extui %lt3A_20 : i1 to i32
    %cond3A_22 = arith.constant 0 : i32
    %cond3A_23 = arith.cmpi ne, %convert_element_type3A_21, %cond3A_22 : i32
    scf.if %cond3A_23 {
      %mul3A_382 = arith.constant 40 : i32
      %mul3A_383 = arith.muli %add3A_18, %mul3A_382 : i32
      %multiple_of3A = tpu.assume_multiple %mul3A_383, 8 : i32
      %dma_start3A_384 = arith.constant 0 : i32
      %dma_start3A_385 = tpu.memref_slice %arg11[%multiple_of3A, %dma_start3A_384] : memref<10000x128xf32, #tpu.memory_space<vmem_shared>> -> memref<40x128xf32, #tpu.memory_space<vmem_shared>>
      %dma_start3A_386 = arith.constant 0 : i32
      %dma_start3A_387 = tpu.memref_slice %arg11[%multiple_of3A, %dma_start3A_386] : memref<10000x128xf32, #tpu.memory_space<vmem_shared>> -> memref<40x128xf32, #tpu.memory_space<vmem_shared>>
      tpu.enqueue_dma source(%arg10 : memref<40x128xf32, #tpu.memory_space<vmem>>) target(%dma_start3A_387 : memref<40x128xf32, #tpu.memory_space<vmem_shared>>) target_semaphore(%arg12 : memref<!tpu.dma_semaphore, #tpu.memory_space<semaphore_mem>>)
    } else {
    }
    %add3A_24 = arith.constant 48 : i32
    %add3A_25 = arith.addi %arg1, %add3A_24 : i32
    %lt3A_26 = arith.constant 250 : i32
    %lt3A_27 = arith.cmpi slt, %add3A_25, %lt3A_26 : i32
    %convert_element_type3A_28 = arith.extui %lt3A_27 : i1 to i32
    %cond3A_29 = arith.constant 0 : i32
    %cond3A_30 = arith.cmpi ne, %convert_element_type3A_28, %cond3A_29 : i32
    scf.if %cond3A_30 {
      %mul3A_382 = arith.constant 40 : i32
      %mul3A_383 = arith.muli %add3A_25, %mul3A_382 : i32
      %multiple_of3A = tpu.assume_multiple %mul3A_383, 8 : i32
      %dma_start3A_384 = arith.constant 0 : i32
      %dma_start3A_385 = tpu.memref_slice %arg11[%multiple_of3A, %dma_start3A_384] : memref<10000x128xf32, #tpu.memory_space<vmem_shared>> -> memref<40x128xf32, #tpu.memory_space<vmem_shared>>
      %dma_start3A_386 = arith.constant 0 : i32
      %dma_start3A_387 = tpu.memref_slice %arg11[%multiple_of3A, %dma_start3A_386] : memref<10000x128xf32, #tpu.memory_space<vmem_shared>> -> memref<40x128xf32, #tpu.memory_space<vmem_shared>>
      tpu.enqueue_dma source(%arg10 : memref<40x128xf32, #tpu.memory_space<vmem>>) target(%dma_start3A_387 : memref<40x128xf32, #tpu.memory_space<vmem_shared>>) target_semaphore(%arg12 : memref<!tpu.dma_semaphore, #tpu.memory_space<semaphore_mem>>)
    } else {
    }
    %add3A_31 = arith.constant 64 : i32
    %add3A_32 = arith.addi %arg1, %add3A_31 : i32
    %lt3A_33 = arith.constant 250 : i32
    %lt3A_34 = arith.cmpi slt, %add3A_32, %lt3A_33 : i32
    %convert_element_type3A_35 = arith.extui %lt3A_34 : i1 to i32
    %cond3A_36 = arith.constant 0 : i32
    %cond3A_37 = arith.cmpi ne, %convert_element_type3A_35, %cond3A_36 : i32
    scf.if %cond3A_37 {
      %mul3A_382 = arith.constant 40 : i32
      %mul3A_383 = arith.muli %add3A_32, %mul3A_382 : i32
      %multiple_of3A = tpu.assume_multiple %mul3A_383, 8 : i32
      %dma_start3A_384 = arith.constant 0 : i32
      %dma_start3A_385 = tpu.memref_slice %arg11[%multiple_of3A, %dma_start3A_384] : memref<10000x128xf32, #tpu.memory_space<vmem_shared>> -> memref<40x128xf32, #tpu.memory_space<vmem_shared>>
      %dma_start3A_386 = arith.constant 0 : i32
      %dma_start3A_387 = tpu.memref_slice %arg11[%multiple_of3A, %dma_start3A_386] : memref<10000x128xf32, #tpu.memory_space<vmem_shared>> -> memref<40x128xf32, #tpu.memory_space<vmem_shared>>
      tpu.enqueue_dma source(%arg10 : memref<40x128xf32, #tpu.memory_space<vmem>>) target(%dma_start3A_387 : memref<40x128xf32, #tpu.memory_space<vmem_shared>>) target_semaphore(%arg12 : memref<!tpu.dma_semaphore, #tpu.memory_space<semaphore_mem>>)
    } else {
    }
    %add3A_38 = arith.constant 80 : i32
    %add3A_39 = arith.addi %arg1, %add3A_38 : i32
    %lt3A_40 = arith.constant 250 : i32
    %lt3A_41 = arith.cmpi slt, %add3A_39, %lt3A_40 : i32
    %convert_element_type3A_42 = arith.extui %lt3A_41 : i1 to i32
    %cond3A_43 = arith.constant 0 : i32
    %cond3A_44 = arith.cmpi ne, %convert_element_type3A_42, %cond3A_43 : i32
    scf.if %cond3A_44 {
      %mul3A_382 = arith.constant 40 : i32
      %mul3A_383 = arith.muli %add3A_39, %mul3A_382 : i32
      %multiple_of3A = tpu.assume_multiple %mul3A_383, 8 : i32
      %dma_start3A_384 = arith.constant 0 : i32
      %dma_start3A_385 = tpu.memref_slice %arg11[%multiple_of3A, %dma_start3A_384] : memref<10000x128xf32, #tpu.memory_space<vmem_shared>> -> memref<40x128xf32, #tpu.memory_space<vmem_shared>>
      %dma_start3A_386 = arith.constant 0 : i32
      %dma_start3A_387 = tpu.memref_slice %arg11[%multiple_of3A, %dma_start3A_386] : memref<10000x128xf32, #tpu.memory_space<vmem_shared>> -> memref<40x128xf32, #tpu.memory_space<vmem_shared>>
      tpu.enqueue_dma source(%arg10 : memref<40x128xf32, #tpu.memory_space<vmem>>) target(%dma_start3A_387 : memref<40x128xf32, #tpu.memory_space<vmem_shared>>) target_semaphore(%arg12 : memref<!tpu.dma_semaphore, #tpu.memory_space<semaphore_mem>>)
    } else {
    }
    %add3A_45 = arith.constant 96 : i32
    %add3A_46 = arith.addi %arg1, %add3A_45 : i32
    %lt3A_47 = arith.constant 250 : i32
    %lt3A_48 = arith.cmpi slt, %add3A_46, %lt3A_47 : i32
    %convert_element_type3A_49 = arith.extui %lt3A_48 : i1 to i32
    %cond3A_50 = arith.constant 0 : i32
    %cond3A_51 = arith.cmpi ne, %convert_element_type3A_49, %cond3A_50 : i32
    scf.if %cond3A_51 {
      %mul3A_382 = arith.constant 40 : i32
      %mul3A_383 = arith.muli %add3A_46, %mul3A_382 : i32
      %multiple_of3A = tpu.assume_multiple %mul3A_383, 8 : i32
      %dma_start3A_384 = arith.constant 0 : i32
      %dma_start3A_385 = tpu.memref_slice %arg11[%multiple_of3A, %dma_start3A_384] : memref<10000x128xf32, #tpu.memory_space<vmem_shared>> -> memref<40x128xf32, #tpu.memory_space<vmem_shared>>
      %dma_start3A_386 = arith.constant 0 : i32
      %dma_start3A_387 = tpu.memref_slice %arg11[%multiple_of3A, %dma_start3A_386] : memref<10000x128xf32, #tpu.memory_space<vmem_shared>> -> memref<40x128xf32, #tpu.memory_space<vmem_shared>>
      tpu.enqueue_dma source(%arg10 : memref<40x128xf32, #tpu.memory_space<vmem>>) target(%dma_start3A_387 : memref<40x128xf32, #tpu.memory_space<vmem_shared>>) target_semaphore(%arg12 : memref<!tpu.dma_semaphore, #tpu.memory_space<semaphore_mem>>)
    } else {
    }
    %add3A_52 = arith.constant 112 : i32
    %add3A_53 = arith.addi %arg1, %add3A_52 : i32
    %lt3A_54 = arith.constant 250 : i32
    %lt3A_55 = arith.cmpi slt, %add3A_53, %lt3A_54 : i32
    %convert_element_type3A_56 = arith.extui %lt3A_55 : i1 to i32
    %cond3A_57 = arith.constant 0 : i32
    %cond3A_58 = arith.cmpi ne, %convert_element_type3A_56, %cond3A_57 : i32
    scf.if %cond3A_58 {
      %mul3A_382 = arith.constant 40 : i32
      %mul3A_383 = arith.muli %add3A_53, %mul3A_382 : i32
      %multiple_of3A = tpu.assume_multiple %mul3A_383, 8 : i32
      %dma_start3A_384 = arith.constant 0 : i32
      %dma_start3A_385 = tpu.memref_slice %arg11[%multiple_of3A, %dma_start3A_384] : memref<10000x128xf32, #tpu.memory_space<vmem_shared>> -> memref<40x128xf32, #tpu.memory_space<vmem_shared>>
      %dma_start3A_386 = arith.constant 0 : i32
      %dma_start3A_387 = tpu.memref_slice %arg11[%multiple_of3A, %dma_start3A_386] : memref<10000x128xf32, #tpu.memory_space<vmem_shared>> -> memref<40x128xf32, #tpu.memory_space<vmem_shared>>
      tpu.enqueue_dma source(%arg10 : memref<40x128xf32, #tpu.memory_space<vmem>>) target(%dma_start3A_387 : memref<40x128xf32, #tpu.memory_space<vmem_shared>>) target_semaphore(%arg12 : memref<!tpu.dma_semaphore, #tpu.memory_space<semaphore_mem>>)
    } else {
    }
    %add3A_59 = arith.constant 128 : i32
    %add3A_60 = arith.addi %arg1, %add3A_59 : i32
    %lt3A_61 = arith.constant 250 : i32
    %lt3A_62 = arith.cmpi slt, %add3A_60, %lt3A_61 : i32
    %convert_element_type3A_63 = arith.extui %lt3A_62 : i1 to i32
    %cond3A_64 = arith.constant 0 : i32
    %cond3A_65 = arith.cmpi ne, %convert_element_type3A_63, %cond3A_64 : i32
    scf.if %cond3A_65 {
      %mul3A_382 = arith.constant 40 : i32
      %mul3A_383 = arith.muli %add3A_60, %mul3A_382 : i32
      %multiple_of3A = tpu.assume_multiple %mul3A_383, 8 : i32
      %dma_start3A_384 = arith.constant 0 : i32
      %dma_start3A_385 = tpu.memref_slice %arg11[%multiple_of3A, %dma_start3A_384] : memref<10000x128xf32, #tpu.memory_space<vmem_shared>> -> memref<40x128xf32, #tpu.memory_space<vmem_shared>>
      %dma_start3A_386 = arith.constant 0 : i32
      %dma_start3A_387 = tpu.memref_slice %arg11[%multiple_of3A, %dma_start3A_386] : memref<10000x128xf32, #tpu.memory_space<vmem_shared>> -> memref<40x128xf32, #tpu.memory_space<vmem_shared>>
      tpu.enqueue_dma source(%arg10 : memref<40x128xf32, #tpu.memory_space<vmem>>) target(%dma_start3A_387 : memref<40x128xf32, #tpu.memory_space<vmem_shared>>) target_semaphore(%arg12 : memref<!tpu.dma_semaphore, #tpu.memory_space<semaphore_mem>>)
    } else {
    }
    %add3A_66 = arith.constant 144 : i32
    %add3A_67 = arith.addi %arg1, %add3A_66 : i32
    %lt3A_68 = arith.constant 250 : i32
    %lt3A_69 = arith.cmpi slt, %add3A_67, %lt3A_68 : i32
    %convert_element_type3A_70 = arith.extui %lt3A_69 : i1 to i32
    %cond3A_71 = arith.constant 0 : i32
    %cond3A_72 = arith.cmpi ne, %convert_element_type3A_70, %cond3A_71 : i32
    scf.if %cond3A_72 {
      %mul3A_382 = arith.constant 40 : i32
      %mul3A_383 = arith.muli %add3A_67, %mul3A_382 : i32
      %multiple_of3A = tpu.assume_multiple %mul3A_383, 8 : i32
      %dma_start3A_384 = arith.constant 0 : i32
      %dma_start3A_385 = tpu.memref_slice %arg11[%multiple_of3A, %dma_start3A_384] : memref<10000x128xf32, #tpu.memory_space<vmem_shared>> -> memref<40x128xf32, #tpu.memory_space<vmem_shared>>
      %dma_start3A_386 = arith.constant 0 : i32
      %dma_start3A_387 = tpu.memref_slice %arg11[%multiple_of3A, %dma_start3A_386] : memref<10000x128xf32, #tpu.memory_space<vmem_shared>> -> memref<40x128xf32, #tpu.memory_space<vmem_shared>>
      tpu.enqueue_dma source(%arg10 : memref<40x128xf32, #tpu.memory_space<vmem>>) target(%dma_start3A_387 : memref<40x128xf32, #tpu.memory_space<vmem_shared>>) target_semaphore(%arg12 : memref<!tpu.dma_semaphore, #tpu.memory_space<semaphore_mem>>)
    } else {
    }
    %add3A_73 = arith.constant 160 : i32
    %add3A_74 = arith.addi %arg1, %add3A_73 : i32
    %lt3A_75 = arith.constant 250 : i32
    %lt3A_76 = arith.cmpi slt, %add3A_74, %lt3A_75 : i32
    %convert_element_type3A_77 = arith.extui %lt3A_76 : i1 to i32
    %cond3A_78 = arith.constant 0 : i32
    %cond3A_79 = arith.cmpi ne, %convert_element_type3A_77, %cond3A_78 : i32
    scf.if %cond3A_79 {
      %mul3A_382 = arith.constant 40 : i32
      %mul3A_383 = arith.muli %add3A_74, %mul3A_382 : i32
      %multiple_of3A = tpu.assume_multiple %mul3A_383, 8 : i32
      %dma_start3A_384 = arith.constant 0 : i32
      %dma_start3A_385 = tpu.memref_slice %arg11[%multiple_of3A, %dma_start3A_384] : memref<10000x128xf32, #tpu.memory_space<vmem_shared>> -> memref<40x128xf32, #tpu.memory_space<vmem_shared>>
      %dma_start3A_386 = arith.constant 0 : i32
      %dma_start3A_387 = tpu.memref_slice %arg11[%multiple_of3A, %dma_start3A_386] : memref<10000x128xf32, #tpu.memory_space<vmem_shared>> -> memref<40x128xf32, #tpu.memory_space<vmem_shared>>
      tpu.enqueue_dma source(%arg10 : memref<40x128xf32, #tpu.memory_space<vmem>>) target(%dma_start3A_387 : memref<40x128xf32, #tpu.memory_space<vmem_shared>>) target_semaphore(%arg12 : memref<!tpu.dma_semaphore, #tpu.memory_space<semaphore_mem>>)
    } else {
    }
    %add3A_80 = arith.constant 176 : i32
    %add3A_81 = arith.addi %arg1, %add3A_80 : i32
    %lt3A_82 = arith.constant 250 : i32
    %lt3A_83 = arith.cmpi slt, %add3A_81, %lt3A_82 : i32
    %convert_element_type3A_84 = arith.extui %lt3A_83 : i1 to i32
    %cond3A_85 = arith.constant 0 : i32
    %cond3A_86 = arith.cmpi ne, %convert_element_type3A_84, %cond3A_85 : i32
    scf.if %cond3A_86 {
      %mul3A_382 = arith.constant 40 : i32
      %mul3A_383 = arith.muli %add3A_81, %mul3A_382 : i32
      %multiple_of3A = tpu.assume_multiple %mul3A_383, 8 : i32
      %dma_start3A_384 = arith.constant 0 : i32
      %dma_start3A_385 = tpu.memref_slice %arg11[%multiple_of3A, %dma_start3A_384] : memref<10000x128xf32, #tpu.memory_space<vmem_shared>> -> memref<40x128xf32, #tpu.memory_space<vmem_shared>>
      %dma_start3A_386 = arith.constant 0 : i32
      %dma_start3A_387 = tpu.memref_slice %arg11[%multiple_of3A, %dma_start3A_386] : memref<10000x128xf32, #tpu.memory_space<vmem_shared>> -> memref<40x128xf32, #tpu.memory_space<vmem_shared>>
      tpu.enqueue_dma source(%arg10 : memref<40x128xf32, #tpu.memory_space<vmem>>) target(%dma_start3A_387 : memref<40x128xf32, #tpu.memory_space<vmem_shared>>) target_semaphore(%arg12 : memref<!tpu.dma_semaphore, #tpu.memory_space<semaphore_mem>>)
    } else {
    }
    %add3A_87 = arith.constant 192 : i32
    %add3A_88 = arith.addi %arg1, %add3A_87 : i32
    %lt3A_89 = arith.constant 250 : i32
    %lt3A_90 = arith.cmpi slt, %add3A_88, %lt3A_89 : i32
    %convert_element_type3A_91 = arith.extui %lt3A_90 : i1 to i32
    %cond3A_92 = arith.constant 0 : i32
    %cond3A_93 = arith.cmpi ne, %convert_element_type3A_91, %cond3A_92 : i32
    scf.if %cond3A_93 {
      %mul3A_382 = arith.constant 40 : i32
      %mul3A_383 = arith.muli %add3A_88, %mul3A_382 : i32
      %multiple_of3A = tpu.assume_multiple %mul3A_383, 8 : i32
      %dma_start3A_384 = arith.constant 0 : i32
      %dma_start3A_385 = tpu.memref_slice %arg11[%multiple_of3A, %dma_start3A_384] : memref<10000x128xf32, #tpu.memory_space<vmem_shared>> -> memref<40x128xf32, #tpu.memory_space<vmem_shared>>
      %dma_start3A_386 = arith.constant 0 : i32
      %dma_start3A_387 = tpu.memref_slice %arg11[%multiple_of3A, %dma_start3A_386] : memref<10000x128xf32, #tpu.memory_space<vmem_shared>> -> memref<40x128xf32, #tpu.memory_space<vmem_shared>>
      tpu.enqueue_dma source(%arg10 : memref<40x128xf32, #tpu.memory_space<vmem>>) target(%dma_start3A_387 : memref<40x128xf32, #tpu.memory_space<vmem_shared>>) target_semaphore(%arg12 : memref<!tpu.dma_semaphore, #tpu.memory_space<semaphore_mem>>)
    } else {
    }
    %add3A_94 = arith.constant 208 : i32
    %add3A_95 = arith.addi %arg1, %add3A_94 : i32
    %lt3A_96 = arith.constant 250 : i32
    %lt3A_97 = arith.cmpi slt, %add3A_95, %lt3A_96 : i32
    %convert_element_type3A_98 = arith.extui %lt3A_97 : i1 to i32
    %cond3A_99 = arith.constant 0 : i32
    %cond3A_100 = arith.cmpi ne, %convert_element_type3A_98, %cond3A_99 : i32
    scf.if %cond3A_100 {
      %mul3A_382 = arith.constant 40 : i32
      %mul3A_383 = arith.muli %add3A_95, %mul3A_382 : i32
      %multiple_of3A = tpu.assume_multiple %mul3A_383, 8 : i32
      %dma_start3A_384 = arith.constant 0 : i32
      %dma_start3A_385 = tpu.memref_slice %arg11[%multiple_of3A, %dma_start3A_384] : memref<10000x128xf32, #tpu.memory_space<vmem_shared>> -> memref<40x128xf32, #tpu.memory_space<vmem_shared>>
      %dma_start3A_386 = arith.constant 0 : i32
      %dma_start3A_387 = tpu.memref_slice %arg11[%multiple_of3A, %dma_start3A_386] : memref<10000x128xf32, #tpu.memory_space<vmem_shared>> -> memref<40x128xf32, #tpu.memory_space<vmem_shared>>
      tpu.enqueue_dma source(%arg10 : memref<40x128xf32, #tpu.memory_space<vmem>>) target(%dma_start3A_387 : memref<40x128xf32, #tpu.memory_space<vmem_shared>>) target_semaphore(%arg12 : memref<!tpu.dma_semaphore, #tpu.memory_space<semaphore_mem>>)
    } else {
    }
    %add3A_101 = arith.constant 224 : i32
    %add3A_102 = arith.addi %arg1, %add3A_101 : i32
    %lt3A_103 = arith.constant 250 : i32
    %lt3A_104 = arith.cmpi slt, %add3A_102, %lt3A_103 : i32
    %convert_element_type3A_105 = arith.extui %lt3A_104 : i1 to i32
    %cond3A_106 = arith.constant 0 : i32
    %cond3A_107 = arith.cmpi ne, %convert_element_type3A_105, %cond3A_106 : i32
    scf.if %cond3A_107 {
      %mul3A_382 = arith.constant 40 : i32
      %mul3A_383 = arith.muli %add3A_102, %mul3A_382 : i32
      %multiple_of3A = tpu.assume_multiple %mul3A_383, 8 : i32
      %dma_start3A_384 = arith.constant 0 : i32
      %dma_start3A_385 = tpu.memref_slice %arg11[%multiple_of3A, %dma_start3A_384] : memref<10000x128xf32, #tpu.memory_space<vmem_shared>> -> memref<40x128xf32, #tpu.memory_space<vmem_shared>>
      %dma_start3A_386 = arith.constant 0 : i32
      %dma_start3A_387 = tpu.memref_slice %arg11[%multiple_of3A, %dma_start3A_386] : memref<10000x128xf32, #tpu.memory_space<vmem_shared>> -> memref<40x128xf32, #tpu.memory_space<vmem_shared>>
      tpu.enqueue_dma source(%arg10 : memref<40x128xf32, #tpu.memory_space<vmem>>) target(%dma_start3A_387 : memref<40x128xf32, #tpu.memory_space<vmem_shared>>) target_semaphore(%arg12 : memref<!tpu.dma_semaphore, #tpu.memory_space<semaphore_mem>>)
    } else {
    }
    %add3A_108 = arith.constant 240 : i32
    %add3A_109 = arith.addi %arg1, %add3A_108 : i32
    %lt3A_110 = arith.constant 250 : i32
    %lt3A_111 = arith.cmpi slt, %add3A_109, %lt3A_110 : i32
    %convert_element_type3A_112 = arith.extui %lt3A_111 : i1 to i32
    %cond3A_113 = arith.constant 0 : i32
    %cond3A_114 = arith.cmpi ne, %convert_element_type3A_112, %cond3A_113 : i32
    scf.if %cond3A_114 {
      %mul3A_382 = arith.constant 40 : i32
      %mul3A_383 = arith.muli %add3A_109, %mul3A_382 : i32
      %multiple_of3A = tpu.assume_multiple %mul3A_383, 8 : i32
      %dma_start3A_384 = arith.constant 0 : i32
      %dma_start3A_385 = tpu.memref_slice %arg11[%multiple_of3A, %dma_start3A_384] : memref<10000x128xf32, #tpu.memory_space<vmem_shared>> -> memref<40x128xf32, #tpu.memory_space<vmem_shared>>
      %dma_start3A_386 = arith.constant 0 : i32
      %dma_start3A_387 = tpu.memref_slice %arg11[%multiple_of3A, %dma_start3A_386] : memref<10000x128xf32, #tpu.memory_space<vmem_shared>> -> memref<40x128xf32, #tpu.memory_space<vmem_shared>>
      tpu.enqueue_dma source(%arg10 : memref<40x128xf32, #tpu.memory_space<vmem>>) target(%dma_start3A_387 : memref<40x128xf32, #tpu.memory_space<vmem_shared>>) target_semaphore(%arg12 : memref<!tpu.dma_semaphore, #tpu.memory_space<semaphore_mem>>)
    } else {
    }
    %add3A_115 = arith.constant 0 : i32
    %add3A_116 = arith.addi %arg1, %add3A_115 : i32
    %lt3A_117 = arith.constant 250 : i32
    %lt3A_118 = arith.cmpi slt, %add3A_116, %lt3A_117 : i32
    %convert_element_type3A_119 = arith.extui %lt3A_118 : i1 to i32
    %cond3A_120 = arith.constant 0 : i32
    %cond3A_121 = arith.cmpi ne, %convert_element_type3A_119, %cond3A_120 : i32
    scf.if %cond3A_121 {
      %mul3A_382 = arith.constant 40 : i32
      %mul3A_383 = arith.muli %add3A_116, %mul3A_382 : i32
      %multiple_of3A = tpu.assume_multiple %mul3A_383, 8 : i32
      %dma_wait3A = arith.constant 0 : i32
      %dma_wait3A_384 = tpu.memref_slice %arg11[%multiple_of3A, %dma_wait3A] : memref<10000x128xf32, #tpu.memory_space<vmem_shared>> -> memref<40x128xf32, #tpu.memory_space<vmem_shared>>
      %dma_wait3A_385 = arith.constant 0 : i32
      %dma_wait3A_386 = tpu.memref_slice %arg11[%multiple_of3A, %dma_wait3A_385] : memref<10000x128xf32, #tpu.memory_space<vmem_shared>> -> memref<40x128xf32, #tpu.memory_space<vmem_shared>>
      tpu.wait_dma2 semaphore(%arg12 : memref<!tpu.dma_semaphore, #tpu.memory_space<semaphore_mem>>) src(%arg10 : memref<40x128xf32, #tpu.memory_space<vmem>>) dst(%dma_wait3A_386 : memref<40x128xf32, #tpu.memory_space<vmem_shared>>)
    } else {
    }
    %add3A_122 = arith.constant 16 : i32
    %add3A_123 = arith.addi %arg1, %add3A_122 : i32
    %lt3A_124 = arith.constant 250 : i32
    %lt3A_125 = arith.cmpi slt, %add3A_123, %lt3A_124 : i32
    %convert_element_type3A_126 = arith.extui %lt3A_125 : i1 to i32
    %cond3A_127 = arith.constant 0 : i32
    %cond3A_128 = arith.cmpi ne, %convert_element_type3A_126, %cond3A_127 : i32
    scf.if %cond3A_128 {
      %mul3A_382 = arith.constant 40 : i32
      %mul3A_383 = arith.muli %add3A_123, %mul3A_382 : i32
      %multiple_of3A = tpu.assume_multiple %mul3A_383, 8 : i32
      %dma_wait3A = arith.constant 0 : i32
      %dma_wait3A_384 = tpu.memref_slice %arg11[%multiple_of3A, %dma_wait3A] : memref<10000x128xf32, #tpu.memory_space<vmem_shared>> -> memref<40x128xf32, #tpu.memory_space<vmem_shared>>
      %dma_wait3A_385 = arith.constant 0 : i32
      %dma_wait3A_386 = tpu.memref_slice %arg11[%multiple_of3A, %dma_wait3A_385] : memref<10000x128xf32, #tpu.memory_space<vmem_shared>> -> memref<40x128xf32, #tpu.memory_space<vmem_shared>>
      tpu.wait_dma2 semaphore(%arg12 : memref<!tpu.dma_semaphore, #tpu.memory_space<semaphore_mem>>) src(%arg10 : memref<40x128xf32, #tpu.memory_space<vmem>>) dst(%dma_wait3A_386 : memref<40x128xf32, #tpu.memory_space<vmem_shared>>)
    } else {
    }
    %add3A_129 = arith.constant 32 : i32
    %add3A_130 = arith.addi %arg1, %add3A_129 : i32
    %lt3A_131 = arith.constant 250 : i32
    %lt3A_132 = arith.cmpi slt, %add3A_130, %lt3A_131 : i32
    %convert_element_type3A_133 = arith.extui %lt3A_132 : i1 to i32
    %cond3A_134 = arith.constant 0 : i32
    %cond3A_135 = arith.cmpi ne, %convert_element_type3A_133, %cond3A_134 : i32
    scf.if %cond3A_135 {
      %mul3A_382 = arith.constant 40 : i32
      %mul3A_383 = arith.muli %add3A_130, %mul3A_382 : i32
      %multiple_of3A = tpu.assume_multiple %mul3A_383, 8 : i32
      %dma_wait3A = arith.constant 0 : i32
      %dma_wait3A_384 = tpu.memref_slice %arg11[%multiple_of3A, %dma_wait3A] : memref<10000x128xf32, #tpu.memory_space<vmem_shared>> -> memref<40x128xf32, #tpu.memory_space<vmem_shared>>
      %dma_wait3A_385 = arith.constant 0 : i32
      %dma_wait3A_386 = tpu.memref_slice %arg11[%multiple_of3A, %dma_wait3A_385] : memref<10000x128xf32, #tpu.memory_space<vmem_shared>> -> memref<40x128xf32, #tpu.memory_space<vmem_shared>>
      tpu.wait_dma2 semaphore(%arg12 : memref<!tpu.dma_semaphore, #tpu.memory_space<semaphore_mem>>) src(%arg10 : memref<40x128xf32, #tpu.memory_space<vmem>>) dst(%dma_wait3A_386 : memref<40x128xf32, #tpu.memory_space<vmem_shared>>)
    } else {
    }
    %add3A_136 = arith.constant 48 : i32
    %add3A_137 = arith.addi %arg1, %add3A_136 : i32
    %lt3A_138 = arith.constant 250 : i32
    %lt3A_139 = arith.cmpi slt, %add3A_137, %lt3A_138 : i32
    %convert_element_type3A_140 = arith.extui %lt3A_139 : i1 to i32
    %cond3A_141 = arith.constant 0 : i32
    %cond3A_142 = arith.cmpi ne, %convert_element_type3A_140, %cond3A_141 : i32
    scf.if %cond3A_142 {
      %mul3A_382 = arith.constant 40 : i32
      %mul3A_383 = arith.muli %add3A_137, %mul3A_382 : i32
      %multiple_of3A = tpu.assume_multiple %mul3A_383, 8 : i32
      %dma_wait3A = arith.constant 0 : i32
      %dma_wait3A_384 = tpu.memref_slice %arg11[%multiple_of3A, %dma_wait3A] : memref<10000x128xf32, #tpu.memory_space<vmem_shared>> -> memref<40x128xf32, #tpu.memory_space<vmem_shared>>
      %dma_wait3A_385 = arith.constant 0 : i32
      %dma_wait3A_386 = tpu.memref_slice %arg11[%multiple_of3A, %dma_wait3A_385] : memref<10000x128xf32, #tpu.memory_space<vmem_shared>> -> memref<40x128xf32, #tpu.memory_space<vmem_shared>>
      tpu.wait_dma2 semaphore(%arg12 : memref<!tpu.dma_semaphore, #tpu.memory_space<semaphore_mem>>) src(%arg10 : memref<40x128xf32, #tpu.memory_space<vmem>>) dst(%dma_wait3A_386 : memref<40x128xf32, #tpu.memory_space<vmem_shared>>)
    } else {
    }
    %add3A_143 = arith.constant 64 : i32
    %add3A_144 = arith.addi %arg1, %add3A_143 : i32
    %lt3A_145 = arith.constant 250 : i32
    %lt3A_146 = arith.cmpi slt, %add3A_144, %lt3A_145 : i32
    %convert_element_type3A_147 = arith.extui %lt3A_146 : i1 to i32
    %cond3A_148 = arith.constant 0 : i32
    %cond3A_149 = arith.cmpi ne, %convert_element_type3A_147, %cond3A_148 : i32
    scf.if %cond3A_149 {
      %mul3A_382 = arith.constant 40 : i32
      %mul3A_383 = arith.muli %add3A_144, %mul3A_382 : i32
      %multiple_of3A = tpu.assume_multiple %mul3A_383, 8 : i32
      %dma_wait3A = arith.constant 0 : i32
      %dma_wait3A_384 = tpu.memref_slice %arg11[%multiple_of3A, %dma_wait3A] : memref<10000x128xf32, #tpu.memory_space<vmem_shared>> -> memref<40x128xf32, #tpu.memory_space<vmem_shared>>
      %dma_wait3A_385 = arith.constant 0 : i32
      %dma_wait3A_386 = tpu.memref_slice %arg11[%multiple_of3A, %dma_wait3A_385] : memref<10000x128xf32, #tpu.memory_space<vmem_shared>> -> memref<40x128xf32, #tpu.memory_space<vmem_shared>>
      tpu.wait_dma2 semaphore(%arg12 : memref<!tpu.dma_semaphore, #tpu.memory_space<semaphore_mem>>) src(%arg10 : memref<40x128xf32, #tpu.memory_space<vmem>>) dst(%dma_wait3A_386 : memref<40x128xf32, #tpu.memory_space<vmem_shared>>)
    } else {
    }
    %add3A_150 = arith.constant 80 : i32
    %add3A_151 = arith.addi %arg1, %add3A_150 : i32
    %lt3A_152 = arith.constant 250 : i32
    %lt3A_153 = arith.cmpi slt, %add3A_151, %lt3A_152 : i32
    %convert_element_type3A_154 = arith.extui %lt3A_153 : i1 to i32
    %cond3A_155 = arith.constant 0 : i32
    %cond3A_156 = arith.cmpi ne, %convert_element_type3A_154, %cond3A_155 : i32
    scf.if %cond3A_156 {
      %mul3A_382 = arith.constant 40 : i32
      %mul3A_383 = arith.muli %add3A_151, %mul3A_382 : i32
      %multiple_of3A = tpu.assume_multiple %mul3A_383, 8 : i32
      %dma_wait3A = arith.constant 0 : i32
      %dma_wait3A_384 = tpu.memref_slice %arg11[%multiple_of3A, %dma_wait3A] : memref<10000x128xf32, #tpu.memory_space<vmem_shared>> -> memref<40x128xf32, #tpu.memory_space<vmem_shared>>
      %dma_wait3A_385 = arith.constant 0 : i32
      %dma_wait3A_386 = tpu.memref_slice %arg11[%multiple_of3A, %dma_wait3A_385] : memref<10000x128xf32, #tpu.memory_space<vmem_shared>> -> memref<40x128xf32, #tpu.memory_space<vmem_shared>>
      tpu.wait_dma2 semaphore(%arg12 : memref<!tpu.dma_semaphore, #tpu.memory_space<semaphore_mem>>) src(%arg10 : memref<40x128xf32, #tpu.memory_space<vmem>>) dst(%dma_wait3A_386 : memref<40x128xf32, #tpu.memory_space<vmem_shared>>)
    } else {
    }
    %add3A_157 = arith.constant 96 : i32
    %add3A_158 = arith.addi %arg1, %add3A_157 : i32
    %lt3A_159 = arith.constant 250 : i32
    %lt3A_160 = arith.cmpi slt, %add3A_158, %lt3A_159 : i32
    %convert_element_type3A_161 = arith.extui %lt3A_160 : i1 to i32
    %cond3A_162 = arith.constant 0 : i32
    %cond3A_163 = arith.cmpi ne, %convert_element_type3A_161, %cond3A_162 : i32
    scf.if %cond3A_163 {
      %mul3A_382 = arith.constant 40 : i32
      %mul3A_383 = arith.muli %add3A_158, %mul3A_382 : i32
      %multiple_of3A = tpu.assume_multiple %mul3A_383, 8 : i32
      %dma_wait3A = arith.constant 0 : i32
      %dma_wait3A_384 = tpu.memref_slice %arg11[%multiple_of3A, %dma_wait3A] : memref<10000x128xf32, #tpu.memory_space<vmem_shared>> -> memref<40x128xf32, #tpu.memory_space<vmem_shared>>
      %dma_wait3A_385 = arith.constant 0 : i32
      %dma_wait3A_386 = tpu.memref_slice %arg11[%multiple_of3A, %dma_wait3A_385] : memref<10000x128xf32, #tpu.memory_space<vmem_shared>> -> memref<40x128xf32, #tpu.memory_space<vmem_shared>>
      tpu.wait_dma2 semaphore(%arg12 : memref<!tpu.dma_semaphore, #tpu.memory_space<semaphore_mem>>) src(%arg10 : memref<40x128xf32, #tpu.memory_space<vmem>>) dst(%dma_wait3A_386 : memref<40x128xf32, #tpu.memory_space<vmem_shared>>)
    } else {
    }
    %add3A_164 = arith.constant 112 : i32
    %add3A_165 = arith.addi %arg1, %add3A_164 : i32
    %lt3A_166 = arith.constant 250 : i32
    %lt3A_167 = arith.cmpi slt, %add3A_165, %lt3A_166 : i32
    %convert_element_type3A_168 = arith.extui %lt3A_167 : i1 to i32
    %cond3A_169 = arith.constant 0 : i32
    %cond3A_170 = arith.cmpi ne, %convert_element_type3A_168, %cond3A_169 : i32
    scf.if %cond3A_170 {
      %mul3A_382 = arith.constant 40 : i32
      %mul3A_383 = arith.muli %add3A_165, %mul3A_382 : i32
      %multiple_of3A = tpu.assume_multiple %mul3A_383, 8 : i32
      %dma_wait3A = arith.constant 0 : i32
      %dma_wait3A_384 = tpu.memref_slice %arg11[%multiple_of3A, %dma_wait3A] : memref<10000x128xf32, #tpu.memory_space<vmem_shared>> -> memref<40x128xf32, #tpu.memory_space<vmem_shared>>
      %dma_wait3A_385 = arith.constant 0 : i32
      %dma_wait3A_386 = tpu.memref_slice %arg11[%multiple_of3A, %dma_wait3A_385] : memref<10000x128xf32, #tpu.memory_space<vmem_shared>> -> memref<40x128xf32, #tpu.memory_space<vmem_shared>>
      tpu.wait_dma2 semaphore(%arg12 : memref<!tpu.dma_semaphore, #tpu.memory_space<semaphore_mem>>) src(%arg10 : memref<40x128xf32, #tpu.memory_space<vmem>>) dst(%dma_wait3A_386 : memref<40x128xf32, #tpu.memory_space<vmem_shared>>)
    } else {
    }
    %add3A_171 = arith.constant 128 : i32
    %add3A_172 = arith.addi %arg1, %add3A_171 : i32
    %lt3A_173 = arith.constant 250 : i32
    %lt3A_174 = arith.cmpi slt, %add3A_172, %lt3A_173 : i32
    %convert_element_type3A_175 = arith.extui %lt3A_174 : i1 to i32
    %cond3A_176 = arith.constant 0 : i32
    %cond3A_177 = arith.cmpi ne, %convert_element_type3A_175, %cond3A_176 : i32
    scf.if %cond3A_177 {
      %mul3A_382 = arith.constant 40 : i32
      %mul3A_383 = arith.muli %add3A_172, %mul3A_382 : i32
      %multiple_of3A = tpu.assume_multiple %mul3A_383, 8 : i32
      %dma_wait3A = arith.constant 0 : i32
      %dma_wait3A_384 = tpu.memref_slice %arg11[%multiple_of3A, %dma_wait3A] : memref<10000x128xf32, #tpu.memory_space<vmem_shared>> -> memref<40x128xf32, #tpu.memory_space<vmem_shared>>
      %dma_wait3A_385 = arith.constant 0 : i32
      %dma_wait3A_386 = tpu.memref_slice %arg11[%multiple_of3A, %dma_wait3A_385] : memref<10000x128xf32, #tpu.memory_space<vmem_shared>> -> memref<40x128xf32, #tpu.memory_space<vmem_shared>>
      tpu.wait_dma2 semaphore(%arg12 : memref<!tpu.dma_semaphore, #tpu.memory_space<semaphore_mem>>) src(%arg10 : memref<40x128xf32, #tpu.memory_space<vmem>>) dst(%dma_wait3A_386 : memref<40x128xf32, #tpu.memory_space<vmem_shared>>)
    } else {
    }
    %add3A_178 = arith.constant 144 : i32
    %add3A_179 = arith.addi %arg1, %add3A_178 : i32
    %lt3A_180 = arith.constant 250 : i32
    %lt3A_181 = arith.cmpi slt, %add3A_179, %lt3A_180 : i32
    %convert_element_type3A_182 = arith.extui %lt3A_181 : i1 to i32
    %cond3A_183 = arith.constant 0 : i32
    %cond3A_184 = arith.cmpi ne, %convert_element_type3A_182, %cond3A_183 : i32
    scf.if %cond3A_184 {
      %mul3A_382 = arith.constant 40 : i32
      %mul3A_383 = arith.muli %add3A_179, %mul3A_382 : i32
      %multiple_of3A = tpu.assume_multiple %mul3A_383, 8 : i32
      %dma_wait3A = arith.constant 0 : i32
      %dma_wait3A_384 = tpu.memref_slice %arg11[%multiple_of3A, %dma_wait3A] : memref<10000x128xf32, #tpu.memory_space<vmem_shared>> -> memref<40x128xf32, #tpu.memory_space<vmem_shared>>
      %dma_wait3A_385 = arith.constant 0 : i32
      %dma_wait3A_386 = tpu.memref_slice %arg11[%multiple_of3A, %dma_wait3A_385] : memref<10000x128xf32, #tpu.memory_space<vmem_shared>> -> memref<40x128xf32, #tpu.memory_space<vmem_shared>>
      tpu.wait_dma2 semaphore(%arg12 : memref<!tpu.dma_semaphore, #tpu.memory_space<semaphore_mem>>) src(%arg10 : memref<40x128xf32, #tpu.memory_space<vmem>>) dst(%dma_wait3A_386 : memref<40x128xf32, #tpu.memory_space<vmem_shared>>)
    } else {
    }
    %add3A_185 = arith.constant 160 : i32
    %add3A_186 = arith.addi %arg1, %add3A_185 : i32
    %lt3A_187 = arith.constant 250 : i32
    %lt3A_188 = arith.cmpi slt, %add3A_186, %lt3A_187 : i32
    %convert_element_type3A_189 = arith.extui %lt3A_188 : i1 to i32
    %cond3A_190 = arith.constant 0 : i32
    %cond3A_191 = arith.cmpi ne, %convert_element_type3A_189, %cond3A_190 : i32
    scf.if %cond3A_191 {
      %mul3A_382 = arith.constant 40 : i32
      %mul3A_383 = arith.muli %add3A_186, %mul3A_382 : i32
      %multiple_of3A = tpu.assume_multiple %mul3A_383, 8 : i32
      %dma_wait3A = arith.constant 0 : i32
      %dma_wait3A_384 = tpu.memref_slice %arg11[%multiple_of3A, %dma_wait3A] : memref<10000x128xf32, #tpu.memory_space<vmem_shared>> -> memref<40x128xf32, #tpu.memory_space<vmem_shared>>
      %dma_wait3A_385 = arith.constant 0 : i32
      %dma_wait3A_386 = tpu.memref_slice %arg11[%multiple_of3A, %dma_wait3A_385] : memref<10000x128xf32, #tpu.memory_space<vmem_shared>> -> memref<40x128xf32, #tpu.memory_space<vmem_shared>>
      tpu.wait_dma2 semaphore(%arg12 : memref<!tpu.dma_semaphore, #tpu.memory_space<semaphore_mem>>) src(%arg10 : memref<40x128xf32, #tpu.memory_space<vmem>>) dst(%dma_wait3A_386 : memref<40x128xf32, #tpu.memory_space<vmem_shared>>)
    } else {
    }
    %add3A_192 = arith.constant 176 : i32
    %add3A_193 = arith.addi %arg1, %add3A_192 : i32
    %lt3A_194 = arith.constant 250 : i32
    %lt3A_195 = arith.cmpi slt, %add3A_193, %lt3A_194 : i32
    %convert_element_type3A_196 = arith.extui %lt3A_195 : i1 to i32
    %cond3A_197 = arith.constant 0 : i32
    %cond3A_198 = arith.cmpi ne, %convert_element_type3A_196, %cond3A_197 : i32
    scf.if %cond3A_198 {
      %mul3A_382 = arith.constant 40 : i32
      %mul3A_383 = arith.muli %add3A_193, %mul3A_382 : i32
      %multiple_of3A = tpu.assume_multiple %mul3A_383, 8 : i32
      %dma_wait3A = arith.constant 0 : i32
      %dma_wait3A_384 = tpu.memref_slice %arg11[%multiple_of3A, %dma_wait3A] : memref<10000x128xf32, #tpu.memory_space<vmem_shared>> -> memref<40x128xf32, #tpu.memory_space<vmem_shared>>
      %dma_wait3A_385 = arith.constant 0 : i32
      %dma_wait3A_386 = tpu.memref_slice %arg11[%multiple_of3A, %dma_wait3A_385] : memref<10000x128xf32, #tpu.memory_space<vmem_shared>> -> memref<40x128xf32, #tpu.memory_space<vmem_shared>>
      tpu.wait_dma2 semaphore(%arg12 : memref<!tpu.dma_semaphore, #tpu.memory_space<semaphore_mem>>) src(%arg10 : memref<40x128xf32, #tpu.memory_space<vmem>>) dst(%dma_wait3A_386 : memref<40x128xf32, #tpu.memory_space<vmem_shared>>)
    } else {
    }
    %add3A_199 = arith.constant 192 : i32
    %add3A_200 = arith.addi %arg1, %add3A_199 : i32
    %lt3A_201 = arith.constant 250 : i32
    %lt3A_202 = arith.cmpi slt, %add3A_200, %lt3A_201 : i32
    %convert_element_type3A_203 = arith.extui %lt3A_202 : i1 to i32
    %cond3A_204 = arith.constant 0 : i32
    %cond3A_205 = arith.cmpi ne, %convert_element_type3A_203, %cond3A_204 : i32
    scf.if %cond3A_205 {
      %mul3A_382 = arith.constant 40 : i32
      %mul3A_383 = arith.muli %add3A_200, %mul3A_382 : i32
      %multiple_of3A = tpu.assume_multiple %mul3A_383, 8 : i32
      %dma_wait3A = arith.constant 0 : i32
      %dma_wait3A_384 = tpu.memref_slice %arg11[%multiple_of3A, %dma_wait3A] : memref<10000x128xf32, #tpu.memory_space<vmem_shared>> -> memref<40x128xf32, #tpu.memory_space<vmem_shared>>
      %dma_wait3A_385 = arith.constant 0 : i32
      %dma_wait3A_386 = tpu.memref_slice %arg11[%multiple_of3A, %dma_wait3A_385] : memref<10000x128xf32, #tpu.memory_space<vmem_shared>> -> memref<40x128xf32, #tpu.memory_space<vmem_shared>>
      tpu.wait_dma2 semaphore(%arg12 : memref<!tpu.dma_semaphore, #tpu.memory_space<semaphore_mem>>) src(%arg10 : memref<40x128xf32, #tpu.memory_space<vmem>>) dst(%dma_wait3A_386 : memref<40x128xf32, #tpu.memory_space<vmem_shared>>)
    } else {
    }
    %add3A_206 = arith.constant 208 : i32
    %add3A_207 = arith.addi %arg1, %add3A_206 : i32
    %lt3A_208 = arith.constant 250 : i32
    %lt3A_209 = arith.cmpi slt, %add3A_207, %lt3A_208 : i32
    %convert_element_type3A_210 = arith.extui %lt3A_209 : i1 to i32
    %cond3A_211 = arith.constant 0 : i32
    %cond3A_212 = arith.cmpi ne, %convert_element_type3A_210, %cond3A_211 : i32
    scf.if %cond3A_212 {
      %mul3A_382 = arith.constant 40 : i32
      %mul3A_383 = arith.muli %add3A_207, %mul3A_382 : i32
      %multiple_of3A = tpu.assume_multiple %mul3A_383, 8 : i32
      %dma_wait3A = arith.constant 0 : i32
      %dma_wait3A_384 = tpu.memref_slice %arg11[%multiple_of3A, %dma_wait3A] : memref<10000x128xf32, #tpu.memory_space<vmem_shared>> -> memref<40x128xf32, #tpu.memory_space<vmem_shared>>
      %dma_wait3A_385 = arith.constant 0 : i32
      %dma_wait3A_386 = tpu.memref_slice %arg11[%multiple_of3A, %dma_wait3A_385] : memref<10000x128xf32, #tpu.memory_space<vmem_shared>> -> memref<40x128xf32, #tpu.memory_space<vmem_shared>>
      tpu.wait_dma2 semaphore(%arg12 : memref<!tpu.dma_semaphore, #tpu.memory_space<semaphore_mem>>) src(%arg10 : memref<40x128xf32, #tpu.memory_space<vmem>>) dst(%dma_wait3A_386 : memref<40x128xf32, #tpu.memory_space<vmem_shared>>)
    } else {
    }
    %add3A_213 = arith.constant 224 : i32
    %add3A_214 = arith.addi %arg1, %add3A_213 : i32
    %lt3A_215 = arith.constant 250 : i32
    %lt3A_216 = arith.cmpi slt, %add3A_214, %lt3A_215 : i32
    %convert_element_type3A_217 = arith.extui %lt3A_216 : i1 to i32
    %cond3A_218 = arith.constant 0 : i32
    %cond3A_219 = arith.cmpi ne, %convert_element_type3A_217, %cond3A_218 : i32
    scf.if %cond3A_219 {
      %mul3A_382 = arith.constant 40 : i32
      %mul3A_383 = arith.muli %add3A_214, %mul3A_382 : i32
      %multiple_of3A = tpu.assume_multiple %mul3A_383, 8 : i32
      %dma_wait3A = arith.constant 0 : i32
      %dma_wait3A_384 = tpu.memref_slice %arg11[%multiple_of3A, %dma_wait3A] : memref<10000x128xf32, #tpu.memory_space<vmem_shared>> -> memref<40x128xf32, #tpu.memory_space<vmem_shared>>
      %dma_wait3A_385 = arith.constant 0 : i32
      %dma_wait3A_386 = tpu.memref_slice %arg11[%multiple_of3A, %dma_wait3A_385] : memref<10000x128xf32, #tpu.memory_space<vmem_shared>> -> memref<40x128xf32, #tpu.memory_space<vmem_shared>>
      tpu.wait_dma2 semaphore(%arg12 : memref<!tpu.dma_semaphore, #tpu.memory_space<semaphore_mem>>) src(%arg10 : memref<40x128xf32, #tpu.memory_space<vmem>>) dst(%dma_wait3A_386 : memref<40x128xf32, #tpu.memory_space<vmem_shared>>)
    } else {
    }
    %add3A_220 = arith.constant 240 : i32
    %add3A_221 = arith.addi %arg1, %add3A_220 : i32
    %lt3A_222 = arith.constant 250 : i32
    %lt3A_223 = arith.cmpi slt, %add3A_221, %lt3A_222 : i32
    %convert_element_type3A_224 = arith.extui %lt3A_223 : i1 to i32
    %cond3A_225 = arith.constant 0 : i32
    %cond3A_226 = arith.cmpi ne, %convert_element_type3A_224, %cond3A_225 : i32
    scf.if %cond3A_226 {
      %mul3A_382 = arith.constant 40 : i32
      %mul3A_383 = arith.muli %add3A_221, %mul3A_382 : i32
      %multiple_of3A = tpu.assume_multiple %mul3A_383, 8 : i32
      %dma_wait3A = arith.constant 0 : i32
      %dma_wait3A_384 = tpu.memref_slice %arg11[%multiple_of3A, %dma_wait3A] : memref<10000x128xf32, #tpu.memory_space<vmem_shared>> -> memref<40x128xf32, #tpu.memory_space<vmem_shared>>
      %dma_wait3A_385 = arith.constant 0 : i32
      %dma_wait3A_386 = tpu.memref_slice %arg11[%multiple_of3A, %dma_wait3A_385] : memref<10000x128xf32, #tpu.memory_space<vmem_shared>> -> memref<40x128xf32, #tpu.memory_space<vmem_shared>>
      tpu.wait_dma2 semaphore(%arg12 : memref<!tpu.dma_semaphore, #tpu.memory_space<semaphore_mem>>) src(%arg10 : memref<40x128xf32, #tpu.memory_space<vmem>>) dst(%dma_wait3A_386 : memref<40x128xf32, #tpu.memory_space<vmem_shared>>)
    } else {
    }
    %barrier3A = arith.constant 0 : index
    tpu.barrier barrier_id(%barrier3A)
    %run_scoped3A = arith.constant 0 : i32
    "tpu.region"() ({
      %run_scoped3A_382 = tpu.sem_alloc : memref<!tpu.dma_semaphore, #tpu.memory_space<semaphore_mem>>
      %dma_start3A_383 = arith.constant 0 : i32
      %dma_start3A_384 = arith.constant 0 : i32
      %dma_start3A_385 = tpu.memref_slice %arg3[%add3A, %run_scoped3A, %dma_start3A_383, %dma_start3A_384] : memref<32x2x50x100xi32, #tpu.memory_space<hbm>> -> memref<1x1x50x100xi32, #tpu.memory_space<hbm>>
      %dma_start3A_386 = tpu.memref_squeeze %dma_start3A_385 : memref<1x1x50x100xi32, #tpu.memory_space<hbm>> -> memref<50x100xi32, #tpu.memory_space<hbm>>
      %dma_start3A_387 = arith.constant 0 : i32
      %dma_start3A_388 = arith.constant 0 : i32
      %dma_start3A_389 = tpu.memref_slice %arg3[%add3A, %run_scoped3A, %dma_start3A_387, %dma_start3A_388] : memref<32x2x50x100xi32, #tpu.memory_space<hbm>> -> memref<1x1x50x100xi32, #tpu.memory_space<hbm>>
      %dma_start3A_390 = tpu.memref_squeeze %dma_start3A_389 : memref<1x1x50x100xi32, #tpu.memory_space<hbm>> -> memref<50x100xi32, #tpu.memory_space<hbm>>
      tpu.enqueue_dma source(%dma_start3A_390 : memref<50x100xi32, #tpu.memory_space<hbm>>) target(%arg6 : memref<50x100xi32, #tpu.memory_space<vmem>>) target_semaphore(%run_scoped3A_382 : memref<!tpu.dma_semaphore, #tpu.memory_space<semaphore_mem>>)
      %dma_wait3A = arith.constant 0 : i32
      %dma_wait3A_391 = arith.constant 0 : i32
      %dma_wait3A_392 = tpu.memref_slice %arg3[%add3A, %run_scoped3A, %dma_wait3A, %dma_wait3A_391] : memref<32x2x50x100xi32, #tpu.memory_space<hbm>> -> memref<1x1x50x100xi32, #tpu.memory_space<hbm>>
      %dma_wait3A_393 = tpu.memref_squeeze %dma_wait3A_392 : memref<1x1x50x100xi32, #tpu.memory_space<hbm>> -> memref<50x100xi32, #tpu.memory_space<hbm>>
      %dma_wait3A_394 = arith.constant 0 : i32
      %dma_wait3A_395 = arith.constant 0 : i32
      %dma_wait3A_396 = tpu.memref_slice %arg3[%add3A, %run_scoped3A, %dma_wait3A_394, %dma_wait3A_395] : memref<32x2x50x100xi32, #tpu.memory_space<hbm>> -> memref<1x1x50x100xi32, #tpu.memory_space<hbm>>
      %dma_wait3A_397 = tpu.memref_squeeze %dma_wait3A_396 : memref<1x1x50x100xi32, #tpu.memory_space<hbm>> -> memref<50x100xi32, #tpu.memory_space<hbm>>
      tpu.wait_dma2 semaphore(%run_scoped3A_382 : memref<!tpu.dma_semaphore, #tpu.memory_space<semaphore_mem>>) src(%dma_wait3A_397 : memref<50x100xi32, #tpu.memory_space<hbm>>) dst(%arg6 : memref<50x100xi32, #tpu.memory_space<vmem>>)
      tpu.yield
    }) : () -> ()
    %run_scoped3A_227 = arith.constant 0 : i32
    "tpu.region"() ({
      %run_scoped3A_382 = tpu.sem_alloc : memref<!tpu.dma_semaphore, #tpu.memory_space<semaphore_mem>>
      %dma_start3A_383 = arith.constant 0 : i32
      %dma_start3A_384 = arith.constant 0 : i32
      %dma_start3A_385 = tpu.memref_slice %arg4[%add3A, %run_scoped3A_227, %dma_start3A_383, %dma_start3A_384] : memref<32x2x50x100xi32, #tpu.memory_space<hbm>> -> memref<1x1x50x100xi32, #tpu.memory_space<hbm>>
      %dma_start3A_386 = tpu.memref_squeeze %dma_start3A_385 : memref<1x1x50x100xi32, #tpu.memory_space<hbm>> -> memref<50x100xi32, #tpu.memory_space<hbm>>
      %dma_start3A_387 = arith.constant 0 : i32
      %dma_start3A_388 = arith.constant 0 : i32
      %dma_start3A_389 = tpu.memref_slice %arg4[%add3A, %run_scoped3A_227, %dma_start3A_387, %dma_start3A_388] : memref<32x2x50x100xi32, #tpu.memory_space<hbm>> -> memref<1x1x50x100xi32, #tpu.memory_space<hbm>>
      %dma_start3A_390 = tpu.memref_squeeze %dma_start3A_389 : memref<1x1x50x100xi32, #tpu.memory_space<hbm>> -> memref<50x100xi32, #tpu.memory_space<hbm>>
      tpu.enqueue_dma source(%dma_start3A_390 : memref<50x100xi32, #tpu.memory_space<hbm>>) target(%arg7 : memref<50x100xi32, #tpu.memory_space<vmem>>) target_semaphore(%run_scoped3A_382 : memref<!tpu.dma_semaphore, #tpu.memory_space<semaphore_mem>>)
      %dma_wait3A = arith.constant 0 : i32
      %dma_wait3A_391 = arith.constant 0 : i32
      %dma_wait3A_392 = tpu.memref_slice %arg4[%add3A, %run_scoped3A_227, %dma_wait3A, %dma_wait3A_391] : memref<32x2x50x100xi32, #tpu.memory_space<hbm>> -> memref<1x1x50x100xi32, #tpu.memory_space<hbm>>
      %dma_wait3A_393 = tpu.memref_squeeze %dma_wait3A_392 : memref<1x1x50x100xi32, #tpu.memory_space<hbm>> -> memref<50x100xi32, #tpu.memory_space<hbm>>
      %dma_wait3A_394 = arith.constant 0 : i32
      %dma_wait3A_395 = arith.constant 0 : i32
      %dma_wait3A_396 = tpu.memref_slice %arg4[%add3A, %run_scoped3A_227, %dma_wait3A_394, %dma_wait3A_395] : memref<32x2x50x100xi32, #tpu.memory_space<hbm>> -> memref<1x1x50x100xi32, #tpu.memory_space<hbm>>
      %dma_wait3A_397 = tpu.memref_squeeze %dma_wait3A_396 : memref<1x1x50x100xi32, #tpu.memory_space<hbm>> -> memref<50x100xi32, #tpu.memory_space<hbm>>
      tpu.wait_dma2 semaphore(%run_scoped3A_382 : memref<!tpu.dma_semaphore, #tpu.memory_space<semaphore_mem>>) src(%dma_wait3A_397 : memref<50x100xi32, #tpu.memory_space<hbm>>) dst(%arg7 : memref<50x100xi32, #tpu.memory_space<vmem>>)
      tpu.yield
    }) : () -> ()
    %dma_start3A = arith.constant 0 : i32
    %dma_start3A_228 = arith.constant 0 : i32
    %dma_start3A_229 = tpu.memref_slice %arg6[%dma_start3A, %dma_start3A_228] : memref<50x100xi32, #tpu.memory_space<vmem>> -> memref<1x100xi32, #tpu.memory_space<vmem>>
    %dma_start3A_230 = tpu.memref_squeeze %dma_start3A_229 : memref<1x100xi32, #tpu.memory_space<vmem>> -> memref<100xi32, #tpu.memory_space<vmem>>
    %dma_start3A_231 = arith.constant 0 : i32
    %dma_start3A_232 = arith.constant 0 : i32
    %dma_start3A_233 = tpu.memref_slice %arg2[%dma_start3A_231, %dma_start3A_232] : memref<10000x128xf32, #tpu.memory_space<hbm>> -> memref<10000x128xf32, #tpu.memory_space<hbm>>
    tpu.enqueue_indirect_dma source(%dma_start3A_233 : memref<10000x128xf32, #tpu.memory_space<hbm>>) target(%arg8 : memref<100x128xf32, #tpu.memory_space<vmem>>) offsets(%dma_start3A_230 : memref<100xi32, #tpu.memory_space<vmem>>) semaphore(%arg12 : memref<!tpu.dma_semaphore, #tpu.memory_space<semaphore_mem>>)
    %dma_start3A_234 = arith.constant 1 : i32
    %dma_start3A_235 = arith.constant 0 : i32
    %dma_start3A_236 = tpu.memref_slice %arg6[%dma_start3A_234, %dma_start3A_235] : memref<50x100xi32, #tpu.memory_space<vmem>> -> memref<1x100xi32, #tpu.memory_space<vmem>>
    %dma_start3A_237 = tpu.memref_squeeze %dma_start3A_236 : memref<1x100xi32, #tpu.memory_space<vmem>> -> memref<100xi32, #tpu.memory_space<vmem>>
    %dma_start3A_238 = arith.constant 0 : i32
    %dma_start3A_239 = arith.constant 0 : i32
    %dma_start3A_240 = tpu.memref_slice %arg2[%dma_start3A_238, %dma_start3A_239] : memref<10000x128xf32, #tpu.memory_space<hbm>> -> memref<10000x128xf32, #tpu.memory_space<hbm>>
    tpu.enqueue_indirect_dma source(%dma_start3A_240 : memref<10000x128xf32, #tpu.memory_space<hbm>>) target(%arg9 : memref<100x128xf32, #tpu.memory_space<vmem>>) offsets(%dma_start3A_237 : memref<100xi32, #tpu.memory_space<vmem>>) semaphore(%arg13 : memref<!tpu.dma_semaphore, #tpu.memory_space<semaphore_mem>>)
    %scan3A_241 = arith.constant 0 : i32
    %scan3A_242 = arith.constant 0 : i32
    %scan3A_243 = arith.constant 25 : i32
    %scan3A_244 = arith.addi %scan3A_242, %scan3A_243 : i32
    %scan3A_245 = arith.constant 1 : i32
    scf.for %scan3A_382 = %scan3A_242 to %scan3A_244 step %scan3A_245  : i32 {
      %mul3A_383 = arith.constant 2 : i32
      %mul3A_384 = arith.muli %mul3A_383, %scan3A_382 : i32
      %add3A_385 = arith.constant 0 : i32
      %add3A_386 = arith.addi %mul3A_384, %add3A_385 : i32
      %dma_wait3A = arith.constant 0 : i32
      %dma_wait3A_387 = tpu.memref_slice %arg6[%add3A_386, %dma_wait3A] : memref<50x100xi32, #tpu.memory_space<vmem>> -> memref<1x100xi32, #tpu.memory_space<vmem>>
      %dma_wait3A_388 = tpu.memref_squeeze %dma_wait3A_387 : memref<1x100xi32, #tpu.memory_space<vmem>> -> memref<100xi32, #tpu.memory_space<vmem>>
      %dma_wait3A_389 = arith.constant 0 : i32
      %dma_wait3A_390 = arith.constant 0 : i32
      %dma_wait3A_391 = tpu.memref_slice %arg2[%dma_wait3A_389, %dma_wait3A_390] : memref<10000x128xf32, #tpu.memory_space<hbm>> -> memref<10000x128xf32, #tpu.memory_space<hbm>>
      tpu.wait_indirect_dma semaphore(%arg12 : memref<!tpu.dma_semaphore, #tpu.memory_space<semaphore_mem>>) src(%dma_wait3A_391 : memref<10000x128xf32, #tpu.memory_space<hbm>>) dst(%arg8 : memref<100x128xf32, #tpu.memory_space<vmem>>)
      "tpu.region"() ({
        %run_scoped3A_416 = tpu.sem_alloc : memref<!tpu.dma_semaphore, #tpu.memory_space<semaphore_mem>>
        %dma_start3A_417 = arith.constant 0 : i32
        %dma_start3A_418 = tpu.memref_slice %arg7[%add3A_386, %dma_start3A_417] : memref<50x100xi32, #tpu.memory_space<vmem>> -> memref<1x100xi32, #tpu.memory_space<vmem>>
        %dma_start3A_419 = tpu.memref_squeeze %dma_start3A_418 : memref<1x100xi32, #tpu.memory_space<vmem>> -> memref<100xi32, #tpu.memory_space<vmem>>
        %dma_start3A_420 = arith.constant 0 : i32
        %dma_start3A_421 = arith.constant 0 : i32
        %dma_start3A_422 = tpu.memref_slice %arg11[%dma_start3A_420, %dma_start3A_421] : memref<10000x128xf32, #tpu.memory_space<vmem_shared>> -> memref<10000x128xf32, #tpu.memory_space<vmem_shared>>
        tpu.enqueue_indirect_dma source(%arg8 : memref<100x128xf32, #tpu.memory_space<vmem>>) target(%dma_start3A_422 : memref<10000x128xf32, #tpu.memory_space<vmem_shared>>) offsets(%dma_start3A_419 : memref<100xi32, #tpu.memory_space<vmem>>) semaphore(%run_scoped3A_416 : memref<!tpu.dma_semaphore, #tpu.memory_space<semaphore_mem>>) {add = true}
        %dma_wait3A_423 = arith.constant 0 : i32
        %dma_wait3A_424 = tpu.memref_slice %arg7[%add3A_386, %dma_wait3A_423] : memref<50x100xi32, #tpu.memory_space<vmem>> -> memref<1x100xi32, #tpu.memory_space<vmem>>
        %dma_wait3A_425 = tpu.memref_squeeze %dma_wait3A_424 : memref<1x100xi32, #tpu.memory_space<vmem>> -> memref<100xi32, #tpu.memory_space<vmem>>
        %dma_wait3A_426 = arith.constant 0 : i32
        %dma_wait3A_427 = arith.constant 0 : i32
        %dma_wait3A_428 = tpu.memref_slice %arg11[%dma_wait3A_426, %dma_wait3A_427] : memref<10000x128xf32, #tpu.memory_space<vmem_shared>> -> memref<10000x128xf32, #tpu.memory_space<vmem_shared>>
        tpu.wait_indirect_dma semaphore(%run_scoped3A_416 : memref<!tpu.dma_semaphore, #tpu.memory_space<semaphore_mem>>) src(%arg8 : memref<100x128xf32, #tpu.memory_space<vmem>>) dst(%dma_wait3A_428 : memref<10000x128xf32, #tpu.memory_space<vmem_shared>>)
        tpu.yield
      }) : () -> ()
      %add3A_392 = arith.constant 2 : i32
      %add3A_393 = arith.addi %add3A_386, %add3A_392 : i32
      %lt3A_394 = arith.constant 50 : i32
      %lt3A_395 = arith.cmpi slt, %add3A_393, %lt3A_394 : i32
      %convert_element_type3A_396 = arith.extui %lt3A_395 : i1 to i32
      %cond3A_397 = arith.constant 0 : i32
      %cond3A_398 = arith.cmpi ne, %convert_element_type3A_396, %cond3A_397 : i32
      scf.if %cond3A_398 {
        %add3A_416 = arith.constant 2 : i32
        %add3A_417 = arith.addi %add3A_386, %add3A_416 : i32
        %dma_start3A_418 = arith.constant 0 : i32
        %dma_start3A_419 = tpu.memref_slice %arg6[%add3A_417, %dma_start3A_418] : memref<50x100xi32, #tpu.memory_space<vmem>> -> memref<1x100xi32, #tpu.memory_space<vmem>>
        %dma_start3A_420 = tpu.memref_squeeze %dma_start3A_419 : memref<1x100xi32, #tpu.memory_space<vmem>> -> memref<100xi32, #tpu.memory_space<vmem>>
        %dma_start3A_421 = arith.constant 0 : i32
        %dma_start3A_422 = arith.constant 0 : i32
        %dma_start3A_423 = tpu.memref_slice %arg2[%dma_start3A_421, %dma_start3A_422] : memref<10000x128xf32, #tpu.memory_space<hbm>> -> memref<10000x128xf32, #tpu.memory_space<hbm>>
        tpu.enqueue_indirect_dma source(%dma_start3A_423 : memref<10000x128xf32, #tpu.memory_space<hbm>>) target(%arg8 : memref<100x128xf32, #tpu.memory_space<vmem>>) offsets(%dma_start3A_420 : memref<100xi32, #tpu.memory_space<vmem>>) semaphore(%arg12 : memref<!tpu.dma_semaphore, #tpu.memory_space<semaphore_mem>>)
      } else {
      }
      %mul3A_399 = arith.constant 2 : i32
      %mul3A_400 = arith.muli %mul3A_399, %scan3A_382 : i32
      %add3A_401 = arith.constant 1 : i32
      %add3A_402 = arith.addi %mul3A_400, %add3A_401 : i32
      %dma_wait3A_403 = arith.constant 0 : i32
      %dma_wait3A_404 = tpu.memref_slice %arg6[%add3A_402, %dma_wait3A_403] : memref<50x100xi32, #tpu.memory_space<vmem>> -> memref<1x100xi32, #tpu.memory_space<vmem>>
      %dma_wait3A_405 = tpu.memref_squeeze %dma_wait3A_404 : memref<1x100xi32, #tpu.memory_space<vmem>> -> memref<100xi32, #tpu.memory_space<vmem>>
      %dma_wait3A_406 = arith.constant 0 : i32
      %dma_wait3A_407 = arith.constant 0 : i32
      %dma_wait3A_408 = tpu.memref_slice %arg2[%dma_wait3A_406, %dma_wait3A_407] : memref<10000x128xf32, #tpu.memory_space<hbm>> -> memref<10000x128xf32, #tpu.memory_space<hbm>>
      tpu.wait_indirect_dma semaphore(%arg13 : memref<!tpu.dma_semaphore, #tpu.memory_space<semaphore_mem>>) src(%dma_wait3A_408 : memref<10000x128xf32, #tpu.memory_space<hbm>>) dst(%arg9 : memref<100x128xf32, #tpu.memory_space<vmem>>)
      "tpu.region"() ({
        %run_scoped3A_416 = tpu.sem_alloc : memref<!tpu.dma_semaphore, #tpu.memory_space<semaphore_mem>>
        %dma_start3A_417 = arith.constant 0 : i32
        %dma_start3A_418 = tpu.memref_slice %arg7[%add3A_402, %dma_start3A_417] : memref<50x100xi32, #tpu.memory_space<vmem>> -> memref<1x100xi32, #tpu.memory_space<vmem>>
        %dma_start3A_419 = tpu.memref_squeeze %dma_start3A_418 : memref<1x100xi32, #tpu.memory_space<vmem>> -> memref<100xi32, #tpu.memory_space<vmem>>
        %dma_start3A_420 = arith.constant 0 : i32
        %dma_start3A_421 = arith.constant 0 : i32
        %dma_start3A_422 = tpu.memref_slice %arg11[%dma_start3A_420, %dma_start3A_421] : memref<10000x128xf32, #tpu.memory_space<vmem_shared>> -> memref<10000x128xf32, #tpu.memory_space<vmem_shared>>
        tpu.enqueue_indirect_dma source(%arg9 : memref<100x128xf32, #tpu.memory_space<vmem>>) target(%dma_start3A_422 : memref<10000x128xf32, #tpu.memory_space<vmem_shared>>) offsets(%dma_start3A_419 : memref<100xi32, #tpu.memory_space<vmem>>) semaphore(%run_scoped3A_416 : memref<!tpu.dma_semaphore, #tpu.memory_space<semaphore_mem>>) {add = true}
        %dma_wait3A_423 = arith.constant 0 : i32
        %dma_wait3A_424 = tpu.memref_slice %arg7[%add3A_402, %dma_wait3A_423] : memref<50x100xi32, #tpu.memory_space<vmem>> -> memref<1x100xi32, #tpu.memory_space<vmem>>
        %dma_wait3A_425 = tpu.memref_squeeze %dma_wait3A_424 : memref<1x100xi32, #tpu.memory_space<vmem>> -> memref<100xi32, #tpu.memory_space<vmem>>
        %dma_wait3A_426 = arith.constant 0 : i32
        %dma_wait3A_427 = arith.constant 0 : i32
        %dma_wait3A_428 = tpu.memref_slice %arg11[%dma_wait3A_426, %dma_wait3A_427] : memref<10000x128xf32, #tpu.memory_space<vmem_shared>> -> memref<10000x128xf32, #tpu.memory_space<vmem_shared>>
        tpu.wait_indirect_dma semaphore(%run_scoped3A_416 : memref<!tpu.dma_semaphore, #tpu.memory_space<semaphore_mem>>) src(%arg9 : memref<100x128xf32, #tpu.memory_space<vmem>>) dst(%dma_wait3A_428 : memref<10000x128xf32, #tpu.memory_space<vmem_shared>>)
        tpu.yield
      }) : () -> ()
      %add3A_409 = arith.constant 2 : i32
      %add3A_410 = arith.addi %add3A_402, %add3A_409 : i32
      %lt3A_411 = arith.constant 50 : i32
      %lt3A_412 = arith.cmpi slt, %add3A_410, %lt3A_411 : i32
      %convert_element_type3A_413 = arith.extui %lt3A_412 : i1 to i32
      %cond3A_414 = arith.constant 0 : i32
      %cond3A_415 = arith.cmpi ne, %convert_element_type3A_413, %cond3A_414 : i32
      scf.if %cond3A_415 {
        %add3A_416 = arith.constant 2 : i32
        %add3A_417 = arith.addi %add3A_402, %add3A_416 : i32
        %dma_start3A_418 = arith.constant 0 : i32
        %dma_start3A_419 = tpu.memref_slice %arg6[%add3A_417, %dma_start3A_418] : memref<50x100xi32, #tpu.memory_space<vmem>> -> memref<1x100xi32, #tpu.memory_space<vmem>>
        %dma_start3A_420 = tpu.memref_squeeze %dma_start3A_419 : memref<1x100xi32, #tpu.memory_space<vmem>> -> memref<100xi32, #tpu.memory_space<vmem>>
        %dma_start3A_421 = arith.constant 0 : i32
        %dma_start3A_422 = arith.constant 0 : i32
        %dma_start3A_423 = tpu.memref_slice %arg2[%dma_start3A_421, %dma_start3A_422] : memref<10000x128xf32, #tpu.memory_space<hbm>> -> memref<10000x128xf32, #tpu.memory_space<hbm>>
        tpu.enqueue_indirect_dma source(%dma_start3A_423 : memref<10000x128xf32, #tpu.memory_space<hbm>>) target(%arg9 : memref<100x128xf32, #tpu.memory_space<vmem>>) offsets(%dma_start3A_420 : memref<100xi32, #tpu.memory_space<vmem>>) semaphore(%arg13 : memref<!tpu.dma_semaphore, #tpu.memory_space<semaphore_mem>>)
      } else {
      }
    }
    %scan3A_246 = arith.constant 25 : i32
    %run_scoped3A_247 = arith.constant 1 : i32
    "tpu.region"() ({
      %run_scoped3A_382 = tpu.sem_alloc : memref<!tpu.dma_semaphore, #tpu.memory_space<semaphore_mem>>
      %dma_start3A_383 = arith.constant 0 : i32
      %dma_start3A_384 = arith.constant 0 : i32
      %dma_start3A_385 = tpu.memref_slice %arg3[%add3A, %run_scoped3A_247, %dma_start3A_383, %dma_start3A_384] : memref<32x2x50x100xi32, #tpu.memory_space<hbm>> -> memref<1x1x50x100xi32, #tpu.memory_space<hbm>>
      %dma_start3A_386 = tpu.memref_squeeze %dma_start3A_385 : memref<1x1x50x100xi32, #tpu.memory_space<hbm>> -> memref<50x100xi32, #tpu.memory_space<hbm>>
      %dma_start3A_387 = arith.constant 0 : i32
      %dma_start3A_388 = arith.constant 0 : i32
      %dma_start3A_389 = tpu.memref_slice %arg3[%add3A, %run_scoped3A_247, %dma_start3A_387, %dma_start3A_388] : memref<32x2x50x100xi32, #tpu.memory_space<hbm>> -> memref<1x1x50x100xi32, #tpu.memory_space<hbm>>
      %dma_start3A_390 = tpu.memref_squeeze %dma_start3A_389 : memref<1x1x50x100xi32, #tpu.memory_space<hbm>> -> memref<50x100xi32, #tpu.memory_space<hbm>>
      tpu.enqueue_dma source(%dma_start3A_390 : memref<50x100xi32, #tpu.memory_space<hbm>>) target(%arg6 : memref<50x100xi32, #tpu.memory_space<vmem>>) target_semaphore(%run_scoped3A_382 : memref<!tpu.dma_semaphore, #tpu.memory_space<semaphore_mem>>)
      %dma_wait3A = arith.constant 0 : i32
      %dma_wait3A_391 = arith.constant 0 : i32
      %dma_wait3A_392 = tpu.memref_slice %arg3[%add3A, %run_scoped3A_247, %dma_wait3A, %dma_wait3A_391] : memref<32x2x50x100xi32, #tpu.memory_space<hbm>> -> memref<1x1x50x100xi32, #tpu.memory_space<hbm>>
      %dma_wait3A_393 = tpu.memref_squeeze %dma_wait3A_392 : memref<1x1x50x100xi32, #tpu.memory_space<hbm>> -> memref<50x100xi32, #tpu.memory_space<hbm>>
      %dma_wait3A_394 = arith.constant 0 : i32
      %dma_wait3A_395 = arith.constant 0 : i32
      %dma_wait3A_396 = tpu.memref_slice %arg3[%add3A, %run_scoped3A_247, %dma_wait3A_394, %dma_wait3A_395] : memref<32x2x50x100xi32, #tpu.memory_space<hbm>> -> memref<1x1x50x100xi32, #tpu.memory_space<hbm>>
      %dma_wait3A_397 = tpu.memref_squeeze %dma_wait3A_396 : memref<1x1x50x100xi32, #tpu.memory_space<hbm>> -> memref<50x100xi32, #tpu.memory_space<hbm>>
      tpu.wait_dma2 semaphore(%run_scoped3A_382 : memref<!tpu.dma_semaphore, #tpu.memory_space<semaphore_mem>>) src(%dma_wait3A_397 : memref<50x100xi32, #tpu.memory_space<hbm>>) dst(%arg6 : memref<50x100xi32, #tpu.memory_space<vmem>>)
      tpu.yield
    }) : () -> ()
    %run_scoped3A_248 = arith.constant 1 : i32
    "tpu.region"() ({
      %run_scoped3A_382 = tpu.sem_alloc : memref<!tpu.dma_semaphore, #tpu.memory_space<semaphore_mem>>
      %dma_start3A_383 = arith.constant 0 : i32
      %dma_start3A_384 = arith.constant 0 : i32
      %dma_start3A_385 = tpu.memref_slice %arg4[%add3A, %run_scoped3A_248, %dma_start3A_383, %dma_start3A_384] : memref<32x2x50x100xi32, #tpu.memory_space<hbm>> -> memref<1x1x50x100xi32, #tpu.memory_space<hbm>>
      %dma_start3A_386 = tpu.memref_squeeze %dma_start3A_385 : memref<1x1x50x100xi32, #tpu.memory_space<hbm>> -> memref<50x100xi32, #tpu.memory_space<hbm>>
      %dma_start3A_387 = arith.constant 0 : i32
      %dma_start3A_388 = arith.constant 0 : i32
      %dma_start3A_389 = tpu.memref_slice %arg4[%add3A, %run_scoped3A_248, %dma_start3A_387, %dma_start3A_388] : memref<32x2x50x100xi32, #tpu.memory_space<hbm>> -> memref<1x1x50x100xi32, #tpu.memory_space<hbm>>
      %dma_start3A_390 = tpu.memref_squeeze %dma_start3A_389 : memref<1x1x50x100xi32, #tpu.memory_space<hbm>> -> memref<50x100xi32, #tpu.memory_space<hbm>>
      tpu.enqueue_dma source(%dma_start3A_390 : memref<50x100xi32, #tpu.memory_space<hbm>>) target(%arg7 : memref<50x100xi32, #tpu.memory_space<vmem>>) target_semaphore(%run_scoped3A_382 : memref<!tpu.dma_semaphore, #tpu.memory_space<semaphore_mem>>)
      %dma_wait3A = arith.constant 0 : i32
      %dma_wait3A_391 = arith.constant 0 : i32
      %dma_wait3A_392 = tpu.memref_slice %arg4[%add3A, %run_scoped3A_248, %dma_wait3A, %dma_wait3A_391] : memref<32x2x50x100xi32, #tpu.memory_space<hbm>> -> memref<1x1x50x100xi32, #tpu.memory_space<hbm>>
      %dma_wait3A_393 = tpu.memref_squeeze %dma_wait3A_392 : memref<1x1x50x100xi32, #tpu.memory_space<hbm>> -> memref<50x100xi32, #tpu.memory_space<hbm>>
      %dma_wait3A_394 = arith.constant 0 : i32
      %dma_wait3A_395 = arith.constant 0 : i32
      %dma_wait3A_396 = tpu.memref_slice %arg4[%add3A, %run_scoped3A_248, %dma_wait3A_394, %dma_wait3A_395] : memref<32x2x50x100xi32, #tpu.memory_space<hbm>> -> memref<1x1x50x100xi32, #tpu.memory_space<hbm>>
      %dma_wait3A_397 = tpu.memref_squeeze %dma_wait3A_396 : memref<1x1x50x100xi32, #tpu.memory_space<hbm>> -> memref<50x100xi32, #tpu.memory_space<hbm>>
      tpu.wait_dma2 semaphore(%run_scoped3A_382 : memref<!tpu.dma_semaphore, #tpu.memory_space<semaphore_mem>>) src(%dma_wait3A_397 : memref<50x100xi32, #tpu.memory_space<hbm>>) dst(%arg7 : memref<50x100xi32, #tpu.memory_space<vmem>>)
      tpu.yield
    }) : () -> ()
    %dma_start3A_249 = arith.constant 0 : i32
    %dma_start3A_250 = arith.constant 0 : i32
    %dma_start3A_251 = tpu.memref_slice %arg6[%dma_start3A_249, %dma_start3A_250] : memref<50x100xi32, #tpu.memory_space<vmem>> -> memref<1x100xi32, #tpu.memory_space<vmem>>
    %dma_start3A_252 = tpu.memref_squeeze %dma_start3A_251 : memref<1x100xi32, #tpu.memory_space<vmem>> -> memref<100xi32, #tpu.memory_space<vmem>>
    %dma_start3A_253 = arith.constant 0 : i32
    %dma_start3A_254 = arith.constant 0 : i32
    %dma_start3A_255 = tpu.memref_slice %arg2[%dma_start3A_253, %dma_start3A_254] : memref<10000x128xf32, #tpu.memory_space<hbm>> -> memref<10000x128xf32, #tpu.memory_space<hbm>>
    tpu.enqueue_indirect_dma source(%dma_start3A_255 : memref<10000x128xf32, #tpu.memory_space<hbm>>) target(%arg8 : memref<100x128xf32, #tpu.memory_space<vmem>>) offsets(%dma_start3A_252 : memref<100xi32, #tpu.memory_space<vmem>>) semaphore(%arg12 : memref<!tpu.dma_semaphore, #tpu.memory_space<semaphore_mem>>)
    %dma_start3A_256 = arith.constant 1 : i32
    %dma_start3A_257 = arith.constant 0 : i32
    %dma_start3A_258 = tpu.memref_slice %arg6[%dma_start3A_256, %dma_start3A_257] : memref<50x100xi32, #tpu.memory_space<vmem>> -> memref<1x100xi32, #tpu.memory_space<vmem>>
    %dma_start3A_259 = tpu.memref_squeeze %dma_start3A_258 : memref<1x100xi32, #tpu.memory_space<vmem>> -> memref<100xi32, #tpu.memory_space<vmem>>
    %dma_start3A_260 = arith.constant 0 : i32
    %dma_start3A_261 = arith.constant 0 : i32
    %dma_start3A_262 = tpu.memref_slice %arg2[%dma_start3A_260, %dma_start3A_261] : memref<10000x128xf32, #tpu.memory_space<hbm>> -> memref<10000x128xf32, #tpu.memory_space<hbm>>
    tpu.enqueue_indirect_dma source(%dma_start3A_262 : memref<10000x128xf32, #tpu.memory_space<hbm>>) target(%arg9 : memref<100x128xf32, #tpu.memory_space<vmem>>) offsets(%dma_start3A_259 : memref<100xi32, #tpu.memory_space<vmem>>) semaphore(%arg13 : memref<!tpu.dma_semaphore, #tpu.memory_space<semaphore_mem>>)
    %scan3A_263 = arith.constant 0 : i32
    %scan3A_264 = arith.constant 0 : i32
    %scan3A_265 = arith.constant 25 : i32
    %scan3A_266 = arith.addi %scan3A_264, %scan3A_265 : i32
    %scan3A_267 = arith.constant 1 : i32
    scf.for %scan3A_382 = %scan3A_264 to %scan3A_266 step %scan3A_267  : i32 {
      %mul3A_383 = arith.constant 2 : i32
      %mul3A_384 = arith.muli %mul3A_383, %scan3A_382 : i32
      %add3A_385 = arith.constant 0 : i32
      %add3A_386 = arith.addi %mul3A_384, %add3A_385 : i32
      %dma_wait3A = arith.constant 0 : i32
      %dma_wait3A_387 = tpu.memref_slice %arg6[%add3A_386, %dma_wait3A] : memref<50x100xi32, #tpu.memory_space<vmem>> -> memref<1x100xi32, #tpu.memory_space<vmem>>
      %dma_wait3A_388 = tpu.memref_squeeze %dma_wait3A_387 : memref<1x100xi32, #tpu.memory_space<vmem>> -> memref<100xi32, #tpu.memory_space<vmem>>
      %dma_wait3A_389 = arith.constant 0 : i32
      %dma_wait3A_390 = arith.constant 0 : i32
      %dma_wait3A_391 = tpu.memref_slice %arg2[%dma_wait3A_389, %dma_wait3A_390] : memref<10000x128xf32, #tpu.memory_space<hbm>> -> memref<10000x128xf32, #tpu.memory_space<hbm>>
      tpu.wait_indirect_dma semaphore(%arg12 : memref<!tpu.dma_semaphore, #tpu.memory_space<semaphore_mem>>) src(%dma_wait3A_391 : memref<10000x128xf32, #tpu.memory_space<hbm>>) dst(%arg8 : memref<100x128xf32, #tpu.memory_space<vmem>>)
      "tpu.region"() ({
        %run_scoped3A_416 = tpu.sem_alloc : memref<!tpu.dma_semaphore, #tpu.memory_space<semaphore_mem>>
        %dma_start3A_417 = arith.constant 0 : i32
        %dma_start3A_418 = tpu.memref_slice %arg7[%add3A_386, %dma_start3A_417] : memref<50x100xi32, #tpu.memory_space<vmem>> -> memref<1x100xi32, #tpu.memory_space<vmem>>
        %dma_start3A_419 = tpu.memref_squeeze %dma_start3A_418 : memref<1x100xi32, #tpu.memory_space<vmem>> -> memref<100xi32, #tpu.memory_space<vmem>>
        %dma_start3A_420 = arith.constant 0 : i32
        %dma_start3A_421 = arith.constant 0 : i32
        %dma_start3A_422 = tpu.memref_slice %arg11[%dma_start3A_420, %dma_start3A_421] : memref<10000x128xf32, #tpu.memory_space<vmem_shared>> -> memref<10000x128xf32, #tpu.memory_space<vmem_shared>>
        tpu.enqueue_indirect_dma source(%arg8 : memref<100x128xf32, #tpu.memory_space<vmem>>) target(%dma_start3A_422 : memref<10000x128xf32, #tpu.memory_space<vmem_shared>>) offsets(%dma_start3A_419 : memref<100xi32, #tpu.memory_space<vmem>>) semaphore(%run_scoped3A_416 : memref<!tpu.dma_semaphore, #tpu.memory_space<semaphore_mem>>) {add = true}
        %dma_wait3A_423 = arith.constant 0 : i32
        %dma_wait3A_424 = tpu.memref_slice %arg7[%add3A_386, %dma_wait3A_423] : memref<50x100xi32, #tpu.memory_space<vmem>> -> memref<1x100xi32, #tpu.memory_space<vmem>>
        %dma_wait3A_425 = tpu.memref_squeeze %dma_wait3A_424 : memref<1x100xi32, #tpu.memory_space<vmem>> -> memref<100xi32, #tpu.memory_space<vmem>>
        %dma_wait3A_426 = arith.constant 0 : i32
        %dma_wait3A_427 = arith.constant 0 : i32
        %dma_wait3A_428 = tpu.memref_slice %arg11[%dma_wait3A_426, %dma_wait3A_427] : memref<10000x128xf32, #tpu.memory_space<vmem_shared>> -> memref<10000x128xf32, #tpu.memory_space<vmem_shared>>
        tpu.wait_indirect_dma semaphore(%run_scoped3A_416 : memref<!tpu.dma_semaphore, #tpu.memory_space<semaphore_mem>>) src(%arg8 : memref<100x128xf32, #tpu.memory_space<vmem>>) dst(%dma_wait3A_428 : memref<10000x128xf32, #tpu.memory_space<vmem_shared>>)
        tpu.yield
      }) : () -> ()
      %add3A_392 = arith.constant 2 : i32
      %add3A_393 = arith.addi %add3A_386, %add3A_392 : i32
      %lt3A_394 = arith.constant 50 : i32
      %lt3A_395 = arith.cmpi slt, %add3A_393, %lt3A_394 : i32
      %convert_element_type3A_396 = arith.extui %lt3A_395 : i1 to i32
      %cond3A_397 = arith.constant 0 : i32
      %cond3A_398 = arith.cmpi ne, %convert_element_type3A_396, %cond3A_397 : i32
      scf.if %cond3A_398 {
        %add3A_416 = arith.constant 2 : i32
        %add3A_417 = arith.addi %add3A_386, %add3A_416 : i32
        %dma_start3A_418 = arith.constant 0 : i32
        %dma_start3A_419 = tpu.memref_slice %arg6[%add3A_417, %dma_start3A_418] : memref<50x100xi32, #tpu.memory_space<vmem>> -> memref<1x100xi32, #tpu.memory_space<vmem>>
        %dma_start3A_420 = tpu.memref_squeeze %dma_start3A_419 : memref<1x100xi32, #tpu.memory_space<vmem>> -> memref<100xi32, #tpu.memory_space<vmem>>
        %dma_start3A_421 = arith.constant 0 : i32
        %dma_start3A_422 = arith.constant 0 : i32
        %dma_start3A_423 = tpu.memref_slice %arg2[%dma_start3A_421, %dma_start3A_422] : memref<10000x128xf32, #tpu.memory_space<hbm>> -> memref<10000x128xf32, #tpu.memory_space<hbm>>
        tpu.enqueue_indirect_dma source(%dma_start3A_423 : memref<10000x128xf32, #tpu.memory_space<hbm>>) target(%arg8 : memref<100x128xf32, #tpu.memory_space<vmem>>) offsets(%dma_start3A_420 : memref<100xi32, #tpu.memory_space<vmem>>) semaphore(%arg12 : memref<!tpu.dma_semaphore, #tpu.memory_space<semaphore_mem>>)
      } else {
      }
      %mul3A_399 = arith.constant 2 : i32
      %mul3A_400 = arith.muli %mul3A_399, %scan3A_382 : i32
      %add3A_401 = arith.constant 1 : i32
      %add3A_402 = arith.addi %mul3A_400, %add3A_401 : i32
      %dma_wait3A_403 = arith.constant 0 : i32
      %dma_wait3A_404 = tpu.memref_slice %arg6[%add3A_402, %dma_wait3A_403] : memref<50x100xi32, #tpu.memory_space<vmem>> -> memref<1x100xi32, #tpu.memory_space<vmem>>
      %dma_wait3A_405 = tpu.memref_squeeze %dma_wait3A_404 : memref<1x100xi32, #tpu.memory_space<vmem>> -> memref<100xi32, #tpu.memory_space<vmem>>
      %dma_wait3A_406 = arith.constant 0 : i32
      %dma_wait3A_407 = arith.constant 0 : i32
      %dma_wait3A_408 = tpu.memref_slice %arg2[%dma_wait3A_406, %dma_wait3A_407] : memref<10000x128xf32, #tpu.memory_space<hbm>> -> memref<10000x128xf32, #tpu.memory_space<hbm>>
      tpu.wait_indirect_dma semaphore(%arg13 : memref<!tpu.dma_semaphore, #tpu.memory_space<semaphore_mem>>) src(%dma_wait3A_408 : memref<10000x128xf32, #tpu.memory_space<hbm>>) dst(%arg9 : memref<100x128xf32, #tpu.memory_space<vmem>>)
      "tpu.region"() ({
        %run_scoped3A_416 = tpu.sem_alloc : memref<!tpu.dma_semaphore, #tpu.memory_space<semaphore_mem>>
        %dma_start3A_417 = arith.constant 0 : i32
        %dma_start3A_418 = tpu.memref_slice %arg7[%add3A_402, %dma_start3A_417] : memref<50x100xi32, #tpu.memory_space<vmem>> -> memref<1x100xi32, #tpu.memory_space<vmem>>
        %dma_start3A_419 = tpu.memref_squeeze %dma_start3A_418 : memref<1x100xi32, #tpu.memory_space<vmem>> -> memref<100xi32, #tpu.memory_space<vmem>>
        %dma_start3A_420 = arith.constant 0 : i32
        %dma_start3A_421 = arith.constant 0 : i32
        %dma_start3A_422 = tpu.memref_slice %arg11[%dma_start3A_420, %dma_start3A_421] : memref<10000x128xf32, #tpu.memory_space<vmem_shared>> -> memref<10000x128xf32, #tpu.memory_space<vmem_shared>>
        tpu.enqueue_indirect_dma source(%arg9 : memref<100x128xf32, #tpu.memory_space<vmem>>) target(%dma_start3A_422 : memref<10000x128xf32, #tpu.memory_space<vmem_shared>>) offsets(%dma_start3A_419 : memref<100xi32, #tpu.memory_space<vmem>>) semaphore(%run_scoped3A_416 : memref<!tpu.dma_semaphore, #tpu.memory_space<semaphore_mem>>) {add = true}
        %dma_wait3A_423 = arith.constant 0 : i32
        %dma_wait3A_424 = tpu.memref_slice %arg7[%add3A_402, %dma_wait3A_423] : memref<50x100xi32, #tpu.memory_space<vmem>> -> memref<1x100xi32, #tpu.memory_space<vmem>>
        %dma_wait3A_425 = tpu.memref_squeeze %dma_wait3A_424 : memref<1x100xi32, #tpu.memory_space<vmem>> -> memref<100xi32, #tpu.memory_space<vmem>>
        %dma_wait3A_426 = arith.constant 0 : i32
        %dma_wait3A_427 = arith.constant 0 : i32
        %dma_wait3A_428 = tpu.memref_slice %arg11[%dma_wait3A_426, %dma_wait3A_427] : memref<10000x128xf32, #tpu.memory_space<vmem_shared>> -> memref<10000x128xf32, #tpu.memory_space<vmem_shared>>
        tpu.wait_indirect_dma semaphore(%run_scoped3A_416 : memref<!tpu.dma_semaphore, #tpu.memory_space<semaphore_mem>>) src(%arg9 : memref<100x128xf32, #tpu.memory_space<vmem>>) dst(%dma_wait3A_428 : memref<10000x128xf32, #tpu.memory_space<vmem_shared>>)
        tpu.yield
      }) : () -> ()
      %add3A_409 = arith.constant 2 : i32
      %add3A_410 = arith.addi %add3A_402, %add3A_409 : i32
      %lt3A_411 = arith.constant 50 : i32
      %lt3A_412 = arith.cmpi slt, %add3A_410, %lt3A_411 : i32
      %convert_element_type3A_413 = arith.extui %lt3A_412 : i1 to i32
      %cond3A_414 = arith.constant 0 : i32
      %cond3A_415 = arith.cmpi ne, %convert_element_type3A_413, %cond3A_414 : i32
      scf.if %cond3A_415 {
        %add3A_416 = arith.constant 2 : i32
        %add3A_417 = arith.addi %add3A_402, %add3A_416 : i32
        %dma_start3A_418 = arith.constant 0 : i32
        %dma_start3A_419 = tpu.memref_slice %arg6[%add3A_417, %dma_start3A_418] : memref<50x100xi32, #tpu.memory_space<vmem>> -> memref<1x100xi32, #tpu.memory_space<vmem>>
        %dma_start3A_420 = tpu.memref_squeeze %dma_start3A_419 : memref<1x100xi32, #tpu.memory_space<vmem>> -> memref<100xi32, #tpu.memory_space<vmem>>
        %dma_start3A_421 = arith.constant 0 : i32
        %dma_start3A_422 = arith.constant 0 : i32
        %dma_start3A_423 = tpu.memref_slice %arg2[%dma_start3A_421, %dma_start3A_422] : memref<10000x128xf32, #tpu.memory_space<hbm>> -> memref<10000x128xf32, #tpu.memory_space<hbm>>
        tpu.enqueue_indirect_dma source(%dma_start3A_423 : memref<10000x128xf32, #tpu.memory_space<hbm>>) target(%arg9 : memref<100x128xf32, #tpu.memory_space<vmem>>) offsets(%dma_start3A_420 : memref<100xi32, #tpu.memory_space<vmem>>) semaphore(%arg13 : memref<!tpu.dma_semaphore, #tpu.memory_space<semaphore_mem>>)
      } else {
      }
    }
    %scan3A_268 = arith.constant 25 : i32
    %barrier3A_269 = arith.constant 0 : index
    tpu.barrier barrier_id(%barrier3A_269)
    %add3A_270 = arith.constant 0 : i32
    %add3A_271 = arith.addi %arg1, %add3A_270 : i32
    %lt3A_272 = arith.constant 125 : i32
    %lt3A_273 = arith.cmpi slt, %add3A_271, %lt3A_272 : i32
    %convert_element_type3A_274 = arith.extui %lt3A_273 : i1 to i32
    %cond3A_275 = arith.constant 0 : i32
    %cond3A_276 = arith.cmpi ne, %convert_element_type3A_274, %cond3A_275 : i32
    scf.if %cond3A_276 {
      %mul3A_382 = arith.constant 80 : i32
      %mul3A_383 = arith.muli %add3A_271, %mul3A_382 : i32
      %multiple_of3A = tpu.assume_multiple %mul3A_383, 8 : i32
      %dma_start3A_384 = arith.constant 0 : i32
      %dma_start3A_385 = tpu.memref_slice %arg5[%arg0, %multiple_of3A, %dma_start3A_384] : memref<2x10000x128xf32, #tpu.memory_space<hbm>> -> memref<1x80x128xf32, #tpu.memory_space<hbm>>
      %dma_start3A_386 = tpu.memref_squeeze %dma_start3A_385 : memref<1x80x128xf32, #tpu.memory_space<hbm>> -> memref<80x128xf32, #tpu.memory_space<hbm>>
      %dma_start3A_387 = arith.constant 0 : i32
      %dma_start3A_388 = tpu.memref_slice %arg11[%multiple_of3A, %dma_start3A_387] : memref<10000x128xf32, #tpu.memory_space<vmem_shared>> -> memref<80x128xf32, #tpu.memory_space<vmem_shared>>
      tpu.enqueue_dma source(%dma_start3A_388 : memref<80x128xf32, #tpu.memory_space<vmem_shared>>) target(%dma_start3A_386 : memref<80x128xf32, #tpu.memory_space<hbm>>) target_semaphore(%arg12 : memref<!tpu.dma_semaphore, #tpu.memory_space<semaphore_mem>>)
    } else {
    }
    %add3A_277 = arith.constant 16 : i32
    %add3A_278 = arith.addi %arg1, %add3A_277 : i32
    %lt3A_279 = arith.constant 125 : i32
    %lt3A_280 = arith.cmpi slt, %add3A_278, %lt3A_279 : i32
    %convert_element_type3A_281 = arith.extui %lt3A_280 : i1 to i32
    %cond3A_282 = arith.constant 0 : i32
    %cond3A_283 = arith.cmpi ne, %convert_element_type3A_281, %cond3A_282 : i32
    scf.if %cond3A_283 {
      %mul3A_382 = arith.constant 80 : i32
      %mul3A_383 = arith.muli %add3A_278, %mul3A_382 : i32
      %multiple_of3A = tpu.assume_multiple %mul3A_383, 8 : i32
      %dma_start3A_384 = arith.constant 0 : i32
      %dma_start3A_385 = tpu.memref_slice %arg5[%arg0, %multiple_of3A, %dma_start3A_384] : memref<2x10000x128xf32, #tpu.memory_space<hbm>> -> memref<1x80x128xf32, #tpu.memory_space<hbm>>
      %dma_start3A_386 = tpu.memref_squeeze %dma_start3A_385 : memref<1x80x128xf32, #tpu.memory_space<hbm>> -> memref<80x128xf32, #tpu.memory_space<hbm>>
      %dma_start3A_387 = arith.constant 0 : i32
      %dma_start3A_388 = tpu.memref_slice %arg11[%multiple_of3A, %dma_start3A_387] : memref<10000x128xf32, #tpu.memory_space<vmem_shared>> -> memref<80x128xf32, #tpu.memory_space<vmem_shared>>
      tpu.enqueue_dma source(%dma_start3A_388 : memref<80x128xf32, #tpu.memory_space<vmem_shared>>) target(%dma_start3A_386 : memref<80x128xf32, #tpu.memory_space<hbm>>) target_semaphore(%arg12 : memref<!tpu.dma_semaphore, #tpu.memory_space<semaphore_mem>>)
    } else {
    }
    %add3A_284 = arith.constant 32 : i32
    %add3A_285 = arith.addi %arg1, %add3A_284 : i32
    %lt3A_286 = arith.constant 125 : i32
    %lt3A_287 = arith.cmpi slt, %add3A_285, %lt3A_286 : i32
    %convert_element_type3A_288 = arith.extui %lt3A_287 : i1 to i32
    %cond3A_289 = arith.constant 0 : i32
    %cond3A_290 = arith.cmpi ne, %convert_element_type3A_288, %cond3A_289 : i32
    scf.if %cond3A_290 {
      %mul3A_382 = arith.constant 80 : i32
      %mul3A_383 = arith.muli %add3A_285, %mul3A_382 : i32
      %multiple_of3A = tpu.assume_multiple %mul3A_383, 8 : i32
      %dma_start3A_384 = arith.constant 0 : i32
      %dma_start3A_385 = tpu.memref_slice %arg5[%arg0, %multiple_of3A, %dma_start3A_384] : memref<2x10000x128xf32, #tpu.memory_space<hbm>> -> memref<1x80x128xf32, #tpu.memory_space<hbm>>
      %dma_start3A_386 = tpu.memref_squeeze %dma_start3A_385 : memref<1x80x128xf32, #tpu.memory_space<hbm>> -> memref<80x128xf32, #tpu.memory_space<hbm>>
      %dma_start3A_387 = arith.constant 0 : i32
      %dma_start3A_388 = tpu.memref_slice %arg11[%multiple_of3A, %dma_start3A_387] : memref<10000x128xf32, #tpu.memory_space<vmem_shared>> -> memref<80x128xf32, #tpu.memory_space<vmem_shared>>
      tpu.enqueue_dma source(%dma_start3A_388 : memref<80x128xf32, #tpu.memory_space<vmem_shared>>) target(%dma_start3A_386 : memref<80x128xf32, #tpu.memory_space<hbm>>) target_semaphore(%arg12 : memref<!tpu.dma_semaphore, #tpu.memory_space<semaphore_mem>>)
    } else {
    }
    %add3A_291 = arith.constant 48 : i32
    %add3A_292 = arith.addi %arg1, %add3A_291 : i32
    %lt3A_293 = arith.constant 125 : i32
    %lt3A_294 = arith.cmpi slt, %add3A_292, %lt3A_293 : i32
    %convert_element_type3A_295 = arith.extui %lt3A_294 : i1 to i32
    %cond3A_296 = arith.constant 0 : i32
    %cond3A_297 = arith.cmpi ne, %convert_element_type3A_295, %cond3A_296 : i32
    scf.if %cond3A_297 {
      %mul3A_382 = arith.constant 80 : i32
      %mul3A_383 = arith.muli %add3A_292, %mul3A_382 : i32
      %multiple_of3A = tpu.assume_multiple %mul3A_383, 8 : i32
      %dma_start3A_384 = arith.constant 0 : i32
      %dma_start3A_385 = tpu.memref_slice %arg5[%arg0, %multiple_of3A, %dma_start3A_384] : memref<2x10000x128xf32, #tpu.memory_space<hbm>> -> memref<1x80x128xf32, #tpu.memory_space<hbm>>
      %dma_start3A_386 = tpu.memref_squeeze %dma_start3A_385 : memref<1x80x128xf32, #tpu.memory_space<hbm>> -> memref<80x128xf32, #tpu.memory_space<hbm>>
      %dma_start3A_387 = arith.constant 0 : i32
      %dma_start3A_388 = tpu.memref_slice %arg11[%multiple_of3A, %dma_start3A_387] : memref<10000x128xf32, #tpu.memory_space<vmem_shared>> -> memref<80x128xf32, #tpu.memory_space<vmem_shared>>
      tpu.enqueue_dma source(%dma_start3A_388 : memref<80x128xf32, #tpu.memory_space<vmem_shared>>) target(%dma_start3A_386 : memref<80x128xf32, #tpu.memory_space<hbm>>) target_semaphore(%arg12 : memref<!tpu.dma_semaphore, #tpu.memory_space<semaphore_mem>>)
    } else {
    }
    %add3A_298 = arith.constant 64 : i32
    %add3A_299 = arith.addi %arg1, %add3A_298 : i32
    %lt3A_300 = arith.constant 125 : i32
    %lt3A_301 = arith.cmpi slt, %add3A_299, %lt3A_300 : i32
    %convert_element_type3A_302 = arith.extui %lt3A_301 : i1 to i32
    %cond3A_303 = arith.constant 0 : i32
    %cond3A_304 = arith.cmpi ne, %convert_element_type3A_302, %cond3A_303 : i32
    scf.if %cond3A_304 {
      %mul3A_382 = arith.constant 80 : i32
      %mul3A_383 = arith.muli %add3A_299, %mul3A_382 : i32
      %multiple_of3A = tpu.assume_multiple %mul3A_383, 8 : i32
      %dma_start3A_384 = arith.constant 0 : i32
      %dma_start3A_385 = tpu.memref_slice %arg5[%arg0, %multiple_of3A, %dma_start3A_384] : memref<2x10000x128xf32, #tpu.memory_space<hbm>> -> memref<1x80x128xf32, #tpu.memory_space<hbm>>
      %dma_start3A_386 = tpu.memref_squeeze %dma_start3A_385 : memref<1x80x128xf32, #tpu.memory_space<hbm>> -> memref<80x128xf32, #tpu.memory_space<hbm>>
      %dma_start3A_387 = arith.constant 0 : i32
      %dma_start3A_388 = tpu.memref_slice %arg11[%multiple_of3A, %dma_start3A_387] : memref<10000x128xf32, #tpu.memory_space<vmem_shared>> -> memref<80x128xf32, #tpu.memory_space<vmem_shared>>
      tpu.enqueue_dma source(%dma_start3A_388 : memref<80x128xf32, #tpu.memory_space<vmem_shared>>) target(%dma_start3A_386 : memref<80x128xf32, #tpu.memory_space<hbm>>) target_semaphore(%arg12 : memref<!tpu.dma_semaphore, #tpu.memory_space<semaphore_mem>>)
    } else {
    }
    %add3A_305 = arith.constant 80 : i32
    %add3A_306 = arith.addi %arg1, %add3A_305 : i32
    %lt3A_307 = arith.constant 125 : i32
    %lt3A_308 = arith.cmpi slt, %add3A_306, %lt3A_307 : i32
    %convert_element_type3A_309 = arith.extui %lt3A_308 : i1 to i32
    %cond3A_310 = arith.constant 0 : i32
    %cond3A_311 = arith.cmpi ne, %convert_element_type3A_309, %cond3A_310 : i32
    scf.if %cond3A_311 {
      %mul3A_382 = arith.constant 80 : i32
      %mul3A_383 = arith.muli %add3A_306, %mul3A_382 : i32
      %multiple_of3A = tpu.assume_multiple %mul3A_383, 8 : i32
      %dma_start3A_384 = arith.constant 0 : i32
      %dma_start3A_385 = tpu.memref_slice %arg5[%arg0, %multiple_of3A, %dma_start3A_384] : memref<2x10000x128xf32, #tpu.memory_space<hbm>> -> memref<1x80x128xf32, #tpu.memory_space<hbm>>
      %dma_start3A_386 = tpu.memref_squeeze %dma_start3A_385 : memref<1x80x128xf32, #tpu.memory_space<hbm>> -> memref<80x128xf32, #tpu.memory_space<hbm>>
      %dma_start3A_387 = arith.constant 0 : i32
      %dma_start3A_388 = tpu.memref_slice %arg11[%multiple_of3A, %dma_start3A_387] : memref<10000x128xf32, #tpu.memory_space<vmem_shared>> -> memref<80x128xf32, #tpu.memory_space<vmem_shared>>
      tpu.enqueue_dma source(%dma_start3A_388 : memref<80x128xf32, #tpu.memory_space<vmem_shared>>) target(%dma_start3A_386 : memref<80x128xf32, #tpu.memory_space<hbm>>) target_semaphore(%arg12 : memref<!tpu.dma_semaphore, #tpu.memory_space<semaphore_mem>>)
    } else {
    }
    %add3A_312 = arith.constant 96 : i32
    %add3A_313 = arith.addi %arg1, %add3A_312 : i32
    %lt3A_314 = arith.constant 125 : i32
    %lt3A_315 = arith.cmpi slt, %add3A_313, %lt3A_314 : i32
    %convert_element_type3A_316 = arith.extui %lt3A_315 : i1 to i32
    %cond3A_317 = arith.constant 0 : i32
    %cond3A_318 = arith.cmpi ne, %convert_element_type3A_316, %cond3A_317 : i32
    scf.if %cond3A_318 {
      %mul3A_382 = arith.constant 80 : i32
      %mul3A_383 = arith.muli %add3A_313, %mul3A_382 : i32
      %multiple_of3A = tpu.assume_multiple %mul3A_383, 8 : i32
      %dma_start3A_384 = arith.constant 0 : i32
      %dma_start3A_385 = tpu.memref_slice %arg5[%arg0, %multiple_of3A, %dma_start3A_384] : memref<2x10000x128xf32, #tpu.memory_space<hbm>> -> memref<1x80x128xf32, #tpu.memory_space<hbm>>
      %dma_start3A_386 = tpu.memref_squeeze %dma_start3A_385 : memref<1x80x128xf32, #tpu.memory_space<hbm>> -> memref<80x128xf32, #tpu.memory_space<hbm>>
      %dma_start3A_387 = arith.constant 0 : i32
      %dma_start3A_388 = tpu.memref_slice %arg11[%multiple_of3A, %dma_start3A_387] : memref<10000x128xf32, #tpu.memory_space<vmem_shared>> -> memref<80x128xf32, #tpu.memory_space<vmem_shared>>
      tpu.enqueue_dma source(%dma_start3A_388 : memref<80x128xf32, #tpu.memory_space<vmem_shared>>) target(%dma_start3A_386 : memref<80x128xf32, #tpu.memory_space<hbm>>) target_semaphore(%arg12 : memref<!tpu.dma_semaphore, #tpu.memory_space<semaphore_mem>>)
    } else {
    }
    %add3A_319 = arith.constant 112 : i32
    %add3A_320 = arith.addi %arg1, %add3A_319 : i32
    %lt3A_321 = arith.constant 125 : i32
    %lt3A_322 = arith.cmpi slt, %add3A_320, %lt3A_321 : i32
    %convert_element_type3A_323 = arith.extui %lt3A_322 : i1 to i32
    %cond3A_324 = arith.constant 0 : i32
    %cond3A_325 = arith.cmpi ne, %convert_element_type3A_323, %cond3A_324 : i32
    scf.if %cond3A_325 {
      %mul3A_382 = arith.constant 80 : i32
      %mul3A_383 = arith.muli %add3A_320, %mul3A_382 : i32
      %multiple_of3A = tpu.assume_multiple %mul3A_383, 8 : i32
      %dma_start3A_384 = arith.constant 0 : i32
      %dma_start3A_385 = tpu.memref_slice %arg5[%arg0, %multiple_of3A, %dma_start3A_384] : memref<2x10000x128xf32, #tpu.memory_space<hbm>> -> memref<1x80x128xf32, #tpu.memory_space<hbm>>
      %dma_start3A_386 = tpu.memref_squeeze %dma_start3A_385 : memref<1x80x128xf32, #tpu.memory_space<hbm>> -> memref<80x128xf32, #tpu.memory_space<hbm>>
      %dma_start3A_387 = arith.constant 0 : i32
      %dma_start3A_388 = tpu.memref_slice %arg11[%multiple_of3A, %dma_start3A_387] : memref<10000x128xf32, #tpu.memory_space<vmem_shared>> -> memref<80x128xf32, #tpu.memory_space<vmem_shared>>
      tpu.enqueue_dma source(%dma_start3A_388 : memref<80x128xf32, #tpu.memory_space<vmem_shared>>) target(%dma_start3A_386 : memref<80x128xf32, #tpu.memory_space<hbm>>) target_semaphore(%arg12 : memref<!tpu.dma_semaphore, #tpu.memory_space<semaphore_mem>>)
    } else {
    }
    %add3A_326 = arith.constant 0 : i32
    %add3A_327 = arith.addi %arg1, %add3A_326 : i32
    %lt3A_328 = arith.constant 125 : i32
    %lt3A_329 = arith.cmpi slt, %add3A_327, %lt3A_328 : i32
    %convert_element_type3A_330 = arith.extui %lt3A_329 : i1 to i32
    %cond3A_331 = arith.constant 0 : i32
    %cond3A_332 = arith.cmpi ne, %convert_element_type3A_330, %cond3A_331 : i32
    scf.if %cond3A_332 {
      %mul3A_382 = arith.constant 80 : i32
      %mul3A_383 = arith.muli %add3A_327, %mul3A_382 : i32
      %multiple_of3A = tpu.assume_multiple %mul3A_383, 8 : i32
      %dma_wait3A = arith.constant 0 : i32
      %dma_wait3A_384 = tpu.memref_slice %arg5[%arg0, %multiple_of3A, %dma_wait3A] : memref<2x10000x128xf32, #tpu.memory_space<hbm>> -> memref<1x80x128xf32, #tpu.memory_space<hbm>>
      %dma_wait3A_385 = tpu.memref_squeeze %dma_wait3A_384 : memref<1x80x128xf32, #tpu.memory_space<hbm>> -> memref<80x128xf32, #tpu.memory_space<hbm>>
      %dma_wait3A_386 = arith.constant 0 : i32
      %dma_wait3A_387 = tpu.memref_slice %arg11[%multiple_of3A, %dma_wait3A_386] : memref<10000x128xf32, #tpu.memory_space<vmem_shared>> -> memref<80x128xf32, #tpu.memory_space<vmem_shared>>
      tpu.wait_dma2 semaphore(%arg12 : memref<!tpu.dma_semaphore, #tpu.memory_space<semaphore_mem>>) src(%dma_wait3A_387 : memref<80x128xf32, #tpu.memory_space<vmem_shared>>) dst(%dma_wait3A_385 : memref<80x128xf32, #tpu.memory_space<hbm>>)
    } else {
    }
    %add3A_333 = arith.constant 16 : i32
    %add3A_334 = arith.addi %arg1, %add3A_333 : i32
    %lt3A_335 = arith.constant 125 : i32
    %lt3A_336 = arith.cmpi slt, %add3A_334, %lt3A_335 : i32
    %convert_element_type3A_337 = arith.extui %lt3A_336 : i1 to i32
    %cond3A_338 = arith.constant 0 : i32
    %cond3A_339 = arith.cmpi ne, %convert_element_type3A_337, %cond3A_338 : i32
    scf.if %cond3A_339 {
      %mul3A_382 = arith.constant 80 : i32
      %mul3A_383 = arith.muli %add3A_334, %mul3A_382 : i32
      %multiple_of3A = tpu.assume_multiple %mul3A_383, 8 : i32
      %dma_wait3A = arith.constant 0 : i32
      %dma_wait3A_384 = tpu.memref_slice %arg5[%arg0, %multiple_of3A, %dma_wait3A] : memref<2x10000x128xf32, #tpu.memory_space<hbm>> -> memref<1x80x128xf32, #tpu.memory_space<hbm>>
      %dma_wait3A_385 = tpu.memref_squeeze %dma_wait3A_384 : memref<1x80x128xf32, #tpu.memory_space<hbm>> -> memref<80x128xf32, #tpu.memory_space<hbm>>
      %dma_wait3A_386 = arith.constant 0 : i32
      %dma_wait3A_387 = tpu.memref_slice %arg11[%multiple_of3A, %dma_wait3A_386] : memref<10000x128xf32, #tpu.memory_space<vmem_shared>> -> memref<80x128xf32, #tpu.memory_space<vmem_shared>>
      tpu.wait_dma2 semaphore(%arg12 : memref<!tpu.dma_semaphore, #tpu.memory_space<semaphore_mem>>) src(%dma_wait3A_387 : memref<80x128xf32, #tpu.memory_space<vmem_shared>>) dst(%dma_wait3A_385 : memref<80x128xf32, #tpu.memory_space<hbm>>)
    } else {
    }
    %add3A_340 = arith.constant 32 : i32
    %add3A_341 = arith.addi %arg1, %add3A_340 : i32
    %lt3A_342 = arith.constant 125 : i32
    %lt3A_343 = arith.cmpi slt, %add3A_341, %lt3A_342 : i32
    %convert_element_type3A_344 = arith.extui %lt3A_343 : i1 to i32
    %cond3A_345 = arith.constant 0 : i32
    %cond3A_346 = arith.cmpi ne, %convert_element_type3A_344, %cond3A_345 : i32
    scf.if %cond3A_346 {
      %mul3A_382 = arith.constant 80 : i32
      %mul3A_383 = arith.muli %add3A_341, %mul3A_382 : i32
      %multiple_of3A = tpu.assume_multiple %mul3A_383, 8 : i32
      %dma_wait3A = arith.constant 0 : i32
      %dma_wait3A_384 = tpu.memref_slice %arg5[%arg0, %multiple_of3A, %dma_wait3A] : memref<2x10000x128xf32, #tpu.memory_space<hbm>> -> memref<1x80x128xf32, #tpu.memory_space<hbm>>
      %dma_wait3A_385 = tpu.memref_squeeze %dma_wait3A_384 : memref<1x80x128xf32, #tpu.memory_space<hbm>> -> memref<80x128xf32, #tpu.memory_space<hbm>>
      %dma_wait3A_386 = arith.constant 0 : i32
      %dma_wait3A_387 = tpu.memref_slice %arg11[%multiple_of3A, %dma_wait3A_386] : memref<10000x128xf32, #tpu.memory_space<vmem_shared>> -> memref<80x128xf32, #tpu.memory_space<vmem_shared>>
      tpu.wait_dma2 semaphore(%arg12 : memref<!tpu.dma_semaphore, #tpu.memory_space<semaphore_mem>>) src(%dma_wait3A_387 : memref<80x128xf32, #tpu.memory_space<vmem_shared>>) dst(%dma_wait3A_385 : memref<80x128xf32, #tpu.memory_space<hbm>>)
    } else {
    }
    %add3A_347 = arith.constant 48 : i32
    %add3A_348 = arith.addi %arg1, %add3A_347 : i32
    %lt3A_349 = arith.constant 125 : i32
    %lt3A_350 = arith.cmpi slt, %add3A_348, %lt3A_349 : i32
    %convert_element_type3A_351 = arith.extui %lt3A_350 : i1 to i32
    %cond3A_352 = arith.constant 0 : i32
    %cond3A_353 = arith.cmpi ne, %convert_element_type3A_351, %cond3A_352 : i32
    scf.if %cond3A_353 {
      %mul3A_382 = arith.constant 80 : i32
      %mul3A_383 = arith.muli %add3A_348, %mul3A_382 : i32
      %multiple_of3A = tpu.assume_multiple %mul3A_383, 8 : i32
      %dma_wait3A = arith.constant 0 : i32
      %dma_wait3A_384 = tpu.memref_slice %arg5[%arg0, %multiple_of3A, %dma_wait3A] : memref<2x10000x128xf32, #tpu.memory_space<hbm>> -> memref<1x80x128xf32, #tpu.memory_space<hbm>>
      %dma_wait3A_385 = tpu.memref_squeeze %dma_wait3A_384 : memref<1x80x128xf32, #tpu.memory_space<hbm>> -> memref<80x128xf32, #tpu.memory_space<hbm>>
      %dma_wait3A_386 = arith.constant 0 : i32
      %dma_wait3A_387 = tpu.memref_slice %arg11[%multiple_of3A, %dma_wait3A_386] : memref<10000x128xf32, #tpu.memory_space<vmem_shared>> -> memref<80x128xf32, #tpu.memory_space<vmem_shared>>
      tpu.wait_dma2 semaphore(%arg12 : memref<!tpu.dma_semaphore, #tpu.memory_space<semaphore_mem>>) src(%dma_wait3A_387 : memref<80x128xf32, #tpu.memory_space<vmem_shared>>) dst(%dma_wait3A_385 : memref<80x128xf32, #tpu.memory_space<hbm>>)
    } else {
    }
    %add3A_354 = arith.constant 64 : i32
    %add3A_355 = arith.addi %arg1, %add3A_354 : i32
    %lt3A_356 = arith.constant 125 : i32
    %lt3A_357 = arith.cmpi slt, %add3A_355, %lt3A_356 : i32
    %convert_element_type3A_358 = arith.extui %lt3A_357 : i1 to i32
    %cond3A_359 = arith.constant 0 : i32
    %cond3A_360 = arith.cmpi ne, %convert_element_type3A_358, %cond3A_359 : i32
    scf.if %cond3A_360 {
      %mul3A_382 = arith.constant 80 : i32
      %mul3A_383 = arith.muli %add3A_355, %mul3A_382 : i32
      %multiple_of3A = tpu.assume_multiple %mul3A_383, 8 : i32
      %dma_wait3A = arith.constant 0 : i32
      %dma_wait3A_384 = tpu.memref_slice %arg5[%arg0, %multiple_of3A, %dma_wait3A] : memref<2x10000x128xf32, #tpu.memory_space<hbm>> -> memref<1x80x128xf32, #tpu.memory_space<hbm>>
      %dma_wait3A_385 = tpu.memref_squeeze %dma_wait3A_384 : memref<1x80x128xf32, #tpu.memory_space<hbm>> -> memref<80x128xf32, #tpu.memory_space<hbm>>
      %dma_wait3A_386 = arith.constant 0 : i32
      %dma_wait3A_387 = tpu.memref_slice %arg11[%multiple_of3A, %dma_wait3A_386] : memref<10000x128xf32, #tpu.memory_space<vmem_shared>> -> memref<80x128xf32, #tpu.memory_space<vmem_shared>>
      tpu.wait_dma2 semaphore(%arg12 : memref<!tpu.dma_semaphore, #tpu.memory_space<semaphore_mem>>) src(%dma_wait3A_387 : memref<80x128xf32, #tpu.memory_space<vmem_shared>>) dst(%dma_wait3A_385 : memref<80x128xf32, #tpu.memory_space<hbm>>)
    } else {
    }
    %add3A_361 = arith.constant 80 : i32
    %add3A_362 = arith.addi %arg1, %add3A_361 : i32
    %lt3A_363 = arith.constant 125 : i32
    %lt3A_364 = arith.cmpi slt, %add3A_362, %lt3A_363 : i32
    %convert_element_type3A_365 = arith.extui %lt3A_364 : i1 to i32
    %cond3A_366 = arith.constant 0 : i32
    %cond3A_367 = arith.cmpi ne, %convert_element_type3A_365, %cond3A_366 : i32
    scf.if %cond3A_367 {
      %mul3A_382 = arith.constant 80 : i32
      %mul3A_383 = arith.muli %add3A_362, %mul3A_382 : i32
      %multiple_of3A = tpu.assume_multiple %mul3A_383, 8 : i32
      %dma_wait3A = arith.constant 0 : i32
      %dma_wait3A_384 = tpu.memref_slice %arg5[%arg0, %multiple_of3A, %dma_wait3A] : memref<2x10000x128xf32, #tpu.memory_space<hbm>> -> memref<1x80x128xf32, #tpu.memory_space<hbm>>
      %dma_wait3A_385 = tpu.memref_squeeze %dma_wait3A_384 : memref<1x80x128xf32, #tpu.memory_space<hbm>> -> memref<80x128xf32, #tpu.memory_space<hbm>>
      %dma_wait3A_386 = arith.constant 0 : i32
      %dma_wait3A_387 = tpu.memref_slice %arg11[%multiple_of3A, %dma_wait3A_386] : memref<10000x128xf32, #tpu.memory_space<vmem_shared>> -> memref<80x128xf32, #tpu.memory_space<vmem_shared>>
      tpu.wait_dma2 semaphore(%arg12 : memref<!tpu.dma_semaphore, #tpu.memory_space<semaphore_mem>>) src(%dma_wait3A_387 : memref<80x128xf32, #tpu.memory_space<vmem_shared>>) dst(%dma_wait3A_385 : memref<80x128xf32, #tpu.memory_space<hbm>>)
    } else {
    }
    %add3A_368 = arith.constant 96 : i32
    %add3A_369 = arith.addi %arg1, %add3A_368 : i32
    %lt3A_370 = arith.constant 125 : i32
    %lt3A_371 = arith.cmpi slt, %add3A_369, %lt3A_370 : i32
    %convert_element_type3A_372 = arith.extui %lt3A_371 : i1 to i32
    %cond3A_373 = arith.constant 0 : i32
    %cond3A_374 = arith.cmpi ne, %convert_element_type3A_372, %cond3A_373 : i32
    scf.if %cond3A_374 {
      %mul3A_382 = arith.constant 80 : i32
      %mul3A_383 = arith.muli %add3A_369, %mul3A_382 : i32
      %multiple_of3A = tpu.assume_multiple %mul3A_383, 8 : i32
      %dma_wait3A = arith.constant 0 : i32
      %dma_wait3A_384 = tpu.memref_slice %arg5[%arg0, %multiple_of3A, %dma_wait3A] : memref<2x10000x128xf32, #tpu.memory_space<hbm>> -> memref<1x80x128xf32, #tpu.memory_space<hbm>>
      %dma_wait3A_385 = tpu.memref_squeeze %dma_wait3A_384 : memref<1x80x128xf32, #tpu.memory_space<hbm>> -> memref<80x128xf32, #tpu.memory_space<hbm>>
      %dma_wait3A_386 = arith.constant 0 : i32
      %dma_wait3A_387 = tpu.memref_slice %arg11[%multiple_of3A, %dma_wait3A_386] : memref<10000x128xf32, #tpu.memory_space<vmem_shared>> -> memref<80x128xf32, #tpu.memory_space<vmem_shared>>
      tpu.wait_dma2 semaphore(%arg12 : memref<!tpu.dma_semaphore, #tpu.memory_space<semaphore_mem>>) src(%dma_wait3A_387 : memref<80x128xf32, #tpu.memory_space<vmem_shared>>) dst(%dma_wait3A_385 : memref<80x128xf32, #tpu.memory_space<hbm>>)
    } else {
    }
    %add3A_375 = arith.constant 112 : i32
    %add3A_376 = arith.addi %arg1, %add3A_375 : i32
    %lt3A_377 = arith.constant 125 : i32
    %lt3A_378 = arith.cmpi slt, %add3A_376, %lt3A_377 : i32
    %convert_element_type3A_379 = arith.extui %lt3A_378 : i1 to i32
    %cond3A_380 = arith.constant 0 : i32
    %cond3A_381 = arith.cmpi ne, %convert_element_type3A_379, %cond3A_380 : i32
    scf.if %cond3A_381 {
      %mul3A_382 = arith.constant 80 : i32
      %mul3A_383 = arith.muli %add3A_376, %mul3A_382 : i32
      %multiple_of3A = tpu.assume_multiple %mul3A_383, 8 : i32
      %dma_wait3A = arith.constant 0 : i32
      %dma_wait3A_384 = tpu.memref_slice %arg5[%arg0, %multiple_of3A, %dma_wait3A] : memref<2x10000x128xf32, #tpu.memory_space<hbm>> -> memref<1x80x128xf32, #tpu.memory_space<hbm>>
      %dma_wait3A_385 = tpu.memref_squeeze %dma_wait3A_384 : memref<1x80x128xf32, #tpu.memory_space<hbm>> -> memref<80x128xf32, #tpu.memory_space<hbm>>
      %dma_wait3A_386 = arith.constant 0 : i32
      %dma_wait3A_387 = tpu.memref_slice %arg11[%multiple_of3A, %dma_wait3A_386] : memref<10000x128xf32, #tpu.memory_space<vmem_shared>> -> memref<80x128xf32, #tpu.memory_space<vmem_shared>>
      tpu.wait_dma2 semaphore(%arg12 : memref<!tpu.dma_semaphore, #tpu.memory_space<semaphore_mem>>) src(%dma_wait3A_387 : memref<80x128xf32, #tpu.memory_space<vmem_shared>>) dst(%dma_wait3A_385 : memref<80x128xf32, #tpu.memory_space<hbm>>)
    } else {
    }
    return
  }
}

#map = affine_map<(d0, d1) -> (0, 0)>
#map1 = affine_map<(d0, d1) -> (0, 0, 0, 0)>
#map2 = affine_map<(d0, d1) -> (0, 0, 0)>
module attributes {stable_mosaic.version = 14 : i64} {
  func.func @agg_kernel(%arg0: i32, %arg1: i32, %arg2: memref<10000x128xf32, #tpu.memory_space<hbm>>, %arg3: memref<32x2x50x100xi32, #tpu.memory_space<hbm>>, %arg4: memref<32x2x50x100xi32, #tpu.memory_space<hbm>>, %arg5: memref<2x10000x128xf32, #tpu.memory_space<hbm>>, %arg6: memref<50x100xi32, #tpu.memory_space<vmem>>, %arg7: memref<50x100xi32, #tpu.memory_space<vmem>>, %arg8: memref<100x128xf32, #tpu.memory_space<vmem>>, %arg9: memref<100x128xf32, #tpu.memory_space<vmem>>, %arg10: memref<40x128xf32, #tpu.memory_space<vmem>>, %arg11: memref<10000x128xf32, #tpu.memory_space<vmem_shared>>, %arg12: memref<!tpu.dma_semaphore, #tpu.memory_space<semaphore_mem>>, %arg13: memref<!tpu.dma_semaphore, #tpu.memory_space<semaphore_mem>>) attributes {dimension_semantics = [#tpu.dimension_semantics<core_parallel>, #tpu.dimension_semantics<subcore_parallel>], iteration_bounds = array<i64: 2, 16>, scalar_prefetch = 0 : i64, scratch_operands = 8 : i64, tpu.core_type = #tpu.core_type<sc_vector_subcore>, window_params = [{transform_indices = #map}, {transform_indices = #map1}, {transform_indices = #map1}, {transform_indices = #map2}]} {
    %mul3A = arith.constant 16 : i32
    %mul3A_0 = arith.muli %arg0, %mul3A : i32
    %add3A = arith.addi %mul3A_0, %arg1 : i32
    %scan3A = arith.constant 0 : i32
    %scan3A_1 = arith.constant 0 : i32
    %scan3A_2 = arith.constant 40 : i32
    %scan3A_3 = arith.addi %scan3A_1, %scan3A_2 : i32
    %scan3A_4 = arith.constant 1 : i32
    scf.for %scan3A_382 = %scan3A_1 to %scan3A_3 step %scan3A_4  : i32 {
      %broadcast_in_dim3A = arith.constant 0.000000e+00 : f32
      %broadcast_in_dim3A_383 = vector.broadcast %broadcast_in_dim3A : f32 to vector<16xf32>
      %swap3A = arith.index_cast %scan3A_382 : i32 to index
      %swap3A_384 = arith.constant 0 : index
      %swap3A_385 = tpu.vector_load %arg10[%swap3A, %swap3A_384] {strides = array<i32>} : memref<40x128xf32, #tpu.memory_space<vmem>>, vector<1x16xf32>,
      %swap3A_386 = vector.shape_cast %swap3A_385 : vector<1x16xf32> to vector<16xf32>
      %swap3A_387 = vector.shape_cast %broadcast_in_dim3A_383 : vector<16xf32> to vector<1x16xf32>
      tpu.vector_store %arg10[%swap3A, %swap3A_384], %swap3A_387 {strides = array<i32>} : memref<40x128xf32, #tpu.memory_space<vmem>>, vector<1x16xf32>,
      %broadcast_in_dim3A_388 = arith.constant 0.000000e+00 : f32
      %broadcast_in_dim3A_389 = vector.broadcast %broadcast_in_dim3A_388 : f32 to vector<16xf32>
      %swap3A_390 = arith.index_cast %scan3A_382 : i32 to index
      %swap3A_391 = arith.constant 16 : index
      %swap3A_392 = tpu.vector_load %arg10[%swap3A_390, %swap3A_391] {strides = array<i32>} : memref<40x128xf32, #tpu.memory_space<vmem>>, vector<1x16xf32>,
      %swap3A_393 = vector.shape_cast %swap3A_392 : vector<1x16xf32> to vector<16xf32>
      %swap3A_394 = vector.shape_cast %broadcast_in_dim3A_389 : vector<16xf32> to vector<1x16xf32>
      tpu.vector_store %arg10[%swap3A_390, %swap3A_391], %swap3A_394 {strides = array<i32>} : memref<40x128xf32, #tpu.memory_space<vmem>>, vector<1x16xf32>,
      %broadcast_in_dim3A_395 = arith.constant 0.000000e+00 : f32
      %broadcast_in_dim3A_396 = vector.broadcast %broadcast_in_dim3A_395 : f32 to vector<16xf32>
      %swap3A_397 = arith.index_cast %scan3A_382 : i32 to index
      %swap3A_398 = arith.constant 32 : index
      %swap3A_399 = tpu.vector_load %arg10[%swap3A_397, %swap3A_398] {strides = array<i32>} : memref<40x128xf32, #tpu.memory_space<vmem>>, vector<1x16xf32>,
      %swap3A_400 = vector.shape_cast %swap3A_399 : vector<1x16xf32> to vector<16xf32>
      %swap3A_401 = vector.shape_cast %broadcast_in_dim3A_396 : vector<16xf32> to vector<1x16xf32>
      tpu.vector_store %arg10[%swap3A_397, %swap3A_398], %swap3A_401 {strides = array<i32>} : memref<40x128xf32, #tpu.memory_space<vmem>>, vector<1x16xf32>,
      %broadcast_in_dim3A_402 = arith.constant 0.000000e+00 : f32
      %broadcast_in_dim3A_403 = vector.broadcast %broadcast_in_dim3A_402 : f32 to vector<16xf32>
      %swap3A_404 = arith.index_cast %scan3A_382 : i32 to index
      %swap3A_405 = arith.constant 48 : index
      %swap3A_406 = tpu.vector_load %arg10[%swap3A_404, %swap3A_405] {strides = array<i32>} : memref<40x128xf32, #tpu.memory_space<vmem>>, vector<1x16xf32>,
      %swap3A_407 = vector.shape_cast %swap3A_406 : vector<1x16xf32> to vector<16xf32>
      %swap3A_408 = vector.shape_cast %broadcast_in_dim3A_403 : vector<16xf32> to vector<1x16xf32>
      tpu.vector_store %arg10[%swap3A_404, %swap3A_405], %swap3A_408 {strides = array<i32>} : memref<40x128xf32, #tpu.memory_space<vmem>>, vector<1x16xf32>,
      %broadcast_in_dim3A_409 = arith.constant 0.000000e+00 : f32
      %broadcast_in_dim3A_410 = vector.broadcast %broadcast_in_dim3A_409 : f32 to vector<16xf32>
      %swap3A_411 = arith.index_cast %scan3A_382 : i32 to index
      %swap3A_412 = arith.constant 64 : index
      %swap3A_413 = tpu.vector_load %arg10[%swap3A_411, %swap3A_412] {strides = array<i32>} : memref<40x128xf32, #tpu.memory_space<vmem>>, vector<1x16xf32>,
      %swap3A_414 = vector.shape_cast %swap3A_413 : vector<1x16xf32> to vector<16xf32>
      %swap3A_415 = vector.shape_cast %broadcast_in_dim3A_410 : vector<16xf32> to vector<1x16xf32>
      tpu.vector_store %arg10[%swap3A_411, %swap3A_412], %swap3A_415 {strides = array<i32>} : memref<40x128xf32, #tpu.memory_space<vmem>>, vector<1x16xf32>,
      %broadcast_in_dim3A_416 = arith.constant 0.000000e+00 : f32
      %broadcast_in_dim3A_417 = vector.broadcast %broadcast_in_dim3A_416 : f32 to vector<16xf32>
      %swap3A_418 = arith.index_cast %scan3A_382 : i32 to index
      %swap3A_419 = arith.constant 80 : index
      %swap3A_420 = tpu.vector_load %arg10[%swap3A_418, %swap3A_419] {strides = array<i32>} : memref<40x128xf32, #tpu.memory_space<vmem>>, vector<1x16xf32>,
      %swap3A_421 = vector.shape_cast %swap3A_420 : vector<1x16xf32> to vector<16xf32>
      %swap3A_422 = vector.shape_cast %broadcast_in_dim3A_417 : vector<16xf32> to vector<1x16xf32>
      tpu.vector_store %arg10[%swap3A_418, %swap3A_419], %swap3A_422 {strides = array<i32>} : memref<40x128xf32, #tpu.memory_space<vmem>>, vector<1x16xf32>,
      %broadcast_in_dim3A_423 = arith.constant 0.000000e+00 : f32
      %broadcast_in_dim3A_424 = vector.broadcast %broadcast_in_dim3A_423 : f32 to vector<16xf32>
      %swap3A_425 = arith.index_cast %scan3A_382 : i32 to index
      %swap3A_426 = arith.constant 96 : index
      %swap3A_427 = tpu.vector_load %arg10[%swap3A_425, %swap3A_426] {strides = array<i32>} : memref<40x128xf32, #tpu.memory_space<vmem>>, vector<1x16xf32>,
      %swap3A_428 = vector.shape_cast %swap3A_427 : vector<1x16xf32> to vector<16xf32>
      %swap3A_429 = vector.shape_cast %broadcast_in_dim3A_424 : vector<16xf32> to vector<1x16xf32>
      tpu.vector_store %arg10[%swap3A_425, %swap3A_426], %swap3A_429 {strides = array<i32>} : memref<40x128xf32, #tpu.memory_space<vmem>>, vector<1x16xf32>,
      %broadcast_in_dim3A_430 = arith.constant 0.000000e+00 : f32
      %broadcast_in_dim3A_431 = vector.broadcast %broadcast_in_dim3A_430 : f32 to vector<16xf32>
      %swap3A_432 = arith.index_cast %scan3A_382 : i32 to index
      %swap3A_433 = arith.constant 112 : index
      %swap3A_434 = tpu.vector_load %arg10[%swap3A_432, %swap3A_433] {strides = array<i32>} : memref<40x128xf32, #tpu.memory_space<vmem>>, vector<1x16xf32>,
      %swap3A_435 = vector.shape_cast %swap3A_434 : vector<1x16xf32> to vector<16xf32>
      %swap3A_436 = vector.shape_cast %broadcast_in_dim3A_431 : vector<16xf32> to vector<1x16xf32>
      tpu.vector_store %arg10[%swap3A_432, %swap3A_433], %swap3A_436 {strides = array<i32>} : memref<40x128xf32, #tpu.memory_space<vmem>>, vector<1x16xf32>,
    }
    %scan3A_5 = arith.constant 40 : i32
    %add3A_6 = arith.constant 0 : i32
    %add3A_7 = arith.addi %arg1, %add3A_6 : i32
    %lt3A = arith.constant 250 : i32
    %lt3A_8 = arith.cmpi slt, %add3A_7, %lt3A : i32
    %convert_element_type3A = arith.extui %lt3A_8 : i1 to i32
    %cond3A = arith.constant 0 : i32
    %cond3A_9 = arith.cmpi ne, %convert_element_type3A, %cond3A : i32
    scf.if %cond3A_9 {
      %mul3A_382 = arith.constant 40 : i32
      %mul3A_383 = arith.muli %add3A_7, %mul3A_382 : i32
      %multiple_of3A = tpu.assume_multiple %mul3A_383, 8 : i32
      %dma_start3A_384 = arith.constant 0 : i32
      %dma_start3A_385 = tpu.memref_slice %arg11[%multiple_of3A, %dma_start3A_384] : memref<10000x128xf32, #tpu.memory_space<vmem_shared>> -> memref<40x128xf32, #tpu.memory_space<vmem_shared>>
      %dma_start3A_386 = arith.constant 0 : i32
      %dma_start3A_387 = tpu.memref_slice %arg11[%multiple_of3A, %dma_start3A_386] : memref<10000x128xf32, #tpu.memory_space<vmem_shared>> -> memref<40x128xf32, #tpu.memory_space<vmem_shared>>
      tpu.enqueue_dma source(%arg10 : memref<40x128xf32, #tpu.memory_space<vmem>>) target(%dma_start3A_387 : memref<40x128xf32, #tpu.memory_space<vmem_shared>>) target_semaphore(%arg12 : memref<!tpu.dma_semaphore, #tpu.memory_space<semaphore_mem>>)
    } else {
    }
    %add3A_10 = arith.constant 16 : i32
    %add3A_11 = arith.addi %arg1, %add3A_10 : i32
    %lt3A_12 = arith.constant 250 : i32
    %lt3A_13 = arith.cmpi slt, %add3A_11, %lt3A_12 : i32
    %convert_element_type3A_14 = arith.extui %lt3A_13 : i1 to i32
    %cond3A_15 = arith.constant 0 : i32
    %cond3A_16 = arith.cmpi ne, %convert_element_type3A_14, %cond3A_15 : i32
    scf.if %cond3A_16 {
      %mul3A_382 = arith.constant 40 : i32
      %mul3A_383 = arith.muli %add3A_11, %mul3A_382 : i32
      %multiple_of3A = tpu.assume_multiple %mul3A_383, 8 : i32
      %dma_start3A_384 = arith.constant 0 : i32
      %dma_start3A_385 = tpu.memref_slice %arg11[%multiple_of3A, %dma_start3A_384] : memref<10000x128xf32, #tpu.memory_space<vmem_shared>> -> memref<40x128xf32, #tpu.memory_space<vmem_shared>>
      %dma_start3A_386 = arith.constant 0 : i32
      %dma_start3A_387 = tpu.memref_slice %arg11[%multiple_of3A, %dma_start3A_386] : memref<10000x128xf32, #tpu.memory_space<vmem_shared>> -> memref<40x128xf32, #tpu.memory_space<vmem_shared>>
      tpu.enqueue_dma source(%arg10 : memref<40x128xf32, #tpu.memory_space<vmem>>) target(%dma_start3A_387 : memref<40x128xf32, #tpu.memory_space<vmem_shared>>) target_semaphore(%arg12 : memref<!tpu.dma_semaphore, #tpu.memory_space<semaphore_mem>>)
    } else {
    }
    %add3A_17 = arith.constant 32 : i32
    %add3A_18 = arith.addi %arg1, %add3A_17 : i32
    %lt3A_19 = arith.constant 250 : i32
    %lt3A_20 = arith.cmpi slt, %add3A_18, %lt3A_19 : i32
    %convert_element_type3A_21 = arith.extui %lt3A_20 : i1 to i32
    %cond3A_22 = arith.constant 0 : i32
    %cond3A_23 = arith.cmpi ne, %convert_element_type3A_21, %cond3A_22 : i32
    scf.if %cond3A_23 {
      %mul3A_382 = arith.constant 40 : i32
      %mul3A_383 = arith.muli %add3A_18, %mul3A_382 : i32
      %multiple_of3A = tpu.assume_multiple %mul3A_383, 8 : i32
      %dma_start3A_384 = arith.constant 0 : i32
      %dma_start3A_385 = tpu.memref_slice %arg11[%multiple_of3A, %dma_start3A_384] : memref<10000x128xf32, #tpu.memory_space<vmem_shared>> -> memref<40x128xf32, #tpu.memory_space<vmem_shared>>
      %dma_start3A_386 = arith.constant 0 : i32
      %dma_start3A_387 = tpu.memref_slice %arg11[%multiple_of3A, %dma_start3A_386] : memref<10000x128xf32, #tpu.memory_space<vmem_shared>> -> memref<40x128xf32, #tpu.memory_space<vmem_shared>>
      tpu.enqueue_dma source(%arg10 : memref<40x128xf32, #tpu.memory_space<vmem>>) target(%dma_start3A_387 : memref<40x128xf32, #tpu.memory_space<vmem_shared>>) target_semaphore(%arg12 : memref<!tpu.dma_semaphore, #tpu.memory_space<semaphore_mem>>)
    } else {
    }
    %add3A_24 = arith.constant 48 : i32
    %add3A_25 = arith.addi %arg1, %add3A_24 : i32
    %lt3A_26 = arith.constant 250 : i32
    %lt3A_27 = arith.cmpi slt, %add3A_25, %lt3A_26 : i32
    %convert_element_type3A_28 = arith.extui %lt3A_27 : i1 to i32
    %cond3A_29 = arith.constant 0 : i32
    %cond3A_30 = arith.cmpi ne, %convert_element_type3A_28, %cond3A_29 : i32
    scf.if %cond3A_30 {
      %mul3A_382 = arith.constant 40 : i32
      %mul3A_383 = arith.muli %add3A_25, %mul3A_382 : i32
      %multiple_of3A = tpu.assume_multiple %mul3A_383, 8 : i32
      %dma_start3A_384 = arith.constant 0 : i32
      %dma_start3A_385 = tpu.memref_slice %arg11[%multiple_of3A, %dma_start3A_384] : memref<10000x128xf32, #tpu.memory_space<vmem_shared>> -> memref<40x128xf32, #tpu.memory_space<vmem_shared>>
      %dma_start3A_386 = arith.constant 0 : i32
      %dma_start3A_387 = tpu.memref_slice %arg11[%multiple_of3A, %dma_start3A_386] : memref<10000x128xf32, #tpu.memory_space<vmem_shared>> -> memref<40x128xf32, #tpu.memory_space<vmem_shared>>
      tpu.enqueue_dma source(%arg10 : memref<40x128xf32, #tpu.memory_space<vmem>>) target(%dma_start3A_387 : memref<40x128xf32, #tpu.memory_space<vmem_shared>>) target_semaphore(%arg12 : memref<!tpu.dma_semaphore, #tpu.memory_space<semaphore_mem>>)
    } else {
    }
    %add3A_31 = arith.constant 64 : i32
    %add3A_32 = arith.addi %arg1, %add3A_31 : i32
    %lt3A_33 = arith.constant 250 : i32
    %lt3A_34 = arith.cmpi slt, %add3A_32, %lt3A_33 : i32
    %convert_element_type3A_35 = arith.extui %lt3A_34 : i1 to i32
    %cond3A_36 = arith.constant 0 : i32
    %cond3A_37 = arith.cmpi ne, %convert_element_type3A_35, %cond3A_36 : i32
    scf.if %cond3A_37 {
      %mul3A_382 = arith.constant 40 : i32
      %mul3A_383 = arith.muli %add3A_32, %mul3A_382 : i32
      %multiple_of3A = tpu.assume_multiple %mul3A_383, 8 : i32
      %dma_start3A_384 = arith.constant 0 : i32
      %dma_start3A_385 = tpu.memref_slice %arg11[%multiple_of3A, %dma_start3A_384] : memref<10000x128xf32, #tpu.memory_space<vmem_shared>> -> memref<40x128xf32, #tpu.memory_space<vmem_shared>>
      %dma_start3A_386 = arith.constant 0 : i32
      %dma_start3A_387 = tpu.memref_slice %arg11[%multiple_of3A, %dma_start3A_386] : memref<10000x128xf32, #tpu.memory_space<vmem_shared>> -> memref<40x128xf32, #tpu.memory_space<vmem_shared>>
      tpu.enqueue_dma source(%arg10 : memref<40x128xf32, #tpu.memory_space<vmem>>) target(%dma_start3A_387 : memref<40x128xf32, #tpu.memory_space<vmem_shared>>) target_semaphore(%arg12 : memref<!tpu.dma_semaphore, #tpu.memory_space<semaphore_mem>>)
    } else {
    }
    %add3A_38 = arith.constant 80 : i32
    %add3A_39 = arith.addi %arg1, %add3A_38 : i32
    %lt3A_40 = arith.constant 250 : i32
    %lt3A_41 = arith.cmpi slt, %add3A_39, %lt3A_40 : i32
    %convert_element_type3A_42 = arith.extui %lt3A_41 : i1 to i32
    %cond3A_43 = arith.constant 0 : i32
    %cond3A_44 = arith.cmpi ne, %convert_element_type3A_42, %cond3A_43 : i32
    scf.if %cond3A_44 {
      %mul3A_382 = arith.constant 40 : i32
      %mul3A_383 = arith.muli %add3A_39, %mul3A_382 : i32
      %multiple_of3A = tpu.assume_multiple %mul3A_383, 8 : i32
      %dma_start3A_384 = arith.constant 0 : i32
      %dma_start3A_385 = tpu.memref_slice %arg11[%multiple_of3A, %dma_start3A_384] : memref<10000x128xf32, #tpu.memory_space<vmem_shared>> -> memref<40x128xf32, #tpu.memory_space<vmem_shared>>
      %dma_start3A_386 = arith.constant 0 : i32
      %dma_start3A_387 = tpu.memref_slice %arg11[%multiple_of3A, %dma_start3A_386] : memref<10000x128xf32, #tpu.memory_space<vmem_shared>> -> memref<40x128xf32, #tpu.memory_space<vmem_shared>>
      tpu.enqueue_dma source(%arg10 : memref<40x128xf32, #tpu.memory_space<vmem>>) target(%dma_start3A_387 : memref<40x128xf32, #tpu.memory_space<vmem_shared>>) target_semaphore(%arg12 : memref<!tpu.dma_semaphore, #tpu.memory_space<semaphore_mem>>)
    } else {
    }
    %add3A_45 = arith.constant 96 : i32
    %add3A_46 = arith.addi %arg1, %add3A_45 : i32
    %lt3A_47 = arith.constant 250 : i32
    %lt3A_48 = arith.cmpi slt, %add3A_46, %lt3A_47 : i32
    %convert_element_type3A_49 = arith.extui %lt3A_48 : i1 to i32
    %cond3A_50 = arith.constant 0 : i32
    %cond3A_51 = arith.cmpi ne, %convert_element_type3A_49, %cond3A_50 : i32
    scf.if %cond3A_51 {
      %mul3A_382 = arith.constant 40 : i32
      %mul3A_383 = arith.muli %add3A_46, %mul3A_382 : i32
      %multiple_of3A = tpu.assume_multiple %mul3A_383, 8 : i32
      %dma_start3A_384 = arith.constant 0 : i32
      %dma_start3A_385 = tpu.memref_slice %arg11[%multiple_of3A, %dma_start3A_384] : memref<10000x128xf32, #tpu.memory_space<vmem_shared>> -> memref<40x128xf32, #tpu.memory_space<vmem_shared>>
      %dma_start3A_386 = arith.constant 0 : i32
      %dma_start3A_387 = tpu.memref_slice %arg11[%multiple_of3A, %dma_start3A_386] : memref<10000x128xf32, #tpu.memory_space<vmem_shared>> -> memref<40x128xf32, #tpu.memory_space<vmem_shared>>
      tpu.enqueue_dma source(%arg10 : memref<40x128xf32, #tpu.memory_space<vmem>>) target(%dma_start3A_387 : memref<40x128xf32, #tpu.memory_space<vmem_shared>>) target_semaphore(%arg12 : memref<!tpu.dma_semaphore, #tpu.memory_space<semaphore_mem>>)
    } else {
    }
    %add3A_52 = arith.constant 112 : i32
    %add3A_53 = arith.addi %arg1, %add3A_52 : i32
    %lt3A_54 = arith.constant 250 : i32
    %lt3A_55 = arith.cmpi slt, %add3A_53, %lt3A_54 : i32
    %convert_element_type3A_56 = arith.extui %lt3A_55 : i1 to i32
    %cond3A_57 = arith.constant 0 : i32
    %cond3A_58 = arith.cmpi ne, %convert_element_type3A_56, %cond3A_57 : i32
    scf.if %cond3A_58 {
      %mul3A_382 = arith.constant 40 : i32
      %mul3A_383 = arith.muli %add3A_53, %mul3A_382 : i32
      %multiple_of3A = tpu.assume_multiple %mul3A_383, 8 : i32
      %dma_start3A_384 = arith.constant 0 : i32
      %dma_start3A_385 = tpu.memref_slice %arg11[%multiple_of3A, %dma_start3A_384] : memref<10000x128xf32, #tpu.memory_space<vmem_shared>> -> memref<40x128xf32, #tpu.memory_space<vmem_shared>>
      %dma_start3A_386 = arith.constant 0 : i32
      %dma_start3A_387 = tpu.memref_slice %arg11[%multiple_of3A, %dma_start3A_386] : memref<10000x128xf32, #tpu.memory_space<vmem_shared>> -> memref<40x128xf32, #tpu.memory_space<vmem_shared>>
      tpu.enqueue_dma source(%arg10 : memref<40x128xf32, #tpu.memory_space<vmem>>) target(%dma_start3A_387 : memref<40x128xf32, #tpu.memory_space<vmem_shared>>) target_semaphore(%arg12 : memref<!tpu.dma_semaphore, #tpu.memory_space<semaphore_mem>>)
    } else {
    }
    %add3A_59 = arith.constant 128 : i32
    %add3A_60 = arith.addi %arg1, %add3A_59 : i32
    %lt3A_61 = arith.constant 250 : i32
    %lt3A_62 = arith.cmpi slt, %add3A_60, %lt3A_61 : i32
    %convert_element_type3A_63 = arith.extui %lt3A_62 : i1 to i32
    %cond3A_64 = arith.constant 0 : i32
    %cond3A_65 = arith.cmpi ne, %convert_element_type3A_63, %cond3A_64 : i32
    scf.if %cond3A_65 {
      %mul3A_382 = arith.constant 40 : i32
      %mul3A_383 = arith.muli %add3A_60, %mul3A_382 : i32
      %multiple_of3A = tpu.assume_multiple %mul3A_383, 8 : i32
      %dma_start3A_384 = arith.constant 0 : i32
      %dma_start3A_385 = tpu.memref_slice %arg11[%multiple_of3A, %dma_start3A_384] : memref<10000x128xf32, #tpu.memory_space<vmem_shared>> -> memref<40x128xf32, #tpu.memory_space<vmem_shared>>
      %dma_start3A_386 = arith.constant 0 : i32
      %dma_start3A_387 = tpu.memref_slice %arg11[%multiple_of3A, %dma_start3A_386] : memref<10000x128xf32, #tpu.memory_space<vmem_shared>> -> memref<40x128xf32, #tpu.memory_space<vmem_shared>>
      tpu.enqueue_dma source(%arg10 : memref<40x128xf32, #tpu.memory_space<vmem>>) target(%dma_start3A_387 : memref<40x128xf32, #tpu.memory_space<vmem_shared>>) target_semaphore(%arg12 : memref<!tpu.dma_semaphore, #tpu.memory_space<semaphore_mem>>)
    } else {
    }
    %add3A_66 = arith.constant 144 : i32
    %add3A_67 = arith.addi %arg1, %add3A_66 : i32
    %lt3A_68 = arith.constant 250 : i32
    %lt3A_69 = arith.cmpi slt, %add3A_67, %lt3A_68 : i32
    %convert_element_type3A_70 = arith.extui %lt3A_69 : i1 to i32
    %cond3A_71 = arith.constant 0 : i32
    %cond3A_72 = arith.cmpi ne, %convert_element_type3A_70, %cond3A_71 : i32
    scf.if %cond3A_72 {
      %mul3A_382 = arith.constant 40 : i32
      %mul3A_383 = arith.muli %add3A_67, %mul3A_382 : i32
      %multiple_of3A = tpu.assume_multiple %mul3A_383, 8 : i32
      %dma_start3A_384 = arith.constant 0 : i32
      %dma_start3A_385 = tpu.memref_slice %arg11[%multiple_of3A, %dma_start3A_384] : memref<10000x128xf32, #tpu.memory_space<vmem_shared>> -> memref<40x128xf32, #tpu.memory_space<vmem_shared>>
      %dma_start3A_386 = arith.constant 0 : i32
      %dma_start3A_387 = tpu.memref_slice %arg11[%multiple_of3A, %dma_start3A_386] : memref<10000x128xf32, #tpu.memory_space<vmem_shared>> -> memref<40x128xf32, #tpu.memory_space<vmem_shared>>
      tpu.enqueue_dma source(%arg10 : memref<40x128xf32, #tpu.memory_space<vmem>>) target(%dma_start3A_387 : memref<40x128xf32, #tpu.memory_space<vmem_shared>>) target_semaphore(%arg12 : memref<!tpu.dma_semaphore, #tpu.memory_space<semaphore_mem>>)
    } else {
    }
    %add3A_73 = arith.constant 160 : i32
    %add3A_74 = arith.addi %arg1, %add3A_73 : i32
    %lt3A_75 = arith.constant 250 : i32
    %lt3A_76 = arith.cmpi slt, %add3A_74, %lt3A_75 : i32
    %convert_element_type3A_77 = arith.extui %lt3A_76 : i1 to i32
    %cond3A_78 = arith.constant 0 : i32
    %cond3A_79 = arith.cmpi ne, %convert_element_type3A_77, %cond3A_78 : i32
    scf.if %cond3A_79 {
      %mul3A_382 = arith.constant 40 : i32
      %mul3A_383 = arith.muli %add3A_74, %mul3A_382 : i32
      %multiple_of3A = tpu.assume_multiple %mul3A_383, 8 : i32
      %dma_start3A_384 = arith.constant 0 : i32
      %dma_start3A_385 = tpu.memref_slice %arg11[%multiple_of3A, %dma_start3A_384] : memref<10000x128xf32, #tpu.memory_space<vmem_shared>> -> memref<40x128xf32, #tpu.memory_space<vmem_shared>>
      %dma_start3A_386 = arith.constant 0 : i32
      %dma_start3A_387 = tpu.memref_slice %arg11[%multiple_of3A, %dma_start3A_386] : memref<10000x128xf32, #tpu.memory_space<vmem_shared>> -> memref<40x128xf32, #tpu.memory_space<vmem_shared>>
      tpu.enqueue_dma source(%arg10 : memref<40x128xf32, #tpu.memory_space<vmem>>) target(%dma_start3A_387 : memref<40x128xf32, #tpu.memory_space<vmem_shared>>) target_semaphore(%arg12 : memref<!tpu.dma_semaphore, #tpu.memory_space<semaphore_mem>>)
    } else {
    }
    %add3A_80 = arith.constant 176 : i32
    %add3A_81 = arith.addi %arg1, %add3A_80 : i32
    %lt3A_82 = arith.constant 250 : i32
    %lt3A_83 = arith.cmpi slt, %add3A_81, %lt3A_82 : i32
    %convert_element_type3A_84 = arith.extui %lt3A_83 : i1 to i32
    %cond3A_85 = arith.constant 0 : i32
    %cond3A_86 = arith.cmpi ne, %convert_element_type3A_84, %cond3A_85 : i32
    scf.if %cond3A_86 {
      %mul3A_382 = arith.constant 40 : i32
      %mul3A_383 = arith.muli %add3A_81, %mul3A_382 : i32
      %multiple_of3A = tpu.assume_multiple %mul3A_383, 8 : i32
      %dma_start3A_384 = arith.constant 0 : i32
      %dma_start3A_385 = tpu.memref_slice %arg11[%multiple_of3A, %dma_start3A_384] : memref<10000x128xf32, #tpu.memory_space<vmem_shared>> -> memref<40x128xf32, #tpu.memory_space<vmem_shared>>
      %dma_start3A_386 = arith.constant 0 : i32
      %dma_start3A_387 = tpu.memref_slice %arg11[%multiple_of3A, %dma_start3A_386] : memref<10000x128xf32, #tpu.memory_space<vmem_shared>> -> memref<40x128xf32, #tpu.memory_space<vmem_shared>>
      tpu.enqueue_dma source(%arg10 : memref<40x128xf32, #tpu.memory_space<vmem>>) target(%dma_start3A_387 : memref<40x128xf32, #tpu.memory_space<vmem_shared>>) target_semaphore(%arg12 : memref<!tpu.dma_semaphore, #tpu.memory_space<semaphore_mem>>)
    } else {
    }
    %add3A_87 = arith.constant 192 : i32
    %add3A_88 = arith.addi %arg1, %add3A_87 : i32
    %lt3A_89 = arith.constant 250 : i32
    %lt3A_90 = arith.cmpi slt, %add3A_88, %lt3A_89 : i32
    %convert_element_type3A_91 = arith.extui %lt3A_90 : i1 to i32
    %cond3A_92 = arith.constant 0 : i32
    %cond3A_93 = arith.cmpi ne, %convert_element_type3A_91, %cond3A_92 : i32
    scf.if %cond3A_93 {
      %mul3A_382 = arith.constant 40 : i32
      %mul3A_383 = arith.muli %add3A_88, %mul3A_382 : i32
      %multiple_of3A = tpu.assume_multiple %mul3A_383, 8 : i32
      %dma_start3A_384 = arith.constant 0 : i32
      %dma_start3A_385 = tpu.memref_slice %arg11[%multiple_of3A, %dma_start3A_384] : memref<10000x128xf32, #tpu.memory_space<vmem_shared>> -> memref<40x128xf32, #tpu.memory_space<vmem_shared>>
      %dma_start3A_386 = arith.constant 0 : i32
      %dma_start3A_387 = tpu.memref_slice %arg11[%multiple_of3A, %dma_start3A_386] : memref<10000x128xf32, #tpu.memory_space<vmem_shared>> -> memref<40x128xf32, #tpu.memory_space<vmem_shared>>
      tpu.enqueue_dma source(%arg10 : memref<40x128xf32, #tpu.memory_space<vmem>>) target(%dma_start3A_387 : memref<40x128xf32, #tpu.memory_space<vmem_shared>>) target_semaphore(%arg12 : memref<!tpu.dma_semaphore, #tpu.memory_space<semaphore_mem>>)
    } else {
    }
    %add3A_94 = arith.constant 208 : i32
    %add3A_95 = arith.addi %arg1, %add3A_94 : i32
    %lt3A_96 = arith.constant 250 : i32
    %lt3A_97 = arith.cmpi slt, %add3A_95, %lt3A_96 : i32
    %convert_element_type3A_98 = arith.extui %lt3A_97 : i1 to i32
    %cond3A_99 = arith.constant 0 : i32
    %cond3A_100 = arith.cmpi ne, %convert_element_type3A_98, %cond3A_99 : i32
    scf.if %cond3A_100 {
      %mul3A_382 = arith.constant 40 : i32
      %mul3A_383 = arith.muli %add3A_95, %mul3A_382 : i32
      %multiple_of3A = tpu.assume_multiple %mul3A_383, 8 : i32
      %dma_start3A_384 = arith.constant 0 : i32
      %dma_start3A_385 = tpu.memref_slice %arg11[%multiple_of3A, %dma_start3A_384] : memref<10000x128xf32, #tpu.memory_space<vmem_shared>> -> memref<40x128xf32, #tpu.memory_space<vmem_shared>>
      %dma_start3A_386 = arith.constant 0 : i32
      %dma_start3A_387 = tpu.memref_slice %arg11[%multiple_of3A, %dma_start3A_386] : memref<10000x128xf32, #tpu.memory_space<vmem_shared>> -> memref<40x128xf32, #tpu.memory_space<vmem_shared>>
      tpu.enqueue_dma source(%arg10 : memref<40x128xf32, #tpu.memory_space<vmem>>) target(%dma_start3A_387 : memref<40x128xf32, #tpu.memory_space<vmem_shared>>) target_semaphore(%arg12 : memref<!tpu.dma_semaphore, #tpu.memory_space<semaphore_mem>>)
    } else {
    }
    %add3A_101 = arith.constant 224 : i32
    %add3A_102 = arith.addi %arg1, %add3A_101 : i32
    %lt3A_103 = arith.constant 250 : i32
    %lt3A_104 = arith.cmpi slt, %add3A_102, %lt3A_103 : i32
    %convert_element_type3A_105 = arith.extui %lt3A_104 : i1 to i32
    %cond3A_106 = arith.constant 0 : i32
    %cond3A_107 = arith.cmpi ne, %convert_element_type3A_105, %cond3A_106 : i32
    scf.if %cond3A_107 {
      %mul3A_382 = arith.constant 40 : i32
      %mul3A_383 = arith.muli %add3A_102, %mul3A_382 : i32
      %multiple_of3A = tpu.assume_multiple %mul3A_383, 8 : i32
      %dma_start3A_384 = arith.constant 0 : i32
      %dma_start3A_385 = tpu.memref_slice %arg11[%multiple_of3A, %dma_start3A_384] : memref<10000x128xf32, #tpu.memory_space<vmem_shared>> -> memref<40x128xf32, #tpu.memory_space<vmem_shared>>
      %dma_start3A_386 = arith.constant 0 : i32
      %dma_start3A_387 = tpu.memref_slice %arg11[%multiple_of3A, %dma_start3A_386] : memref<10000x128xf32, #tpu.memory_space<vmem_shared>> -> memref<40x128xf32, #tpu.memory_space<vmem_shared>>
      tpu.enqueue_dma source(%arg10 : memref<40x128xf32, #tpu.memory_space<vmem>>) target(%dma_start3A_387 : memref<40x128xf32, #tpu.memory_space<vmem_shared>>) target_semaphore(%arg12 : memref<!tpu.dma_semaphore, #tpu.memory_space<semaphore_mem>>)
    } else {
    }
    %add3A_108 = arith.constant 240 : i32
    %add3A_109 = arith.addi %arg1, %add3A_108 : i32
    %lt3A_110 = arith.constant 250 : i32
    %lt3A_111 = arith.cmpi slt, %add3A_109, %lt3A_110 : i32
    %convert_element_type3A_112 = arith.extui %lt3A_111 : i1 to i32
    %cond3A_113 = arith.constant 0 : i32
    %cond3A_114 = arith.cmpi ne, %convert_element_type3A_112, %cond3A_113 : i32
    scf.if %cond3A_114 {
      %mul3A_382 = arith.constant 40 : i32
      %mul3A_383 = arith.muli %add3A_109, %mul3A_382 : i32
      %multiple_of3A = tpu.assume_multiple %mul3A_383, 8 : i32
      %dma_start3A_384 = arith.constant 0 : i32
      %dma_start3A_385 = tpu.memref_slice %arg11[%multiple_of3A, %dma_start3A_384] : memref<10000x128xf32, #tpu.memory_space<vmem_shared>> -> memref<40x128xf32, #tpu.memory_space<vmem_shared>>
      %dma_start3A_386 = arith.constant 0 : i32
      %dma_start3A_387 = tpu.memref_slice %arg11[%multiple_of3A, %dma_start3A_386] : memref<10000x128xf32, #tpu.memory_space<vmem_shared>> -> memref<40x128xf32, #tpu.memory_space<vmem_shared>>
      tpu.enqueue_dma source(%arg10 : memref<40x128xf32, #tpu.memory_space<vmem>>) target(%dma_start3A_387 : memref<40x128xf32, #tpu.memory_space<vmem_shared>>) target_semaphore(%arg12 : memref<!tpu.dma_semaphore, #tpu.memory_space<semaphore_mem>>)
    } else {
    }
    %add3A_115 = arith.constant 0 : i32
    %add3A_116 = arith.addi %arg1, %add3A_115 : i32
    %lt3A_117 = arith.constant 250 : i32
    %lt3A_118 = arith.cmpi slt, %add3A_116, %lt3A_117 : i32
    %convert_element_type3A_119 = arith.extui %lt3A_118 : i1 to i32
    %cond3A_120 = arith.constant 0 : i32
    %cond3A_121 = arith.cmpi ne, %convert_element_type3A_119, %cond3A_120 : i32
    scf.if %cond3A_121 {
      %mul3A_382 = arith.constant 40 : i32
      %mul3A_383 = arith.muli %add3A_116, %mul3A_382 : i32
      %multiple_of3A = tpu.assume_multiple %mul3A_383, 8 : i32
      %dma_wait3A = arith.constant 0 : i32
      %dma_wait3A_384 = tpu.memref_slice %arg11[%multiple_of3A, %dma_wait3A] : memref<10000x128xf32, #tpu.memory_space<vmem_shared>> -> memref<40x128xf32, #tpu.memory_space<vmem_shared>>
      %dma_wait3A_385 = arith.constant 0 : i32
      %dma_wait3A_386 = tpu.memref_slice %arg11[%multiple_of3A, %dma_wait3A_385] : memref<10000x128xf32, #tpu.memory_space<vmem_shared>> -> memref<40x128xf32, #tpu.memory_space<vmem_shared>>
      tpu.wait_dma2 semaphore(%arg12 : memref<!tpu.dma_semaphore, #tpu.memory_space<semaphore_mem>>) src(%arg10 : memref<40x128xf32, #tpu.memory_space<vmem>>) dst(%dma_wait3A_386 : memref<40x128xf32, #tpu.memory_space<vmem_shared>>)
    } else {
    }
    %add3A_122 = arith.constant 16 : i32
    %add3A_123 = arith.addi %arg1, %add3A_122 : i32
    %lt3A_124 = arith.constant 250 : i32
    %lt3A_125 = arith.cmpi slt, %add3A_123, %lt3A_124 : i32
    %convert_element_type3A_126 = arith.extui %lt3A_125 : i1 to i32
    %cond3A_127 = arith.constant 0 : i32
    %cond3A_128 = arith.cmpi ne, %convert_element_type3A_126, %cond3A_127 : i32
    scf.if %cond3A_128 {
      %mul3A_382 = arith.constant 40 : i32
      %mul3A_383 = arith.muli %add3A_123, %mul3A_382 : i32
      %multiple_of3A = tpu.assume_multiple %mul3A_383, 8 : i32
      %dma_wait3A = arith.constant 0 : i32
      %dma_wait3A_384 = tpu.memref_slice %arg11[%multiple_of3A, %dma_wait3A] : memref<10000x128xf32, #tpu.memory_space<vmem_shared>> -> memref<40x128xf32, #tpu.memory_space<vmem_shared>>
      %dma_wait3A_385 = arith.constant 0 : i32
      %dma_wait3A_386 = tpu.memref_slice %arg11[%multiple_of3A, %dma_wait3A_385] : memref<10000x128xf32, #tpu.memory_space<vmem_shared>> -> memref<40x128xf32, #tpu.memory_space<vmem_shared>>
      tpu.wait_dma2 semaphore(%arg12 : memref<!tpu.dma_semaphore, #tpu.memory_space<semaphore_mem>>) src(%arg10 : memref<40x128xf32, #tpu.memory_space<vmem>>) dst(%dma_wait3A_386 : memref<40x128xf32, #tpu.memory_space<vmem_shared>>)
    } else {
    }
    %add3A_129 = arith.constant 32 : i32
    %add3A_130 = arith.addi %arg1, %add3A_129 : i32
    %lt3A_131 = arith.constant 250 : i32
    %lt3A_132 = arith.cmpi slt, %add3A_130, %lt3A_131 : i32
    %convert_element_type3A_133 = arith.extui %lt3A_132 : i1 to i32
    %cond3A_134 = arith.constant 0 : i32
    %cond3A_135 = arith.cmpi ne, %convert_element_type3A_133, %cond3A_134 : i32
    scf.if %cond3A_135 {
      %mul3A_382 = arith.constant 40 : i32
      %mul3A_383 = arith.muli %add3A_130, %mul3A_382 : i32
      %multiple_of3A = tpu.assume_multiple %mul3A_383, 8 : i32
      %dma_wait3A = arith.constant 0 : i32
      %dma_wait3A_384 = tpu.memref_slice %arg11[%multiple_of3A, %dma_wait3A] : memref<10000x128xf32, #tpu.memory_space<vmem_shared>> -> memref<40x128xf32, #tpu.memory_space<vmem_shared>>
      %dma_wait3A_385 = arith.constant 0 : i32
      %dma_wait3A_386 = tpu.memref_slice %arg11[%multiple_of3A, %dma_wait3A_385] : memref<10000x128xf32, #tpu.memory_space<vmem_shared>> -> memref<40x128xf32, #tpu.memory_space<vmem_shared>>
      tpu.wait_dma2 semaphore(%arg12 : memref<!tpu.dma_semaphore, #tpu.memory_space<semaphore_mem>>) src(%arg10 : memref<40x128xf32, #tpu.memory_space<vmem>>) dst(%dma_wait3A_386 : memref<40x128xf32, #tpu.memory_space<vmem_shared>>)
    } else {
    }
    %add3A_136 = arith.constant 48 : i32
    %add3A_137 = arith.addi %arg1, %add3A_136 : i32
    %lt3A_138 = arith.constant 250 : i32
    %lt3A_139 = arith.cmpi slt, %add3A_137, %lt3A_138 : i32
    %convert_element_type3A_140 = arith.extui %lt3A_139 : i1 to i32
    %cond3A_141 = arith.constant 0 : i32
    %cond3A_142 = arith.cmpi ne, %convert_element_type3A_140, %cond3A_141 : i32
    scf.if %cond3A_142 {
      %mul3A_382 = arith.constant 40 : i32
      %mul3A_383 = arith.muli %add3A_137, %mul3A_382 : i32
      %multiple_of3A = tpu.assume_multiple %mul3A_383, 8 : i32
      %dma_wait3A = arith.constant 0 : i32
      %dma_wait3A_384 = tpu.memref_slice %arg11[%multiple_of3A, %dma_wait3A] : memref<10000x128xf32, #tpu.memory_space<vmem_shared>> -> memref<40x128xf32, #tpu.memory_space<vmem_shared>>
      %dma_wait3A_385 = arith.constant 0 : i32
      %dma_wait3A_386 = tpu.memref_slice %arg11[%multiple_of3A, %dma_wait3A_385] : memref<10000x128xf32, #tpu.memory_space<vmem_shared>> -> memref<40x128xf32, #tpu.memory_space<vmem_shared>>
      tpu.wait_dma2 semaphore(%arg12 : memref<!tpu.dma_semaphore, #tpu.memory_space<semaphore_mem>>) src(%arg10 : memref<40x128xf32, #tpu.memory_space<vmem>>) dst(%dma_wait3A_386 : memref<40x128xf32, #tpu.memory_space<vmem_shared>>)
    } else {
    }
    %add3A_143 = arith.constant 64 : i32
    %add3A_144 = arith.addi %arg1, %add3A_143 : i32
    %lt3A_145 = arith.constant 250 : i32
    %lt3A_146 = arith.cmpi slt, %add3A_144, %lt3A_145 : i32
    %convert_element_type3A_147 = arith.extui %lt3A_146 : i1 to i32
    %cond3A_148 = arith.constant 0 : i32
    %cond3A_149 = arith.cmpi ne, %convert_element_type3A_147, %cond3A_148 : i32
    scf.if %cond3A_149 {
      %mul3A_382 = arith.constant 40 : i32
      %mul3A_383 = arith.muli %add3A_144, %mul3A_382 : i32
      %multiple_of3A = tpu.assume_multiple %mul3A_383, 8 : i32
      %dma_wait3A = arith.constant 0 : i32
      %dma_wait3A_384 = tpu.memref_slice %arg11[%multiple_of3A, %dma_wait3A] : memref<10000x128xf32, #tpu.memory_space<vmem_shared>> -> memref<40x128xf32, #tpu.memory_space<vmem_shared>>
      %dma_wait3A_385 = arith.constant 0 : i32
      %dma_wait3A_386 = tpu.memref_slice %arg11[%multiple_of3A, %dma_wait3A_385] : memref<10000x128xf32, #tpu.memory_space<vmem_shared>> -> memref<40x128xf32, #tpu.memory_space<vmem_shared>>
      tpu.wait_dma2 semaphore(%arg12 : memref<!tpu.dma_semaphore, #tpu.memory_space<semaphore_mem>>) src(%arg10 : memref<40x128xf32, #tpu.memory_space<vmem>>) dst(%dma_wait3A_386 : memref<40x128xf32, #tpu.memory_space<vmem_shared>>)
    } else {
    }
    %add3A_150 = arith.constant 80 : i32
    %add3A_151 = arith.addi %arg1, %add3A_150 : i32
    %lt3A_152 = arith.constant 250 : i32
    %lt3A_153 = arith.cmpi slt, %add3A_151, %lt3A_152 : i32
    %convert_element_type3A_154 = arith.extui %lt3A_153 : i1 to i32
    %cond3A_155 = arith.constant 0 : i32
    %cond3A_156 = arith.cmpi ne, %convert_element_type3A_154, %cond3A_155 : i32
    scf.if %cond3A_156 {
      %mul3A_382 = arith.constant 40 : i32
      %mul3A_383 = arith.muli %add3A_151, %mul3A_382 : i32
      %multiple_of3A = tpu.assume_multiple %mul3A_383, 8 : i32
      %dma_wait3A = arith.constant 0 : i32
      %dma_wait3A_384 = tpu.memref_slice %arg11[%multiple_of3A, %dma_wait3A] : memref<10000x128xf32, #tpu.memory_space<vmem_shared>> -> memref<40x128xf32, #tpu.memory_space<vmem_shared>>
      %dma_wait3A_385 = arith.constant 0 : i32
      %dma_wait3A_386 = tpu.memref_slice %arg11[%multiple_of3A, %dma_wait3A_385] : memref<10000x128xf32, #tpu.memory_space<vmem_shared>> -> memref<40x128xf32, #tpu.memory_space<vmem_shared>>
      tpu.wait_dma2 semaphore(%arg12 : memref<!tpu.dma_semaphore, #tpu.memory_space<semaphore_mem>>) src(%arg10 : memref<40x128xf32, #tpu.memory_space<vmem>>) dst(%dma_wait3A_386 : memref<40x128xf32, #tpu.memory_space<vmem_shared>>)
    } else {
    }
    %add3A_157 = arith.constant 96 : i32
    %add3A_158 = arith.addi %arg1, %add3A_157 : i32
    %lt3A_159 = arith.constant 250 : i32
    %lt3A_160 = arith.cmpi slt, %add3A_158, %lt3A_159 : i32
    %convert_element_type3A_161 = arith.extui %lt3A_160 : i1 to i32
    %cond3A_162 = arith.constant 0 : i32
    %cond3A_163 = arith.cmpi ne, %convert_element_type3A_161, %cond3A_162 : i32
    scf.if %cond3A_163 {
      %mul3A_382 = arith.constant 40 : i32
      %mul3A_383 = arith.muli %add3A_158, %mul3A_382 : i32
      %multiple_of3A = tpu.assume_multiple %mul3A_383, 8 : i32
      %dma_wait3A = arith.constant 0 : i32
      %dma_wait3A_384 = tpu.memref_slice %arg11[%multiple_of3A, %dma_wait3A] : memref<10000x128xf32, #tpu.memory_space<vmem_shared>> -> memref<40x128xf32, #tpu.memory_space<vmem_shared>>
      %dma_wait3A_385 = arith.constant 0 : i32
      %dma_wait3A_386 = tpu.memref_slice %arg11[%multiple_of3A, %dma_wait3A_385] : memref<10000x128xf32, #tpu.memory_space<vmem_shared>> -> memref<40x128xf32, #tpu.memory_space<vmem_shared>>
      tpu.wait_dma2 semaphore(%arg12 : memref<!tpu.dma_semaphore, #tpu.memory_space<semaphore_mem>>) src(%arg10 : memref<40x128xf32, #tpu.memory_space<vmem>>) dst(%dma_wait3A_386 : memref<40x128xf32, #tpu.memory_space<vmem_shared>>)
    } else {
    }
    %add3A_164 = arith.constant 112 : i32
    %add3A_165 = arith.addi %arg1, %add3A_164 : i32
    %lt3A_166 = arith.constant 250 : i32
    %lt3A_167 = arith.cmpi slt, %add3A_165, %lt3A_166 : i32
    %convert_element_type3A_168 = arith.extui %lt3A_167 : i1 to i32
    %cond3A_169 = arith.constant 0 : i32
    %cond3A_170 = arith.cmpi ne, %convert_element_type3A_168, %cond3A_169 : i32
    scf.if %cond3A_170 {
      %mul3A_382 = arith.constant 40 : i32
      %mul3A_383 = arith.muli %add3A_165, %mul3A_382 : i32
      %multiple_of3A = tpu.assume_multiple %mul3A_383, 8 : i32
      %dma_wait3A = arith.constant 0 : i32
      %dma_wait3A_384 = tpu.memref_slice %arg11[%multiple_of3A, %dma_wait3A] : memref<10000x128xf32, #tpu.memory_space<vmem_shared>> -> memref<40x128xf32, #tpu.memory_space<vmem_shared>>
      %dma_wait3A_385 = arith.constant 0 : i32
      %dma_wait3A_386 = tpu.memref_slice %arg11[%multiple_of3A, %dma_wait3A_385] : memref<10000x128xf32, #tpu.memory_space<vmem_shared>> -> memref<40x128xf32, #tpu.memory_space<vmem_shared>>
      tpu.wait_dma2 semaphore(%arg12 : memref<!tpu.dma_semaphore, #tpu.memory_space<semaphore_mem>>) src(%arg10 : memref<40x128xf32, #tpu.memory_space<vmem>>) dst(%dma_wait3A_386 : memref<40x128xf32, #tpu.memory_space<vmem_shared>>)
    } else {
    }
    %add3A_171 = arith.constant 128 : i32
    %add3A_172 = arith.addi %arg1, %add3A_171 : i32
    %lt3A_173 = arith.constant 250 : i32
    %lt3A_174 = arith.cmpi slt, %add3A_172, %lt3A_173 : i32
    %convert_element_type3A_175 = arith.extui %lt3A_174 : i1 to i32
    %cond3A_176 = arith.constant 0 : i32
    %cond3A_177 = arith.cmpi ne, %convert_element_type3A_175, %cond3A_176 : i32
    scf.if %cond3A_177 {
      %mul3A_382 = arith.constant 40 : i32
      %mul3A_383 = arith.muli %add3A_172, %mul3A_382 : i32
      %multiple_of3A = tpu.assume_multiple %mul3A_383, 8 : i32
      %dma_wait3A = arith.constant 0 : i32
      %dma_wait3A_384 = tpu.memref_slice %arg11[%multiple_of3A, %dma_wait3A] : memref<10000x128xf32, #tpu.memory_space<vmem_shared>> -> memref<40x128xf32, #tpu.memory_space<vmem_shared>>
      %dma_wait3A_385 = arith.constant 0 : i32
      %dma_wait3A_386 = tpu.memref_slice %arg11[%multiple_of3A, %dma_wait3A_385] : memref<10000x128xf32, #tpu.memory_space<vmem_shared>> -> memref<40x128xf32, #tpu.memory_space<vmem_shared>>
      tpu.wait_dma2 semaphore(%arg12 : memref<!tpu.dma_semaphore, #tpu.memory_space<semaphore_mem>>) src(%arg10 : memref<40x128xf32, #tpu.memory_space<vmem>>) dst(%dma_wait3A_386 : memref<40x128xf32, #tpu.memory_space<vmem_shared>>)
    } else {
    }
    %add3A_178 = arith.constant 144 : i32
    %add3A_179 = arith.addi %arg1, %add3A_178 : i32
    %lt3A_180 = arith.constant 250 : i32
    %lt3A_181 = arith.cmpi slt, %add3A_179, %lt3A_180 : i32
    %convert_element_type3A_182 = arith.extui %lt3A_181 : i1 to i32
    %cond3A_183 = arith.constant 0 : i32
    %cond3A_184 = arith.cmpi ne, %convert_element_type3A_182, %cond3A_183 : i32
    scf.if %cond3A_184 {
      %mul3A_382 = arith.constant 40 : i32
      %mul3A_383 = arith.muli %add3A_179, %mul3A_382 : i32
      %multiple_of3A = tpu.assume_multiple %mul3A_383, 8 : i32
      %dma_wait3A = arith.constant 0 : i32
      %dma_wait3A_384 = tpu.memref_slice %arg11[%multiple_of3A, %dma_wait3A] : memref<10000x128xf32, #tpu.memory_space<vmem_shared>> -> memref<40x128xf32, #tpu.memory_space<vmem_shared>>
      %dma_wait3A_385 = arith.constant 0 : i32
      %dma_wait3A_386 = tpu.memref_slice %arg11[%multiple_of3A, %dma_wait3A_385] : memref<10000x128xf32, #tpu.memory_space<vmem_shared>> -> memref<40x128xf32, #tpu.memory_space<vmem_shared>>
      tpu.wait_dma2 semaphore(%arg12 : memref<!tpu.dma_semaphore, #tpu.memory_space<semaphore_mem>>) src(%arg10 : memref<40x128xf32, #tpu.memory_space<vmem>>) dst(%dma_wait3A_386 : memref<40x128xf32, #tpu.memory_space<vmem_shared>>)
    } else {
    }
    %add3A_185 = arith.constant 160 : i32
    %add3A_186 = arith.addi %arg1, %add3A_185 : i32
    %lt3A_187 = arith.constant 250 : i32
    %lt3A_188 = arith.cmpi slt, %add3A_186, %lt3A_187 : i32
    %convert_element_type3A_189 = arith.extui %lt3A_188 : i1 to i32
    %cond3A_190 = arith.constant 0 : i32
    %cond3A_191 = arith.cmpi ne, %convert_element_type3A_189, %cond3A_190 : i32
    scf.if %cond3A_191 {
      %mul3A_382 = arith.constant 40 : i32
      %mul3A_383 = arith.muli %add3A_186, %mul3A_382 : i32
      %multiple_of3A = tpu.assume_multiple %mul3A_383, 8 : i32
      %dma_wait3A = arith.constant 0 : i32
      %dma_wait3A_384 = tpu.memref_slice %arg11[%multiple_of3A, %dma_wait3A] : memref<10000x128xf32, #tpu.memory_space<vmem_shared>> -> memref<40x128xf32, #tpu.memory_space<vmem_shared>>
      %dma_wait3A_385 = arith.constant 0 : i32
      %dma_wait3A_386 = tpu.memref_slice %arg11[%multiple_of3A, %dma_wait3A_385] : memref<10000x128xf32, #tpu.memory_space<vmem_shared>> -> memref<40x128xf32, #tpu.memory_space<vmem_shared>>
      tpu.wait_dma2 semaphore(%arg12 : memref<!tpu.dma_semaphore, #tpu.memory_space<semaphore_mem>>) src(%arg10 : memref<40x128xf32, #tpu.memory_space<vmem>>) dst(%dma_wait3A_386 : memref<40x128xf32, #tpu.memory_space<vmem_shared>>)
    } else {
    }
    %add3A_192 = arith.constant 176 : i32
    %add3A_193 = arith.addi %arg1, %add3A_192 : i32
    %lt3A_194 = arith.constant 250 : i32
    %lt3A_195 = arith.cmpi slt, %add3A_193, %lt3A_194 : i32
    %convert_element_type3A_196 = arith.extui %lt3A_195 : i1 to i32
    %cond3A_197 = arith.constant 0 : i32
    %cond3A_198 = arith.cmpi ne, %convert_element_type3A_196, %cond3A_197 : i32
    scf.if %cond3A_198 {
      %mul3A_382 = arith.constant 40 : i32
      %mul3A_383 = arith.muli %add3A_193, %mul3A_382 : i32
      %multiple_of3A = tpu.assume_multiple %mul3A_383, 8 : i32
      %dma_wait3A = arith.constant 0 : i32
      %dma_wait3A_384 = tpu.memref_slice %arg11[%multiple_of3A, %dma_wait3A] : memref<10000x128xf32, #tpu.memory_space<vmem_shared>> -> memref<40x128xf32, #tpu.memory_space<vmem_shared>>
      %dma_wait3A_385 = arith.constant 0 : i32
      %dma_wait3A_386 = tpu.memref_slice %arg11[%multiple_of3A, %dma_wait3A_385] : memref<10000x128xf32, #tpu.memory_space<vmem_shared>> -> memref<40x128xf32, #tpu.memory_space<vmem_shared>>
      tpu.wait_dma2 semaphore(%arg12 : memref<!tpu.dma_semaphore, #tpu.memory_space<semaphore_mem>>) src(%arg10 : memref<40x128xf32, #tpu.memory_space<vmem>>) dst(%dma_wait3A_386 : memref<40x128xf32, #tpu.memory_space<vmem_shared>>)
    } else {
    }
    %add3A_199 = arith.constant 192 : i32
    %add3A_200 = arith.addi %arg1, %add3A_199 : i32
    %lt3A_201 = arith.constant 250 : i32
    %lt3A_202 = arith.cmpi slt, %add3A_200, %lt3A_201 : i32
    %convert_element_type3A_203 = arith.extui %lt3A_202 : i1 to i32
    %cond3A_204 = arith.constant 0 : i32
    %cond3A_205 = arith.cmpi ne, %convert_element_type3A_203, %cond3A_204 : i32
    scf.if %cond3A_205 {
      %mul3A_382 = arith.constant 40 : i32
      %mul3A_383 = arith.muli %add3A_200, %mul3A_382 : i32
      %multiple_of3A = tpu.assume_multiple %mul3A_383, 8 : i32
      %dma_wait3A = arith.constant 0 : i32
      %dma_wait3A_384 = tpu.memref_slice %arg11[%multiple_of3A, %dma_wait3A] : memref<10000x128xf32, #tpu.memory_space<vmem_shared>> -> memref<40x128xf32, #tpu.memory_space<vmem_shared>>
      %dma_wait3A_385 = arith.constant 0 : i32
      %dma_wait3A_386 = tpu.memref_slice %arg11[%multiple_of3A, %dma_wait3A_385] : memref<10000x128xf32, #tpu.memory_space<vmem_shared>> -> memref<40x128xf32, #tpu.memory_space<vmem_shared>>
      tpu.wait_dma2 semaphore(%arg12 : memref<!tpu.dma_semaphore, #tpu.memory_space<semaphore_mem>>) src(%arg10 : memref<40x128xf32, #tpu.memory_space<vmem>>) dst(%dma_wait3A_386 : memref<40x128xf32, #tpu.memory_space<vmem_shared>>)
    } else {
    }
    %add3A_206 = arith.constant 208 : i32
    %add3A_207 = arith.addi %arg1, %add3A_206 : i32
    %lt3A_208 = arith.constant 250 : i32
    %lt3A_209 = arith.cmpi slt, %add3A_207, %lt3A_208 : i32
    %convert_element_type3A_210 = arith.extui %lt3A_209 : i1 to i32
    %cond3A_211 = arith.constant 0 : i32
    %cond3A_212 = arith.cmpi ne, %convert_element_type3A_210, %cond3A_211 : i32
    scf.if %cond3A_212 {
      %mul3A_382 = arith.constant 40 : i32
      %mul3A_383 = arith.muli %add3A_207, %mul3A_382 : i32
      %multiple_of3A = tpu.assume_multiple %mul3A_383, 8 : i32
      %dma_wait3A = arith.constant 0 : i32
      %dma_wait3A_384 = tpu.memref_slice %arg11[%multiple_of3A, %dma_wait3A] : memref<10000x128xf32, #tpu.memory_space<vmem_shared>> -> memref<40x128xf32, #tpu.memory_space<vmem_shared>>
      %dma_wait3A_385 = arith.constant 0 : i32
      %dma_wait3A_386 = tpu.memref_slice %arg11[%multiple_of3A, %dma_wait3A_385] : memref<10000x128xf32, #tpu.memory_space<vmem_shared>> -> memref<40x128xf32, #tpu.memory_space<vmem_shared>>
      tpu.wait_dma2 semaphore(%arg12 : memref<!tpu.dma_semaphore, #tpu.memory_space<semaphore_mem>>) src(%arg10 : memref<40x128xf32, #tpu.memory_space<vmem>>) dst(%dma_wait3A_386 : memref<40x128xf32, #tpu.memory_space<vmem_shared>>)
    } else {
    }
    %add3A_213 = arith.constant 224 : i32
    %add3A_214 = arith.addi %arg1, %add3A_213 : i32
    %lt3A_215 = arith.constant 250 : i32
    %lt3A_216 = arith.cmpi slt, %add3A_214, %lt3A_215 : i32
    %convert_element_type3A_217 = arith.extui %lt3A_216 : i1 to i32
    %cond3A_218 = arith.constant 0 : i32
    %cond3A_219 = arith.cmpi ne, %convert_element_type3A_217, %cond3A_218 : i32
    scf.if %cond3A_219 {
      %mul3A_382 = arith.constant 40 : i32
      %mul3A_383 = arith.muli %add3A_214, %mul3A_382 : i32
      %multiple_of3A = tpu.assume_multiple %mul3A_383, 8 : i32
      %dma_wait3A = arith.constant 0 : i32
      %dma_wait3A_384 = tpu.memref_slice %arg11[%multiple_of3A, %dma_wait3A] : memref<10000x128xf32, #tpu.memory_space<vmem_shared>> -> memref<40x128xf32, #tpu.memory_space<vmem_shared>>
      %dma_wait3A_385 = arith.constant 0 : i32
      %dma_wait3A_386 = tpu.memref_slice %arg11[%multiple_of3A, %dma_wait3A_385] : memref<10000x128xf32, #tpu.memory_space<vmem_shared>> -> memref<40x128xf32, #tpu.memory_space<vmem_shared>>
      tpu.wait_dma2 semaphore(%arg12 : memref<!tpu.dma_semaphore, #tpu.memory_space<semaphore_mem>>) src(%arg10 : memref<40x128xf32, #tpu.memory_space<vmem>>) dst(%dma_wait3A_386 : memref<40x128xf32, #tpu.memory_space<vmem_shared>>)
    } else {
    }
    %add3A_220 = arith.constant 240 : i32
    %add3A_221 = arith.addi %arg1, %add3A_220 : i32
    %lt3A_222 = arith.constant 250 : i32
    %lt3A_223 = arith.cmpi slt, %add3A_221, %lt3A_222 : i32
    %convert_element_type3A_224 = arith.extui %lt3A_223 : i1 to i32
    %cond3A_225 = arith.constant 0 : i32
    %cond3A_226 = arith.cmpi ne, %convert_element_type3A_224, %cond3A_225 : i32
    scf.if %cond3A_226 {
      %mul3A_382 = arith.constant 40 : i32
      %mul3A_383 = arith.muli %add3A_221, %mul3A_382 : i32
      %multiple_of3A = tpu.assume_multiple %mul3A_383, 8 : i32
      %dma_wait3A = arith.constant 0 : i32
      %dma_wait3A_384 = tpu.memref_slice %arg11[%multiple_of3A, %dma_wait3A] : memref<10000x128xf32, #tpu.memory_space<vmem_shared>> -> memref<40x128xf32, #tpu.memory_space<vmem_shared>>
      %dma_wait3A_385 = arith.constant 0 : i32
      %dma_wait3A_386 = tpu.memref_slice %arg11[%multiple_of3A, %dma_wait3A_385] : memref<10000x128xf32, #tpu.memory_space<vmem_shared>> -> memref<40x128xf32, #tpu.memory_space<vmem_shared>>
      tpu.wait_dma2 semaphore(%arg12 : memref<!tpu.dma_semaphore, #tpu.memory_space<semaphore_mem>>) src(%arg10 : memref<40x128xf32, #tpu.memory_space<vmem>>) dst(%dma_wait3A_386 : memref<40x128xf32, #tpu.memory_space<vmem_shared>>)
    } else {
    }
    %barrier3A = arith.constant 0 : index
    tpu.barrier barrier_id(%barrier3A)
    %run_scoped3A = arith.constant 0 : i32
    "tpu.region"() ({
      %run_scoped3A_382 = tpu.sem_alloc : memref<!tpu.dma_semaphore, #tpu.memory_space<semaphore_mem>>
      %dma_start3A_383 = arith.constant 0 : i32
      %dma_start3A_384 = arith.constant 0 : i32
      %dma_start3A_385 = tpu.memref_slice %arg3[%add3A, %run_scoped3A, %dma_start3A_383, %dma_start3A_384] : memref<32x2x50x100xi32, #tpu.memory_space<hbm>> -> memref<1x1x50x100xi32, #tpu.memory_space<hbm>>
      %dma_start3A_386 = tpu.memref_squeeze %dma_start3A_385 : memref<1x1x50x100xi32, #tpu.memory_space<hbm>> -> memref<50x100xi32, #tpu.memory_space<hbm>>
      %dma_start3A_387 = arith.constant 0 : i32
      %dma_start3A_388 = arith.constant 0 : i32
      %dma_start3A_389 = tpu.memref_slice %arg3[%add3A, %run_scoped3A, %dma_start3A_387, %dma_start3A_388] : memref<32x2x50x100xi32, #tpu.memory_space<hbm>> -> memref<1x1x50x100xi32, #tpu.memory_space<hbm>>
      %dma_start3A_390 = tpu.memref_squeeze %dma_start3A_389 : memref<1x1x50x100xi32, #tpu.memory_space<hbm>> -> memref<50x100xi32, #tpu.memory_space<hbm>>
      tpu.enqueue_dma source(%dma_start3A_390 : memref<50x100xi32, #tpu.memory_space<hbm>>) target(%arg6 : memref<50x100xi32, #tpu.memory_space<vmem>>) target_semaphore(%run_scoped3A_382 : memref<!tpu.dma_semaphore, #tpu.memory_space<semaphore_mem>>)
      %dma_wait3A = arith.constant 0 : i32
      %dma_wait3A_391 = arith.constant 0 : i32
      %dma_wait3A_392 = tpu.memref_slice %arg3[%add3A, %run_scoped3A, %dma_wait3A, %dma_wait3A_391] : memref<32x2x50x100xi32, #tpu.memory_space<hbm>> -> memref<1x1x50x100xi32, #tpu.memory_space<hbm>>
      %dma_wait3A_393 = tpu.memref_squeeze %dma_wait3A_392 : memref<1x1x50x100xi32, #tpu.memory_space<hbm>> -> memref<50x100xi32, #tpu.memory_space<hbm>>
      %dma_wait3A_394 = arith.constant 0 : i32
      %dma_wait3A_395 = arith.constant 0 : i32
      %dma_wait3A_396 = tpu.memref_slice %arg3[%add3A, %run_scoped3A, %dma_wait3A_394, %dma_wait3A_395] : memref<32x2x50x100xi32, #tpu.memory_space<hbm>> -> memref<1x1x50x100xi32, #tpu.memory_space<hbm>>
      %dma_wait3A_397 = tpu.memref_squeeze %dma_wait3A_396 : memref<1x1x50x100xi32, #tpu.memory_space<hbm>> -> memref<50x100xi32, #tpu.memory_space<hbm>>
      tpu.wait_dma2 semaphore(%run_scoped3A_382 : memref<!tpu.dma_semaphore, #tpu.memory_space<semaphore_mem>>) src(%dma_wait3A_397 : memref<50x100xi32, #tpu.memory_space<hbm>>) dst(%arg6 : memref<50x100xi32, #tpu.memory_space<vmem>>)
      tpu.yield
    }) : () -> ()
    %run_scoped3A_227 = arith.constant 0 : i32
    "tpu.region"() ({
      %run_scoped3A_382 = tpu.sem_alloc : memref<!tpu.dma_semaphore, #tpu.memory_space<semaphore_mem>>
      %dma_start3A_383 = arith.constant 0 : i32
      %dma_start3A_384 = arith.constant 0 : i32
      %dma_start3A_385 = tpu.memref_slice %arg4[%add3A, %run_scoped3A_227, %dma_start3A_383, %dma_start3A_384] : memref<32x2x50x100xi32, #tpu.memory_space<hbm>> -> memref<1x1x50x100xi32, #tpu.memory_space<hbm>>
      %dma_start3A_386 = tpu.memref_squeeze %dma_start3A_385 : memref<1x1x50x100xi32, #tpu.memory_space<hbm>> -> memref<50x100xi32, #tpu.memory_space<hbm>>
      %dma_start3A_387 = arith.constant 0 : i32
      %dma_start3A_388 = arith.constant 0 : i32
      %dma_start3A_389 = tpu.memref_slice %arg4[%add3A, %run_scoped3A_227, %dma_start3A_387, %dma_start3A_388] : memref<32x2x50x100xi32, #tpu.memory_space<hbm>> -> memref<1x1x50x100xi32, #tpu.memory_space<hbm>>
      %dma_start3A_390 = tpu.memref_squeeze %dma_start3A_389 : memref<1x1x50x100xi32, #tpu.memory_space<hbm>> -> memref<50x100xi32, #tpu.memory_space<hbm>>
      tpu.enqueue_dma source(%dma_start3A_390 : memref<50x100xi32, #tpu.memory_space<hbm>>) target(%arg7 : memref<50x100xi32, #tpu.memory_space<vmem>>) target_semaphore(%run_scoped3A_382 : memref<!tpu.dma_semaphore, #tpu.memory_space<semaphore_mem>>)
      %dma_wait3A = arith.constant 0 : i32
      %dma_wait3A_391 = arith.constant 0 : i32
      %dma_wait3A_392 = tpu.memref_slice %arg4[%add3A, %run_scoped3A_227, %dma_wait3A, %dma_wait3A_391] : memref<32x2x50x100xi32, #tpu.memory_space<hbm>> -> memref<1x1x50x100xi32, #tpu.memory_space<hbm>>
      %dma_wait3A_393 = tpu.memref_squeeze %dma_wait3A_392 : memref<1x1x50x100xi32, #tpu.memory_space<hbm>> -> memref<50x100xi32, #tpu.memory_space<hbm>>
      %dma_wait3A_394 = arith.constant 0 : i32
      %dma_wait3A_395 = arith.constant 0 : i32
      %dma_wait3A_396 = tpu.memref_slice %arg4[%add3A, %run_scoped3A_227, %dma_wait3A_394, %dma_wait3A_395] : memref<32x2x50x100xi32, #tpu.memory_space<hbm>> -> memref<1x1x50x100xi32, #tpu.memory_space<hbm>>
      %dma_wait3A_397 = tpu.memref_squeeze %dma_wait3A_396 : memref<1x1x50x100xi32, #tpu.memory_space<hbm>> -> memref<50x100xi32, #tpu.memory_space<hbm>>
      tpu.wait_dma2 semaphore(%run_scoped3A_382 : memref<!tpu.dma_semaphore, #tpu.memory_space<semaphore_mem>>) src(%dma_wait3A_397 : memref<50x100xi32, #tpu.memory_space<hbm>>) dst(%arg7 : memref<50x100xi32, #tpu.memory_space<vmem>>)
      tpu.yield
    }) : () -> ()
    %dma_start3A = arith.constant 0 : i32
    %dma_start3A_228 = arith.constant 0 : i32
    %dma_start3A_229 = tpu.memref_slice %arg6[%dma_start3A, %dma_start3A_228] : memref<50x100xi32, #tpu.memory_space<vmem>> -> memref<1x100xi32, #tpu.memory_space<vmem>>
    %dma_start3A_230 = tpu.memref_squeeze %dma_start3A_229 : memref<1x100xi32, #tpu.memory_space<vmem>> -> memref<100xi32, #tpu.memory_space<vmem>>
    %dma_start3A_231 = arith.constant 0 : i32
    %dma_start3A_232 = arith.constant 0 : i32
    %dma_start3A_233 = tpu.memref_slice %arg2[%dma_start3A_231, %dma_start3A_232] : memref<10000x128xf32, #tpu.memory_space<hbm>> -> memref<10000x128xf32, #tpu.memory_space<hbm>>
    tpu.enqueue_indirect_dma source(%dma_start3A_233 : memref<10000x128xf32, #tpu.memory_space<hbm>>) target(%arg8 : memref<100x128xf32, #tpu.memory_space<vmem>>) offsets(%dma_start3A_230 : memref<100xi32, #tpu.memory_space<vmem>>) semaphore(%arg12 : memref<!tpu.dma_semaphore, #tpu.memory_space<semaphore_mem>>)
    %dma_start3A_234 = arith.constant 1 : i32
    %dma_start3A_235 = arith.constant 0 : i32
    %dma_start3A_236 = tpu.memref_slice %arg6[%dma_start3A_234, %dma_start3A_235] : memref<50x100xi32, #tpu.memory_space<vmem>> -> memref<1x100xi32, #tpu.memory_space<vmem>>
    %dma_start3A_237 = tpu.memref_squeeze %dma_start3A_236 : memref<1x100xi32, #tpu.memory_space<vmem>> -> memref<100xi32, #tpu.memory_space<vmem>>
    %dma_start3A_238 = arith.constant 0 : i32
    %dma_start3A_239 = arith.constant 0 : i32
    %dma_start3A_240 = tpu.memref_slice %arg2[%dma_start3A_238, %dma_start3A_239] : memref<10000x128xf32, #tpu.memory_space<hbm>> -> memref<10000x128xf32, #tpu.memory_space<hbm>>
    tpu.enqueue_indirect_dma source(%dma_start3A_240 : memref<10000x128xf32, #tpu.memory_space<hbm>>) target(%arg9 : memref<100x128xf32, #tpu.memory_space<vmem>>) offsets(%dma_start3A_237 : memref<100xi32, #tpu.memory_space<vmem>>) semaphore(%arg13 : memref<!tpu.dma_semaphore, #tpu.memory_space<semaphore_mem>>)
    %scan3A_241 = arith.constant 0 : i32
    %scan3A_242 = arith.constant 0 : i32
    %scan3A_243 = arith.constant 25 : i32
    %scan3A_244 = arith.addi %scan3A_242, %scan3A_243 : i32
    %scan3A_245 = arith.constant 1 : i32
    scf.for %scan3A_382 = %scan3A_242 to %scan3A_244 step %scan3A_245  : i32 {
      %mul3A_383 = arith.constant 2 : i32
      %mul3A_384 = arith.muli %mul3A_383, %scan3A_382 : i32
      %add3A_385 = arith.constant 0 : i32
      %add3A_386 = arith.addi %mul3A_384, %add3A_385 : i32
      %dma_wait3A = arith.constant 0 : i32
      %dma_wait3A_387 = tpu.memref_slice %arg6[%add3A_386, %dma_wait3A] : memref<50x100xi32, #tpu.memory_space<vmem>> -> memref<1x100xi32, #tpu.memory_space<vmem>>
      %dma_wait3A_388 = tpu.memref_squeeze %dma_wait3A_387 : memref<1x100xi32, #tpu.memory_space<vmem>> -> memref<100xi32, #tpu.memory_space<vmem>>
      %dma_wait3A_389 = arith.constant 0 : i32
      %dma_wait3A_390 = arith.constant 0 : i32
      %dma_wait3A_391 = tpu.memref_slice %arg2[%dma_wait3A_389, %dma_wait3A_390] : memref<10000x128xf32, #tpu.memory_space<hbm>> -> memref<10000x128xf32, #tpu.memory_space<hbm>>
      tpu.wait_indirect_dma semaphore(%arg12 : memref<!tpu.dma_semaphore, #tpu.memory_space<semaphore_mem>>) src(%dma_wait3A_391 : memref<10000x128xf32, #tpu.memory_space<hbm>>) dst(%arg8 : memref<100x128xf32, #tpu.memory_space<vmem>>)
      "tpu.region"() ({
        %run_scoped3A_416 = tpu.sem_alloc : memref<!tpu.dma_semaphore, #tpu.memory_space<semaphore_mem>>
        %dma_start3A_417 = arith.constant 0 : i32
        %dma_start3A_418 = tpu.memref_slice %arg7[%add3A_386, %dma_start3A_417] : memref<50x100xi32, #tpu.memory_space<vmem>> -> memref<1x100xi32, #tpu.memory_space<vmem>>
        %dma_start3A_419 = tpu.memref_squeeze %dma_start3A_418 : memref<1x100xi32, #tpu.memory_space<vmem>> -> memref<100xi32, #tpu.memory_space<vmem>>
        %dma_start3A_420 = arith.constant 0 : i32
        %dma_start3A_421 = arith.constant 0 : i32
        %dma_start3A_422 = tpu.memref_slice %arg11[%dma_start3A_420, %dma_start3A_421] : memref<10000x128xf32, #tpu.memory_space<vmem_shared>> -> memref<10000x128xf32, #tpu.memory_space<vmem_shared>>
        tpu.enqueue_indirect_dma source(%arg8 : memref<100x128xf32, #tpu.memory_space<vmem>>) target(%dma_start3A_422 : memref<10000x128xf32, #tpu.memory_space<vmem_shared>>) offsets(%dma_start3A_419 : memref<100xi32, #tpu.memory_space<vmem>>) semaphore(%run_scoped3A_416 : memref<!tpu.dma_semaphore, #tpu.memory_space<semaphore_mem>>) {add = true}
        %dma_wait3A_423 = arith.constant 0 : i32
        %dma_wait3A_424 = tpu.memref_slice %arg7[%add3A_386, %dma_wait3A_423] : memref<50x100xi32, #tpu.memory_space<vmem>> -> memref<1x100xi32, #tpu.memory_space<vmem>>
        %dma_wait3A_425 = tpu.memref_squeeze %dma_wait3A_424 : memref<1x100xi32, #tpu.memory_space<vmem>> -> memref<100xi32, #tpu.memory_space<vmem>>
        %dma_wait3A_426 = arith.constant 0 : i32
        %dma_wait3A_427 = arith.constant 0 : i32
        %dma_wait3A_428 = tpu.memref_slice %arg11[%dma_wait3A_426, %dma_wait3A_427] : memref<10000x128xf32, #tpu.memory_space<vmem_shared>> -> memref<10000x128xf32, #tpu.memory_space<vmem_shared>>
        tpu.wait_indirect_dma semaphore(%run_scoped3A_416 : memref<!tpu.dma_semaphore, #tpu.memory_space<semaphore_mem>>) src(%arg8 : memref<100x128xf32, #tpu.memory_space<vmem>>) dst(%dma_wait3A_428 : memref<10000x128xf32, #tpu.memory_space<vmem_shared>>)
        tpu.yield
      }) : () -> ()
      %add3A_392 = arith.constant 2 : i32
      %add3A_393 = arith.addi %add3A_386, %add3A_392 : i32
      %lt3A_394 = arith.constant 50 : i32
      %lt3A_395 = arith.cmpi slt, %add3A_393, %lt3A_394 : i32
      %convert_element_type3A_396 = arith.extui %lt3A_395 : i1 to i32
      %cond3A_397 = arith.constant 0 : i32
      %cond3A_398 = arith.cmpi ne, %convert_element_type3A_396, %cond3A_397 : i32
      scf.if %cond3A_398 {
        %add3A_416 = arith.constant 2 : i32
        %add3A_417 = arith.addi %add3A_386, %add3A_416 : i32
        %dma_start3A_418 = arith.constant 0 : i32
        %dma_start3A_419 = tpu.memref_slice %arg6[%add3A_417, %dma_start3A_418] : memref<50x100xi32, #tpu.memory_space<vmem>> -> memref<1x100xi32, #tpu.memory_space<vmem>>
        %dma_start3A_420 = tpu.memref_squeeze %dma_start3A_419 : memref<1x100xi32, #tpu.memory_space<vmem>> -> memref<100xi32, #tpu.memory_space<vmem>>
        %dma_start3A_421 = arith.constant 0 : i32
        %dma_start3A_422 = arith.constant 0 : i32
        %dma_start3A_423 = tpu.memref_slice %arg2[%dma_start3A_421, %dma_start3A_422] : memref<10000x128xf32, #tpu.memory_space<hbm>> -> memref<10000x128xf32, #tpu.memory_space<hbm>>
        tpu.enqueue_indirect_dma source(%dma_start3A_423 : memref<10000x128xf32, #tpu.memory_space<hbm>>) target(%arg8 : memref<100x128xf32, #tpu.memory_space<vmem>>) offsets(%dma_start3A_420 : memref<100xi32, #tpu.memory_space<vmem>>) semaphore(%arg12 : memref<!tpu.dma_semaphore, #tpu.memory_space<semaphore_mem>>)
      } else {
      }
      %mul3A_399 = arith.constant 2 : i32
      %mul3A_400 = arith.muli %mul3A_399, %scan3A_382 : i32
      %add3A_401 = arith.constant 1 : i32
      %add3A_402 = arith.addi %mul3A_400, %add3A_401 : i32
      %dma_wait3A_403 = arith.constant 0 : i32
      %dma_wait3A_404 = tpu.memref_slice %arg6[%add3A_402, %dma_wait3A_403] : memref<50x100xi32, #tpu.memory_space<vmem>> -> memref<1x100xi32, #tpu.memory_space<vmem>>
      %dma_wait3A_405 = tpu.memref_squeeze %dma_wait3A_404 : memref<1x100xi32, #tpu.memory_space<vmem>> -> memref<100xi32, #tpu.memory_space<vmem>>
      %dma_wait3A_406 = arith.constant 0 : i32
      %dma_wait3A_407 = arith.constant 0 : i32
      %dma_wait3A_408 = tpu.memref_slice %arg2[%dma_wait3A_406, %dma_wait3A_407] : memref<10000x128xf32, #tpu.memory_space<hbm>> -> memref<10000x128xf32, #tpu.memory_space<hbm>>
      tpu.wait_indirect_dma semaphore(%arg13 : memref<!tpu.dma_semaphore, #tpu.memory_space<semaphore_mem>>) src(%dma_wait3A_408 : memref<10000x128xf32, #tpu.memory_space<hbm>>) dst(%arg9 : memref<100x128xf32, #tpu.memory_space<vmem>>)
      "tpu.region"() ({
        %run_scoped3A_416 = tpu.sem_alloc : memref<!tpu.dma_semaphore, #tpu.memory_space<semaphore_mem>>
        %dma_start3A_417 = arith.constant 0 : i32
        %dma_start3A_418 = tpu.memref_slice %arg7[%add3A_402, %dma_start3A_417] : memref<50x100xi32, #tpu.memory_space<vmem>> -> memref<1x100xi32, #tpu.memory_space<vmem>>
        %dma_start3A_419 = tpu.memref_squeeze %dma_start3A_418 : memref<1x100xi32, #tpu.memory_space<vmem>> -> memref<100xi32, #tpu.memory_space<vmem>>
        %dma_start3A_420 = arith.constant 0 : i32
        %dma_start3A_421 = arith.constant 0 : i32
        %dma_start3A_422 = tpu.memref_slice %arg11[%dma_start3A_420, %dma_start3A_421] : memref<10000x128xf32, #tpu.memory_space<vmem_shared>> -> memref<10000x128xf32, #tpu.memory_space<vmem_shared>>
        tpu.enqueue_indirect_dma source(%arg9 : memref<100x128xf32, #tpu.memory_space<vmem>>) target(%dma_start3A_422 : memref<10000x128xf32, #tpu.memory_space<vmem_shared>>) offsets(%dma_start3A_419 : memref<100xi32, #tpu.memory_space<vmem>>) semaphore(%run_scoped3A_416 : memref<!tpu.dma_semaphore, #tpu.memory_space<semaphore_mem>>) {add = true}
        %dma_wait3A_423 = arith.constant 0 : i32
        %dma_wait3A_424 = tpu.memref_slice %arg7[%add3A_402, %dma_wait3A_423] : memref<50x100xi32, #tpu.memory_space<vmem>> -> memref<1x100xi32, #tpu.memory_space<vmem>>
        %dma_wait3A_425 = tpu.memref_squeeze %dma_wait3A_424 : memref<1x100xi32, #tpu.memory_space<vmem>> -> memref<100xi32, #tpu.memory_space<vmem>>
        %dma_wait3A_426 = arith.constant 0 : i32
        %dma_wait3A_427 = arith.constant 0 : i32
        %dma_wait3A_428 = tpu.memref_slice %arg11[%dma_wait3A_426, %dma_wait3A_427] : memref<10000x128xf32, #tpu.memory_space<vmem_shared>> -> memref<10000x128xf32, #tpu.memory_space<vmem_shared>>
        tpu.wait_indirect_dma semaphore(%run_scoped3A_416 : memref<!tpu.dma_semaphore, #tpu.memory_space<semaphore_mem>>) src(%arg9 : memref<100x128xf32, #tpu.memory_space<vmem>>) dst(%dma_wait3A_428 : memref<10000x128xf32, #tpu.memory_space<vmem_shared>>)
        tpu.yield
      }) : () -> ()
      %add3A_409 = arith.constant 2 : i32
      %add3A_410 = arith.addi %add3A_402, %add3A_409 : i32
      %lt3A_411 = arith.constant 50 : i32
      %lt3A_412 = arith.cmpi slt, %add3A_410, %lt3A_411 : i32
      %convert_element_type3A_413 = arith.extui %lt3A_412 : i1 to i32
      %cond3A_414 = arith.constant 0 : i32
      %cond3A_415 = arith.cmpi ne, %convert_element_type3A_413, %cond3A_414 : i32
      scf.if %cond3A_415 {
        %add3A_416 = arith.constant 2 : i32
        %add3A_417 = arith.addi %add3A_402, %add3A_416 : i32
        %dma_start3A_418 = arith.constant 0 : i32
        %dma_start3A_419 = tpu.memref_slice %arg6[%add3A_417, %dma_start3A_418] : memref<50x100xi32, #tpu.memory_space<vmem>> -> memref<1x100xi32, #tpu.memory_space<vmem>>
        %dma_start3A_420 = tpu.memref_squeeze %dma_start3A_419 : memref<1x100xi32, #tpu.memory_space<vmem>> -> memref<100xi32, #tpu.memory_space<vmem>>
        %dma_start3A_421 = arith.constant 0 : i32
        %dma_start3A_422 = arith.constant 0 : i32
        %dma_start3A_423 = tpu.memref_slice %arg2[%dma_start3A_421, %dma_start3A_422] : memref<10000x128xf32, #tpu.memory_space<hbm>> -> memref<10000x128xf32, #tpu.memory_space<hbm>>
        tpu.enqueue_indirect_dma source(%dma_start3A_423 : memref<10000x128xf32, #tpu.memory_space<hbm>>) target(%arg9 : memref<100x128xf32, #tpu.memory_space<vmem>>) offsets(%dma_start3A_420 : memref<100xi32, #tpu.memory_space<vmem>>) semaphore(%arg13 : memref<!tpu.dma_semaphore, #tpu.memory_space<semaphore_mem>>)
      } else {
      }
    }
    %scan3A_246 = arith.constant 25 : i32
    %run_scoped3A_247 = arith.constant 1 : i32
    "tpu.region"() ({
      %run_scoped3A_382 = tpu.sem_alloc : memref<!tpu.dma_semaphore, #tpu.memory_space<semaphore_mem>>
      %dma_start3A_383 = arith.constant 0 : i32
      %dma_start3A_384 = arith.constant 0 : i32
      %dma_start3A_385 = tpu.memref_slice %arg3[%add3A, %run_scoped3A_247, %dma_start3A_383, %dma_start3A_384] : memref<32x2x50x100xi32, #tpu.memory_space<hbm>> -> memref<1x1x50x100xi32, #tpu.memory_space<hbm>>
      %dma_start3A_386 = tpu.memref_squeeze %dma_start3A_385 : memref<1x1x50x100xi32, #tpu.memory_space<hbm>> -> memref<50x100xi32, #tpu.memory_space<hbm>>
      %dma_start3A_387 = arith.constant 0 : i32
      %dma_start3A_388 = arith.constant 0 : i32
      %dma_start3A_389 = tpu.memref_slice %arg3[%add3A, %run_scoped3A_247, %dma_start3A_387, %dma_start3A_388] : memref<32x2x50x100xi32, #tpu.memory_space<hbm>> -> memref<1x1x50x100xi32, #tpu.memory_space<hbm>>
      %dma_start3A_390 = tpu.memref_squeeze %dma_start3A_389 : memref<1x1x50x100xi32, #tpu.memory_space<hbm>> -> memref<50x100xi32, #tpu.memory_space<hbm>>
      tpu.enqueue_dma source(%dma_start3A_390 : memref<50x100xi32, #tpu.memory_space<hbm>>) target(%arg6 : memref<50x100xi32, #tpu.memory_space<vmem>>) target_semaphore(%run_scoped3A_382 : memref<!tpu.dma_semaphore, #tpu.memory_space<semaphore_mem>>)
      %dma_wait3A = arith.constant 0 : i32
      %dma_wait3A_391 = arith.constant 0 : i32
      %dma_wait3A_392 = tpu.memref_slice %arg3[%add3A, %run_scoped3A_247, %dma_wait3A, %dma_wait3A_391] : memref<32x2x50x100xi32, #tpu.memory_space<hbm>> -> memref<1x1x50x100xi32, #tpu.memory_space<hbm>>
      %dma_wait3A_393 = tpu.memref_squeeze %dma_wait3A_392 : memref<1x1x50x100xi32, #tpu.memory_space<hbm>> -> memref<50x100xi32, #tpu.memory_space<hbm>>
      %dma_wait3A_394 = arith.constant 0 : i32
      %dma_wait3A_395 = arith.constant 0 : i32
      %dma_wait3A_396 = tpu.memref_slice %arg3[%add3A, %run_scoped3A_247, %dma_wait3A_394, %dma_wait3A_395] : memref<32x2x50x100xi32, #tpu.memory_space<hbm>> -> memref<1x1x50x100xi32, #tpu.memory_space<hbm>>
      %dma_wait3A_397 = tpu.memref_squeeze %dma_wait3A_396 : memref<1x1x50x100xi32, #tpu.memory_space<hbm>> -> memref<50x100xi32, #tpu.memory_space<hbm>>
      tpu.wait_dma2 semaphore(%run_scoped3A_382 : memref<!tpu.dma_semaphore, #tpu.memory_space<semaphore_mem>>) src(%dma_wait3A_397 : memref<50x100xi32, #tpu.memory_space<hbm>>) dst(%arg6 : memref<50x100xi32, #tpu.memory_space<vmem>>)
      tpu.yield
    }) : () -> ()
    %run_scoped3A_248 = arith.constant 1 : i32
    "tpu.region"() ({
      %run_scoped3A_382 = tpu.sem_alloc : memref<!tpu.dma_semaphore, #tpu.memory_space<semaphore_mem>>
      %dma_start3A_383 = arith.constant 0 : i32
      %dma_start3A_384 = arith.constant 0 : i32
      %dma_start3A_385 = tpu.memref_slice %arg4[%add3A, %run_scoped3A_248, %dma_start3A_383, %dma_start3A_384] : memref<32x2x50x100xi32, #tpu.memory_space<hbm>> -> memref<1x1x50x100xi32, #tpu.memory_space<hbm>>
      %dma_start3A_386 = tpu.memref_squeeze %dma_start3A_385 : memref<1x1x50x100xi32, #tpu.memory_space<hbm>> -> memref<50x100xi32, #tpu.memory_space<hbm>>
      %dma_start3A_387 = arith.constant 0 : i32
      %dma_start3A_388 = arith.constant 0 : i32
      %dma_start3A_389 = tpu.memref_slice %arg4[%add3A, %run_scoped3A_248, %dma_start3A_387, %dma_start3A_388] : memref<32x2x50x100xi32, #tpu.memory_space<hbm>> -> memref<1x1x50x100xi32, #tpu.memory_space<hbm>>
      %dma_start3A_390 = tpu.memref_squeeze %dma_start3A_389 : memref<1x1x50x100xi32, #tpu.memory_space<hbm>> -> memref<50x100xi32, #tpu.memory_space<hbm>>
      tpu.enqueue_dma source(%dma_start3A_390 : memref<50x100xi32, #tpu.memory_space<hbm>>) target(%arg7 : memref<50x100xi32, #tpu.memory_space<vmem>>) target_semaphore(%run_scoped3A_382 : memref<!tpu.dma_semaphore, #tpu.memory_space<semaphore_mem>>)
      %dma_wait3A = arith.constant 0 : i32
      %dma_wait3A_391 = arith.constant 0 : i32
      %dma_wait3A_392 = tpu.memref_slice %arg4[%add3A, %run_scoped3A_248, %dma_wait3A, %dma_wait3A_391] : memref<32x2x50x100xi32, #tpu.memory_space<hbm>> -> memref<1x1x50x100xi32, #tpu.memory_space<hbm>>
      %dma_wait3A_393 = tpu.memref_squeeze %dma_wait3A_392 : memref<1x1x50x100xi32, #tpu.memory_space<hbm>> -> memref<50x100xi32, #tpu.memory_space<hbm>>
      %dma_wait3A_394 = arith.constant 0 : i32
      %dma_wait3A_395 = arith.constant 0 : i32
      %dma_wait3A_396 = tpu.memref_slice %arg4[%add3A, %run_scoped3A_248, %dma_wait3A_394, %dma_wait3A_395] : memref<32x2x50x100xi32, #tpu.memory_space<hbm>> -> memref<1x1x50x100xi32, #tpu.memory_space<hbm>>
      %dma_wait3A_397 = tpu.memref_squeeze %dma_wait3A_396 : memref<1x1x50x100xi32, #tpu.memory_space<hbm>> -> memref<50x100xi32, #tpu.memory_space<hbm>>
      tpu.wait_dma2 semaphore(%run_scoped3A_382 : memref<!tpu.dma_semaphore, #tpu.memory_space<semaphore_mem>>) src(%dma_wait3A_397 : memref<50x100xi32, #tpu.memory_space<hbm>>) dst(%arg7 : memref<50x100xi32, #tpu.memory_space<vmem>>)
      tpu.yield
    }) : () -> ()
    %dma_start3A_249 = arith.constant 0 : i32
    %dma_start3A_250 = arith.constant 0 : i32
    %dma_start3A_251 = tpu.memref_slice %arg6[%dma_start3A_249, %dma_start3A_250] : memref<50x100xi32, #tpu.memory_space<vmem>> -> memref<1x100xi32, #tpu.memory_space<vmem>>
    %dma_start3A_252 = tpu.memref_squeeze %dma_start3A_251 : memref<1x100xi32, #tpu.memory_space<vmem>> -> memref<100xi32, #tpu.memory_space<vmem>>
    %dma_start3A_253 = arith.constant 0 : i32
    %dma_start3A_254 = arith.constant 0 : i32
    %dma_start3A_255 = tpu.memref_slice %arg2[%dma_start3A_253, %dma_start3A_254] : memref<10000x128xf32, #tpu.memory_space<hbm>> -> memref<10000x128xf32, #tpu.memory_space<hbm>>
    tpu.enqueue_indirect_dma source(%dma_start3A_255 : memref<10000x128xf32, #tpu.memory_space<hbm>>) target(%arg8 : memref<100x128xf32, #tpu.memory_space<vmem>>) offsets(%dma_start3A_252 : memref<100xi32, #tpu.memory_space<vmem>>) semaphore(%arg12 : memref<!tpu.dma_semaphore, #tpu.memory_space<semaphore_mem>>)
    %dma_start3A_256 = arith.constant 1 : i32
    %dma_start3A_257 = arith.constant 0 : i32
    %dma_start3A_258 = tpu.memref_slice %arg6[%dma_start3A_256, %dma_start3A_257] : memref<50x100xi32, #tpu.memory_space<vmem>> -> memref<1x100xi32, #tpu.memory_space<vmem>>
    %dma_start3A_259 = tpu.memref_squeeze %dma_start3A_258 : memref<1x100xi32, #tpu.memory_space<vmem>> -> memref<100xi32, #tpu.memory_space<vmem>>
    %dma_start3A_260 = arith.constant 0 : i32
    %dma_start3A_261 = arith.constant 0 : i32
    %dma_start3A_262 = tpu.memref_slice %arg2[%dma_start3A_260, %dma_start3A_261] : memref<10000x128xf32, #tpu.memory_space<hbm>> -> memref<10000x128xf32, #tpu.memory_space<hbm>>
    tpu.enqueue_indirect_dma source(%dma_start3A_262 : memref<10000x128xf32, #tpu.memory_space<hbm>>) target(%arg9 : memref<100x128xf32, #tpu.memory_space<vmem>>) offsets(%dma_start3A_259 : memref<100xi32, #tpu.memory_space<vmem>>) semaphore(%arg13 : memref<!tpu.dma_semaphore, #tpu.memory_space<semaphore_mem>>)
    %scan3A_263 = arith.constant 0 : i32
    %scan3A_264 = arith.constant 0 : i32
    %scan3A_265 = arith.constant 25 : i32
    %scan3A_266 = arith.addi %scan3A_264, %scan3A_265 : i32
    %scan3A_267 = arith.constant 1 : i32
    scf.for %scan3A_382 = %scan3A_264 to %scan3A_266 step %scan3A_267  : i32 {
      %mul3A_383 = arith.constant 2 : i32
      %mul3A_384 = arith.muli %mul3A_383, %scan3A_382 : i32
      %add3A_385 = arith.constant 0 : i32
      %add3A_386 = arith.addi %mul3A_384, %add3A_385 : i32
      %dma_wait3A = arith.constant 0 : i32
      %dma_wait3A_387 = tpu.memref_slice %arg6[%add3A_386, %dma_wait3A] : memref<50x100xi32, #tpu.memory_space<vmem>> -> memref<1x100xi32, #tpu.memory_space<vmem>>
      %dma_wait3A_388 = tpu.memref_squeeze %dma_wait3A_387 : memref<1x100xi32, #tpu.memory_space<vmem>> -> memref<100xi32, #tpu.memory_space<vmem>>
      %dma_wait3A_389 = arith.constant 0 : i32
      %dma_wait3A_390 = arith.constant 0 : i32
      %dma_wait3A_391 = tpu.memref_slice %arg2[%dma_wait3A_389, %dma_wait3A_390] : memref<10000x128xf32, #tpu.memory_space<hbm>> -> memref<10000x128xf32, #tpu.memory_space<hbm>>
      tpu.wait_indirect_dma semaphore(%arg12 : memref<!tpu.dma_semaphore, #tpu.memory_space<semaphore_mem>>) src(%dma_wait3A_391 : memref<10000x128xf32, #tpu.memory_space<hbm>>) dst(%arg8 : memref<100x128xf32, #tpu.memory_space<vmem>>)
      "tpu.region"() ({
        %run_scoped3A_416 = tpu.sem_alloc : memref<!tpu.dma_semaphore, #tpu.memory_space<semaphore_mem>>
        %dma_start3A_417 = arith.constant 0 : i32
        %dma_start3A_418 = tpu.memref_slice %arg7[%add3A_386, %dma_start3A_417] : memref<50x100xi32, #tpu.memory_space<vmem>> -> memref<1x100xi32, #tpu.memory_space<vmem>>
        %dma_start3A_419 = tpu.memref_squeeze %dma_start3A_418 : memref<1x100xi32, #tpu.memory_space<vmem>> -> memref<100xi32, #tpu.memory_space<vmem>>
        %dma_start3A_420 = arith.constant 0 : i32
        %dma_start3A_421 = arith.constant 0 : i32
        %dma_start3A_422 = tpu.memref_slice %arg11[%dma_start3A_420, %dma_start3A_421] : memref<10000x128xf32, #tpu.memory_space<vmem_shared>> -> memref<10000x128xf32, #tpu.memory_space<vmem_shared>>
        tpu.enqueue_indirect_dma source(%arg8 : memref<100x128xf32, #tpu.memory_space<vmem>>) target(%dma_start3A_422 : memref<10000x128xf32, #tpu.memory_space<vmem_shared>>) offsets(%dma_start3A_419 : memref<100xi32, #tpu.memory_space<vmem>>) semaphore(%run_scoped3A_416 : memref<!tpu.dma_semaphore, #tpu.memory_space<semaphore_mem>>) {add = true}
        %dma_wait3A_423 = arith.constant 0 : i32
        %dma_wait3A_424 = tpu.memref_slice %arg7[%add3A_386, %dma_wait3A_423] : memref<50x100xi32, #tpu.memory_space<vmem>> -> memref<1x100xi32, #tpu.memory_space<vmem>>
        %dma_wait3A_425 = tpu.memref_squeeze %dma_wait3A_424 : memref<1x100xi32, #tpu.memory_space<vmem>> -> memref<100xi32, #tpu.memory_space<vmem>>
        %dma_wait3A_426 = arith.constant 0 : i32
        %dma_wait3A_427 = arith.constant 0 : i32
        %dma_wait3A_428 = tpu.memref_slice %arg11[%dma_wait3A_426, %dma_wait3A_427] : memref<10000x128xf32, #tpu.memory_space<vmem_shared>> -> memref<10000x128xf32, #tpu.memory_space<vmem_shared>>
        tpu.wait_indirect_dma semaphore(%run_scoped3A_416 : memref<!tpu.dma_semaphore, #tpu.memory_space<semaphore_mem>>) src(%arg8 : memref<100x128xf32, #tpu.memory_space<vmem>>) dst(%dma_wait3A_428 : memref<10000x128xf32, #tpu.memory_space<vmem_shared>>)
        tpu.yield
      }) : () -> ()
      %add3A_392 = arith.constant 2 : i32
      %add3A_393 = arith.addi %add3A_386, %add3A_392 : i32
      %lt3A_394 = arith.constant 50 : i32
      %lt3A_395 = arith.cmpi slt, %add3A_393, %lt3A_394 : i32
      %convert_element_type3A_396 = arith.extui %lt3A_395 : i1 to i32
      %cond3A_397 = arith.constant 0 : i32
      %cond3A_398 = arith.cmpi ne, %convert_element_type3A_396, %cond3A_397 : i32
      scf.if %cond3A_398 {
        %add3A_416 = arith.constant 2 : i32
        %add3A_417 = arith.addi %add3A_386, %add3A_416 : i32
        %dma_start3A_418 = arith.constant 0 : i32
        %dma_start3A_419 = tpu.memref_slice %arg6[%add3A_417, %dma_start3A_418] : memref<50x100xi32, #tpu.memory_space<vmem>> -> memref<1x100xi32, #tpu.memory_space<vmem>>
        %dma_start3A_420 = tpu.memref_squeeze %dma_start3A_419 : memref<1x100xi32, #tpu.memory_space<vmem>> -> memref<100xi32, #tpu.memory_space<vmem>>
        %dma_start3A_421 = arith.constant 0 : i32
        %dma_start3A_422 = arith.constant 0 : i32
        %dma_start3A_423 = tpu.memref_slice %arg2[%dma_start3A_421, %dma_start3A_422] : memref<10000x128xf32, #tpu.memory_space<hbm>> -> memref<10000x128xf32, #tpu.memory_space<hbm>>
        tpu.enqueue_indirect_dma source(%dma_start3A_423 : memref<10000x128xf32, #tpu.memory_space<hbm>>) target(%arg8 : memref<100x128xf32, #tpu.memory_space<vmem>>) offsets(%dma_start3A_420 : memref<100xi32, #tpu.memory_space<vmem>>) semaphore(%arg12 : memref<!tpu.dma_semaphore, #tpu.memory_space<semaphore_mem>>)
      } else {
      }
      %mul3A_399 = arith.constant 2 : i32
      %mul3A_400 = arith.muli %mul3A_399, %scan3A_382 : i32
      %add3A_401 = arith.constant 1 : i32
      %add3A_402 = arith.addi %mul3A_400, %add3A_401 : i32
      %dma_wait3A_403 = arith.constant 0 : i32
      %dma_wait3A_404 = tpu.memref_slice %arg6[%add3A_402, %dma_wait3A_403] : memref<50x100xi32, #tpu.memory_space<vmem>> -> memref<1x100xi32, #tpu.memory_space<vmem>>
      %dma_wait3A_405 = tpu.memref_squeeze %dma_wait3A_404 : memref<1x100xi32, #tpu.memory_space<vmem>> -> memref<100xi32, #tpu.memory_space<vmem>>
      %dma_wait3A_406 = arith.constant 0 : i32
      %dma_wait3A_407 = arith.constant 0 : i32
      %dma_wait3A_408 = tpu.memref_slice %arg2[%dma_wait3A_406, %dma_wait3A_407] : memref<10000x128xf32, #tpu.memory_space<hbm>> -> memref<10000x128xf32, #tpu.memory_space<hbm>>
      tpu.wait_indirect_dma semaphore(%arg13 : memref<!tpu.dma_semaphore, #tpu.memory_space<semaphore_mem>>) src(%dma_wait3A_408 : memref<10000x128xf32, #tpu.memory_space<hbm>>) dst(%arg9 : memref<100x128xf32, #tpu.memory_space<vmem>>)
      "tpu.region"() ({
        %run_scoped3A_416 = tpu.sem_alloc : memref<!tpu.dma_semaphore, #tpu.memory_space<semaphore_mem>>
        %dma_start3A_417 = arith.constant 0 : i32
        %dma_start3A_418 = tpu.memref_slice %arg7[%add3A_402, %dma_start3A_417] : memref<50x100xi32, #tpu.memory_space<vmem>> -> memref<1x100xi32, #tpu.memory_space<vmem>>
        %dma_start3A_419 = tpu.memref_squeeze %dma_start3A_418 : memref<1x100xi32, #tpu.memory_space<vmem>> -> memref<100xi32, #tpu.memory_space<vmem>>
        %dma_start3A_420 = arith.constant 0 : i32
        %dma_start3A_421 = arith.constant 0 : i32
        %dma_start3A_422 = tpu.memref_slice %arg11[%dma_start3A_420, %dma_start3A_421] : memref<10000x128xf32, #tpu.memory_space<vmem_shared>> -> memref<10000x128xf32, #tpu.memory_space<vmem_shared>>
        tpu.enqueue_indirect_dma source(%arg9 : memref<100x128xf32, #tpu.memory_space<vmem>>) target(%dma_start3A_422 : memref<10000x128xf32, #tpu.memory_space<vmem_shared>>) offsets(%dma_start3A_419 : memref<100xi32, #tpu.memory_space<vmem>>) semaphore(%run_scoped3A_416 : memref<!tpu.dma_semaphore, #tpu.memory_space<semaphore_mem>>) {add = true}
        %dma_wait3A_423 = arith.constant 0 : i32
        %dma_wait3A_424 = tpu.memref_slice %arg7[%add3A_402, %dma_wait3A_423] : memref<50x100xi32, #tpu.memory_space<vmem>> -> memref<1x100xi32, #tpu.memory_space<vmem>>
        %dma_wait3A_425 = tpu.memref_squeeze %dma_wait3A_424 : memref<1x100xi32, #tpu.memory_space<vmem>> -> memref<100xi32, #tpu.memory_space<vmem>>
        %dma_wait3A_426 = arith.constant 0 : i32
        %dma_wait3A_427 = arith.constant 0 : i32
        %dma_wait3A_428 = tpu.memref_slice %arg11[%dma_wait3A_426, %dma_wait3A_427] : memref<10000x128xf32, #tpu.memory_space<vmem_shared>> -> memref<10000x128xf32, #tpu.memory_space<vmem_shared>>
        tpu.wait_indirect_dma semaphore(%run_scoped3A_416 : memref<!tpu.dma_semaphore, #tpu.memory_space<semaphore_mem>>) src(%arg9 : memref<100x128xf32, #tpu.memory_space<vmem>>) dst(%dma_wait3A_428 : memref<10000x128xf32, #tpu.memory_space<vmem_shared>>)
        tpu.yield
      }) : () -> ()
      %add3A_409 = arith.constant 2 : i32
      %add3A_410 = arith.addi %add3A_402, %add3A_409 : i32
      %lt3A_411 = arith.constant 50 : i32
      %lt3A_412 = arith.cmpi slt, %add3A_410, %lt3A_411 : i32
      %convert_element_type3A_413 = arith.extui %lt3A_412 : i1 to i32
      %cond3A_414 = arith.constant 0 : i32
      %cond3A_415 = arith.cmpi ne, %convert_element_type3A_413, %cond3A_414 : i32
      scf.if %cond3A_415 {
        %add3A_416 = arith.constant 2 : i32
        %add3A_417 = arith.addi %add3A_402, %add3A_416 : i32
        %dma_start3A_418 = arith.constant 0 : i32
        %dma_start3A_419 = tpu.memref_slice %arg6[%add3A_417, %dma_start3A_418] : memref<50x100xi32, #tpu.memory_space<vmem>> -> memref<1x100xi32, #tpu.memory_space<vmem>>
        %dma_start3A_420 = tpu.memref_squeeze %dma_start3A_419 : memref<1x100xi32, #tpu.memory_space<vmem>> -> memref<100xi32, #tpu.memory_space<vmem>>
        %dma_start3A_421 = arith.constant 0 : i32
        %dma_start3A_422 = arith.constant 0 : i32
        %dma_start3A_423 = tpu.memref_slice %arg2[%dma_start3A_421, %dma_start3A_422] : memref<10000x128xf32, #tpu.memory_space<hbm>> -> memref<10000x128xf32, #tpu.memory_space<hbm>>
        tpu.enqueue_indirect_dma source(%dma_start3A_423 : memref<10000x128xf32, #tpu.memory_space<hbm>>) target(%arg9 : memref<100x128xf32, #tpu.memory_space<vmem>>) offsets(%dma_start3A_420 : memref<100xi32, #tpu.memory_space<vmem>>) semaphore(%arg13 : memref<!tpu.dma_semaphore, #tpu.memory_space<semaphore_mem>>)
      } else {
      }
    }
    %scan3A_268 = arith.constant 25 : i32
    %barrier3A_269 = arith.constant 0 : index
    tpu.barrier barrier_id(%barrier3A_269)
    %add3A_270 = arith.constant 0 : i32
    %add3A_271 = arith.addi %arg1, %add3A_270 : i32
    %lt3A_272 = arith.constant 125 : i32
    %lt3A_273 = arith.cmpi slt, %add3A_271, %lt3A_272 : i32
    %convert_element_type3A_274 = arith.extui %lt3A_273 : i1 to i32
    %cond3A_275 = arith.constant 0 : i32
    %cond3A_276 = arith.cmpi ne, %convert_element_type3A_274, %cond3A_275 : i32
    scf.if %cond3A_276 {
      %mul3A_382 = arith.constant 80 : i32
      %mul3A_383 = arith.muli %add3A_271, %mul3A_382 : i32
      %multiple_of3A = tpu.assume_multiple %mul3A_383, 8 : i32
      %dma_start3A_384 = arith.constant 0 : i32
      %dma_start3A_385 = tpu.memref_slice %arg5[%arg0, %multiple_of3A, %dma_start3A_384] : memref<2x10000x128xf32, #tpu.memory_space<hbm>> -> memref<1x80x128xf32, #tpu.memory_space<hbm>>
      %dma_start3A_386 = tpu.memref_squeeze %dma_start3A_385 : memref<1x80x128xf32, #tpu.memory_space<hbm>> -> memref<80x128xf32, #tpu.memory_space<hbm>>
      %dma_start3A_387 = arith.constant 0 : i32
      %dma_start3A_388 = tpu.memref_slice %arg11[%multiple_of3A, %dma_start3A_387] : memref<10000x128xf32, #tpu.memory_space<vmem_shared>> -> memref<80x128xf32, #tpu.memory_space<vmem_shared>>
      tpu.enqueue_dma source(%dma_start3A_388 : memref<80x128xf32, #tpu.memory_space<vmem_shared>>) target(%dma_start3A_386 : memref<80x128xf32, #tpu.memory_space<hbm>>) target_semaphore(%arg12 : memref<!tpu.dma_semaphore, #tpu.memory_space<semaphore_mem>>)
    } else {
    }
    %add3A_277 = arith.constant 16 : i32
    %add3A_278 = arith.addi %arg1, %add3A_277 : i32
    %lt3A_279 = arith.constant 125 : i32
    %lt3A_280 = arith.cmpi slt, %add3A_278, %lt3A_279 : i32
    %convert_element_type3A_281 = arith.extui %lt3A_280 : i1 to i32
    %cond3A_282 = arith.constant 0 : i32
    %cond3A_283 = arith.cmpi ne, %convert_element_type3A_281, %cond3A_282 : i32
    scf.if %cond3A_283 {
      %mul3A_382 = arith.constant 80 : i32
      %mul3A_383 = arith.muli %add3A_278, %mul3A_382 : i32
      %multiple_of3A = tpu.assume_multiple %mul3A_383, 8 : i32
      %dma_start3A_384 = arith.constant 0 : i32
      %dma_start3A_385 = tpu.memref_slice %arg5[%arg0, %multiple_of3A, %dma_start3A_384] : memref<2x10000x128xf32, #tpu.memory_space<hbm>> -> memref<1x80x128xf32, #tpu.memory_space<hbm>>
      %dma_start3A_386 = tpu.memref_squeeze %dma_start3A_385 : memref<1x80x128xf32, #tpu.memory_space<hbm>> -> memref<80x128xf32, #tpu.memory_space<hbm>>
      %dma_start3A_387 = arith.constant 0 : i32
      %dma_start3A_388 = tpu.memref_slice %arg11[%multiple_of3A, %dma_start3A_387] : memref<10000x128xf32, #tpu.memory_space<vmem_shared>> -> memref<80x128xf32, #tpu.memory_space<vmem_shared>>
      tpu.enqueue_dma source(%dma_start3A_388 : memref<80x128xf32, #tpu.memory_space<vmem_shared>>) target(%dma_start3A_386 : memref<80x128xf32, #tpu.memory_space<hbm>>) target_semaphore(%arg12 : memref<!tpu.dma_semaphore, #tpu.memory_space<semaphore_mem>>)
    } else {
    }
    %add3A_284 = arith.constant 32 : i32
    %add3A_285 = arith.addi %arg1, %add3A_284 : i32
    %lt3A_286 = arith.constant 125 : i32
    %lt3A_287 = arith.cmpi slt, %add3A_285, %lt3A_286 : i32
    %convert_element_type3A_288 = arith.extui %lt3A_287 : i1 to i32
    %cond3A_289 = arith.constant 0 : i32
    %cond3A_290 = arith.cmpi ne, %convert_element_type3A_288, %cond3A_289 : i32
    scf.if %cond3A_290 {
      %mul3A_382 = arith.constant 80 : i32
      %mul3A_383 = arith.muli %add3A_285, %mul3A_382 : i32
      %multiple_of3A = tpu.assume_multiple %mul3A_383, 8 : i32
      %dma_start3A_384 = arith.constant 0 : i32
      %dma_start3A_385 = tpu.memref_slice %arg5[%arg0, %multiple_of3A, %dma_start3A_384] : memref<2x10000x128xf32, #tpu.memory_space<hbm>> -> memref<1x80x128xf32, #tpu.memory_space<hbm>>
      %dma_start3A_386 = tpu.memref_squeeze %dma_start3A_385 : memref<1x80x128xf32, #tpu.memory_space<hbm>> -> memref<80x128xf32, #tpu.memory_space<hbm>>
      %dma_start3A_387 = arith.constant 0 : i32
      %dma_start3A_388 = tpu.memref_slice %arg11[%multiple_of3A, %dma_start3A_387] : memref<10000x128xf32, #tpu.memory_space<vmem_shared>> -> memref<80x128xf32, #tpu.memory_space<vmem_shared>>
      tpu.enqueue_dma source(%dma_start3A_388 : memref<80x128xf32, #tpu.memory_space<vmem_shared>>) target(%dma_start3A_386 : memref<80x128xf32, #tpu.memory_space<hbm>>) target_semaphore(%arg12 : memref<!tpu.dma_semaphore, #tpu.memory_space<semaphore_mem>>)
    } else {
    }
    %add3A_291 = arith.constant 48 : i32
    %add3A_292 = arith.addi %arg1, %add3A_291 : i32
    %lt3A_293 = arith.constant 125 : i32
    %lt3A_294 = arith.cmpi slt, %add3A_292, %lt3A_293 : i32
    %convert_element_type3A_295 = arith.extui %lt3A_294 : i1 to i32
    %cond3A_296 = arith.constant 0 : i32
    %cond3A_297 = arith.cmpi ne, %convert_element_type3A_295, %cond3A_296 : i32
    scf.if %cond3A_297 {
      %mul3A_382 = arith.constant 80 : i32
      %mul3A_383 = arith.muli %add3A_292, %mul3A_382 : i32
      %multiple_of3A = tpu.assume_multiple %mul3A_383, 8 : i32
      %dma_start3A_384 = arith.constant 0 : i32
      %dma_start3A_385 = tpu.memref_slice %arg5[%arg0, %multiple_of3A, %dma_start3A_384] : memref<2x10000x128xf32, #tpu.memory_space<hbm>> -> memref<1x80x128xf32, #tpu.memory_space<hbm>>
      %dma_start3A_386 = tpu.memref_squeeze %dma_start3A_385 : memref<1x80x128xf32, #tpu.memory_space<hbm>> -> memref<80x128xf32, #tpu.memory_space<hbm>>
      %dma_start3A_387 = arith.constant 0 : i32
      %dma_start3A_388 = tpu.memref_slice %arg11[%multiple_of3A, %dma_start3A_387] : memref<10000x128xf32, #tpu.memory_space<vmem_shared>> -> memref<80x128xf32, #tpu.memory_space<vmem_shared>>
      tpu.enqueue_dma source(%dma_start3A_388 : memref<80x128xf32, #tpu.memory_space<vmem_shared>>) target(%dma_start3A_386 : memref<80x128xf32, #tpu.memory_space<hbm>>) target_semaphore(%arg12 : memref<!tpu.dma_semaphore, #tpu.memory_space<semaphore_mem>>)
    } else {
    }
    %add3A_298 = arith.constant 64 : i32
    %add3A_299 = arith.addi %arg1, %add3A_298 : i32
    %lt3A_300 = arith.constant 125 : i32
    %lt3A_301 = arith.cmpi slt, %add3A_299, %lt3A_300 : i32
    %convert_element_type3A_302 = arith.extui %lt3A_301 : i1 to i32
    %cond3A_303 = arith.constant 0 : i32
    %cond3A_304 = arith.cmpi ne, %convert_element_type3A_302, %cond3A_303 : i32
    scf.if %cond3A_304 {
      %mul3A_382 = arith.constant 80 : i32
      %mul3A_383 = arith.muli %add3A_299, %mul3A_382 : i32
      %multiple_of3A = tpu.assume_multiple %mul3A_383, 8 : i32
      %dma_start3A_384 = arith.constant 0 : i32
      %dma_start3A_385 = tpu.memref_slice %arg5[%arg0, %multiple_of3A, %dma_start3A_384] : memref<2x10000x128xf32, #tpu.memory_space<hbm>> -> memref<1x80x128xf32, #tpu.memory_space<hbm>>
      %dma_start3A_386 = tpu.memref_squeeze %dma_start3A_385 : memref<1x80x128xf32, #tpu.memory_space<hbm>> -> memref<80x128xf32, #tpu.memory_space<hbm>>
      %dma_start3A_387 = arith.constant 0 : i32
      %dma_start3A_388 = tpu.memref_slice %arg11[%multiple_of3A, %dma_start3A_387] : memref<10000x128xf32, #tpu.memory_space<vmem_shared>> -> memref<80x128xf32, #tpu.memory_space<vmem_shared>>
      tpu.enqueue_dma source(%dma_start3A_388 : memref<80x128xf32, #tpu.memory_space<vmem_shared>>) target(%dma_start3A_386 : memref<80x128xf32, #tpu.memory_space<hbm>>) target_semaphore(%arg12 : memref<!tpu.dma_semaphore, #tpu.memory_space<semaphore_mem>>)
    } else {
    }
    %add3A_305 = arith.constant 80 : i32
    %add3A_306 = arith.addi %arg1, %add3A_305 : i32
    %lt3A_307 = arith.constant 125 : i32
    %lt3A_308 = arith.cmpi slt, %add3A_306, %lt3A_307 : i32
    %convert_element_type3A_309 = arith.extui %lt3A_308 : i1 to i32
    %cond3A_310 = arith.constant 0 : i32
    %cond3A_311 = arith.cmpi ne, %convert_element_type3A_309, %cond3A_310 : i32
    scf.if %cond3A_311 {
      %mul3A_382 = arith.constant 80 : i32
      %mul3A_383 = arith.muli %add3A_306, %mul3A_382 : i32
      %multiple_of3A = tpu.assume_multiple %mul3A_383, 8 : i32
      %dma_start3A_384 = arith.constant 0 : i32
      %dma_start3A_385 = tpu.memref_slice %arg5[%arg0, %multiple_of3A, %dma_start3A_384] : memref<2x10000x128xf32, #tpu.memory_space<hbm>> -> memref<1x80x128xf32, #tpu.memory_space<hbm>>
      %dma_start3A_386 = tpu.memref_squeeze %dma_start3A_385 : memref<1x80x128xf32, #tpu.memory_space<hbm>> -> memref<80x128xf32, #tpu.memory_space<hbm>>
      %dma_start3A_387 = arith.constant 0 : i32
      %dma_start3A_388 = tpu.memref_slice %arg11[%multiple_of3A, %dma_start3A_387] : memref<10000x128xf32, #tpu.memory_space<vmem_shared>> -> memref<80x128xf32, #tpu.memory_space<vmem_shared>>
      tpu.enqueue_dma source(%dma_start3A_388 : memref<80x128xf32, #tpu.memory_space<vmem_shared>>) target(%dma_start3A_386 : memref<80x128xf32, #tpu.memory_space<hbm>>) target_semaphore(%arg12 : memref<!tpu.dma_semaphore, #tpu.memory_space<semaphore_mem>>)
    } else {
    }
    %add3A_312 = arith.constant 96 : i32
    %add3A_313 = arith.addi %arg1, %add3A_312 : i32
    %lt3A_314 = arith.constant 125 : i32
    %lt3A_315 = arith.cmpi slt, %add3A_313, %lt3A_314 : i32
    %convert_element_type3A_316 = arith.extui %lt3A_315 : i1 to i32
    %cond3A_317 = arith.constant 0 : i32
    %cond3A_318 = arith.cmpi ne, %convert_element_type3A_316, %cond3A_317 : i32
    scf.if %cond3A_318 {
      %mul3A_382 = arith.constant 80 : i32
      %mul3A_383 = arith.muli %add3A_313, %mul3A_382 : i32
      %multiple_of3A = tpu.assume_multiple %mul3A_383, 8 : i32
      %dma_start3A_384 = arith.constant 0 : i32
      %dma_start3A_385 = tpu.memref_slice %arg5[%arg0, %multiple_of3A, %dma_start3A_384] : memref<2x10000x128xf32, #tpu.memory_space<hbm>> -> memref<1x80x128xf32, #tpu.memory_space<hbm>>
      %dma_start3A_386 = tpu.memref_squeeze %dma_start3A_385 : memref<1x80x128xf32, #tpu.memory_space<hbm>> -> memref<80x128xf32, #tpu.memory_space<hbm>>
      %dma_start3A_387 = arith.constant 0 : i32
      %dma_start3A_388 = tpu.memref_slice %arg11[%multiple_of3A, %dma_start3A_387] : memref<10000x128xf32, #tpu.memory_space<vmem_shared>> -> memref<80x128xf32, #tpu.memory_space<vmem_shared>>
      tpu.enqueue_dma source(%dma_start3A_388 : memref<80x128xf32, #tpu.memory_space<vmem_shared>>) target(%dma_start3A_386 : memref<80x128xf32, #tpu.memory_space<hbm>>) target_semaphore(%arg12 : memref<!tpu.dma_semaphore, #tpu.memory_space<semaphore_mem>>)
    } else {
    }
    %add3A_319 = arith.constant 112 : i32
    %add3A_320 = arith.addi %arg1, %add3A_319 : i32
    %lt3A_321 = arith.constant 125 : i32
    %lt3A_322 = arith.cmpi slt, %add3A_320, %lt3A_321 : i32
    %convert_element_type3A_323 = arith.extui %lt3A_322 : i1 to i32
    %cond3A_324 = arith.constant 0 : i32
    %cond3A_325 = arith.cmpi ne, %convert_element_type3A_323, %cond3A_324 : i32
    scf.if %cond3A_325 {
      %mul3A_382 = arith.constant 80 : i32
      %mul3A_383 = arith.muli %add3A_320, %mul3A_382 : i32
      %multiple_of3A = tpu.assume_multiple %mul3A_383, 8 : i32
      %dma_start3A_384 = arith.constant 0 : i32
      %dma_start3A_385 = tpu.memref_slice %arg5[%arg0, %multiple_of3A, %dma_start3A_384] : memref<2x10000x128xf32, #tpu.memory_space<hbm>> -> memref<1x80x128xf32, #tpu.memory_space<hbm>>
      %dma_start3A_386 = tpu.memref_squeeze %dma_start3A_385 : memref<1x80x128xf32, #tpu.memory_space<hbm>> -> memref<80x128xf32, #tpu.memory_space<hbm>>
      %dma_start3A_387 = arith.constant 0 : i32
      %dma_start3A_388 = tpu.memref_slice %arg11[%multiple_of3A, %dma_start3A_387] : memref<10000x128xf32, #tpu.memory_space<vmem_shared>> -> memref<80x128xf32, #tpu.memory_space<vmem_shared>>
      tpu.enqueue_dma source(%dma_start3A_388 : memref<80x128xf32, #tpu.memory_space<vmem_shared>>) target(%dma_start3A_386 : memref<80x128xf32, #tpu.memory_space<hbm>>) target_semaphore(%arg12 : memref<!tpu.dma_semaphore, #tpu.memory_space<semaphore_mem>>)
    } else {
    }
    %add3A_326 = arith.constant 0 : i32
    %add3A_327 = arith.addi %arg1, %add3A_326 : i32
    %lt3A_328 = arith.constant 125 : i32
    %lt3A_329 = arith.cmpi slt, %add3A_327, %lt3A_328 : i32
    %convert_element_type3A_330 = arith.extui %lt3A_329 : i1 to i32
    %cond3A_331 = arith.constant 0 : i32
    %cond3A_332 = arith.cmpi ne, %convert_element_type3A_330, %cond3A_331 : i32
    scf.if %cond3A_332 {
      %mul3A_382 = arith.constant 80 : i32
      %mul3A_383 = arith.muli %add3A_327, %mul3A_382 : i32
      %multiple_of3A = tpu.assume_multiple %mul3A_383, 8 : i32
      %dma_wait3A = arith.constant 0 : i32
      %dma_wait3A_384 = tpu.memref_slice %arg5[%arg0, %multiple_of3A, %dma_wait3A] : memref<2x10000x128xf32, #tpu.memory_space<hbm>> -> memref<1x80x128xf32, #tpu.memory_space<hbm>>
      %dma_wait3A_385 = tpu.memref_squeeze %dma_wait3A_384 : memref<1x80x128xf32, #tpu.memory_space<hbm>> -> memref<80x128xf32, #tpu.memory_space<hbm>>
      %dma_wait3A_386 = arith.constant 0 : i32
      %dma_wait3A_387 = tpu.memref_slice %arg11[%multiple_of3A, %dma_wait3A_386] : memref<10000x128xf32, #tpu.memory_space<vmem_shared>> -> memref<80x128xf32, #tpu.memory_space<vmem_shared>>
      tpu.wait_dma2 semaphore(%arg12 : memref<!tpu.dma_semaphore, #tpu.memory_space<semaphore_mem>>) src(%dma_wait3A_387 : memref<80x128xf32, #tpu.memory_space<vmem_shared>>) dst(%dma_wait3A_385 : memref<80x128xf32, #tpu.memory_space<hbm>>)
    } else {
    }
    %add3A_333 = arith.constant 16 : i32
    %add3A_334 = arith.addi %arg1, %add3A_333 : i32
    %lt3A_335 = arith.constant 125 : i32
    %lt3A_336 = arith.cmpi slt, %add3A_334, %lt3A_335 : i32
    %convert_element_type3A_337 = arith.extui %lt3A_336 : i1 to i32
    %cond3A_338 = arith.constant 0 : i32
    %cond3A_339 = arith.cmpi ne, %convert_element_type3A_337, %cond3A_338 : i32
    scf.if %cond3A_339 {
      %mul3A_382 = arith.constant 80 : i32
      %mul3A_383 = arith.muli %add3A_334, %mul3A_382 : i32
      %multiple_of3A = tpu.assume_multiple %mul3A_383, 8 : i32
      %dma_wait3A = arith.constant 0 : i32
      %dma_wait3A_384 = tpu.memref_slice %arg5[%arg0, %multiple_of3A, %dma_wait3A] : memref<2x10000x128xf32, #tpu.memory_space<hbm>> -> memref<1x80x128xf32, #tpu.memory_space<hbm>>
      %dma_wait3A_385 = tpu.memref_squeeze %dma_wait3A_384 : memref<1x80x128xf32, #tpu.memory_space<hbm>> -> memref<80x128xf32, #tpu.memory_space<hbm>>
      %dma_wait3A_386 = arith.constant 0 : i32
      %dma_wait3A_387 = tpu.memref_slice %arg11[%multiple_of3A, %dma_wait3A_386] : memref<10000x128xf32, #tpu.memory_space<vmem_shared>> -> memref<80x128xf32, #tpu.memory_space<vmem_shared>>
      tpu.wait_dma2 semaphore(%arg12 : memref<!tpu.dma_semaphore, #tpu.memory_space<semaphore_mem>>) src(%dma_wait3A_387 : memref<80x128xf32, #tpu.memory_space<vmem_shared>>) dst(%dma_wait3A_385 : memref<80x128xf32, #tpu.memory_space<hbm>>)
    } else {
    }
    %add3A_340 = arith.constant 32 : i32
    %add3A_341 = arith.addi %arg1, %add3A_340 : i32
    %lt3A_342 = arith.constant 125 : i32
    %lt3A_343 = arith.cmpi slt, %add3A_341, %lt3A_342 : i32
    %convert_element_type3A_344 = arith.extui %lt3A_343 : i1 to i32
    %cond3A_345 = arith.constant 0 : i32
    %cond3A_346 = arith.cmpi ne, %convert_element_type3A_344, %cond3A_345 : i32
    scf.if %cond3A_346 {
      %mul3A_382 = arith.constant 80 : i32
      %mul3A_383 = arith.muli %add3A_341, %mul3A_382 : i32
      %multiple_of3A = tpu.assume_multiple %mul3A_383, 8 : i32
      %dma_wait3A = arith.constant 0 : i32
      %dma_wait3A_384 = tpu.memref_slice %arg5[%arg0, %multiple_of3A, %dma_wait3A] : memref<2x10000x128xf32, #tpu.memory_space<hbm>> -> memref<1x80x128xf32, #tpu.memory_space<hbm>>
      %dma_wait3A_385 = tpu.memref_squeeze %dma_wait3A_384 : memref<1x80x128xf32, #tpu.memory_space<hbm>> -> memref<80x128xf32, #tpu.memory_space<hbm>>
      %dma_wait3A_386 = arith.constant 0 : i32
      %dma_wait3A_387 = tpu.memref_slice %arg11[%multiple_of3A, %dma_wait3A_386] : memref<10000x128xf32, #tpu.memory_space<vmem_shared>> -> memref<80x128xf32, #tpu.memory_space<vmem_shared>>
      tpu.wait_dma2 semaphore(%arg12 : memref<!tpu.dma_semaphore, #tpu.memory_space<semaphore_mem>>) src(%dma_wait3A_387 : memref<80x128xf32, #tpu.memory_space<vmem_shared>>) dst(%dma_wait3A_385 : memref<80x128xf32, #tpu.memory_space<hbm>>)
    } else {
    }
    %add3A_347 = arith.constant 48 : i32
    %add3A_348 = arith.addi %arg1, %add3A_347 : i32
    %lt3A_349 = arith.constant 125 : i32
    %lt3A_350 = arith.cmpi slt, %add3A_348, %lt3A_349 : i32
    %convert_element_type3A_351 = arith.extui %lt3A_350 : i1 to i32
    %cond3A_352 = arith.constant 0 : i32
    %cond3A_353 = arith.cmpi ne, %convert_element_type3A_351, %cond3A_352 : i32
    scf.if %cond3A_353 {
      %mul3A_382 = arith.constant 80 : i32
      %mul3A_383 = arith.muli %add3A_348, %mul3A_382 : i32
      %multiple_of3A = tpu.assume_multiple %mul3A_383, 8 : i32
      %dma_wait3A = arith.constant 0 : i32
      %dma_wait3A_384 = tpu.memref_slice %arg5[%arg0, %multiple_of3A, %dma_wait3A] : memref<2x10000x128xf32, #tpu.memory_space<hbm>> -> memref<1x80x128xf32, #tpu.memory_space<hbm>>
      %dma_wait3A_385 = tpu.memref_squeeze %dma_wait3A_384 : memref<1x80x128xf32, #tpu.memory_space<hbm>> -> memref<80x128xf32, #tpu.memory_space<hbm>>
      %dma_wait3A_386 = arith.constant 0 : i32
      %dma_wait3A_387 = tpu.memref_slice %arg11[%multiple_of3A, %dma_wait3A_386] : memref<10000x128xf32, #tpu.memory_space<vmem_shared>> -> memref<80x128xf32, #tpu.memory_space<vmem_shared>>
      tpu.wait_dma2 semaphore(%arg12 : memref<!tpu.dma_semaphore, #tpu.memory_space<semaphore_mem>>) src(%dma_wait3A_387 : memref<80x128xf32, #tpu.memory_space<vmem_shared>>) dst(%dma_wait3A_385 : memref<80x128xf32, #tpu.memory_space<hbm>>)
    } else {
    }
    %add3A_354 = arith.constant 64 : i32
    %add3A_355 = arith.addi %arg1, %add3A_354 : i32
    %lt3A_356 = arith.constant 125 : i32
    %lt3A_357 = arith.cmpi slt, %add3A_355, %lt3A_356 : i32
    %convert_element_type3A_358 = arith.extui %lt3A_357 : i1 to i32
    %cond3A_359 = arith.constant 0 : i32
    %cond3A_360 = arith.cmpi ne, %convert_element_type3A_358, %cond3A_359 : i32
    scf.if %cond3A_360 {
      %mul3A_382 = arith.constant 80 : i32
      %mul3A_383 = arith.muli %add3A_355, %mul3A_382 : i32
      %multiple_of3A = tpu.assume_multiple %mul3A_383, 8 : i32
      %dma_wait3A = arith.constant 0 : i32
      %dma_wait3A_384 = tpu.memref_slice %arg5[%arg0, %multiple_of3A, %dma_wait3A] : memref<2x10000x128xf32, #tpu.memory_space<hbm>> -> memref<1x80x128xf32, #tpu.memory_space<hbm>>
      %dma_wait3A_385 = tpu.memref_squeeze %dma_wait3A_384 : memref<1x80x128xf32, #tpu.memory_space<hbm>> -> memref<80x128xf32, #tpu.memory_space<hbm>>
      %dma_wait3A_386 = arith.constant 0 : i32
      %dma_wait3A_387 = tpu.memref_slice %arg11[%multiple_of3A, %dma_wait3A_386] : memref<10000x128xf32, #tpu.memory_space<vmem_shared>> -> memref<80x128xf32, #tpu.memory_space<vmem_shared>>
      tpu.wait_dma2 semaphore(%arg12 : memref<!tpu.dma_semaphore, #tpu.memory_space<semaphore_mem>>) src(%dma_wait3A_387 : memref<80x128xf32, #tpu.memory_space<vmem_shared>>) dst(%dma_wait3A_385 : memref<80x128xf32, #tpu.memory_space<hbm>>)
    } else {
    }
    %add3A_361 = arith.constant 80 : i32
    %add3A_362 = arith.addi %arg1, %add3A_361 : i32
    %lt3A_363 = arith.constant 125 : i32
    %lt3A_364 = arith.cmpi slt, %add3A_362, %lt3A_363 : i32
    %convert_element_type3A_365 = arith.extui %lt3A_364 : i1 to i32
    %cond3A_366 = arith.constant 0 : i32
    %cond3A_367 = arith.cmpi ne, %convert_element_type3A_365, %cond3A_366 : i32
    scf.if %cond3A_367 {
      %mul3A_382 = arith.constant 80 : i32
      %mul3A_383 = arith.muli %add3A_362, %mul3A_382 : i32
      %multiple_of3A = tpu.assume_multiple %mul3A_383, 8 : i32
      %dma_wait3A = arith.constant 0 : i32
      %dma_wait3A_384 = tpu.memref_slice %arg5[%arg0, %multiple_of3A, %dma_wait3A] : memref<2x10000x128xf32, #tpu.memory_space<hbm>> -> memref<1x80x128xf32, #tpu.memory_space<hbm>>
      %dma_wait3A_385 = tpu.memref_squeeze %dma_wait3A_384 : memref<1x80x128xf32, #tpu.memory_space<hbm>> -> memref<80x128xf32, #tpu.memory_space<hbm>>
      %dma_wait3A_386 = arith.constant 0 : i32
      %dma_wait3A_387 = tpu.memref_slice %arg11[%multiple_of3A, %dma_wait3A_386] : memref<10000x128xf32, #tpu.memory_space<vmem_shared>> -> memref<80x128xf32, #tpu.memory_space<vmem_shared>>
      tpu.wait_dma2 semaphore(%arg12 : memref<!tpu.dma_semaphore, #tpu.memory_space<semaphore_mem>>) src(%dma_wait3A_387 : memref<80x128xf32, #tpu.memory_space<vmem_shared>>) dst(%dma_wait3A_385 : memref<80x128xf32, #tpu.memory_space<hbm>>)
    } else {
    }
    %add3A_368 = arith.constant 96 : i32
    %add3A_369 = arith.addi %arg1, %add3A_368 : i32
    %lt3A_370 = arith.constant 125 : i32
    %lt3A_371 = arith.cmpi slt, %add3A_369, %lt3A_370 : i32
    %convert_element_type3A_372 = arith.extui %lt3A_371 : i1 to i32
    %cond3A_373 = arith.constant 0 : i32
    %cond3A_374 = arith.cmpi ne, %convert_element_type3A_372, %cond3A_373 : i32
    scf.if %cond3A_374 {
      %mul3A_382 = arith.constant 80 : i32
      %mul3A_383 = arith.muli %add3A_369, %mul3A_382 : i32
      %multiple_of3A = tpu.assume_multiple %mul3A_383, 8 : i32
      %dma_wait3A = arith.constant 0 : i32
      %dma_wait3A_384 = tpu.memref_slice %arg5[%arg0, %multiple_of3A, %dma_wait3A] : memref<2x10000x128xf32, #tpu.memory_space<hbm>> -> memref<1x80x128xf32, #tpu.memory_space<hbm>>
      %dma_wait3A_385 = tpu.memref_squeeze %dma_wait3A_384 : memref<1x80x128xf32, #tpu.memory_space<hbm>> -> memref<80x128xf32, #tpu.memory_space<hbm>>
      %dma_wait3A_386 = arith.constant 0 : i32
      %dma_wait3A_387 = tpu.memref_slice %arg11[%multiple_of3A, %dma_wait3A_386] : memref<10000x128xf32, #tpu.memory_space<vmem_shared>> -> memref<80x128xf32, #tpu.memory_space<vmem_shared>>
      tpu.wait_dma2 semaphore(%arg12 : memref<!tpu.dma_semaphore, #tpu.memory_space<semaphore_mem>>) src(%dma_wait3A_387 : memref<80x128xf32, #tpu.memory_space<vmem_shared>>) dst(%dma_wait3A_385 : memref<80x128xf32, #tpu.memory_space<hbm>>)
    } else {
    }
    %add3A_375 = arith.constant 112 : i32
    %add3A_376 = arith.addi %arg1, %add3A_375 : i32
    %lt3A_377 = arith.constant 125 : i32
    %lt3A_378 = arith.cmpi slt, %add3A_376, %lt3A_377 : i32
    %convert_element_type3A_379 = arith.extui %lt3A_378 : i1 to i32
    %cond3A_380 = arith.constant 0 : i32
    %cond3A_381 = arith.cmpi ne, %convert_element_type3A_379, %cond3A_380 : i32
    scf.if %cond3A_381 {
      %mul3A_382 = arith.constant 80 : i32
      %mul3A_383 = arith.muli %add3A_376, %mul3A_382 : i32
      %multiple_of3A = tpu.assume_multiple %mul3A_383, 8 : i32
      %dma_wait3A = arith.constant 0 : i32
      %dma_wait3A_384 = tpu.memref_slice %arg5[%arg0, %multiple_of3A, %dma_wait3A] : memref<2x10000x128xf32, #tpu.memory_space<hbm>> -> memref<1x80x128xf32, #tpu.memory_space<hbm>>
      %dma_wait3A_385 = tpu.memref_squeeze %dma_wait3A_384 : memref<1x80x128xf32, #tpu.memory_space<hbm>> -> memref<80x128xf32, #tpu.memory_space<hbm>>
      %dma_wait3A_386 = arith.constant 0 : i32
      %dma_wait3A_387 = tpu.memref_slice %arg11[%multiple_of3A, %dma_wait3A_386] : memref<10000x128xf32, #tpu.memory_space<vmem_shared>> -> memref<80x128xf32, #tpu.memory_space<vmem_shared>>
      tpu.wait_dma2 semaphore(%arg12 : memref<!tpu.dma_semaphore, #tpu.memory_space<semaphore_mem>>) src(%dma_wait3A_387 : memref<80x128xf32, #tpu.memory_space<vmem_shared>>) dst(%dma_wait3A_385 : memref<80x128xf32, #tpu.memory_space<hbm>>)
    } else {
    }
    return
  }
}

module attributes {stable_mosaic.version = 14 : i64} {
  func.func @body(%arg0: i32, %arg1: memref<1x1x2000xi32, #tpu.memory_space<vmem>>, %arg2: memref<2000x128xf32, #tpu.memory_space<vmem>>, %arg3: memref<16x128xf32, #tpu.memory_space<vmem>>) attributes {dimension_semantics = [#tpu.dimension_semantics<arbitrary>], iteration_bounds = array<i64: 5>, scalar_prefetch = 0 : i64, scratch_operands = 0 : i64, tpu.core_type = #tpu.core_type<tc>, window_params = [{transform_indices = @transform_0, window_bounds = array<i64: 1, 1, 2000>}, {transform_indices = @transform_1, window_bounds = array<i64: 2000, 128>}, {pipeline_mode = #tpu.pipeline_mode<synchronous>, transform_indices = @transform_2, window_bounds = array<i64: 16, 128>}]} {
    %get3A = arith.constant 0 : index
    %get3A_0 = arith.constant 0 : index
    %get3A_1 = arith.constant 0 : index
    %get3A_2 = vector.load %arg1[%get3A, %get3A_0, %get3A_1] : memref<1x1x2000xi32, #tpu.memory_space<vmem>>, vector<1x1x2000xi32>
    %get3A_3 = vector.shape_cast %get3A_2 : vector<1x1x2000xi32> to vector<1x2000xi32>
    %broadcast_in_dim3A = vector.shape_cast %get3A_3 : vector<1x2000xi32> to vector<1x2000xi32>
    %broadcast_in_dim3A_4 = vector.broadcast %broadcast_in_dim3A : vector<1x2000xi32> to vector<16x2000xi32>
    %iota3A = tpu.iota {dimensions = array<i32: 0>} : vector<16x2000xi32>
    %eq3A = arith.cmpi eq, %broadcast_in_dim3A_4, %iota3A : vector<16x2000xi32>
    %convert_element_type3A = arith.extui %eq3A : vector<16x2000xi1> to vector<16x2000xi32>
    %convert_element_type3A_5 = arith.sitofp %convert_element_type3A : vector<16x2000xi32> to vector<16x2000xf32>
    %get3A_6 = arith.constant 0 : index
    %get3A_7 = arith.constant 0 : index
    %get3A_8 = vector.load %arg2[%get3A_6, %get3A_7] : memref<2000x128xf32, #tpu.memory_space<vmem>>, vector<2000x128xf32>
    %dot_general3A = arith.constant dense<0.000000e+00> : vector<16x128xf32>
    %dot_general3A_9 = tpu.matmul %convert_element_type3A_5, %get3A_8, %dot_general3A {dimension_numbers = #tpu.dot_dimension_numbers<[1], [0], [0], [1], [0, 0, 1, 1], [], []>, transpose_lhs_hint = false} : vector<16x2000xf32>, vector<2000x128xf32>, vector<16x128xf32> -> vector<16x128xf32>
    %eq3A_10 = arith.constant 0 : i32
    %eq3A_11 = arith.cmpi eq, %arg0, %eq3A_10 : i32
    %convert_element_type3A_12 = arith.extui %eq3A_11 : i1 to i32
    %cond3A = arith.constant 0 : i32
    %cond3A_13 = arith.cmpi ne, %convert_element_type3A_12, %cond3A : i32
    scf.if %cond3A_13 {
      %swap3A = arith.constant 0 : index
      %swap3A_18 = arith.constant 0 : index
      %swap3A_19 = vector.load %arg3[%swap3A, %swap3A_18] : memref<16x128xf32, #tpu.memory_space<vmem>>, vector<16x128xf32>
      tpu.vector_store %arg3[%swap3A, %swap3A_18], %dot_general3A_9 {strides = array<i32>} : memref<16x128xf32, #tpu.memory_space<vmem>>, vector<16x128xf32>,
    } else {
    }
    %ne3A = arith.constant 0 : i32
    %ne3A_14 = arith.cmpi ne, %arg0, %ne3A : i32
    %convert_element_type3A_15 = arith.extui %ne3A_14 : i1 to i32
    %cond3A_16 = arith.constant 0 : i32
    %cond3A_17 = arith.cmpi ne, %convert_element_type3A_15, %cond3A_16 : i32
    scf.if %cond3A_17 {
      %get3A_18 = arith.constant 0 : index
      %get3A_19 = arith.constant 0 : index
      %get3A_20 = vector.load %arg3[%get3A_18, %get3A_19] : memref<16x128xf32, #tpu.memory_space<vmem>>, vector<16x128xf32>
      %add3A = arith.addf %get3A_20, %dot_general3A_9 : vector<16x128xf32>
      %swap3A = arith.constant 0 : index
      %swap3A_21 = arith.constant 0 : index
      %swap3A_22 = vector.load %arg3[%swap3A, %swap3A_21] : memref<16x128xf32, #tpu.memory_space<vmem>>, vector<16x128xf32>
      tpu.vector_store %arg3[%swap3A, %swap3A_21], %add3A {strides = array<i32>} : memref<16x128xf32, #tpu.memory_space<vmem>>, vector<16x128xf32>,
    } else {
    }
    return
  }
  func.func @transform_0(%arg0: i32) -> (i32, i32, i32) {
    %c0_i32 = arith.constant 0 : i32
    %c0_i32_0 = arith.constant 0 : i32
    %c0_i32_1 = arith.constant 0 : i32
    return %arg0, %c0_i32, %c0_i32_0 : i32, i32, i32
  }
  func.func @transform_1(%arg0: i32) -> (i32, i32) {
    %c0_i32 = arith.constant 0 : i32
    %c0_i32_0 = arith.constant 0 : i32
    return %arg0, %c0_i32 : i32, i32
  }
  func.func @transform_2(%arg0: i32) -> (i32, i32) {
    %c0_i32 = arith.constant 0 : i32
    %c0_i32_0 = arith.constant 0 : i32
    %c0_i32_1 = arith.constant 0 : i32
    return %c0_i32, %c0_i32_0 : i32, i32
  }
}

module attributes {stable_mosaic.version = 14 : i64} {
  func.func @body(%arg0: i32, %arg1: memref<1x1x2000xi32, #tpu.memory_space<vmem>>, %arg2: memref<2000x128xf32, #tpu.memory_space<vmem>>, %arg3: memref<1x2000x128xf32, #tpu.memory_space<vmem>>, %arg4: memref<1x2000x128xf32, #tpu.memory_space<vmem>>, %arg5: memref<16x128xf32, #tpu.memory_space<vmem>>, %arg6: memref<128x128xf32, #tpu.memory_space<vmem>>, %arg7: memref<128x128xf32, #tpu.memory_space<vmem>>, %arg8: memref<128x128xf32, #tpu.memory_space<vmem>>, %arg9: memref<1x128xf32, #tpu.memory_space<vmem>>, %arg10: memref<2000x128xf32, #tpu.memory_space<vmem>>, %arg11: memref<16x128xf32, #tpu.memory_space<vmem>>) attributes {dimension_semantics = [#tpu.dimension_semantics<arbitrary>], iteration_bounds = array<i64: 5>, scalar_prefetch = 0 : i64, scratch_operands = 0 : i64, tpu.core_type = #tpu.core_type<tc>, window_params = [{transform_indices = @transform_0, window_bounds = array<i64: 1, 1, 2000>}, {transform_indices = @transform_1, window_bounds = array<i64: 2000, 128>}, {transform_indices = @transform_2, window_bounds = array<i64: 1, 2000, 128>}, {transform_indices = @transform_3, window_bounds = array<i64: 1, 2000, 128>}, {pipeline_mode = #tpu.pipeline_mode<synchronous>, transform_indices = @transform_4, window_bounds = array<i64: 16, 128>}, {pipeline_mode = #tpu.pipeline_mode<synchronous>, transform_indices = @transform_5, window_bounds = array<i64: 128, 128>}, {pipeline_mode = #tpu.pipeline_mode<synchronous>, transform_indices = @transform_6, window_bounds = array<i64: 128, 128>}, {pipeline_mode = #tpu.pipeline_mode<synchronous>, transform_indices = @transform_7, window_bounds = array<i64: 128, 128>}, {pipeline_mode = #tpu.pipeline_mode<synchronous>, transform_indices = @transform_8, window_bounds = array<i64: 1, 128>}, {transform_indices = @transform_9, window_bounds = array<i64: 2000, 128>}, {pipeline_mode = #tpu.pipeline_mode<synchronous>, transform_indices = @transform_10, window_bounds = array<i64: 16, 128>}]} {
    %get3A = arith.constant 0 : index
    %get3A_0 = arith.constant 0 : index
    %get3A_1 = vector.load %arg5[%get3A, %get3A_0] : memref<16x128xf32, #tpu.memory_space<vmem>>, vector<16x128xf32>
    %get3A_2 = arith.constant 0 : index
    %get3A_3 = arith.constant 0 : index
    %get3A_4 = vector.load %arg8[%get3A_2, %get3A_3] : memref<128x128xf32, #tpu.memory_space<vmem>>, vector<128x128xf32>
    %dot_general3A = arith.constant dense<0.000000e+00> : vector<16x128xf32>
    %dot_general3A_5 = tpu.matmul %get3A_1, %get3A_4, %dot_general3A {dimension_numbers = #tpu.dot_dimension_numbers<[1], [0], [0], [1], [0, 0, 1, 1], [], []>, transpose_lhs_hint = false} : vector<16x128xf32>, vector<128x128xf32>, vector<16x128xf32> -> vector<16x128xf32>
    %get3A_6 = arith.constant 0 : index
    %get3A_7 = arith.constant 0 : index
    %get3A_8 = arith.constant 0 : index
    %get3A_9 = vector.load %arg1[%get3A_6, %get3A_7, %get3A_8] : memref<1x1x2000xi32, #tpu.memory_space<vmem>>, vector<1x1x2000xi32>
    %get3A_10 = vector.shape_cast %get3A_9 : vector<1x1x2000xi32> to vector<1x2000xi32>
    %broadcast_in_dim3A = vector.shape_cast %get3A_10 : vector<1x2000xi32> to vector<1x2000xi32>
    %broadcast_in_dim3A_11 = vector.broadcast %broadcast_in_dim3A : vector<1x2000xi32> to vector<16x2000xi32>
    %iota3A = tpu.iota {dimensions = array<i32: 0>} : vector<16x2000xi32>
    %eq3A = arith.cmpi eq, %broadcast_in_dim3A_11, %iota3A : vector<16x2000xi32>
    %convert_element_type3A = arith.extui %eq3A : vector<16x2000xi1> to vector<16x2000xi32>
    %convert_element_type3A_12 = arith.sitofp %convert_element_type3A : vector<16x2000xi32> to vector<16x2000xf32>
    %dot_general3A_13 = arith.constant dense<0.000000e+00> : vector<2000x128xf32>
    %dot_general3A_14 = tpu.matmul %convert_element_type3A_12, %dot_general3A_5, %dot_general3A_13 {dimension_numbers = #tpu.dot_dimension_numbers<[0], [0], [1], [1], [0, 1, 1, 1], [], []>, transpose_lhs_hint = false} : vector<16x2000xf32>, vector<16x128xf32>, vector<2000x128xf32> -> vector<2000x128xf32>
    %get3A_15 = arith.constant 0 : index
    %get3A_16 = arith.constant 0 : index
    %get3A_17 = arith.constant 0 : index
    %get3A_18 = vector.load %arg3[%get3A_15, %get3A_16, %get3A_17] : memref<1x2000x128xf32, #tpu.memory_space<vmem>>, vector<1x2000x128xf32>
    %get3A_19 = vector.shape_cast %get3A_18 : vector<1x2000x128xf32> to vector<2000x128xf32>
    %get3A_20 = arith.constant 0 : index
    %get3A_21 = arith.constant 0 : index
    %get3A_22 = arith.constant 0 : index
    %get3A_23 = vector.load %arg4[%get3A_20, %get3A_21, %get3A_22] : memref<1x2000x128xf32, #tpu.memory_space<vmem>>, vector<1x2000x128xf32>
    %get3A_24 = vector.shape_cast %get3A_23 : vector<1x2000x128xf32> to vector<2000x128xf32>
    %add3A = arith.addf %get3A_19, %get3A_24 : vector<2000x128xf32>
    %get3A_25 = arith.constant 0 : index
    %get3A_26 = arith.constant 0 : index
    %get3A_27 = vector.load %arg2[%get3A_25, %get3A_26] : memref<2000x128xf32, #tpu.memory_space<vmem>>, vector<2000x128xf32>
    %get3A_28 = arith.constant 0 : index
    %get3A_29 = arith.constant 0 : index
    %get3A_30 = vector.load %arg6[%get3A_28, %get3A_29] : memref<128x128xf32, #tpu.memory_space<vmem>>, vector<128x128xf32>
    %dot_general3A_31 = arith.constant dense<0.000000e+00> : vector<2000x128xf32>
    %dot_general3A_32 = tpu.matmul %get3A_27, %get3A_30, %dot_general3A_31 {dimension_numbers = #tpu.dot_dimension_numbers<[1], [0], [0], [1], [0, 0, 1, 1], [], []>, transpose_lhs_hint = false} : vector<2000x128xf32>, vector<128x128xf32>, vector<2000x128xf32> -> vector<2000x128xf32>
    %get3A_33 = arith.constant 0 : index
    %get3A_34 = arith.constant 0 : index
    %get3A_35 = vector.load %arg7[%get3A_33, %get3A_34] : memref<128x128xf32, #tpu.memory_space<vmem>>, vector<128x128xf32>
    %dot_general3A_36 = arith.constant dense<0.000000e+00> : vector<2000x128xf32>
    %dot_general3A_37 = tpu.matmul %add3A, %get3A_35, %dot_general3A_36 {dimension_numbers = #tpu.dot_dimension_numbers<[1], [0], [0], [1], [0, 0, 1, 1], [], []>, transpose_lhs_hint = false} : vector<2000x128xf32>, vector<128x128xf32>, vector<2000x128xf32> -> vector<2000x128xf32>
    %add3A_38 = arith.addf %dot_general3A_32, %dot_general3A_37 : vector<2000x128xf32>
    %add3A_39 = arith.addf %add3A_38, %dot_general3A_14 : vector<2000x128xf32>
    %get3A_40 = arith.constant 0 : index
    %get3A_41 = arith.constant 0 : index
    %get3A_42 = vector.load %arg9[%get3A_40, %get3A_41] : memref<1x128xf32, #tpu.memory_space<vmem>>, vector<1x128xf32>
    %add3A_43 = vector.broadcast %get3A_42 : vector<1x128xf32> to vector<2000x128xf32>
    %add3A_44 = arith.addf %add3A_39, %add3A_43 : vector<2000x128xf32>
    %max3A = arith.constant 0.000000e+00 : f32
    %max3A_45 = vector.broadcast %max3A : f32 to vector<2000x128xf32>
    %max3A_46 = arith.maximumf %add3A_44, %max3A_45 : vector<2000x128xf32>
    %swap3A = arith.constant 0 : index
    %swap3A_47 = arith.constant 0 : index
    %swap3A_48 = vector.load %arg10[%swap3A, %swap3A_47] : memref<2000x128xf32, #tpu.memory_space<vmem>>, vector<2000x128xf32>
    tpu.vector_store %arg10[%swap3A, %swap3A_47], %max3A_46 {strides = array<i32>} : memref<2000x128xf32, #tpu.memory_space<vmem>>, vector<2000x128xf32>,
    %dot_general3A_49 = arith.constant dense<0.000000e+00> : vector<16x128xf32>
    %dot_general3A_50 = tpu.matmul %convert_element_type3A_12, %max3A_46, %dot_general3A_49 {dimension_numbers = #tpu.dot_dimension_numbers<[1], [0], [0], [1], [0, 0, 1, 1], [], []>, transpose_lhs_hint = false} : vector<16x2000xf32>, vector<2000x128xf32>, vector<16x128xf32> -> vector<16x128xf32>
    %eq3A_51 = arith.constant 0 : i32
    %eq3A_52 = arith.cmpi eq, %arg0, %eq3A_51 : i32
    %convert_element_type3A_53 = arith.extui %eq3A_52 : i1 to i32
    %cond3A = arith.constant 0 : i32
    %cond3A_54 = arith.cmpi ne, %convert_element_type3A_53, %cond3A : i32
    scf.if %cond3A_54 {
      %swap3A_59 = arith.constant 0 : index
      %swap3A_60 = arith.constant 0 : index
      %swap3A_61 = vector.load %arg11[%swap3A_59, %swap3A_60] : memref<16x128xf32, #tpu.memory_space<vmem>>, vector<16x128xf32>
      tpu.vector_store %arg11[%swap3A_59, %swap3A_60], %dot_general3A_50 {strides = array<i32>} : memref<16x128xf32, #tpu.memory_space<vmem>>, vector<16x128xf32>,
    } else {
    }
    %ne3A = arith.constant 0 : i32
    %ne3A_55 = arith.cmpi ne, %arg0, %ne3A : i32
    %convert_element_type3A_56 = arith.extui %ne3A_55 : i1 to i32
    %cond3A_57 = arith.constant 0 : i32
    %cond3A_58 = arith.cmpi ne, %convert_element_type3A_56, %cond3A_57 : i32
    scf.if %cond3A_58 {
      %get3A_59 = arith.constant 0 : index
      %get3A_60 = arith.constant 0 : index
      %get3A_61 = vector.load %arg11[%get3A_59, %get3A_60] : memref<16x128xf32, #tpu.memory_space<vmem>>, vector<16x128xf32>
      %add3A_62 = arith.addf %get3A_61, %dot_general3A_50 : vector<16x128xf32>
      %swap3A_63 = arith.constant 0 : index
      %swap3A_64 = arith.constant 0 : index
      %swap3A_65 = vector.load %arg11[%swap3A_63, %swap3A_64] : memref<16x128xf32, #tpu.memory_space<vmem>>, vector<16x128xf32>
      tpu.vector_store %arg11[%swap3A_63, %swap3A_64], %add3A_62 {strides = array<i32>} : memref<16x128xf32, #tpu.memory_space<vmem>>, vector<16x128xf32>,
    } else {
    }
    return
  }
  func.func @transform_0(%arg0: i32) -> (i32, i32, i32) {
    %c0_i32 = arith.constant 0 : i32
    %c0_i32_0 = arith.constant 0 : i32
    %c0_i32_1 = arith.constant 0 : i32
    return %arg0, %c0_i32, %c0_i32_0 : i32, i32, i32
  }
  func.func @transform_1(%arg0: i32) -> (i32, i32) {
    %c0_i32 = arith.constant 0 : i32
    %c0_i32_0 = arith.constant 0 : i32
    return %arg0, %c0_i32 : i32, i32
  }
  func.func @transform_2(%arg0: i32) -> (i32, i32, i32) {
    %c0_i32 = arith.constant 0 : i32
    %c0_i32_0 = arith.constant 0 : i32
    %c0_i32_1 = arith.constant 0 : i32
    return %c0_i32, %arg0, %c0_i32_0 : i32, i32, i32
  }
  func.func @transform_3(%arg0: i32) -> (i32, i32, i32) {
    %c1_i32 = arith.constant 1 : i32
    %c0_i32 = arith.constant 0 : i32
    %c0_i32_0 = arith.constant 0 : i32
    return %c1_i32, %arg0, %c0_i32 : i32, i32, i32
  }
  func.func @transform_4(%arg0: i32) -> (i32, i32) {
    %c0_i32 = arith.constant 0 : i32
    %c0_i32_0 = arith.constant 0 : i32
    %c0_i32_1 = arith.constant 0 : i32
    return %c0_i32, %c0_i32_0 : i32, i32
  }
  func.func @transform_5(%arg0: i32) -> (i32, i32) {
    %c0_i32 = arith.constant 0 : i32
    %c0_i32_0 = arith.constant 0 : i32
    %c0_i32_1 = arith.constant 0 : i32
    return %c0_i32, %c0_i32_0 : i32, i32
  }
  func.func @transform_6(%arg0: i32) -> (i32, i32) {
    %c0_i32 = arith.constant 0 : i32
    %c0_i32_0 = arith.constant 0 : i32
    %c0_i32_1 = arith.constant 0 : i32
    return %c0_i32, %c0_i32_0 : i32, i32
  }
  func.func @transform_7(%arg0: i32) -> (i32, i32) {
    %c0_i32 = arith.constant 0 : i32
    %c0_i32_0 = arith.constant 0 : i32
    %c0_i32_1 = arith.constant 0 : i32
    return %c0_i32, %c0_i32_0 : i32, i32
  }
  func.func @transform_8(%arg0: i32) -> (i32, i32) {
    %c0_i32 = arith.constant 0 : i32
    %c0_i32_0 = arith.constant 0 : i32
    %c0_i32_1 = arith.constant 0 : i32
    return %c0_i32, %c0_i32_0 : i32, i32
  }
  func.func @transform_9(%arg0: i32) -> (i32, i32) {
    %c0_i32 = arith.constant 0 : i32
    %c0_i32_0 = arith.constant 0 : i32
    return %arg0, %c0_i32 : i32, i32
  }
  func.func @transform_10(%arg0: i32) -> (i32, i32) {
    %c0_i32 = arith.constant 0 : i32
    %c0_i32_0 = arith.constant 0 : i32
    %c0_i32_1 = arith.constant 0 : i32
    return %c0_i32, %c0_i32_0 : i32, i32
  }
}

module attributes {stable_mosaic.version = 14 : i64} {
  func.func @body(%arg0: i32, %arg1: memref<1x1x2000xi32, #tpu.memory_space<vmem>>, %arg2: memref<2000x128xf32, #tpu.memory_space<vmem>>, %arg3: memref<1x2000x128xf32, #tpu.memory_space<vmem>>, %arg4: memref<1x2000x128xf32, #tpu.memory_space<vmem>>, %arg5: memref<16x128xf32, #tpu.memory_space<vmem>>, %arg6: memref<128x128xf32, #tpu.memory_space<vmem>>, %arg7: memref<128x128xf32, #tpu.memory_space<vmem>>, %arg8: memref<128x128xf32, #tpu.memory_space<vmem>>, %arg9: memref<1x128xf32, #tpu.memory_space<vmem>>, %arg10: memref<128x128xf32, #tpu.memory_space<vmem>>, %arg11: memref<1x128xf32, #tpu.memory_space<vmem>>, %arg12: memref<2000x128xf32, #tpu.memory_space<vmem>>) attributes {dimension_semantics = [#tpu.dimension_semantics<arbitrary>], iteration_bounds = array<i64: 5>, scalar_prefetch = 0 : i64, scratch_operands = 0 : i64, tpu.core_type = #tpu.core_type<tc>, window_params = [{transform_indices = @transform_0, window_bounds = array<i64: 1, 1, 2000>}, {transform_indices = @transform_1, window_bounds = array<i64: 2000, 128>}, {transform_indices = @transform_2, window_bounds = array<i64: 1, 2000, 128>}, {transform_indices = @transform_3, window_bounds = array<i64: 1, 2000, 128>}, {pipeline_mode = #tpu.pipeline_mode<synchronous>, transform_indices = @transform_4, window_bounds = array<i64: 16, 128>}, {pipeline_mode = #tpu.pipeline_mode<synchronous>, transform_indices = @transform_5, window_bounds = array<i64: 128, 128>}, {pipeline_mode = #tpu.pipeline_mode<synchronous>, transform_indices = @transform_6, window_bounds = array<i64: 128, 128>}, {pipeline_mode = #tpu.pipeline_mode<synchronous>, transform_indices = @transform_7, window_bounds = array<i64: 128, 128>}, {pipeline_mode = #tpu.pipeline_mode<synchronous>, transform_indices = @transform_8, window_bounds = array<i64: 1, 128>}, {pipeline_mode = #tpu.pipeline_mode<synchronous>, transform_indices = @transform_9, window_bounds = array<i64: 128, 128>}, {pipeline_mode = #tpu.pipeline_mode<synchronous>, transform_indices = @transform_10, window_bounds = array<i64: 1, 128>}, {transform_indices = @transform_11, window_bounds = array<i64: 2000, 128>}]} {
    %get3A = arith.constant 0 : index
    %get3A_0 = arith.constant 0 : index
    %get3A_1 = vector.load %arg5[%get3A, %get3A_0] : memref<16x128xf32, #tpu.memory_space<vmem>>, vector<16x128xf32>
    %get3A_2 = arith.constant 0 : index
    %get3A_3 = arith.constant 0 : index
    %get3A_4 = vector.load %arg8[%get3A_2, %get3A_3] : memref<128x128xf32, #tpu.memory_space<vmem>>, vector<128x128xf32>
    %dot_general3A = arith.constant dense<0.000000e+00> : vector<16x128xf32>
    %dot_general3A_5 = tpu.matmul %get3A_1, %get3A_4, %dot_general3A {dimension_numbers = #tpu.dot_dimension_numbers<[1], [0], [0], [1], [0, 0, 1, 1], [], []>, transpose_lhs_hint = false} : vector<16x128xf32>, vector<128x128xf32>, vector<16x128xf32> -> vector<16x128xf32>
    %get3A_6 = arith.constant 0 : index
    %get3A_7 = arith.constant 0 : index
    %get3A_8 = arith.constant 0 : index
    %get3A_9 = vector.load %arg1[%get3A_6, %get3A_7, %get3A_8] : memref<1x1x2000xi32, #tpu.memory_space<vmem>>, vector<1x1x2000xi32>
    %get3A_10 = vector.shape_cast %get3A_9 : vector<1x1x2000xi32> to vector<1x2000xi32>
    %broadcast_in_dim3A = vector.shape_cast %get3A_10 : vector<1x2000xi32> to vector<1x2000xi32>
    %broadcast_in_dim3A_11 = vector.broadcast %broadcast_in_dim3A : vector<1x2000xi32> to vector<16x2000xi32>
    %iota3A = tpu.iota {dimensions = array<i32: 0>} : vector<16x2000xi32>
    %eq3A = arith.cmpi eq, %broadcast_in_dim3A_11, %iota3A : vector<16x2000xi32>
    %convert_element_type3A = arith.extui %eq3A : vector<16x2000xi1> to vector<16x2000xi32>
    %convert_element_type3A_12 = arith.sitofp %convert_element_type3A : vector<16x2000xi32> to vector<16x2000xf32>
    %dot_general3A_13 = arith.constant dense<0.000000e+00> : vector<2000x128xf32>
    %dot_general3A_14 = tpu.matmul %convert_element_type3A_12, %dot_general3A_5, %dot_general3A_13 {dimension_numbers = #tpu.dot_dimension_numbers<[0], [0], [1], [1], [0, 1, 1, 1], [], []>, transpose_lhs_hint = false} : vector<16x2000xf32>, vector<16x128xf32>, vector<2000x128xf32> -> vector<2000x128xf32>
    %get3A_15 = arith.constant 0 : index
    %get3A_16 = arith.constant 0 : index
    %get3A_17 = arith.constant 0 : index
    %get3A_18 = vector.load %arg3[%get3A_15, %get3A_16, %get3A_17] : memref<1x2000x128xf32, #tpu.memory_space<vmem>>, vector<1x2000x128xf32>
    %get3A_19 = vector.shape_cast %get3A_18 : vector<1x2000x128xf32> to vector<2000x128xf32>
    %get3A_20 = arith.constant 0 : index
    %get3A_21 = arith.constant 0 : index
    %get3A_22 = arith.constant 0 : index
    %get3A_23 = vector.load %arg4[%get3A_20, %get3A_21, %get3A_22] : memref<1x2000x128xf32, #tpu.memory_space<vmem>>, vector<1x2000x128xf32>
    %get3A_24 = vector.shape_cast %get3A_23 : vector<1x2000x128xf32> to vector<2000x128xf32>
    %add3A = arith.addf %get3A_19, %get3A_24 : vector<2000x128xf32>
    %get3A_25 = arith.constant 0 : index
    %get3A_26 = arith.constant 0 : index
    %get3A_27 = vector.load %arg2[%get3A_25, %get3A_26] : memref<2000x128xf32, #tpu.memory_space<vmem>>, vector<2000x128xf32>
    %get3A_28 = arith.constant 0 : index
    %get3A_29 = arith.constant 0 : index
    %get3A_30 = vector.load %arg6[%get3A_28, %get3A_29] : memref<128x128xf32, #tpu.memory_space<vmem>>, vector<128x128xf32>
    %dot_general3A_31 = arith.constant dense<0.000000e+00> : vector<2000x128xf32>
    %dot_general3A_32 = tpu.matmul %get3A_27, %get3A_30, %dot_general3A_31 {dimension_numbers = #tpu.dot_dimension_numbers<[1], [0], [0], [1], [0, 0, 1, 1], [], []>, transpose_lhs_hint = false} : vector<2000x128xf32>, vector<128x128xf32>, vector<2000x128xf32> -> vector<2000x128xf32>
    %get3A_33 = arith.constant 0 : index
    %get3A_34 = arith.constant 0 : index
    %get3A_35 = vector.load %arg7[%get3A_33, %get3A_34] : memref<128x128xf32, #tpu.memory_space<vmem>>, vector<128x128xf32>
    %dot_general3A_36 = arith.constant dense<0.000000e+00> : vector<2000x128xf32>
    %dot_general3A_37 = tpu.matmul %add3A, %get3A_35, %dot_general3A_36 {dimension_numbers = #tpu.dot_dimension_numbers<[1], [0], [0], [1], [0, 0, 1, 1], [], []>, transpose_lhs_hint = false} : vector<2000x128xf32>, vector<128x128xf32>, vector<2000x128xf32> -> vector<2000x128xf32>
    %add3A_38 = arith.addf %dot_general3A_32, %dot_general3A_37 : vector<2000x128xf32>
    %add3A_39 = arith.addf %add3A_38, %dot_general3A_14 : vector<2000x128xf32>
    %get3A_40 = arith.constant 0 : index
    %get3A_41 = arith.constant 0 : index
    %get3A_42 = vector.load %arg9[%get3A_40, %get3A_41] : memref<1x128xf32, #tpu.memory_space<vmem>>, vector<1x128xf32>
    %add3A_43 = vector.broadcast %get3A_42 : vector<1x128xf32> to vector<2000x128xf32>
    %add3A_44 = arith.addf %add3A_39, %add3A_43 : vector<2000x128xf32>
    %max3A = arith.constant 0.000000e+00 : f32
    %max3A_45 = vector.broadcast %max3A : f32 to vector<2000x128xf32>
    %max3A_46 = arith.maximumf %add3A_44, %max3A_45 : vector<2000x128xf32>
    %get3A_47 = arith.constant 0 : index
    %get3A_48 = arith.constant 0 : index
    %get3A_49 = vector.load %arg10[%get3A_47, %get3A_48] : memref<128x128xf32, #tpu.memory_space<vmem>>, vector<128x128xf32>
    %dot_general3A_50 = arith.constant dense<0.000000e+00> : vector<2000x128xf32>
    %dot_general3A_51 = tpu.matmul %max3A_46, %get3A_49, %dot_general3A_50 {dimension_numbers = #tpu.dot_dimension_numbers<[1], [0], [0], [1], [0, 0, 1, 1], [], []>, transpose_lhs_hint = false} : vector<2000x128xf32>, vector<128x128xf32>, vector<2000x128xf32> -> vector<2000x128xf32>
    %get3A_52 = arith.constant 0 : index
    %get3A_53 = arith.constant 0 : index
    %get3A_54 = vector.load %arg11[%get3A_52, %get3A_53] : memref<1x128xf32, #tpu.memory_space<vmem>>, vector<1x128xf32>
    %add3A_55 = vector.broadcast %get3A_54 : vector<1x128xf32> to vector<2000x128xf32>
    %add3A_56 = arith.addf %dot_general3A_51, %add3A_55 : vector<2000x128xf32>
    %swap3A = arith.constant 0 : index
    %swap3A_57 = arith.constant 0 : index
    %swap3A_58 = vector.load %arg12[%swap3A, %swap3A_57] : memref<2000x128xf32, #tpu.memory_space<vmem>>, vector<2000x128xf32>
    tpu.vector_store %arg12[%swap3A, %swap3A_57], %add3A_56 {strides = array<i32>} : memref<2000x128xf32, #tpu.memory_space<vmem>>, vector<2000x128xf32>,
    return
  }
  func.func @transform_0(%arg0: i32) -> (i32, i32, i32) {
    %c0_i32 = arith.constant 0 : i32
    %c0_i32_0 = arith.constant 0 : i32
    %c0_i32_1 = arith.constant 0 : i32
    return %arg0, %c0_i32, %c0_i32_0 : i32, i32, i32
  }
  func.func @transform_1(%arg0: i32) -> (i32, i32) {
    %c0_i32 = arith.constant 0 : i32
    %c0_i32_0 = arith.constant 0 : i32
    return %arg0, %c0_i32 : i32, i32
  }
  func.func @transform_2(%arg0: i32) -> (i32, i32, i32) {
    %c0_i32 = arith.constant 0 : i32
    %c0_i32_0 = arith.constant 0 : i32
    %c0_i32_1 = arith.constant 0 : i32
    return %c0_i32, %arg0, %c0_i32_0 : i32, i32, i32
  }
  func.func @transform_3(%arg0: i32) -> (i32, i32, i32) {
    %c1_i32 = arith.constant 1 : i32
    %c0_i32 = arith.constant 0 : i32
    %c0_i32_0 = arith.constant 0 : i32
    return %c1_i32, %arg0, %c0_i32 : i32, i32, i32
  }
  func.func @transform_4(%arg0: i32) -> (i32, i32) {
    %c0_i32 = arith.constant 0 : i32
    %c0_i32_0 = arith.constant 0 : i32
    %c0_i32_1 = arith.constant 0 : i32
    return %c0_i32, %c0_i32_0 : i32, i32
  }
  func.func @transform_5(%arg0: i32) -> (i32, i32) {
    %c0_i32 = arith.constant 0 : i32
    %c0_i32_0 = arith.constant 0 : i32
    %c0_i32_1 = arith.constant 0 : i32
    return %c0_i32, %c0_i32_0 : i32, i32
  }
  func.func @transform_6(%arg0: i32) -> (i32, i32) {
    %c0_i32 = arith.constant 0 : i32
    %c0_i32_0 = arith.constant 0 : i32
    %c0_i32_1 = arith.constant 0 : i32
    return %c0_i32, %c0_i32_0 : i32, i32
  }
  func.func @transform_7(%arg0: i32) -> (i32, i32) {
    %c0_i32 = arith.constant 0 : i32
    %c0_i32_0 = arith.constant 0 : i32
    %c0_i32_1 = arith.constant 0 : i32
    return %c0_i32, %c0_i32_0 : i32, i32
  }
  func.func @transform_8(%arg0: i32) -> (i32, i32) {
    %c0_i32 = arith.constant 0 : i32
    %c0_i32_0 = arith.constant 0 : i32
    %c0_i32_1 = arith.constant 0 : i32
    return %c0_i32, %c0_i32_0 : i32, i32
  }
  func.func @transform_9(%arg0: i32) -> (i32, i32) {
    %c0_i32 = arith.constant 0 : i32
    %c0_i32_0 = arith.constant 0 : i32
    %c0_i32_1 = arith.constant 0 : i32
    return %c0_i32, %c0_i32_0 : i32, i32
  }
  func.func @transform_10(%arg0: i32) -> (i32, i32) {
    %c0_i32 = arith.constant 0 : i32
    %c0_i32_0 = arith.constant 0 : i32
    %c0_i32_1 = arith.constant 0 : i32
    return %c0_i32, %c0_i32_0 : i32, i32
  }
  func.func @transform_11(%arg0: i32) -> (i32, i32) {
    %c0_i32 = arith.constant 0 : i32
    %c0_i32_0 = arith.constant 0 : i32
    return %arg0, %c0_i32 : i32, i32
  }
}

</mosaic_0001>

<sc_bundles>
// kernel: kernel.10.cloned.1.call-start
scs
__scs_entry_jumppad:
0x0: {  	(pc) =	sbr.rel $0x88, $3  }
0x1: {  	(tag) =	ssettag $0x0;
	lr =	simm.s32 $0x1  }
0x2: {  	[smem:$0x3F94] =	sst lr;
	_ =	strace $0xD0000000  }
0x3: {  	_ = 	snop  }
0x4: {  	_ = 	snop  }
0x5: {  	_ = 	snop  }
0x6: {  	_ = 	snop  }
0x7: {  	_ = 	snop  }
__scs_overlays_trampoline_lowered:
0x8: {  	[smem:$0x3FA3] =	sst s0  }
0x9: {  	[smem:$0x3FA4] =	sst s1  }
0xa: {  	[smem:$0x3FA5] =	sst s2  }
0xb: {  	[smem:$0x3FA6] =	sst s3  }
0xc: {  	[smem:$0x3FA7] =	sst s4  }
0xd: {  	[smem:$0x3FA8] =	sst s5  }
0xe: {  	[smem:$0x3FA9] =	sst s6  }
0xf: {  	[smem:$0x3FAA] =	sst s7  }
0x10: {  	[smem:$0x3FAB] =	sst s8  }
0x11: {  	[smem:$0x3FAC] =	sst s9;
	s0 =	simm.s32 @!p0 $0x0  }
0x12: {  	s1 =	sld [smem:$0x3F92];
	s0 =	simm.s32 @p0 $0x1  }
0x13: {  	[smem:$0x3FAD] =	sst s0;
	s0 =	simm.s32 @!p1 $0x0  }
0x14: {  	s2 =	sld [smem:$0x3F91];
	s0 =	simm.s32 @p1 $0x1  }
0x15: {  	[smem:$0x3FAE] =	sst s0;
	s0 =	simm.s32 @!p2 $0x0  }
0x16: {  	s3 =	sld [smem:$0x3FDB];
	s0 =	simm.s32 @p2 $0x1  }
0x17: {  	s4 =	simm.s32 $0x1BF5;
	[smem:$0x3FB0] =	sst s0  }
0x18: {  	s0 =	sld [smem:$0x3F93];
	_ =	swait.ge [sflag:s4], $0x0  }
0x19: {  	s7 =	sld [smem:$0x3F94]  }
0x1a: {  	s8 =	sadd.s32 $0xFFFFE003, lr  }
0x1b: {  	s9 =	sadd.s32 $0xFFFFFEF7, lr;
	s5 =	simm.s32 $0xFFFFFFFF;
	p2 =	slt.u32 s8, $0xFFFFF086  }
0x1c: {  	p1 =	slt.u32 s9, $0xF7A;
	s5 =	simm.s32 @!p2 $0x0  }
0x1d: {  	s5 =	simm.s32 @p1 $0x1;
	p0 =	seq.s32 s7, s2  }
0x1e: {  	s7 =	smul.u32 @!p0 $0xF7A, s2;
	p2 =	seq.s32 @!p0 s5, $0x0  }
0x1f: {  	s9 =	smul.u32 $0xF7A, s1;
	s8 =	simm.s32 @!p0 $0x1BF5;
	p2 =	por !p2, p0  }
0x20: {  	[sflag:s8] =	ssyncset.s32 @!p0 $0xFFFFF086;
	s6 =	sadd.s32 @!p0 s3, s7;
	s7 =	simm.s32 @!p0 $0x108  }
0x21: {  	s3 =	sadd.s32 s3, s9;
	s6 =	sadd.s32 @!p0 $0x88, s6;
	s7 =	simm.s32 @p2 $0x1082  }
0x22: {  	[simem:s7], [sflag:s8] =	dma.local @!p0 [hbm:s6], $0xF7A  }
0x23: {  	s9 =	sor.u32 $0xD0000000, s2;
	s6 =	simm.s32 $0x108;
	_ =	swait.ge @!p0 [sflag:s8], $0x0  }
0x24: {  	s3 =	sadd.s32 $0x88, s3;
	s6 =	simm.s32 @!p1 $0x1082;
	[sflag:s4] =	ssyncset.s32 $0xFFFFF086  }
0x25: {  	[simem:s6], [sflag:s4] =	dma.local [hbm:s3], $0xF7A  }
0x26: {  	[smem:$0x3F94] =	sst s1;
	(tag) =	ssettag s2;
	_ =	strace s9  }
0x27: {  	s1 =	sld [smem:$0x3FA4]  }
0x28: {  	s2 =	sld [smem:$0x3FA5]  }
0x29: {  	s4 =	sld [smem:$0x3FA7]  }
0x2a: {  	p0 =	seq.s32 s5, $0x0;
	s5 =	sld [smem:$0x3FA8]  }
0x2b: {  	s6 =	sld [smem:$0x3FA9]  }
0x2c: {  	s7 =	sld [smem:$0x3FAA]  }
0x2d: {  	s3 =	simm.s32 $0x108;
	s8 =	sld [smem:$0x3FAB]  }
0x2e: {  	s3 =	simm.s32 @!p0 $0x1082;
	s9 =	sld [smem:$0x3FAC]  }
0x2f: {  	lr =	sadd.s32 s0, s3;
	s0 =	sld [smem:$0x3FA3]  }
0x30: {  	s3 =	sld [smem:$0x3FA6]  }
0x31: {  	[smem:$0x3FAF] =	sst s10  }
0x32: {  	s10 =	sld [smem:$0x3FAD];
	_ =	sdelay $0x3  }
0x33: {  	p0 =	seq.s32 s10, $0x1;
	s10 =	sld [smem:$0x3FAF];
	_ =	sdelay $0x3  }
0x34: {  	[smem:$0x3FAF] =	sst s10  }
0x35: {  	s10 =	sld [smem:$0x3FAE];
	_ =	sdelay $0x3  }
0x36: {  	p1 =	seq.s32 s10, $0x1;
	s10 =	sld [smem:$0x3FAF];
	_ =	sdelay $0x3  }
0x37: {  	[smem:$0x3FAF] =	sst s10  }
0x38: {  	s10 =	sld [smem:$0x3FB0]  }
0x39: {  	_ = 	snop;
	(pc) =	sbr.ind lr, $3  }
0x3a: {  	_ = 	snop  }
0x3b: {  	_ = 	snop  }
0x3c: {  	p2 =	seq.s32 s10, $0x1;
	s10 =	sld [smem:$0x3FAF]  }
0x3d: {  	_ =	shalt  }
0x3e: {  	_ =	shalt  }
0x3f: {  	_ =	shalt  }
0x40: {  	_ =	shalt  }
0x41: {  	_ =	shalt  }
0x42: {  	_ =	shalt  }
0x43: {  	_ =	shalt  }
0x44: {  	_ =	shalt  }
0x45: {  	_ =	shalt  }
0x46: {  	_ =	shalt  }
0x47: {  	_ =	shalt  }
0x48: {  	_ =	shalt  }
0x49: {  	_ =	shalt  }
0x4a: {  	_ =	shalt  }
0x4b: {  	_ =	shalt  }
0x4c: {  	_ =	shalt  }
0x4d: {  	_ =	shalt  }
0x4e: {  	_ =	shalt  }
0x4f: {  	_ =	shalt  }
0x50: {  	_ =	shalt  }
0x51: {  	_ =	shalt  }
0x52: {  	_ =	shalt  }
0x53: {  	_ =	shalt  }
0x54: {  	_ =	shalt  }
0x55: {  	_ =	shalt  }
0x56: {  	_ =	shalt  }
0x57: {  	_ =	shalt  }
0x58: {  	_ =	shalt  }
0x59: {  	_ =	shalt  }
0x5a: {  	_ =	shalt  }
0x5b: {  	_ =	shalt  }
0x5c: {  	_ =	shalt  }
0x5d: {  	_ =	shalt  }
0x5e: {  	_ =	shalt  }
0x5f: {  	_ =	shalt  }
0x60: {  	_ =	shalt  }
0x61: {  	_ =	shalt  }
0x62: {  	_ =	shalt  }
0x63: {  	_ =	shalt  }
0x64: {  	_ =	shalt  }
0x65: {  	_ =	shalt  }
0x66: {  	_ =	shalt  }
0x67: {  	_ =	shalt  }
0x68: {  	_ =	shalt  }
0x69: {  	_ =	shalt  }
0x6a: {  	_ =	shalt  }
0x6b: {  	_ =	shalt  }
0x6c: {  	_ =	shalt  }
0x6d: {  	_ =	shalt  }
0x6e: {  	_ =	shalt  }
0x6f: {  	_ =	shalt  }
0x70: {  	_ =	shalt  }
0x71: {  	_ =	shalt  }
0x72: {  	_ =	shalt  }
0x73: {  	_ =	shalt  }
0x74: {  	_ =	shalt  }
0x75: {  	_ =	shalt  }
0x76: {  	_ =	shalt  }
0x77: {  	_ =	shalt  }
0x78: {  	_ =	shalt  }
0x79: {  	_ =	shalt  }
0x7a: {  	_ =	shalt  }
0x7b: {  	_ =	shalt  }
0x7c: {  	_ =	shalt  }
0x7d: {  	_ =	shalt  }
0x7e: {  	_ =	shalt  }
0x7f: {  	_ =	shalt  }
0x80: {  	_ =	shalt  }
0x81: {  	_ =	shalt  }
0x82: {  	_ =	shalt  }
0x83: {  	_ =	shalt  }
0x84: {  	_ =	shalt  }
0x85: {  	_ =	shalt  }
0x86: {  	_ =	shalt  }
0x87: {  	_ =	shalt  }
.Lfunc_end0:
.L_simem_size_0:
called_computation.1_lowered:
.L_overlay_start_0:
0x88: {  	s2 =	sld [smem:$0x3FD9]  }
0x89: {  	s3 =	sld [smem:$0x3FFE];
	_ =	sdelay $0x1  }
0x8a: {  	s1 =	srdreg.scid  }
0x8b: {  	s0 =	sand.u32 $0x1, s1  }
0x8c: {  	s16 =	sshll.u32 s0, $0xA;
	s2 =	sadd.s32 s3, s2  }
0x8d: {  	s2 =	sadd.s32 s2, s16  }
0x8e: {  	[smem:$0x3FBB] =	sst s2  }
0x8f: {  	_ = 	snop  }
0x90: {  	(tm) =	ssettm $0x1  }
0x91: {  	s17 =	sld [smem:$0x3FFB];
	_ =	sdelay $0x3  }
0x92: {  	_ =	strace s17  }
0x93: {  	s2 =	sld [smem:$0x3FFC];
	_ =	sdelay $0x3  }
0x94: {  	_ =	strace s2  }
0x95: {  	s2 =	sld [smem:$0x3FFD];
	_ =	sdelay $0x3  }
0x96: {  	_ =	strace s2  }
0x97: {  	_ =	strace $0x8FFFFFFF  }
0x98: {  	s18 =	sld [smem:$0x3FDB];
	_ =	sdelay $0x1  }
0x99: {  	s19 =	simm.s32 $_scs_section_size  }
0x9a: {  	s4 =	simm.s32 $_size__tile_overlayer_lowered;
	s5 =	simm.s32 $_tile_overlayer_lowered  }
0x9b: {  	s22 =	simm.s32 $0x1BFF;
	s21 =	sshll.u32 s5, $0x1;
	s2 =	sadd.s32 s19, s18  }
0x9c: {  	s6 =	simm.s32 $0x0;
	s20 =	sshll.u32 s4, $0x1;
	s4 =	sadd.s32 s21, s2  }
0x9d: {  	[timem:s6], [sflag:s22] =	dma.local [hbm:s4], s20  }
0x9e: {  	_ =	swait.ge [sflag:s22], s20  }
0x9f: {  	s3 =	ssub.s32 $0x0, s20;
	[sflag:s22] =	ssyncset.done $0x0  }
0xa0: {  	[sflag:s22] =	ssyncadd.s32 s3;
	_ =	sdelay $0x1  }
0xa1: {  	s23 =	simm.s32 $0x1B8B  }
0xa2: {  	_ =	swait.ge [sflag:s23], $0x1  }
0xa3: {  	[sflag:s23] =	ssyncset.done $0x0  }
0xa4: {  	s25 =	simm.s32 $0x1B8E;
	s24 =	sld [smem:$0x3FFE];
	[sflag:s23] =	ssyncadd.s32 $0xFFFFFFFF  }
0xa5: {  	s26 =	simm.s32 $execute0_lowered;
	[smem:$0x3FD2] =	sst s25  }
0xa6: {  	s4 =	sshll.u32 s26, $0x1;
	_ =	strace $0x80000049;
	[dreg:$0x1] =	wrdreg $0xFFFFFFFF  }
0xa7: {  	s28 =	simm.s32 $_size_execute0_lowered;
	s2 =	sadd.s32 s2, s4;
	[dreg:$0x0] =	wrdreg $0x0  }
0xa8: {  	s4 =	sshll.u32 s28, $0x1;
	[dreg:$0x2] =	wrdreg s2  }
0xa9: {  	[dreg:$0x3] =	wrdreg s4  }
0xaa: {  	[dreg:$0x4] =	wrdreg $0xC0  }
0xab: {  	_ =	task [dreg:s6], $0x5FFFF  }
0xac: {  	[dreg:$0x1] =	wrdreg $0xFFFFFFFF  }
0xad: {  	[dreg:$0x0] =	wrdreg $0x60  }
0xae: {  	[dreg:$0x2] =	wrdreg s24  }
0xaf: {  	[dreg:$0x3] =	wrdreg $0xB4000  }
0xb0: {  	[dreg:$0x4] =	wrdreg $0x9  }
0xb1: {  	_ =	task.clear_ibuf [dreg:s6], $0x5FFFF;
	_ =	strace $0x90000049  }
0xb2: {  	s29 =	simm.s32 $0x9;
	_ =	strace $0x8000004B  }
0xb3: {  	_ =	swait.ge [sflag:s29], $0x1  }
0xb4: {  	[sflag:s29] =	ssyncadd.s32 $0xFFFFFFFF  }
0xb5: {  	_ =	strace $0x9000004B  }
0xb6: {  	_ =	sfence  }
0xb7: {  	s30 =	sld [smem:$0x0];
	_ =	sdelay $0x2  }
0xb8: {  	s31 =	sshll.u32 s1, $0xD;
	s1 =	sshrl.u32 s1, $0x2  }
0xb9: {  	s3 =	sand.u32 $0x4000, s31;
	s1 =	sadd.s32 s1, s30  }
0xba: {  	s0 =	sor.u32 s3, s0;
	s1 =	sshll.u32 s1, $0x11  }
0xbb: {  	s0 =	sor.u32 s1, s0  }
0xbc: {  	s0 =	sadd.s32 $0x8F2B, s0  }
0xbd: {  	[sflag:s0] =	ssyncadd.remote.s32 $0x1  }
0xbe: {  	_ =	sfence.sel $0xFFFF  }
0xbf: {  	[dreg:$0x0] =	wrdreg $0xFFFFFFFF;
	(pc) =	sbr.abs _section_cstart, $3  }
0xc0: {  	[dreg:$0x1] =	wrdreg $0xFFFFFFFF  }
0xc1: {  	_ =	task.clear_ibuf [dreg:s6], $0x2FFFF;
	_ =	strace $0x9FFFFFFF  }
0xc2: {  	(tm) =	ssettm $0x7FFFFFFF  }
0xc3: {  	_ =	shalt  }
tec
execute0_lowered:
.L_overlay_start_1:
0x0: {  	(tag) =	ssettag $0x1  }
0x1: {  	s8 =	rddreg [dreg:$0x0]  }
0x2: {  	s0 =	srdreg.scid;
	s22 =	stileid.u32  }
0x3: {  	s1 =	rddreg [dreg:$0x1];
	s3 =	sand.u32 $0x1, s0;
	s16 =	smul.u32 $0x2800, s22  }
0x4: {  	s2 =	simm.s32 $0x0;
	s14 =	sor.u32 $0x10, s22;
	s13 =	smul.u32 $0x138800, s3  }
0x5: {  	[smem:$0x7FF] =	sst s2;
	s15 =	sor.u32 $0x20, s22;
	s17 =	smul.u32 $0x2800, s14  }
0x6: {  	s9 =	sadd.s32 $0x10800, s8;
	s7 =	sor.u32 $0x30, s22;
	s18 =	smul.u32 $0x2800, s15  }
0x7: {  	s10 =	sadd.s32 $0x2800, s8;
	s6 =	sor.u32 $0x40, s22;
	s19 =	smul.u32 $0x2800, s7  }
0x8: {  	s12 =	sadd.s32 $0x45A00, s8;
	p0 =	sgt.u32 s22, $0x9;
	s21 =	smul.u32 $0x2800, s6  }
0x9: {  	p1 =	sgt.u32 s22, $0xC;
	s0 =	sshll.u32 s3, $0x4;
	s25 =	smul.u32 $0x5000, s14  }
0xa: {  	s4 =	ssub.s32 $0x2, s3;
	s3 =	sor.u32 $0x70, s22;
	s14 =	smul.u32 $0xA000, s14  }
0xb: {  	s0 =	sor.u32 s22, s0;
	s5 =	sshrl.u32 s4, $0x1;
	s23 =	smul.u32 $0x2800, s3  }
0xc: {  	s11 =	smul.u32 $0x3800, s0;
	s0 =	ssub.s32 s4, s5;
	s5 =	sor.u32 $0x50, s22  }
0xd: {  	s4 =	sor.u32 $0x60, s22;
	s18 =	sadd.s32 s13, s18;
	s19 =	sadd.s32 s13, s19  }
0xe: {  	s24 =	sadd.s32 s13, s21;
	s21 =	smul.u32 $0xA000, s22;
	s11 =	sshrl.u32 s11, $0x3  }
0xf: {  	s25 =	sshrl.u32 s25, $0x2;
	s29 =	smul.u32 $0x2800, s5;
	s20 =	sadd.s32 s9, s11  }
0x10: {  	s28 =	sadd.s32 $0x380, s11;
	s11 =	sadd.s32 s10, s11;
	[dreg:$0x3] =	wrdreg s20  }
0x11: {  	s0 =	smax.u32 s0, $0x1;
	[dreg:$0x4] =	wrdreg s11;
	s9 =	sadd.s32 s9, s28  }
0x12: {  	s10 =	sadd.s32 s10, s28;
	s11 =	sadd.s32 s16, s13;
	s16 =	smul.u32 $0x2800, s4  }
0x13: {  	s20 =	sadd.s32 s13, s17;
	s28 =	sshrl.u32 s18, $0x3;
	[dreg:$0x5] =	wrdreg s9  }
0x14: {  	s17 =	sshrl.u32 s24, $0x3;
	[dreg:$0x6] =	wrdreg s10;
	s10 =	sshrl.u32 s11, $0x3  }
0x15: {  	s9 =	sadd.s32 s13, s29;
	s26 =	sshrl.u32 s20, $0x3;
	s29 =	sshrl.u32 s19, $0x3  }
0x16: {  	s20 =	smul.u32 $0x5000, s22;
	s22 =	simm.s32 $0x6C00;
	s11 =	sadd.s32 s13, s16  }
0x17: {  	s13 =	sadd.s32 s13, s23;
	s10 =	sadd.s32 s12, s10;
	s23 =	smul.u32 $0x5000, s15  }
0x18: {  	s16 =	sadd.s32 s12, s29;
	s9 =	sshrl.u32 s9, $0x3;
	s29 =	smul.u32 $0x5000, s6  }
0x19: {  	s6 =	smul.u32 $0xA000, s6;
	[dreg:$0x7] =	wrdreg s10;
	s10 =	sadd.s32 s12, s26  }
0x1a: {  	[dreg:$0xa] =	wrdreg s16;
	s11 =	sshrl.u32 s11, $0x3;
	s9 =	sadd.s32 s12, s9  }
0x1b: {  	s19 =	sshrl.u32 s13, $0x3;
	s16 =	sadd.s32 $0x1E800, s8;
	s26 =	smul.u32 $0x5000, s7  }
0x1c: {  	s24 =	sshrl.u32 s20, $0x2;
	s8 =	sadd.s32 s25, s1;
	s7 =	smul.u32 $0xA000, s7  }
0x1d: {  	s25 =	sshrl.u32 s14, $0x2;
	s14 =	simm.s32 $0x1;
	[dreg:$0x8] =	wrdreg s10  }
0x1e: {  	s10 =	sadd.s32 s12, s28;
	[dreg:$0xc] =	wrdreg s9;
	s18 =	sadd.s32 s12, s11  }
0x1f: {  	s9 =	sadd.s32 s12, s19;
	s28 =	sshrl.u32 s23, $0x2;
	s13 =	sshrl.u32 s29, $0x2  }
0x20: {  	s19 =	smul.u32 $0x5000, s3;
	s6 =	sshrl.u32 s6, $0x2;
	[dreg:$0x9] =	wrdreg s10  }
0x21: {  	s3 =	smul.u32 $0xA000, s3;
	s10 =	sadd.s32 s12, s17;
	[dreg:$0xd] =	wrdreg s18  }
0x22: {  	[dreg:$0xe] =	wrdreg s9;
	s17 =	sadd.s32 s24, s1;
	s12 =	smul.u32 $0x5000, s5  }
0x23: {  	s11 =	sshrl.u32 s26, $0x2;
	s24 =	sshrl.u32 s21, $0x2;
	s5 =	smul.u32 $0xA000, s5  }
0x24: {  	s9 =	sadd.s32 s25, s1;
	s7 =	sshrl.u32 s7, $0x2;
	s6 =	sadd.s32 s6, s1  }
0x25: {  	s21 =	simm.s32 $0x80;
	[dreg:$0xb] =	wrdreg s10;
	s10 =	smul.u32 $0xA000, s15  }
0x26: {  	s25 =	simm.s32 $0x3480;
	s15 =	smul.u32 $0x5000, s4;
	s23 =	sshrl.u32 s19, $0x2  }
0x27: {  	s4 =	smul.u32 $0xA000, s4;
	s7 =	sadd.s32 s7, s1;
	s3 =	sshrl.u32 s3, $0x2  }
0x28: {  	s31 =	sshrl.u32 s6, $0x3;
	s6 =	sadd.s32 $0xC8000, s17;
	s19 =	simm.s32 $0x64  }
0x29: {  	_ =	strace $0x8000004A;
	[dreg:$0xf] =	wrdreg s8;
	s8 =	sadd.s32 s28, s1  }
0x2a: {  	s18 =	sshrl.u32 s12, $0x2;
	s5 =	sshrl.u32 s5, $0x2;
	s3 =	sadd.s32 s3, s1  }
0x2b: {  	[dreg:$0x16] =	wrdreg s0;
	s28 =	sshrl.u32 s9, $0x3;
	s30 =	sshrl.u32 s7, $0x3  }
0x2c: {  	s7 =	sadd.s32 $0xDC000, s17;
	s9 =	sadd.s32 $0x104000, s17;
	s12 =	sadd.s32 $0x12C000, s17  }
0x2d: {  	[dreg:$0x10] =	wrdreg s8;
	s8 =	sadd.s32 s11, s1;
	s20 =	sshrl.u32 s15, $0x2  }
0x2e: {  	s10 =	sshrl.u32 s10, $0x2;
	s4 =	sshrl.u32 s4, $0x2;
	s5 =	sadd.s32 s5, s1  }
0x2f: {  	[dreg:$0x18] =	wrdreg s28;
	s3 =	sshrl.u32 @!p1 s3, $0x3;
	s15 =	simm.s32 $0x3  }
0x30: {  	[dreg:$0x11] =	wrdreg s8;
	s8 =	sadd.s32 s13, s1;
	s10 =	sadd.s32 s10, s1  }
0x31: {  	s4 =	sadd.s32 s4, s1;
	s11 =	sshrl.u32 s5, $0x3;
	s5 =	sadd.s32 $0xB4000, s17  }
0x32: {  	s13 =	simm.s32 $0xA000;
	[dreg:$0x12] =	wrdreg s8;
	s8 =	sadd.s32 s18, s1  }
0x33: {  	s29 =	sshrl.u32 s10, $0x3;
	s0 =	sshrl.u32 s4, $0x3;
	[dreg:$0x13] =	wrdreg s8  }
0x34: {  	s4 =	sadd.s32 $0xA0000, s17;
	s8 =	sadd.s32 s20, s1;
	[dreg:$0x19] =	wrdreg s29  }
0x35: {  	s10 =	sadd.s32 $0x118000, s17;
	[dreg:$0x14] =	wrdreg s8;
	s8 =	sadd.s32 s23, s1  }
0x36: {  	s18 =	simm.s32 $0x1C00;
	[dreg:$0x15] =	wrdreg s8;
	s8 =	sadd.s32 s24, s1  }
0x37: {  	s20 =	simm.s32 $0x3800;
	s23 =	simm.s32 $0x2;
	s26 =	sshrl.u32 s8, $0x3  }
0x38: {  	v0 =	vimm.f32 $0.0e+00;
	s24 =	simm.s32 $0x3400;
	s8 =	sadd.s32 $0xF0000, s17;
	[dreg:$0x17] =	wrdreg s26  }
.LBB2_1:
0x39: {  	s26 =	simm.s32 $0x0;
	s28 =	simm.s32 $0x200  }
.LBB2_2:
0x3a: {  	p2 =	sne.s32 s28, $0x4E00;
	[tilespmem:s26+$0xA070] =	vst v0  }
0x3b: {  	[tilespmem:s26+$0xA000] =	vst v0  }
0x3c: {  	[tilespmem:s26+$0xA010] =	vst v0  }
.Ltmp0:
0x3d: {  	[tilespmem:s26+$0xA020] =	vst v0;
	(pc) =	sbr.rel @p2 .LBB2_2-.Ltmp0, $4  }
0x3e: {  	[tilespmem:s26+$0xA030] =	vst v0  }
0x3f: {  	[tilespmem:s26+$0xA040] =	vst v0  }
0x40: {  	[tilespmem:s26+$0xA050] =	vst v0  }
0x41: {  	[tilespmem:s26+$0xA060] =	vst v0;
	s26 =	sshra.s32 s28, $0x2;
	s28 =	sadd.s32 $0x200, s28  }
0x42: {  	[tilespmem:s26+$0xA070] =	vst v0  }
0x43: {  	[tilespmem:s26+$0xA000] =	vst v0  }
0x44: {  	[tilespmem:s26+$0xA010] =	vst v0  }
0x45: {  	[tilespmem:s26+$0xA020] =	vst v0  }
0x46: {  	[tilespmem:s26+$0xA030] =	vst v0  }
0x47: {  	[tilespmem:s26+$0xA040] =	vst v0  }
0x48: {  	[tilespmem:s26+$0xA050] =	vst v0  }
0x49: {  	[tilespmem:s26+$0xA060] =	vst v0  }
0x4a: {  	[spmem:s17] =	stream.linear.scatter [tilespmem:s13], [sflag:$0x1], $0x1400, $0x38;
	[tilespmem:$0x1EC80] =	vst v63  }
0x4b: {  	s29 =	rddreg [dreg:$0xf]  }
0x4c: {  	[spmem:s29] =	stream.linear.scatter [tilespmem:s13], [sflag:$0x1], $0x1400, $0x38;
	[tilespmem:$0x1EC80] =	vst v63  }
0x4d: {  	s29 =	rddreg [dreg:$0x10]  }
0x4e: {  	[spmem:s29] =	stream.linear.scatter [tilespmem:s13], [sflag:$0x1], $0x1400, $0x38;
	[tilespmem:$0x1EC80] =	vst v63  }
0x4f: {  	s29 =	rddreg [dreg:$0x11]  }
0x50: {  	[spmem:s29] =	stream.linear.scatter [tilespmem:s13], [sflag:$0x1], $0x1400, $0x38;
	[tilespmem:$0x1EC80] =	vst v63  }
0x51: {  	s29 =	rddreg [dreg:$0x12]  }
0x52: {  	[spmem:s29] =	stream.linear.scatter [tilespmem:s13], [sflag:$0x1], $0x1400, $0x38;
	[tilespmem:$0x1EC80] =	vst v63  }
0x53: {  	s29 =	rddreg [dreg:$0x13]  }
0x54: {  	[spmem:s29] =	stream.linear.scatter [tilespmem:s13], [sflag:$0x1], $0x1400, $0x38;
	[tilespmem:$0x1EC80] =	vst v63  }
0x55: {  	s29 =	rddreg [dreg:$0x14]  }
0x56: {  	[spmem:s29] =	stream.linear.scatter [tilespmem:s13], [sflag:$0x1], $0x1400, $0x38;
	[tilespmem:$0x1EC80] =	vst v63  }
0x57: {  	s29 =	rddreg [dreg:$0x15]  }
0x58: {  	[spmem:s29] =	stream.linear.scatter [tilespmem:s13], [sflag:$0x1], $0x1400, $0x38;
	[tilespmem:$0x1EC80] =	vst v63  }
0x59: {  	_ = 	snop  }
0x5a: {  	[spmem:s4] =	stream.linear.scatter [tilespmem:s13], [sflag:$0x1], $0x1400, $0x38;
	[tilespmem:$0x1EC80] =	vst v63  }
0x5b: {  	_ = 	snop  }
0x5c: {  	[spmem:s5] =	stream.linear.scatter [tilespmem:s13], [sflag:$0x1], $0x1400, $0x38;
	[tilespmem:$0x1EC80] =	vst v63  }
0x5d: {  	_ = 	snop  }
0x5e: {  	[spmem:s6] =	stream.linear.scatter [tilespmem:s13], [sflag:$0x1], $0x1400, $0x38;
	[tilespmem:$0x1EC80] =	vst v63  }
0x5f: {  	_ = 	snop  }
0x60: {  	[spmem:s7] =	stream.linear.scatter [tilespmem:s13], [sflag:$0x1], $0x1400, $0x38;
	[tilespmem:$0x1EC80] =	vst v63  }
0x61: {  	_ = 	snop  }
0x62: {  	[spmem:s8] =	stream.linear.scatter [tilespmem:s13], [sflag:$0x1], $0x1400, $0x38;
	[tilespmem:$0x1EC80] =	vst v63  }
0x63: {  	_ = 	snop  }
0x64: {  	[spmem:s9] =	stream.linear.scatter [tilespmem:s13], [sflag:$0x1], $0x1400, $0x38;
	[tilespmem:$0x1EC80] =	vst v63  }
0x65: {  	_ = 	snop  }
0x66: {  	[spmem:s10] =	stream.linear.scatter [tilespmem:s13], [sflag:$0x1], $0x1400, $0x38;
	[tilespmem:$0x1EC80] =	vst v63  }
0x67: {  	s26 =	simm.s32 @!p0 $0xA000  }
0x68: {  	[spmem:s12] =	stream.linear.scatter @!p0 [tilespmem:s26], [sflag:$0x1], $0x1400, $0x38;
	[tilespmem:$0x1EC80] =	vst v63  }
0x69: {  	_ =	swait.ge [sflag:s14], $0x1400  }
0x6a: {  	[sflag:s14] =	ssyncset.done $0x0  }
0x6b: {  	[sflag:s14] =	ssyncadd.s32 $0xFFFFEC00  }
0x6c: {  	_ =	swait.ge [sflag:s14], $0x1400  }
0x6d: {  	[sflag:s14] =	ssyncset.done $0x0  }
0x6e: {  	[sflag:s14] =	ssyncadd.s32 $0xFFFFEC00  }
0x6f: {  	_ =	swait.ge [sflag:s14], $0x1400  }
0x70: {  	[sflag:s14] =	ssyncset.done $0x0  }
0x71: {  	[sflag:s14] =	ssyncadd.s32 $0xFFFFEC00  }
0x72: {  	_ =	swait.ge [sflag:s14], $0x1400  }
0x73: {  	[sflag:s14] =	ssyncset.done $0x0  }
0x74: {  	[sflag:s14] =	ssyncadd.s32 $0xFFFFEC00  }
0x75: {  	_ =	swait.ge [sflag:s14], $0x1400  }
0x76: {  	[sflag:s14] =	ssyncset.done $0x0  }
0x77: {  	[sflag:s14] =	ssyncadd.s32 $0xFFFFEC00  }
0x78: {  	_ =	swait.ge [sflag:s14], $0x1400  }
0x79: {  	[sflag:s14] =	ssyncset.done $0x0  }
0x7a: {  	[sflag:s14] =	ssyncadd.s32 $0xFFFFEC00  }
0x7b: {  	_ =	swait.ge [sflag:s14], $0x1400  }
0x7c: {  	[sflag:s14] =	ssyncset.done $0x0  }
0x7d: {  	[sflag:s14] =	ssyncadd.s32 $0xFFFFEC00  }
0x7e: {  	_ =	swait.ge [sflag:s14], $0x1400  }
0x7f: {  	[sflag:s14] =	ssyncset.done $0x0  }
0x80: {  	[sflag:s14] =	ssyncadd.s32 $0xFFFFEC00  }
0x81: {  	_ =	swait.ge [sflag:s14], $0x1400  }
0x82: {  	[sflag:s14] =	ssyncset.done $0x0  }
0x83: {  	[sflag:s14] =	ssyncadd.s32 $0xFFFFEC00  }
0x84: {  	_ =	swait.ge [sflag:s14], $0x1400  }
0x85: {  	[sflag:s14] =	ssyncset.done $0x0  }
0x86: {  	[sflag:s14] =	ssyncadd.s32 $0xFFFFEC00  }
0x87: {  	_ =	swait.ge [sflag:s14], $0x1400  }
0x88: {  	[sflag:s14] =	ssyncset.done $0x0  }
0x89: {  	[sflag:s14] =	ssyncadd.s32 $0xFFFFEC00  }
0x8a: {  	_ =	swait.ge [sflag:s14], $0x1400  }
0x8b: {  	[sflag:s14] =	ssyncset.done $0x0  }
0x8c: {  	[sflag:s14] =	ssyncadd.s32 $0xFFFFEC00  }
0x8d: {  	_ =	swait.ge [sflag:s14], $0x1400  }
0x8e: {  	[sflag:s14] =	ssyncset.done $0x0  }
0x8f: {  	[sflag:s14] =	ssyncadd.s32 $0xFFFFEC00  }
0x90: {  	_ =	swait.ge [sflag:s14], $0x1400  }
0x91: {  	[sflag:s14] =	ssyncset.done $0x0  }
0x92: {  	[sflag:s14] =	ssyncadd.s32 $0xFFFFEC00  }
0x93: {  	_ =	swait.ge [sflag:s14], $0x1400  }
0x94: {  	[sflag:s14] =	ssyncset.done $0x0  }
0x95: {  	s26 =	simm.s32 @!p0 $0x1;
	[sflag:s14] =	ssyncadd.s32 $0xFFFFEC00  }
0x96: {  	_ =	swait.ge @!p0 [sflag:s26], $0x1400  }
0x97: {  	[sflag:s26] =	ssyncset.done @!p0 $0x0  }
0x98: {  	[sflag:s26] =	ssyncadd.s32 @!p0 $0xFFFFEC00  }
0x99: {  	[bflag:$0x0] =	sbarrier.arrive $0xFFFF  }
0x9a: {  	s29 =	simm.s32 $0x0;
	s28 =	rddreg [dreg:$0x3]  }
0x9b: {  	[tilespmem:s29], [sflag:$0x3] =	stream.linear.gather [hbm4b:s28+s29], $0x1900, $0x38;
	[tilespmem:$0x1EC80] =	vst v63  }
0x9c: {  	_ =	swait.ge [sflag:s15], $0x1900  }
0x9d: {  	[sflag:s15] =	ssyncset.done $0x0  }
0x9e: {  	s28 =	rddreg [dreg:$0x4];
	[sflag:s15] =	ssyncadd.s32 $0xFFFFE700  }
0x9f: {  	[tilespmem:s18], [sflag:$0x3] =	stream.linear.gather [hbm4b:s28+s29], $0x1900, $0x38;
	[tilespmem:$0x1EC80] =	vst v63  }
0xa0: {  	_ =	swait.ge [sflag:s15], $0x1900  }
0xa1: {  	[sflag:s15] =	ssyncset.done $0x0  }
0xa2: {  	[sflag:s15] =	ssyncadd.s32 $0xFFFFE700  }
0xa3: {  	[tilespmem:s20], [sflag:$0x1] =	stream.indirect.gather [hbm4b:s16+s19], $0x80, s29, s19, $0xb8;
	[tilespmem:$0x1EC80] =	vst v63  }
0xa4: {  	_ = 	snop  }
0xa5: {  	[tilespmem:s22], [sflag:$0x2] =	stream.indirect.gather [hbm4b:s16+s19], $0x80, s21, s19, $0xb8;
	[tilespmem:$0x1EC80] =	vst v63  }
0xa6: {  	_ =	swait.ge [sflag:s14], $0x3200  }
0xa7: {  	[sflag:s14] =	ssyncset.done $0x0  }
0xa8: {  	s29 =	simm.s32 $0x1C00;
	[sflag:s14] =	ssyncadd.s32 $0xFFFFCE00  }
0xa9: {  	[spmem:s1] =	stream.indirect.scatter.add.f32 [tilespmem:s20], [sflag:$0x3], $0x80, s29, s19, $0xb8;
	[tilespmem:$0x1EC80] =	vst v63  }
0xaa: {  	_ =	swait.ge [sflag:s15], $0x3200  }
0xab: {  	[sflag:s15] =	ssyncset.done $0x0  }
0xac: {  	s29 =	simm.s32 $0x100;
	[sflag:s15] =	ssyncadd.s32 $0xFFFFCE00  }
0xad: {  	[tilespmem:s20], [sflag:$0x1] =	stream.indirect.gather [hbm4b:s16+s19], $0x80, s29, s19, $0xb8;
	[tilespmem:$0x1EC80] =	vst v63  }
0xae: {  	_ =	swait.ge [sflag:s23], $0x3200  }
0xaf: {  	[sflag:s23] =	ssyncset.done $0x0  }
0xb0: {  	s29 =	simm.s32 $0x1C80;
	[sflag:s23] =	ssyncadd.s32 $0xFFFFCE00  }
0xb1: {  	[spmem:s1] =	stream.indirect.scatter.add.f32 [tilespmem:s22], [sflag:$0x3], $0x80, s29, s19, $0xb8;
	[tilespmem:$0x1EC80] =	vst v63  }
0xb2: {  	_ =	swait.ge [sflag:s15], $0x3200  }
0xb3: {  	[sflag:s15] =	ssyncset.done $0x0  }
0xb4: {  	s26 =	simm.s32 $0x400;
	s28 =	simm.s32 $0x180;
	[sflag:s15] =	ssyncadd.s32 $0xFFFFCE00  }
.LBB2_4:
0xb5: {  	[tilespmem:s22], [sflag:$0x2] =	stream.indirect.gather [hbm4b:s16+s19], $0x80, s28, s19, $0xb8;
	[tilespmem:$0x1EC80] =	vst v63  }
0xb6: {  	s28 =	smov.u32 s26  }
0xb7: {  	p2 =	sne.s32 s26, $0x5C00;
	s26 =	sadd.s32 $0x400, s26;
	_ =	swait.ge [sflag:s14], $0x3200  }
0xb8: {  	s28 =	sshra.s32 s28, $0x2;
	[sflag:s14] =	ssyncset.done $0x0  }
0xb9: {  	s29 =	sadd.s32 $0x1C00, s28;
	[sflag:s14] =	ssyncadd.s32 $0xFFFFCE00  }
0xba: {  	[spmem:s1] =	stream.indirect.scatter.add.f32 [tilespmem:s20], [sflag:$0x3], $0x80, s29, s19, $0xb8;
	[tilespmem:$0x1EC80] =	vst v63  }
0xbb: {  	_ =	swait.ge [sflag:s15], $0x3200  }
0xbc: {  	[sflag:s15] =	ssyncset.done $0x0  }
0xbd: {  	s29 =	sadd.s32 $0x100, s28;
	[sflag:s15] =	ssyncadd.s32 $0xFFFFCE00  }
0xbe: {  	[tilespmem:s20], [sflag:$0x1] =	stream.indirect.gather [hbm4b:s16+s19], $0x80, s29, s19, $0xb8;
	[tilespmem:$0x1EC80] =	vst v63  }
0xbf: {  	_ =	swait.ge [sflag:s23], $0x3200  }
0xc0: {  	[sflag:s23] =	ssyncset.done $0x0  }
.Ltmp1:
0xc1: {  	s29 =	sadd.s32 $0x1C80, s28;
	[sflag:s23] =	ssyncadd.s32 $0xFFFFCE00;
	(pc) =	sbr.rel @p2 .LBB2_4-.Ltmp1, $4  }
0xc2: {  	[spmem:s1] =	stream.indirect.scatter.add.f32 [tilespmem:s22], [sflag:$0x3], $0x80, s29, s19, $0xb8;
	[tilespmem:$0x1EC80] =	vst v63  }
0xc3: {  	_ =	swait.ge [sflag:s15], $0x3200  }
0xc4: {  	[sflag:s15] =	ssyncset.done $0x0  }
0xc5: {  	s28 =	sadd.s32 $0x180, s28;
	[sflag:s15] =	ssyncadd.s32 $0xFFFFCE00  }
0xc6: {  	[tilespmem:s22], [sflag:$0x2] =	stream.indirect.gather [hbm4b:s16+s19], $0x80, s28, s19, $0xb8;
	[tilespmem:$0x1EC80] =	vst v63  }
0xc7: {  	_ =	swait.ge [sflag:s14], $0x3200  }
0xc8: {  	[sflag:s14] =	ssyncset.done $0x0  }
0xc9: {  	[sflag:s14] =	ssyncadd.s32 $0xFFFFCE00  }
0xca: {  	[spmem:s1] =	stream.indirect.scatter.add.f32 [tilespmem:s20], [sflag:$0x3], $0x80, s24, s19, $0xb8;
	[tilespmem:$0x1EC80] =	vst v63  }
0xcb: {  	_ =	swait.ge [sflag:s15], $0x3200  }
0xcc: {  	[sflag:s15] =	ssyncset.done $0x0  }
0xcd: {  	[sflag:s15] =	ssyncadd.s32 $0xFFFFCE00  }
0xce: {  	_ =	swait.ge [sflag:s23], $0x3200  }
0xcf: {  	[sflag:s23] =	ssyncset.done $0x0  }
0xd0: {  	[sflag:s23] =	ssyncadd.s32 $0xFFFFCE00  }
0xd1: {  	[spmem:s1] =	stream.indirect.scatter.add.f32 [tilespmem:s22], [sflag:$0x3], $0x80, s25, s19, $0xb8;
	[tilespmem:$0x1EC80] =	vst v63  }
0xd2: {  	_ =	swait.ge [sflag:s15], $0x3200  }
0xd3: {  	[sflag:s15] =	ssyncset.done $0x0  }
0xd4: {  	s26 =	simm.s32 $0x0;
	s28 =	rddreg [dreg:$0x5];
	[sflag:s15] =	ssyncadd.s32 $0xFFFFCE00  }
0xd5: {  	[tilespmem:s26], [sflag:$0x3] =	stream.linear.gather [hbm4b:s28+s26], $0x1900, $0x38;
	[tilespmem:$0x1EC80] =	vst v63  }
0xd6: {  	_ =	swait.ge [sflag:s15], $0x1900  }
0xd7: {  	[sflag:s15] =	ssyncset.done $0x0  }
0xd8: {  	s28 =	rddreg [dreg:$0x6];
	[sflag:s15] =	ssyncadd.s32 $0xFFFFE700  }
0xd9: {  	[tilespmem:s18], [sflag:$0x3] =	stream.linear.gather [hbm4b:s28+s26], $0x1900, $0x38;
	[tilespmem:$0x1EC80] =	vst v63  }
0xda: {  	_ =	swait.ge [sflag:s15], $0x1900  }
0xdb: {  	[sflag:s15] =	ssyncset.done $0x0  }
0xdc: {  	[sflag:s15] =	ssyncadd.s32 $0xFFFFE700  }
0xdd: {  	[tilespmem:s20], [sflag:$0x1] =	stream.indirect.gather [hbm4b:s16+s19], $0x80, s26, s19, $0xb8;
	[tilespmem:$0x1EC80] =	vst v63  }
0xde: {  	_ = 	snop  }
0xdf: {  	[tilespmem:s22], [sflag:$0x2] =	stream.indirect.gather [hbm4b:s16+s19], $0x80, s21, s19, $0xb8;
	[tilespmem:$0x1EC80] =	vst v63  }
0xe0: {  	_ =	swait.ge [sflag:s14], $0x3200  }
0xe1: {  	[sflag:s14] =	ssyncset.done $0x0  }
0xe2: {  	s29 =	simm.s32 $0x1C00;
	[sflag:s14] =	ssyncadd.s32 $0xFFFFCE00  }
0xe3: {  	[spmem:s1] =	stream.indirect.scatter.add.f32 [tilespmem:s20], [sflag:$0x3], $0x80, s29, s19, $0xb8;
	[tilespmem:$0x1EC80] =	vst v63  }
0xe4: {  	_ =	swait.ge [sflag:s15], $0x3200  }
0xe5: {  	[sflag:s15] =	ssyncset.done $0x0  }
0xe6: {  	s29 =	simm.s32 $0x100;
	[sflag:s15] =	ssyncadd.s32 $0xFFFFCE00  }
0xe7: {  	[tilespmem:s20], [sflag:$0x1] =	stream.indirect.gather [hbm4b:s16+s19], $0x80, s29, s19, $0xb8;
	[tilespmem:$0x1EC80] =	vst v63  }
0xe8: {  	_ =	swait.ge [sflag:s23], $0x3200  }
0xe9: {  	[sflag:s23] =	ssyncset.done $0x0  }
0xea: {  	s29 =	simm.s32 $0x1C80;
	[sflag:s23] =	ssyncadd.s32 $0xFFFFCE00  }
0xeb: {  	[spmem:s1] =	stream.indirect.scatter.add.f32 [tilespmem:s22], [sflag:$0x3], $0x80, s29, s19, $0xb8;
	[tilespmem:$0x1EC80] =	vst v63  }
0xec: {  	_ =	swait.ge [sflag:s15], $0x3200  }
0xed: {  	[sflag:s15] =	ssyncset.done $0x0  }
0xee: {  	s28 =	simm.s32 $0x180;
	s26 =	simm.s32 $0x400;
	[sflag:s15] =	ssyncadd.s32 $0xFFFFCE00  }
.LBB2_6:
0xef: {  	[tilespmem:s22], [sflag:$0x2] =	stream.indirect.gather [hbm4b:s16+s19], $0x80, s28, s19, $0xb8;
	[tilespmem:$0x1EC80] =	vst v63  }
0xf0: {  	s28 =	smov.u32 s26  }
0xf1: {  	p2 =	sne.s32 s26, $0x5C00;
	s26 =	sadd.s32 $0x400, s26;
	_ =	swait.ge [sflag:s14], $0x3200  }
0xf2: {  	s28 =	sshra.s32 s28, $0x2;
	[sflag:s14] =	ssyncset.done $0x0  }
0xf3: {  	s29 =	sadd.s32 $0x1C00, s28;
	[sflag:s14] =	ssyncadd.s32 $0xFFFFCE00  }
0xf4: {  	[spmem:s1] =	stream.indirect.scatter.add.f32 [tilespmem:s20], [sflag:$0x3], $0x80, s29, s19, $0xb8;
	[tilespmem:$0x1EC80] =	vst v63  }
0xf5: {  	_ =	swait.ge [sflag:s15], $0x3200  }
0xf6: {  	[sflag:s15] =	ssyncset.done $0x0  }
0xf7: {  	s29 =	sadd.s32 $0x100, s28;
	[sflag:s15] =	ssyncadd.s32 $0xFFFFCE00  }
0xf8: {  	[tilespmem:s20], [sflag:$0x1] =	stream.indirect.gather [hbm4b:s16+s19], $0x80, s29, s19, $0xb8;
	[tilespmem:$0x1EC80] =	vst v63  }
0xf9: {  	_ =	swait.ge [sflag:s23], $0x3200  }
0xfa: {  	[sflag:s23] =	ssyncset.done $0x0  }
.Ltmp2:
0xfb: {  	s29 =	sadd.s32 $0x1C80, s28;
	[sflag:s23] =	ssyncadd.s32 $0xFFFFCE00;
	(pc) =	sbr.rel @p2 .LBB2_6-.Ltmp2, $4  }
0xfc: {  	[spmem:s1] =	stream.indirect.scatter.add.f32 [tilespmem:s22], [sflag:$0x3], $0x80, s29, s19, $0xb8;
	[tilespmem:$0x1EC80] =	vst v63  }
0xfd: {  	_ =	swait.ge [sflag:s15], $0x3200  }
0xfe: {  	[sflag:s15] =	ssyncset.done $0x0  }
0xff: {  	s28 =	sadd.s32 $0x180, s28;
	[sflag:s15] =	ssyncadd.s32 $0xFFFFCE00  }
0x100: {  	[tilespmem:s22], [sflag:$0x2] =	stream.indirect.gather [hbm4b:s16+s19], $0x80, s28, s19, $0xb8;
	[tilespmem:$0x1EC80] =	vst v63  }
0x101: {  	_ =	swait.ge [sflag:s14], $0x3200  }
0x102: {  	[sflag:s14] =	ssyncset.done $0x0  }
0x103: {  	[sflag:s14] =	ssyncadd.s32 $0xFFFFCE00  }
0x104: {  	[spmem:s1] =	stream.indirect.scatter.add.f32 [tilespmem:s20], [sflag:$0x3], $0x80, s24, s19, $0xb8;
	[tilespmem:$0x1EC80] =	vst v63  }
0x105: {  	_ =	swait.ge [sflag:s15], $0x3200  }
0x106: {  	[sflag:s15] =	ssyncset.done $0x0  }
0x107: {  	[sflag:s15] =	ssyncadd.s32 $0xFFFFCE00  }
0x108: {  	_ =	swait.ge [sflag:s23], $0x3200  }
0x109: {  	[sflag:s23] =	ssyncset.done $0x0  }
0x10a: {  	[sflag:s23] =	ssyncadd.s32 $0xFFFFCE00  }
0x10b: {  	[spmem:s1] =	stream.indirect.scatter.add.f32 [tilespmem:s22], [sflag:$0x3], $0x80, s25, s19, $0xb8;
	[tilespmem:$0x1EC80] =	vst v63  }
0x10c: {  	_ =	swait.ge [sflag:s15], $0x3200  }
0x10d: {  	[sflag:s15] =	ssyncset.done $0x0  }
0x10e: {  	[sflag:s15] =	ssyncadd.s32 $0xFFFFCE00  }
0x10f: {  	s26 =	stileid.u32;
	[bflag:$0x0] =	sbarrier.arrive $0xFFFF  }
0x110: {  	s26 =	sshll.u32 s26, $0x6;
	s28 =	rddreg [dreg:$0x7]  }
0x111: {  	s26 =	sor.u32 $0x1C01, s26;
	s29 =	rddreg [dreg:$0x17]  }
0x112: {  	[hbm:s28], [sflag:s26] =	dma.local [spmem:s29], $0x500  }
0x113: {  	s28 =	rddreg [dreg:$0x8]  }
0x114: {  	s29 =	rddreg [dreg:$0x18]  }
0x115: {  	[hbm:s28], [sflag:s26] =	dma.local [spmem:s29], $0x500  }
0x116: {  	s28 =	rddreg [dreg:$0x9]  }
0x117: {  	s29 =	rddreg [dreg:$0x19]  }
0x118: {  	[hbm:s28], [sflag:s26] =	dma.local [spmem:s29], $0x500  }
0x119: {  	s28 =	rddreg [dreg:$0xa]  }
0x11a: {  	[hbm:s28], [sflag:s26] =	dma.local [spmem:s30], $0x500  }
0x11b: {  	s28 =	rddreg [dreg:$0xb]  }
0x11c: {  	[hbm:s28], [sflag:s26] =	dma.local [spmem:s31], $0x500  }
0x11d: {  	s28 =	rddreg [dreg:$0xc]  }
0x11e: {  	[hbm:s28], [sflag:s26] =	dma.local [spmem:s11], $0x500  }
0x11f: {  	s28 =	rddreg [dreg:$0xd]  }
0x120: {  	[hbm:s28], [sflag:s26] =	dma.local [spmem:s0], $0x500  }
0x121: {  	s28 =	rddreg [dreg:$0xe]  }
0x122: {  	[hbm:s28], [sflag:s26] =	dma.local @!p1 [spmem:s3], $0x500  }
0x123: {  	_ =	swait.ge [sflag:s14], $0x500  }
0x124: {  	[sflag:s14] =	ssyncset.done $0x0  }
0x125: {  	[sflag:s14] =	ssyncadd.s32 $0xFFFFFB00  }
0x126: {  	_ =	swait.ge [sflag:s14], $0x500  }
0x127: {  	[sflag:s14] =	ssyncset.done $0x0  }
0x128: {  	[sflag:s14] =	ssyncadd.s32 $0xFFFFFB00  }
0x129: {  	_ =	swait.ge [sflag:s14], $0x500  }
0x12a: {  	[sflag:s14] =	ssyncset.done $0x0  }
0x12b: {  	[sflag:s14] =	ssyncadd.s32 $0xFFFFFB00  }
0x12c: {  	_ =	swait.ge [sflag:s14], $0x500  }
0x12d: {  	[sflag:s14] =	ssyncset.done $0x0  }
0x12e: {  	[sflag:s14] =	ssyncadd.s32 $0xFFFFFB00  }
0x12f: {  	_ =	swait.ge [sflag:s14], $0x500  }
0x130: {  	[sflag:s14] =	ssyncset.done $0x0  }
0x131: {  	[sflag:s14] =	ssyncadd.s32 $0xFFFFFB00  }
0x132: {  	_ =	swait.ge [sflag:s14], $0x500  }
0x133: {  	[sflag:s14] =	ssyncset.done $0x0  }
0x134: {  	[sflag:s14] =	ssyncadd.s32 $0xFFFFFB00  }
0x135: {  	_ =	swait.ge [sflag:s14], $0x500  }
0x136: {  	[sflag:s14] =	ssyncset.done $0x0  }
0x137: {  	s26 =	simm.s32 @!p1 $0x1;
	[sflag:s14] =	ssyncadd.s32 $0xFFFFFB00  }
0x138: {  	_ =	swait.ge @!p1 [sflag:s26], $0x500  }
0x139: {  	s2 =	sadd.s32 $0x1, s2;
	s29 =	rddreg [dreg:$0x16]  }
0x13a: {  	p2 =	sne.s32 s2, s29  }
.Ltmp3:
0x13b: {  	_ = 	snop;
	(pc) =	sbr.rel @p2 .LBB2_1-.Ltmp3, $3  }
0x13c: {  	_ =	sdelay $0x1  }
0x13d: {  	[sflag:s26] =	ssyncset.done @!p1 $0x0  }
0x13e: {  	[sflag:s26] =	ssyncadd.s32 @!p1 $0xFFFFFB00  }
0x13f: {  	_ =	sfence.sel $0x180000  }
0x140: {  	[bflag:$0x0] =	sbarrier.arrive $0xFFFF  }
0x141: {  	_ =	strace $0x9000004A  }
0x142: {  	s0 =	stileid.u32;
	[bflag:$0x2] =	sbarrier.arrive $0xFFFF  }
0x143: {  	p0 =	sne.s32 s0, $0x0;
	s0 =	rddreg [dreg:$0x2]  }
0x144: {  	s0 =	sadd.s32 @!p0 $0x100000, s0  }
0x145: {  	[sflag:s0] =	ssyncadd.tile.s32 @!p0 $0x1;
	_ =	shalt  }
.Lfunc_end2:
_tile_overlayer_lowered:
.L_overlay_start_2:
0x146: {  	(tag) =	ssettag $0x2  }
0x147: {  	s0 =	rddreg [dreg:$0x0];
	s2 =	stileid.u32  }
0x148: {  	s1 =	rddreg [dreg:$0x1];
	p0 =	sne.s32 s2, $0x0  }
0x149: {  	s3 =	rddreg [dreg:$0x2];
	[bflag:$0x3] =	sbarrier.arrive $0xFFFF;
	s2 =	simm.s32 @!p0 $0x1C03  }
0x14a: {  	[timem:s3], [sflag:s2] =	dma.local @!p0 [hbm:s0], s1  }
0x14b: {  	s0 =	simm.s32 @!p0 $0x3  }
0x14c: {  	_ =	swait.ge @!p0 [sflag:s0], s1  }
0x14d: {  	s1 =	ssub.s32 @!p0 $0x0, s1;
	[sflag:s0] =	ssyncset.done @!p0 $0x0  }
0x14e: {  	[sflag:s0] =	ssyncadd.s32 @!p0 s1  }
0x14f: {  	[bflag:$0x3] =	sbarrier.arrive $0xFFFF  }
0x150: {  	_ =	shalt  }

// kernel: kernel.7.cloned.1.call-start
scs
__scs_entry_jumppad:
0x0: {  	(pc) =	sbr.rel $0x88, $3  }
0x1: {  	(tag) =	ssettag $0x0;
	lr =	simm.s32 $0x1  }
0x2: {  	[smem:$0x3F94] =	sst lr;
	_ =	strace $0xD0000000  }
0x3: {  	_ = 	snop  }
0x4: {  	_ = 	snop  }
0x5: {  	_ = 	snop  }
0x6: {  	_ = 	snop  }
0x7: {  	_ = 	snop  }
__scs_overlays_trampoline_lowered:
0x8: {  	[smem:$0x3FA3] =	sst s0  }
0x9: {  	[smem:$0x3FA4] =	sst s1  }
0xa: {  	[smem:$0x3FA5] =	sst s2  }
0xb: {  	[smem:$0x3FA6] =	sst s3  }
0xc: {  	[smem:$0x3FA7] =	sst s4  }
0xd: {  	[smem:$0x3FA8] =	sst s5  }
0xe: {  	[smem:$0x3FA9] =	sst s6  }
0xf: {  	[smem:$0x3FAA] =	sst s7  }
0x10: {  	[smem:$0x3FAB] =	sst s8  }
0x11: {  	[smem:$0x3FAC] =	sst s9;
	s0 =	simm.s32 @!p0 $0x0  }
0x12: {  	s1 =	sld [smem:$0x3F92];
	s0 =	simm.s32 @p0 $0x1  }
0x13: {  	[smem:$0x3FAD] =	sst s0;
	s0 =	simm.s32 @!p1 $0x0  }
0x14: {  	s2 =	sld [smem:$0x3F91];
	s0 =	simm.s32 @p1 $0x1  }
0x15: {  	[smem:$0x3FAE] =	sst s0;
	s0 =	simm.s32 @!p2 $0x0  }
0x16: {  	s3 =	sld [smem:$0x3FDB];
	s0 =	simm.s32 @p2 $0x1  }
0x17: {  	s4 =	simm.s32 $0x1BF5;
	[smem:$0x3FB0] =	sst s0  }
0x18: {  	s0 =	sld [smem:$0x3F93];
	_ =	swait.ge [sflag:s4], $0x0  }
0x19: {  	s7 =	sld [smem:$0x3F94]  }
0x1a: {  	s8 =	sadd.s32 $0xFFFFE003, lr  }
0x1b: {  	s9 =	sadd.s32 $0xFFFFFEF7, lr;
	s5 =	simm.s32 $0xFFFFFFFF;
	p2 =	slt.u32 s8, $0xFFFFF086  }
0x1c: {  	p1 =	slt.u32 s9, $0xF7A;
	s5 =	simm.s32 @!p2 $0x0  }
0x1d: {  	s5 =	simm.s32 @p1 $0x1;
	p0 =	seq.s32 s7, s2  }
0x1e: {  	s7 =	smul.u32 @!p0 $0xF7A, s2;
	p2 =	seq.s32 @!p0 s5, $0x0  }
0x1f: {  	s9 =	smul.u32 $0xF7A, s1;
	s8 =	simm.s32 @!p0 $0x1BF5;
	p2 =	por !p2, p0  }
0x20: {  	[sflag:s8] =	ssyncset.s32 @!p0 $0xFFFFF086;
	s6 =	sadd.s32 @!p0 s3, s7;
	s7 =	simm.s32 @!p0 $0x108  }
0x21: {  	s3 =	sadd.s32 s3, s9;
	s6 =	sadd.s32 @!p0 $0x88, s6;
	s7 =	simm.s32 @p2 $0x1082  }
0x22: {  	[simem:s7], [sflag:s8] =	dma.local @!p0 [hbm:s6], $0xF7A  }
0x23: {  	s9 =	sor.u32 $0xD0000000, s2;
	s6 =	simm.s32 $0x108;
	_ =	swait.ge @!p0 [sflag:s8], $0x0  }
0x24: {  	s3 =	sadd.s32 $0x88, s3;
	s6 =	simm.s32 @!p1 $0x1082;
	[sflag:s4] =	ssyncset.s32 $0xFFFFF086  }
0x25: {  	[simem:s6], [sflag:s4] =	dma.local [hbm:s3], $0xF7A  }
0x26: {  	[smem:$0x3F94] =	sst s1;
	(tag) =	ssettag s2;
	_ =	strace s9  }
0x27: {  	s1 =	sld [smem:$0x3FA4]  }
0x28: {  	s2 =	sld [smem:$0x3FA5]  }
0x29: {  	s4 =	sld [smem:$0x3FA7]  }
0x2a: {  	p0 =	seq.s32 s5, $0x0;
	s5 =	sld [smem:$0x3FA8]  }
0x2b: {  	s6 =	sld [smem:$0x3FA9]  }
0x2c: {  	s7 =	sld [smem:$0x3FAA]  }
0x2d: {  	s3 =	simm.s32 $0x108;
	s8 =	sld [smem:$0x3FAB]  }
0x2e: {  	s3 =	simm.s32 @!p0 $0x1082;
	s9 =	sld [smem:$0x3FAC]  }
0x2f: {  	lr =	sadd.s32 s0, s3;
	s0 =	sld [smem:$0x3FA3]  }
0x30: {  	s3 =	sld [smem:$0x3FA6]  }
0x31: {  	[smem:$0x3FAF] =	sst s10  }
0x32: {  	s10 =	sld [smem:$0x3FAD];
	_ =	sdelay $0x3  }
0x33: {  	p0 =	seq.s32 s10, $0x1;
	s10 =	sld [smem:$0x3FAF];
	_ =	sdelay $0x3  }
0x34: {  	[smem:$0x3FAF] =	sst s10  }
0x35: {  	s10 =	sld [smem:$0x3FAE];
	_ =	sdelay $0x3  }
0x36: {  	p1 =	seq.s32 s10, $0x1;
	s10 =	sld [smem:$0x3FAF];
	_ =	sdelay $0x3  }
0x37: {  	[smem:$0x3FAF] =	sst s10  }
0x38: {  	s10 =	sld [smem:$0x3FB0]  }
0x39: {  	_ = 	snop;
	(pc) =	sbr.ind lr, $3  }
0x3a: {  	_ = 	snop  }
0x3b: {  	_ = 	snop  }
0x3c: {  	p2 =	seq.s32 s10, $0x1;
	s10 =	sld [smem:$0x3FAF]  }
0x3d: {  	_ =	shalt  }
0x3e: {  	_ =	shalt  }
0x3f: {  	_ =	shalt  }
0x40: {  	_ =	shalt  }
0x41: {  	_ =	shalt  }
0x42: {  	_ =	shalt  }
0x43: {  	_ =	shalt  }
0x44: {  	_ =	shalt  }
0x45: {  	_ =	shalt  }
0x46: {  	_ =	shalt  }
0x47: {  	_ =	shalt  }
0x48: {  	_ =	shalt  }
0x49: {  	_ =	shalt  }
0x4a: {  	_ =	shalt  }
0x4b: {  	_ =	shalt  }
0x4c: {  	_ =	shalt  }
0x4d: {  	_ =	shalt  }
0x4e: {  	_ =	shalt  }
0x4f: {  	_ =	shalt  }
0x50: {  	_ =	shalt  }
0x51: {  	_ =	shalt  }
0x52: {  	_ =	shalt  }
0x53: {  	_ =	shalt  }
0x54: {  	_ =	shalt  }
0x55: {  	_ =	shalt  }
0x56: {  	_ =	shalt  }
0x57: {  	_ =	shalt  }
0x58: {  	_ =	shalt  }
0x59: {  	_ =	shalt  }
0x5a: {  	_ =	shalt  }
0x5b: {  	_ =	shalt  }
0x5c: {  	_ =	shalt  }
0x5d: {  	_ =	shalt  }
0x5e: {  	_ =	shalt  }
0x5f: {  	_ =	shalt  }
0x60: {  	_ =	shalt  }
0x61: {  	_ =	shalt  }
0x62: {  	_ =	shalt  }
0x63: {  	_ =	shalt  }
0x64: {  	_ =	shalt  }
0x65: {  	_ =	shalt  }
0x66: {  	_ =	shalt  }
0x67: {  	_ =	shalt  }
0x68: {  	_ =	shalt  }
0x69: {  	_ =	shalt  }
0x6a: {  	_ =	shalt  }
0x6b: {  	_ =	shalt  }
0x6c: {  	_ =	shalt  }
0x6d: {  	_ =	shalt  }
0x6e: {  	_ =	shalt  }
0x6f: {  	_ =	shalt  }
0x70: {  	_ =	shalt  }
0x71: {  	_ =	shalt  }
0x72: {  	_ =	shalt  }
0x73: {  	_ =	shalt  }
0x74: {  	_ =	shalt  }
0x75: {  	_ =	shalt  }
0x76: {  	_ =	shalt  }
0x77: {  	_ =	shalt  }
0x78: {  	_ =	shalt  }
0x79: {  	_ =	shalt  }
0x7a: {  	_ =	shalt  }
0x7b: {  	_ =	shalt  }
0x7c: {  	_ =	shalt  }
0x7d: {  	_ =	shalt  }
0x7e: {  	_ =	shalt  }
0x7f: {  	_ =	shalt  }
0x80: {  	_ =	shalt  }
0x81: {  	_ =	shalt  }
0x82: {  	_ =	shalt  }
0x83: {  	_ =	shalt  }
0x84: {  	_ =	shalt  }
0x85: {  	_ =	shalt  }
0x86: {  	_ =	shalt  }
0x87: {  	_ =	shalt  }
.Lfunc_end0:
.L_simem_size_0:
called_computation_lowered:
.L_overlay_start_0:
0x88: {  	s2 =	sld [smem:$0x3FD9]  }
0x89: {  	s3 =	sld [smem:$0x3FFE];
	_ =	sdelay $0x1  }
0x8a: {  	s1 =	srdreg.scid  }
0x8b: {  	s0 =	sand.u32 $0x1, s1  }
0x8c: {  	s17 =	sshll.u32 s0, $0xA;
	s2 =	sadd.s32 s3, s2  }
0x8d: {  	s2 =	sadd.s32 s2, s17  }
0x8e: {  	[smem:$0x3FBB] =	sst s2  }
0x8f: {  	_ = 	snop  }
0x90: {  	s2 =	sld [smem:$0x3FC9];
	(tm) =	ssettm $0x1  }
0x91: {  	s18 =	sld [smem:$0x3FFB];
	_ =	sdelay $0x3  }
0x92: {  	_ =	strace s18  }
0x93: {  	s3 =	sld [smem:$0x3FFC];
	_ =	sdelay $0x3  }
0x94: {  	_ =	strace s3  }
0x95: {  	s3 =	sld [smem:$0x3FFD];
	_ =	sdelay $0x3  }
0x96: {  	_ =	strace s3  }
0x97: {  	_ =	strace $0x8FFFFFFF  }
0x98: {  	s19 =	sld [smem:$0x3FDB];
	_ =	sdelay $0x1  }
0x99: {  	s4 =	simm.s32 $_scs_section_size  }
0x9a: {  	s5 =	simm.s32 $_size__tile_overlayer_lowered;
	s6 =	simm.s32 $_tile_overlayer_lowered  }
0x9b: {  	s22 =	simm.s32 $0x1BFF;
	s21 =	sshll.u32 s6, $0x1;
	s3 =	sadd.s32 s4, s19  }
0x9c: {  	s7 =	simm.s32 $0x0;
	s20 =	sshll.u32 s5, $0x1;
	s5 =	sadd.s32 s21, s3  }
0x9d: {  	[timem:s7], [sflag:s22] =	dma.local [hbm:s5], s20  }
0x9e: {  	_ =	swait.ge [sflag:s22], s20  }
0x9f: {  	s4 =	ssub.s32 $0x0, s20;
	[sflag:s22] =	ssyncset.done $0x0  }
0xa0: {  	[sflag:s22] =	ssyncadd.s32 s4;
	_ =	sdelay $0x1  }
0xa1: {  	s23 =	simm.s32 $0x1B8B  }
0xa2: {  	_ =	swait.ge [sflag:s23], $0x1  }
0xa3: {  	[sflag:s23] =	ssyncset.done $0x0  }
0xa4: {  	s25 =	simm.s32 $0x1B8E;
	s24 =	sld [smem:$0x3FFE];
	[sflag:s23] =	ssyncadd.s32 $0xFFFFFFFF  }
0xa5: {  	s26 =	simm.s32 $execute0_lowered;
	[smem:$0x3FD2] =	sst s25  }
0xa6: {  	s5 =	sshll.u32 s26, $0x1;
	_ =	strace $0x80000046;
	[dreg:$0x1] =	wrdreg $0xFFFFFFFF  }
0xa7: {  	s28 =	simm.s32 $_size_execute0_lowered;
	s3 =	sadd.s32 s3, s5;
	[dreg:$0x0] =	wrdreg $0x0  }
0xa8: {  	s5 =	sshll.u32 s28, $0x1;
	[dreg:$0x2] =	wrdreg s3  }
0xa9: {  	[dreg:$0x3] =	wrdreg s5  }
0xaa: {  	[dreg:$0x4] =	wrdreg $0xC0  }
0xab: {  	_ =	task [dreg:s7], $0x5FFFF  }
0xac: {  	[dreg:$0x1] =	wrdreg $0xFFFFFFFF  }
0xad: {  	[dreg:$0x0] =	wrdreg $0x60  }
0xae: {  	[dreg:$0x2] =	wrdreg s2  }
0xaf: {  	[dreg:$0x3] =	wrdreg s24  }
0xb0: {  	[dreg:$0x4] =	wrdreg $0xB4000  }
0xb1: {  	[dreg:$0x5] =	wrdreg $0x9  }
0xb2: {  	_ =	task.clear_ibuf [dreg:s7], $0x6FFFF;
	_ =	strace $0x90000046  }
0xb3: {  	s29 =	simm.s32 $0x9;
	_ =	strace $0x80000048  }
0xb4: {  	_ =	swait.ge [sflag:s29], $0x1  }
0xb5: {  	[sflag:s29] =	ssyncadd.s32 $0xFFFFFFFF  }
0xb6: {  	_ =	strace $0x90000048  }
0xb7: {  	_ =	sfence  }
0xb8: {  	s30 =	sld [smem:$0x0];
	_ =	sdelay $0x2  }
0xb9: {  	s31 =	sshll.u32 s1, $0xD;
	s1 =	sshrl.u32 s1, $0x2  }
0xba: {  	s3 =	sand.u32 $0x4000, s31;
	s1 =	sadd.s32 s1, s30  }
0xbb: {  	s0 =	sor.u32 s3, s0;
	s1 =	sshll.u32 s1, $0x11  }
0xbc: {  	s0 =	sor.u32 s1, s0  }
0xbd: {  	s0 =	sadd.s32 $0x8F2B, s0  }
0xbe: {  	[sflag:s0] =	ssyncadd.remote.s32 $0x1  }
0xbf: {  	_ =	sfence.sel $0xFFFF  }
0xc0: {  	[dreg:$0x0] =	wrdreg $0xFFFFFFFF;
	(pc) =	sbr.abs _section_cstart, $3  }
0xc1: {  	[dreg:$0x1] =	wrdreg $0xFFFFFFFF  }
0xc2: {  	_ =	task.clear_ibuf [dreg:s7], $0x2FFFF;
	_ =	strace $0x9FFFFFFF  }
0xc3: {  	(tm) =	ssettm $0x7FFFFFFF  }
tec
execute0_lowered:
.L_overlay_start_1:
0x0: {  	(tag) =	ssettag $0x1  }
0x1: {  	s0 =	rddreg [dreg:$0x0]  }
0x2: {  	s1 =	rddreg [dreg:$0x1];
	s3 =	srdreg.scid  }
0x3: {  	s2 =	rddreg [dreg:$0x2];
	s22 =	stileid.u32;
	s4 =	sand.u32 $0x1, s3  }
0x4: {  	s3 =	simm.s32 $0x0;
	s9 =	sadd.s32 $0x10800, s1;
	s10 =	sadd.s32 $0x2800, s1  }
0x5: {  	s11 =	sadd.s32 $0x1E800, s1;
	s13 =	sor.u32 $0x10, s22;
	s14 =	smul.u32 $0x2800, s22  }
0x6: {  	s15 =	sor.u32 $0x20, s22;
	s8 =	sor.u32 $0x30, s22;
	s12 =	smul.u32 $0x138800, s4  }
0x7: {  	s7 =	sor.u32 $0x40, s22;
	p0 =	sgt.u32 s22, $0x9;
	s16 =	smul.u32 $0x2800, s13  }
0x8: {  	p1 =	sgt.u32 s22, $0xC;
	s5 =	sshll.u32 s4, $0x4;
	s17 =	smul.u32 $0x2800, s15  }
0x9: {  	[smem:$0x7FF] =	sst s3;
	s6 =	ssub.s32 $0x2, s4;
	s19 =	smul.u32 $0x2800, s8  }
0xa: {  	s26 =	smul.u32 $0x2800, s7;
	s5 =	sor.u32 s22, s5;
	s25 =	sshrl.u32 s6, $0x1  }
0xb: {  	s4 =	sor.u32 $0x60, s22;
	s5 =	smul.u32 $0x3800, s5;
	s1 =	ssub.s32 s6, s25  }
0xc: {  	s6 =	sor.u32 $0x50, s22;
	s23 =	sadd.s32 s12, s16;
	s17 =	sadd.s32 s12, s17  }
0xd: {  	s25 =	sadd.s32 s12, s19;
	s26 =	sadd.s32 s12, s26;
	s16 =	smul.u32 $0x5000, s4  }
0xe: {  	s28 =	smul.u32 $0x2800, s6;
	s17 =	sshrl.u32 s17, $0x3;
	s18 =	sshrl.u32 s5, $0x3  }
0xf: {  	s19 =	sshrl.u32 s26, $0x3;
	s5 =	sor.u32 $0x70, s22;
	s20 =	sadd.s32 s9, s18  }
0x10: {  	s21 =	sadd.s32 s10, s18;
	s18 =	sadd.s32 $0x380, s18;
	s24 =	smul.u32 $0x2800, s5  }
0x11: {  	s28 =	sadd.s32 s12, s28;
	s29 =	sadd.s32 s10, s18;
	s10 =	smul.u32 $0x2800, s4  }
0x12: {  	[dreg:$0x4] =	wrdreg s20;
	s20 =	sshrl.u32 s28, $0x3;
	s28 =	smul.u32 $0x5000, s8  }
0x13: {  	s1 =	smax.u32 s1, $0x1;
	[dreg:$0x5] =	wrdreg s21;
	s8 =	smul.u32 $0xA000, s8  }
0x14: {  	s9 =	sadd.s32 s9, s18;
	s18 =	sadd.s32 s14, s12;
	s4 =	smul.u32 $0xA000, s4  }
0x15: {  	s14 =	sshrl.u32 s23, $0x3;
	[dreg:$0x7] =	wrdreg s29;
	s29 =	smul.u32 $0x5000, s13  }
0x16: {  	[dreg:$0x6] =	wrdreg s9;
	s14 =	sadd.s32 s11, s14;
	s13 =	smul.u32 $0xA000, s13  }
0x17: {  	s9 =	sadd.s32 s12, s10;
	s12 =	sadd.s32 s12, s24;
	s24 =	smul.u32 $0x5000, s22  }
0x18: {  	s10 =	sshrl.u32 s18, $0x3;
	s18 =	sshrl.u32 s25, $0x3;
	s25 =	smul.u32 $0x5000, s15  }
0x19: {  	s21 =	sadd.s32 s11, s20;
	[dreg:$0x9] =	wrdreg s14;
	s14 =	smul.u32 $0x5000, s6  }
0x1a: {  	s20 =	sshrl.u32 s16, $0x2;
	[dreg:$0xd] =	wrdreg s21;
	s21 =	smul.u32 $0xA000, s22  }
0x1b: {  	s16 =	simm.s32 $0x3;
	s6 =	smul.u32 $0xA000, s6;
	s8 =	sshrl.u32 s8, $0x2  }
0x1c: {  	s4 =	sshrl.u32 s4, $0x2;
	s22 =	simm.s32 $0x6C00;
	s10 =	sadd.s32 s11, s10  }
0x1d: {  	s9 =	sshrl.u32 s9, $0x3;
	s26 =	sshrl.u32 s29, $0x2;
	s29 =	smul.u32 $0x5000, s7  }
0x1e: {  	s23 =	sshrl.u32 s12, $0x3;
	s12 =	sshrl.u32 s28, $0x2;
	s7 =	smul.u32 $0xA000, s7  }
0x1f: {  	s8 =	sadd.s32 s8, s2;
	s4 =	sadd.s32 s4, s2;
	[dreg:$0x8] =	wrdreg s10  }
0x20: {  	s10 =	sadd.s32 s11, s17;
	s9 =	sadd.s32 s11, s9;
	s6 =	sshrl.u32 s6, $0x2  }
0x21: {  	s30 =	sshrl.u32 s8, $0x3;
	[dreg:$0xa] =	wrdreg s10;
	s10 =	sadd.s32 s11, s18  }
0x22: {  	[dreg:$0xe] =	wrdreg s9;
	s9 =	sadd.s32 s11, s23;
	s18 =	sshrl.u32 s14, $0x2  }
0x23: {  	s7 =	sshrl.u32 s7, $0x2;
	s6 =	sadd.s32 s6, s2;
	s14 =	simm.s32 $0xA000  }
0x24: {  	[dreg:$0xb] =	wrdreg s10;
	s10 =	sadd.s32 s11, s19;
	s11 =	smul.u32 $0xA000, s15  }
0x25: {  	[dreg:$0xf] =	wrdreg s9;
	s9 =	sshrl.u32 s25, $0x2;
	s19 =	smul.u32 $0x5000, s5  }
0x26: {  	s15 =	sshrl.u32 s29, $0x2;
	s25 =	sshrl.u32 s13, $0x2;
	s5 =	smul.u32 $0xA000, s5  }
0x27: {  	s7 =	sadd.s32 s7, s2;
	s13 =	sshrl.u32 s6, $0x3;
	[dreg:$0xc] =	wrdreg s10  }
0x28: {  	s10 =	sshrl.u32 s24, $0x2;
	s9 =	sadd.s32 s9, s2;
	s24 =	sshrl.u32 s21, $0x2  }
0x29: {  	s31 =	sshrl.u32 s7, $0x3;
	s21 =	simm.s32 $0x80;
	_ =	strace $0x80000047  }
0x2a: {  	s17 =	sadd.s32 s10, s2;
	s10 =	sadd.s32 s26, s2;
	[dreg:$0x11] =	wrdreg s9  }
0x2b: {  	s9 =	sadd.s32 s12, s2;
	s23 =	sshrl.u32 s19, $0x2;
	[dreg:$0x17] =	wrdreg s1  }
0x2c: {  	s11 =	sshrl.u32 s11, $0x2;
	s5 =	sshrl.u32 s5, $0x2;
	[dreg:$0x10] =	wrdreg s10  }
0x2d: {  	s1 =	sshrl.u32 s4, $0x3;
	s19 =	simm.s32 $0x64;
	[dreg:$0x12] =	wrdreg s9  }
0x2e: {  	s9 =	sadd.s32 s15, s2;
	s10 =	sadd.s32 s25, s2;
	s11 =	sadd.s32 s11, s2  }
0x2f: {  	s5 =	sadd.s32 s5, s2;
	s6 =	sadd.s32 $0xB4000, s17;
	s7 =	sadd.s32 $0xC8000, s17  }
0x30: {  	s8 =	sadd.s32 $0xDC000, s17;
	s12 =	sadd.s32 $0x12C000, s17;
	s15 =	simm.s32 $0x1  }
0x31: {  	s25 =	simm.s32 $0x3480;
	[dreg:$0x13] =	wrdreg s9;
	s9 =	sadd.s32 s18, s2  }
0x32: {  	s28 =	sshrl.u32 s10, $0x3;
	s29 =	sshrl.u32 s11, $0x3;
	[dreg:$0x14] =	wrdreg s9  }
0x33: {  	s4 =	sshrl.u32 @!p1 s5, $0x3;
	s5 =	sadd.s32 $0xA0000, s17;
	[dreg:$0x19] =	wrdreg s28  }
0x34: {  	s10 =	sadd.s32 $0x104000, s17;
	s9 =	sadd.s32 s20, s2;
	[dreg:$0x1a] =	wrdreg s29  }
0x35: {  	s11 =	sadd.s32 $0x118000, s17;
	[dreg:$0x15] =	wrdreg s9;
	s9 =	sadd.s32 s23, s2  }
0x36: {  	s18 =	simm.s32 $0x1C00;
	[dreg:$0x16] =	wrdreg s9;
	s9 =	sadd.s32 s24, s2  }
0x37: {  	s20 =	simm.s32 $0x3800;
	s23 =	simm.s32 $0x2;
	s26 =	sshrl.u32 s9, $0x3  }
0x38: {  	v0 =	vimm.f32 $0.0e+00;
	s24 =	simm.s32 $0x3400;
	s9 =	sadd.s32 $0xF0000, s17;
	[dreg:$0x18] =	wrdreg s26  }
.LBB2_1:
0x39: {  	s26 =	simm.s32 $0x0;
	s28 =	simm.s32 $0x200  }
.LBB2_2:
0x3a: {  	p2 =	sne.s32 s28, $0x4E00;
	[tilespmem:s26+$0xA070] =	vst v0  }
0x3b: {  	[tilespmem:s26+$0xA000] =	vst v0  }
0x3c: {  	[tilespmem:s26+$0xA010] =	vst v0  }
.Ltmp0:
0x3d: {  	[tilespmem:s26+$0xA020] =	vst v0;
	(pc) =	sbr.rel @p2 .LBB2_2-.Ltmp0, $4  }
0x3e: {  	[tilespmem:s26+$0xA030] =	vst v0  }
0x3f: {  	[tilespmem:s26+$0xA040] =	vst v0  }
0x40: {  	[tilespmem:s26+$0xA050] =	vst v0  }
0x41: {  	[tilespmem:s26+$0xA060] =	vst v0;
	s26 =	sshra.s32 s28, $0x2;
	s28 =	sadd.s32 $0x200, s28  }
0x42: {  	[tilespmem:s26+$0xA070] =	vst v0  }
0x43: {  	[tilespmem:s26+$0xA000] =	vst v0  }
0x44: {  	[tilespmem:s26+$0xA010] =	vst v0  }
0x45: {  	[tilespmem:s26+$0xA020] =	vst v0  }
0x46: {  	[tilespmem:s26+$0xA030] =	vst v0  }
0x47: {  	[tilespmem:s26+$0xA040] =	vst v0  }
0x48: {  	[tilespmem:s26+$0xA050] =	vst v0  }
0x49: {  	[tilespmem:s26+$0xA060] =	vst v0  }
0x4a: {  	[spmem:s17] =	stream.linear.scatter [tilespmem:s14], [sflag:$0x1], $0x1400, $0x38;
	[tilespmem:$0x1EC80] =	vst v63  }
0x4b: {  	s29 =	rddreg [dreg:$0x10]  }
0x4c: {  	[spmem:s29] =	stream.linear.scatter [tilespmem:s14], [sflag:$0x1], $0x1400, $0x38;
	[tilespmem:$0x1EC80] =	vst v63  }
0x4d: {  	s29 =	rddreg [dreg:$0x11]  }
0x4e: {  	[spmem:s29] =	stream.linear.scatter [tilespmem:s14], [sflag:$0x1], $0x1400, $0x38;
	[tilespmem:$0x1EC80] =	vst v63  }
0x4f: {  	s29 =	rddreg [dreg:$0x12]  }
0x50: {  	[spmem:s29] =	stream.linear.scatter [tilespmem:s14], [sflag:$0x1], $0x1400, $0x38;
	[tilespmem:$0x1EC80] =	vst v63  }
0x51: {  	s29 =	rddreg [dreg:$0x13]  }
0x52: {  	[spmem:s29] =	stream.linear.scatter [tilespmem:s14], [sflag:$0x1], $0x1400, $0x38;
	[tilespmem:$0x1EC80] =	vst v63  }
0x53: {  	s29 =	rddreg [dreg:$0x14]  }
0x54: {  	[spmem:s29] =	stream.linear.scatter [tilespmem:s14], [sflag:$0x1], $0x1400, $0x38;
	[tilespmem:$0x1EC80] =	vst v63  }
0x55: {  	s29 =	rddreg [dreg:$0x15]  }
0x56: {  	[spmem:s29] =	stream.linear.scatter [tilespmem:s14], [sflag:$0x1], $0x1400, $0x38;
	[tilespmem:$0x1EC80] =	vst v63  }
0x57: {  	s29 =	rddreg [dreg:$0x16]  }
0x58: {  	[spmem:s29] =	stream.linear.scatter [tilespmem:s14], [sflag:$0x1], $0x1400, $0x38;
	[tilespmem:$0x1EC80] =	vst v63  }
0x59: {  	_ = 	snop  }
0x5a: {  	[spmem:s5] =	stream.linear.scatter [tilespmem:s14], [sflag:$0x1], $0x1400, $0x38;
	[tilespmem:$0x1EC80] =	vst v63  }
0x5b: {  	_ = 	snop  }
0x5c: {  	[spmem:s6] =	stream.linear.scatter [tilespmem:s14], [sflag:$0x1], $0x1400, $0x38;
	[tilespmem:$0x1EC80] =	vst v63  }
0x5d: {  	_ = 	snop  }
0x5e: {  	[spmem:s7] =	stream.linear.scatter [tilespmem:s14], [sflag:$0x1], $0x1400, $0x38;
	[tilespmem:$0x1EC80] =	vst v63  }
0x5f: {  	_ = 	snop  }
0x60: {  	[spmem:s8] =	stream.linear.scatter [tilespmem:s14], [sflag:$0x1], $0x1400, $0x38;
	[tilespmem:$0x1EC80] =	vst v63  }
0x61: {  	_ = 	snop  }
0x62: {  	[spmem:s9] =	stream.linear.scatter [tilespmem:s14], [sflag:$0x1], $0x1400, $0x38;
	[tilespmem:$0x1EC80] =	vst v63  }
0x63: {  	_ = 	snop  }
0x64: {  	[spmem:s10] =	stream.linear.scatter [tilespmem:s14], [sflag:$0x1], $0x1400, $0x38;
	[tilespmem:$0x1EC80] =	vst v63  }
0x65: {  	_ = 	snop  }
0x66: {  	[spmem:s11] =	stream.linear.scatter [tilespmem:s14], [sflag:$0x1], $0x1400, $0x38;
	[tilespmem:$0x1EC80] =	vst v63  }
0x67: {  	s26 =	simm.s32 @!p0 $0xA000  }
0x68: {  	[spmem:s12] =	stream.linear.scatter @!p0 [tilespmem:s26], [sflag:$0x1], $0x1400, $0x38;
	[tilespmem:$0x1EC80] =	vst v63  }
0x69: {  	_ =	swait.ge [sflag:s15], $0x1400  }
0x6a: {  	[sflag:s15] =	ssyncset.done $0x0  }
0x6b: {  	[sflag:s15] =	ssyncadd.s32 $0xFFFFEC00  }
0x6c: {  	_ =	swait.ge [sflag:s15], $0x1400  }
0x6d: {  	[sflag:s15] =	ssyncset.done $0x0  }
0x6e: {  	[sflag:s15] =	ssyncadd.s32 $0xFFFFEC00  }
0x6f: {  	_ =	swait.ge [sflag:s15], $0x1400  }
0x70: {  	[sflag:s15] =	ssyncset.done $0x0  }
0x71: {  	[sflag:s15] =	ssyncadd.s32 $0xFFFFEC00  }
0x72: {  	_ =	swait.ge [sflag:s15], $0x1400  }
0x73: {  	[sflag:s15] =	ssyncset.done $0x0  }
0x74: {  	[sflag:s15] =	ssyncadd.s32 $0xFFFFEC00  }
0x75: {  	_ =	swait.ge [sflag:s15], $0x1400  }
0x76: {  	[sflag:s15] =	ssyncset.done $0x0  }
0x77: {  	[sflag:s15] =	ssyncadd.s32 $0xFFFFEC00  }
0x78: {  	_ =	swait.ge [sflag:s15], $0x1400  }
0x79: {  	[sflag:s15] =	ssyncset.done $0x0  }
0x7a: {  	[sflag:s15] =	ssyncadd.s32 $0xFFFFEC00  }
0x7b: {  	_ =	swait.ge [sflag:s15], $0x1400  }
0x7c: {  	[sflag:s15] =	ssyncset.done $0x0  }
0x7d: {  	[sflag:s15] =	ssyncadd.s32 $0xFFFFEC00  }
0x7e: {  	_ =	swait.ge [sflag:s15], $0x1400  }
0x7f: {  	[sflag:s15] =	ssyncset.done $0x0  }
0x80: {  	[sflag:s15] =	ssyncadd.s32 $0xFFFFEC00  }
0x81: {  	_ =	swait.ge [sflag:s15], $0x1400  }
0x82: {  	[sflag:s15] =	ssyncset.done $0x0  }
0x83: {  	[sflag:s15] =	ssyncadd.s32 $0xFFFFEC00  }
0x84: {  	_ =	swait.ge [sflag:s15], $0x1400  }
0x85: {  	[sflag:s15] =	ssyncset.done $0x0  }
0x86: {  	[sflag:s15] =	ssyncadd.s32 $0xFFFFEC00  }
0x87: {  	_ =	swait.ge [sflag:s15], $0x1400  }
0x88: {  	[sflag:s15] =	ssyncset.done $0x0  }
0x89: {  	[sflag:s15] =	ssyncadd.s32 $0xFFFFEC00  }
0x8a: {  	_ =	swait.ge [sflag:s15], $0x1400  }
0x8b: {  	[sflag:s15] =	ssyncset.done $0x0  }
0x8c: {  	[sflag:s15] =	ssyncadd.s32 $0xFFFFEC00  }
0x8d: {  	_ =	swait.ge [sflag:s15], $0x1400  }
0x8e: {  	[sflag:s15] =	ssyncset.done $0x0  }
0x8f: {  	[sflag:s15] =	ssyncadd.s32 $0xFFFFEC00  }
0x90: {  	_ =	swait.ge [sflag:s15], $0x1400  }
0x91: {  	[sflag:s15] =	ssyncset.done $0x0  }
0x92: {  	[sflag:s15] =	ssyncadd.s32 $0xFFFFEC00  }
0x93: {  	_ =	swait.ge [sflag:s15], $0x1400  }
0x94: {  	[sflag:s15] =	ssyncset.done $0x0  }
0x95: {  	s26 =	simm.s32 @!p0 $0x1;
	[sflag:s15] =	ssyncadd.s32 $0xFFFFEC00  }
0x96: {  	_ =	swait.ge @!p0 [sflag:s26], $0x1400  }
0x97: {  	[sflag:s26] =	ssyncset.done @!p0 $0x0  }
0x98: {  	[sflag:s26] =	ssyncadd.s32 @!p0 $0xFFFFEC00  }
0x99: {  	[bflag:$0x0] =	sbarrier.arrive $0xFFFF  }
0x9a: {  	s29 =	simm.s32 $0x0;
	s28 =	rddreg [dreg:$0x4]  }
0x9b: {  	[tilespmem:s29], [sflag:$0x3] =	stream.linear.gather [hbm4b:s28+s29], $0x1900, $0x38;
	[tilespmem:$0x1EC80] =	vst v63  }
0x9c: {  	_ =	swait.ge [sflag:s16], $0x1900  }
0x9d: {  	[sflag:s16] =	ssyncset.done $0x0  }
0x9e: {  	s28 =	rddreg [dreg:$0x5];
	[sflag:s16] =	ssyncadd.s32 $0xFFFFE700  }
0x9f: {  	[tilespmem:s18], [sflag:$0x3] =	stream.linear.gather [hbm4b:s28+s29], $0x1900, $0x38;
	[tilespmem:$0x1EC80] =	vst v63  }
0xa0: {  	_ =	swait.ge [sflag:s16], $0x1900  }
0xa1: {  	[sflag:s16] =	ssyncset.done $0x0  }
0xa2: {  	[sflag:s16] =	ssyncadd.s32 $0xFFFFE700  }
0xa3: {  	[tilespmem:s20], [sflag:$0x1] =	stream.indirect.gather [hbm4b:s0+s19], $0x80, s29, s19, $0xb8;
	[tilespmem:$0x1EC80] =	vst v63  }
0xa4: {  	_ = 	snop  }
0xa5: {  	[tilespmem:s22], [sflag:$0x2] =	stream.indirect.gather [hbm4b:s0+s19], $0x80, s21, s19, $0xb8;
	[tilespmem:$0x1EC80] =	vst v63  }
0xa6: {  	_ =	swait.ge [sflag:s15], $0x3200  }
0xa7: {  	[sflag:s15] =	ssyncset.done $0x0  }
0xa8: {  	s29 =	simm.s32 $0x1C00;
	[sflag:s15] =	ssyncadd.s32 $0xFFFFCE00  }
0xa9: {  	[spmem:s2] =	stream.indirect.scatter.add.f32 [tilespmem:s20], [sflag:$0x3], $0x80, s29, s19, $0xb8;
	[tilespmem:$0x1EC80] =	vst v63  }
0xaa: {  	_ =	swait.ge [sflag:s16], $0x3200  }
0xab: {  	[sflag:s16] =	ssyncset.done $0x0  }
0xac: {  	s29 =	simm.s32 $0x100;
	[sflag:s16] =	ssyncadd.s32 $0xFFFFCE00  }
0xad: {  	[tilespmem:s20], [sflag:$0x1] =	stream.indirect.gather [hbm4b:s0+s19], $0x80, s29, s19, $0xb8;
	[tilespmem:$0x1EC80] =	vst v63  }
0xae: {  	_ =	swait.ge [sflag:s23], $0x3200  }
0xaf: {  	[sflag:s23] =	ssyncset.done $0x0  }
0xb0: {  	s29 =	simm.s32 $0x1C80;
	[sflag:s23] =	ssyncadd.s32 $0xFFFFCE00  }
0xb1: {  	[spmem:s2] =	stream.indirect.scatter.add.f32 [tilespmem:s22], [sflag:$0x3], $0x80, s29, s19, $0xb8;
	[tilespmem:$0x1EC80] =	vst v63  }
0xb2: {  	_ =	swait.ge [sflag:s16], $0x3200  }
0xb3: {  	[sflag:s16] =	ssyncset.done $0x0  }
0xb4: {  	s26 =	simm.s32 $0x400;
	s28 =	simm.s32 $0x180;
	[sflag:s16] =	ssyncadd.s32 $0xFFFFCE00  }
.LBB2_4:
0xb5: {  	[tilespmem:s22], [sflag:$0x2] =	stream.indirect.gather [hbm4b:s0+s19], $0x80, s28, s19, $0xb8;
	[tilespmem:$0x1EC80] =	vst v63  }
0xb6: {  	s28 =	smov.u32 s26  }
0xb7: {  	p2 =	sne.s32 s26, $0x5C00;
	s26 =	sadd.s32 $0x400, s26;
	_ =	swait.ge [sflag:s15], $0x3200  }
0xb8: {  	s28 =	sshra.s32 s28, $0x2;
	[sflag:s15] =	ssyncset.done $0x0  }
0xb9: {  	s29 =	sadd.s32 $0x1C00, s28;
	[sflag:s15] =	ssyncadd.s32 $0xFFFFCE00  }
0xba: {  	[spmem:s2] =	stream.indirect.scatter.add.f32 [tilespmem:s20], [sflag:$0x3], $0x80, s29, s19, $0xb8;
	[tilespmem:$0x1EC80] =	vst v63  }
0xbb: {  	_ =	swait.ge [sflag:s16], $0x3200  }
0xbc: {  	[sflag:s16] =	ssyncset.done $0x0  }
0xbd: {  	s29 =	sadd.s32 $0x100, s28;
	[sflag:s16] =	ssyncadd.s32 $0xFFFFCE00  }
0xbe: {  	[tilespmem:s20], [sflag:$0x1] =	stream.indirect.gather [hbm4b:s0+s19], $0x80, s29, s19, $0xb8;
	[tilespmem:$0x1EC80] =	vst v63  }
0xbf: {  	_ =	swait.ge [sflag:s23], $0x3200  }
0xc0: {  	[sflag:s23] =	ssyncset.done $0x0  }
.Ltmp1:
0xc1: {  	s29 =	sadd.s32 $0x1C80, s28;
	[sflag:s23] =	ssyncadd.s32 $0xFFFFCE00;
	(pc) =	sbr.rel @p2 .LBB2_4-.Ltmp1, $4  }
0xc2: {  	[spmem:s2] =	stream.indirect.scatter.add.f32 [tilespmem:s22], [sflag:$0x3], $0x80, s29, s19, $0xb8;
	[tilespmem:$0x1EC80] =	vst v63  }
0xc3: {  	_ =	swait.ge [sflag:s16], $0x3200  }
0xc4: {  	[sflag:s16] =	ssyncset.done $0x0  }
0xc5: {  	s28 =	sadd.s32 $0x180, s28;
	[sflag:s16] =	ssyncadd.s32 $0xFFFFCE00  }
0xc6: {  	[tilespmem:s22], [sflag:$0x2] =	stream.indirect.gather [hbm4b:s0+s19], $0x80, s28, s19, $0xb8;
	[tilespmem:$0x1EC80] =	vst v63  }
0xc7: {  	_ =	swait.ge [sflag:s15], $0x3200  }
0xc8: {  	[sflag:s15] =	ssyncset.done $0x0  }
0xc9: {  	[sflag:s15] =	ssyncadd.s32 $0xFFFFCE00  }
0xca: {  	[spmem:s2] =	stream.indirect.scatter.add.f32 [tilespmem:s20], [sflag:$0x3], $0x80, s24, s19, $0xb8;
	[tilespmem:$0x1EC80] =	vst v63  }
0xcb: {  	_ =	swait.ge [sflag:s16], $0x3200  }
0xcc: {  	[sflag:s16] =	ssyncset.done $0x0  }
0xcd: {  	[sflag:s16] =	ssyncadd.s32 $0xFFFFCE00  }
0xce: {  	_ =	swait.ge [sflag:s23], $0x3200  }
0xcf: {  	[sflag:s23] =	ssyncset.done $0x0  }
0xd0: {  	[sflag:s23] =	ssyncadd.s32 $0xFFFFCE00  }
0xd1: {  	[spmem:s2] =	stream.indirect.scatter.add.f32 [tilespmem:s22], [sflag:$0x3], $0x80, s25, s19, $0xb8;
	[tilespmem:$0x1EC80] =	vst v63  }
0xd2: {  	_ =	swait.ge [sflag:s16], $0x3200  }
0xd3: {  	[sflag:s16] =	ssyncset.done $0x0  }
0xd4: {  	s26 =	simm.s32 $0x0;
	s28 =	rddreg [dreg:$0x6];
	[sflag:s16] =	ssyncadd.s32 $0xFFFFCE00  }
0xd5: {  	[tilespmem:s26], [sflag:$0x3] =	stream.linear.gather [hbm4b:s28+s26], $0x1900, $0x38;
	[tilespmem:$0x1EC80] =	vst v63  }
0xd6: {  	_ =	swait.ge [sflag:s16], $0x1900  }
0xd7: {  	[sflag:s16] =	ssyncset.done $0x0  }
0xd8: {  	s28 =	rddreg [dreg:$0x7];
	[sflag:s16] =	ssyncadd.s32 $0xFFFFE700  }
0xd9: {  	[tilespmem:s18], [sflag:$0x3] =	stream.linear.gather [hbm4b:s28+s26], $0x1900, $0x38;
	[tilespmem:$0x1EC80] =	vst v63  }
0xda: {  	_ =	swait.ge [sflag:s16], $0x1900  }
0xdb: {  	[sflag:s16] =	ssyncset.done $0x0  }
0xdc: {  	[sflag:s16] =	ssyncadd.s32 $0xFFFFE700  }
0xdd: {  	[tilespmem:s20], [sflag:$0x1] =	stream.indirect.gather [hbm4b:s0+s19], $0x80, s26, s19, $0xb8;
	[tilespmem:$0x1EC80] =	vst v63  }
0xde: {  	_ = 	snop  }
0xdf: {  	[tilespmem:s22], [sflag:$0x2] =	stream.indirect.gather [hbm4b:s0+s19], $0x80, s21, s19, $0xb8;
	[tilespmem:$0x1EC80] =	vst v63  }
0xe0: {  	_ =	swait.ge [sflag:s15], $0x3200  }
0xe1: {  	[sflag:s15] =	ssyncset.done $0x0  }
0xe2: {  	s29 =	simm.s32 $0x1C00;
	[sflag:s15] =	ssyncadd.s32 $0xFFFFCE00  }
0xe3: {  	[spmem:s2] =	stream.indirect.scatter.add.f32 [tilespmem:s20], [sflag:$0x3], $0x80, s29, s19, $0xb8;
	[tilespmem:$0x1EC80] =	vst v63  }
0xe4: {  	_ =	swait.ge [sflag:s16], $0x3200  }
0xe5: {  	[sflag:s16] =	ssyncset.done $0x0  }
0xe6: {  	s29 =	simm.s32 $0x100;
	[sflag:s16] =	ssyncadd.s32 $0xFFFFCE00  }
0xe7: {  	[tilespmem:s20], [sflag:$0x1] =	stream.indirect.gather [hbm4b:s0+s19], $0x80, s29, s19, $0xb8;
	[tilespmem:$0x1EC80] =	vst v63  }
0xe8: {  	_ =	swait.ge [sflag:s23], $0x3200  }
0xe9: {  	[sflag:s23] =	ssyncset.done $0x0  }
0xea: {  	s29 =	simm.s32 $0x1C80;
	[sflag:s23] =	ssyncadd.s32 $0xFFFFCE00  }
0xeb: {  	[spmem:s2] =	stream.indirect.scatter.add.f32 [tilespmem:s22], [sflag:$0x3], $0x80, s29, s19, $0xb8;
	[tilespmem:$0x1EC80] =	vst v63  }
0xec: {  	_ =	swait.ge [sflag:s16], $0x3200  }
0xed: {  	[sflag:s16] =	ssyncset.done $0x0  }
0xee: {  	s28 =	simm.s32 $0x180;
	s26 =	simm.s32 $0x400;
	[sflag:s16] =	ssyncadd.s32 $0xFFFFCE00  }
.LBB2_6:
0xef: {  	[tilespmem:s22], [sflag:$0x2] =	stream.indirect.gather [hbm4b:s0+s19], $0x80, s28, s19, $0xb8;
	[tilespmem:$0x1EC80] =	vst v63  }
0xf0: {  	s28 =	smov.u32 s26  }
0xf1: {  	p2 =	sne.s32 s26, $0x5C00;
	s26 =	sadd.s32 $0x400, s26;
	_ =	swait.ge [sflag:s15], $0x3200  }
0xf2: {  	s28 =	sshra.s32 s28, $0x2;
	[sflag:s15] =	ssyncset.done $0x0  }
0xf3: {  	s29 =	sadd.s32 $0x1C00, s28;
	[sflag:s15] =	ssyncadd.s32 $0xFFFFCE00  }
0xf4: {  	[spmem:s2] =	stream.indirect.scatter.add.f32 [tilespmem:s20], [sflag:$0x3], $0x80, s29, s19, $0xb8;
	[tilespmem:$0x1EC80] =	vst v63  }
0xf5: {  	_ =	swait.ge [sflag:s16], $0x3200  }
0xf6: {  	[sflag:s16] =	ssyncset.done $0x0  }
0xf7: {  	s29 =	sadd.s32 $0x100, s28;
	[sflag:s16] =	ssyncadd.s32 $0xFFFFCE00  }
0xf8: {  	[tilespmem:s20], [sflag:$0x1] =	stream.indirect.gather [hbm4b:s0+s19], $0x80, s29, s19, $0xb8;
	[tilespmem:$0x1EC80] =	vst v63  }
0xf9: {  	_ =	swait.ge [sflag:s23], $0x3200  }
0xfa: {  	[sflag:s23] =	ssyncset.done $0x0  }
.Ltmp2:
0xfb: {  	s29 =	sadd.s32 $0x1C80, s28;
	[sflag:s23] =	ssyncadd.s32 $0xFFFFCE00;
	(pc) =	sbr.rel @p2 .LBB2_6-.Ltmp2, $4  }
0xfc: {  	[spmem:s2] =	stream.indirect.scatter.add.f32 [tilespmem:s22], [sflag:$0x3], $0x80, s29, s19, $0xb8;
	[tilespmem:$0x1EC80] =	vst v63  }
0xfd: {  	_ =	swait.ge [sflag:s16], $0x3200  }
0xfe: {  	[sflag:s16] =	ssyncset.done $0x0  }
0xff: {  	s28 =	sadd.s32 $0x180, s28;
	[sflag:s16] =	ssyncadd.s32 $0xFFFFCE00  }
0x100: {  	[tilespmem:s22], [sflag:$0x2] =	stream.indirect.gather [hbm4b:s0+s19], $0x80, s28, s19, $0xb8;
	[tilespmem:$0x1EC80] =	vst v63  }
0x101: {  	_ =	swait.ge [sflag:s15], $0x3200  }
0x102: {  	[sflag:s15] =	ssyncset.done $0x0  }
0x103: {  	[sflag:s15] =	ssyncadd.s32 $0xFFFFCE00  }
0x104: {  	[spmem:s2] =	stream.indirect.scatter.add.f32 [tilespmem:s20], [sflag:$0x3], $0x80, s24, s19, $0xb8;
	[tilespmem:$0x1EC80] =	vst v63  }
0x105: {  	_ =	swait.ge [sflag:s16], $0x3200  }
0x106: {  	[sflag:s16] =	ssyncset.done $0x0  }
0x107: {  	[sflag:s16] =	ssyncadd.s32 $0xFFFFCE00  }
0x108: {  	_ =	swait.ge [sflag:s23], $0x3200  }
0x109: {  	[sflag:s23] =	ssyncset.done $0x0  }
0x10a: {  	[sflag:s23] =	ssyncadd.s32 $0xFFFFCE00  }
0x10b: {  	[spmem:s2] =	stream.indirect.scatter.add.f32 [tilespmem:s22], [sflag:$0x3], $0x80, s25, s19, $0xb8;
	[tilespmem:$0x1EC80] =	vst v63  }
0x10c: {  	_ =	swait.ge [sflag:s16], $0x3200  }
0x10d: {  	[sflag:s16] =	ssyncset.done $0x0  }
0x10e: {  	[sflag:s16] =	ssyncadd.s32 $0xFFFFCE00  }
0x10f: {  	s26 =	stileid.u32;
	[bflag:$0x0] =	sbarrier.arrive $0xFFFF  }
0x110: {  	s26 =	sshll.u32 s26, $0x6;
	s28 =	rddreg [dreg:$0x8]  }
0x111: {  	s26 =	sor.u32 $0x1C01, s26;
	s29 =	rddreg [dreg:$0x18]  }
0x112: {  	[hbm:s28], [sflag:s26] =	dma.local [spmem:s29], $0x500  }
0x113: {  	s28 =	rddreg [dreg:$0x9]  }
0x114: {  	s29 =	rddreg [dreg:$0x19]  }
0x115: {  	[hbm:s28], [sflag:s26] =	dma.local [spmem:s29], $0x500  }
0x116: {  	s28 =	rddreg [dreg:$0xa]  }
0x117: {  	s29 =	rddreg [dreg:$0x1a]  }
0x118: {  	[hbm:s28], [sflag:s26] =	dma.local [spmem:s29], $0x500  }
0x119: {  	s28 =	rddreg [dreg:$0xb]  }
0x11a: {  	[hbm:s28], [sflag:s26] =	dma.local [spmem:s30], $0x500  }
0x11b: {  	s28 =	rddreg [dreg:$0xc]  }
0x11c: {  	[hbm:s28], [sflag:s26] =	dma.local [spmem:s31], $0x500  }
0x11d: {  	s28 =	rddreg [dreg:$0xd]  }
0x11e: {  	[hbm:s28], [sflag:s26] =	dma.local [spmem:s13], $0x500  }
0x11f: {  	s28 =	rddreg [dreg:$0xe]  }
0x120: {  	[hbm:s28], [sflag:s26] =	dma.local [spmem:s1], $0x500  }
0x121: {  	s28 =	rddreg [dreg:$0xf]  }
0x122: {  	[hbm:s28], [sflag:s26] =	dma.local @!p1 [spmem:s4], $0x500  }
0x123: {  	_ =	swait.ge [sflag:s15], $0x500  }
0x124: {  	[sflag:s15] =	ssyncset.done $0x0  }
0x125: {  	[sflag:s15] =	ssyncadd.s32 $0xFFFFFB00  }
0x126: {  	_ =	swait.ge [sflag:s15], $0x500  }
0x127: {  	[sflag:s15] =	ssyncset.done $0x0  }
0x128: {  	[sflag:s15] =	ssyncadd.s32 $0xFFFFFB00  }
0x129: {  	_ =	swait.ge [sflag:s15], $0x500  }
0x12a: {  	[sflag:s15] =	ssyncset.done $0x0  }
0x12b: {  	[sflag:s15] =	ssyncadd.s32 $0xFFFFFB00  }
0x12c: {  	_ =	swait.ge [sflag:s15], $0x500  }
0x12d: {  	[sflag:s15] =	ssyncset.done $0x0  }
0x12e: {  	[sflag:s15] =	ssyncadd.s32 $0xFFFFFB00  }
0x12f: {  	_ =	swait.ge [sflag:s15], $0x500  }
0x130: {  	[sflag:s15] =	ssyncset.done $0x0  }
0x131: {  	[sflag:s15] =	ssyncadd.s32 $0xFFFFFB00  }
0x132: {  	_ =	swait.ge [sflag:s15], $0x500  }
0x133: {  	[sflag:s15] =	ssyncset.done $0x0  }
0x134: {  	[sflag:s15] =	ssyncadd.s32 $0xFFFFFB00  }
0x135: {  	_ =	swait.ge [sflag:s15], $0x500  }
0x136: {  	[sflag:s15] =	ssyncset.done $0x0  }
0x137: {  	s26 =	simm.s32 @!p1 $0x1;
	[sflag:s15] =	ssyncadd.s32 $0xFFFFFB00  }
0x138: {  	_ =	swait.ge @!p1 [sflag:s26], $0x500  }
0x139: {  	s3 =	sadd.s32 $0x1, s3;
	s29 =	rddreg [dreg:$0x17]  }
0x13a: {  	p2 =	sne.s32 s3, s29  }
.Ltmp3:
0x13b: {  	_ = 	snop;
	(pc) =	sbr.rel @p2 .LBB2_1-.Ltmp3, $3  }
0x13c: {  	_ =	sdelay $0x1  }
0x13d: {  	[sflag:s26] =	ssyncset.done @!p1 $0x0  }
0x13e: {  	[sflag:s26] =	ssyncadd.s32 @!p1 $0xFFFFFB00  }
0x13f: {  	_ =	sfence.sel $0x180000  }
0x140: {  	[bflag:$0x0] =	sbarrier.arrive $0xFFFF  }
0x141: {  	_ =	strace $0x90000047  }
0x142: {  	s0 =	stileid.u32;
	[bflag:$0x2] =	sbarrier.arrive $0xFFFF  }
0x143: {  	p0 =	sne.s32 s0, $0x0;
	s0 =	rddreg [dreg:$0x3]  }
0x144: {  	s0 =	sadd.s32 @!p0 $0x100000, s0  }
0x145: {  	[sflag:s0] =	ssyncadd.tile.s32 @!p0 $0x1;
	_ =	shalt  }
.Lfunc_end2:
_tile_overlayer_lowered:
.L_overlay_start_2:
0x146: {  	(tag) =	ssettag $0x2  }
0x147: {  	s0 =	rddreg [dreg:$0x0];
	s2 =	stileid.u32  }
0x148: {  	s1 =	rddreg [dreg:$0x1];
	p0 =	sne.s32 s2, $0x0  }
0x149: {  	s3 =	rddreg [dreg:$0x2];
	[bflag:$0x3] =	sbarrier.arrive $0xFFFF;
	s2 =	simm.s32 @!p0 $0x1C03  }
0x14a: {  	[timem:s3], [sflag:s2] =	dma.local @!p0 [hbm:s0], s1  }
0x14b: {  	s0 =	simm.s32 @!p0 $0x3  }
0x14c: {  	_ =	swait.ge @!p0 [sflag:s0], s1  }
0x14d: {  	s1 =	ssub.s32 @!p0 $0x0, s1;
	[sflag:s0] =	ssyncset.done @!p0 $0x0  }
0x14e: {  	[sflag:s0] =	ssyncadd.s32 @!p0 s1  }
0x14f: {  	[bflag:$0x3] =	sbarrier.arrive $0xFFFF  }
0x150: {  	_ =	shalt  }

</sc_bundles>
